<compile_context>
chip_gen: v7x
topology: tpu7x:2x2x1
jax: 0.10.2.dev20260603
libtpu: 0.0.44.dev20260713+nightly
codegen_flags: <defaults>
</compile_context>

<pallas_src>
import jax
import jax.numpy as jnp
from jax import lax
from jax.experimental import pallas as pl
from jax.experimental.pallas import tpu as pltpu
from jax.experimental.pallas import tpu_sc as plsc

N_NODES = 10000
N_EDGES = 320000
D_IN = 128
D_OUT = 64

NC = 2
NS = 16
NW = NC * NS
CHUNK = 80
ROWS_PER_TILE = N_EDGES // (NW * CHUNK)
N_PAD = 10240
NPT = N_PAD // NS

_mesh = plsc.VectorSubcoreMesh(
    core_axis_name="c", subcore_axis_name="s", num_cores=NC, num_subcores=NS)


def _deg_body(dst3d_hbm, out_hbm, dst_idx, ones_v, zero_v, shared_deg, sem,
              ssem):
    c = lax.axis_index("c")
    s = lax.axis_index("s")

    def fill(i, _):
        ones_v[pl.ds(i * 16, 16)] = jnp.ones((16,), jnp.float32)
        return 0
    lax.fori_loop(0, CHUNK // 16, fill, 0)

    def zfill(i, _):
        zero_v[pl.ds(i * 16, 16)] = jnp.zeros((16,), jnp.float32)
        return 0
    lax.fori_loop(0, NPT // 16, zfill, 0)

    pltpu.sync_copy(zero_v, shared_deg.at[pl.ds(s * NPT, NPT)])
    plsc.subcore_barrier()

    pltpu.sync_copy(dst3d_hbm.at[c * NS + s], dst_idx)

    def body(j, _):
        pltpu.async_copy(ones_v, shared_deg.at[dst_idx.at[j]], ssem, add=True)
        return 0
    lax.fori_loop(0, ROWS_PER_TILE, body, 0)

    def drain(j, _):
        pltpu.make_async_copy(ones_v, shared_deg.at[dst_idx.at[0]], ssem).wait()
        return 0
    lax.fori_loop(0, ROWS_PER_TILE, drain, 0)

    plsc.subcore_barrier()
    pltpu.sync_copy(shared_deg.at[pl.ds(s * NPT, NPT)],
                    out_hbm.at[pl.ds(c * N_PAD + s * NPT, NPT)])


_deg_kernel = pl.kernel(
    _deg_body,
    out_type=jax.ShapeDtypeStruct((NC * N_PAD,), jnp.float32),
    mesh=_mesh,
    scratch_types=[
        pltpu.VMEM((ROWS_PER_TILE, CHUNK), jnp.int32),
        pltpu.VMEM((CHUNK,), jnp.float32),
        pltpu.VMEM((NPT,), jnp.float32),
        pltpu.VMEM_SHARED((N_PAD,), jnp.float32),
        pltpu.SemaphoreType.DMA,
        pltpu.SemaphoreType.DMA,
    ],
)


GD = 6


def _hop_body(h_hbm, src3d_hbm, dst3d_hbm, out_hbm,
              src_idx, dst_idx, *rest):
    bufs = rest[:2 * GD]
    zrows_v = rest[2 * GD]
    shared_g = rest[2 * GD + 1]
    sems = rest[2 * GD + 2:4 * GD + 2]
    ssems = rest[4 * GD + 2:]
    c = lax.axis_index("c")
    s = lax.axis_index("s")

    zchunk = NPT // 5

    def gather(j, buf, sem):
        pltpu.async_copy(h_hbm.at[src_idx.at[j]], buf, sem)

    pltpu.sync_copy(src3d_hbm.at[c * NS + s], src_idx)
    pltpu.sync_copy(dst3d_hbm.at[c * NS + s], dst_idx)
    for i in range(GD):
        gather(i, bufs[i], sems[i])

    def zfill(k, _):
        zrows_v[k // 4, pl.ds((k % 4) * 16, 16)] = jnp.zeros((16,), jnp.float32)
        return 0
    lax.fori_loop(0, zchunk * 4, zfill, 0)

    def zcopy(k, _):
        pltpu.sync_copy(zrows_v, shared_g.at[pl.ds(s * NPT + k * zchunk, zchunk)])
        return 0
    lax.fori_loop(0, 5, zcopy, 0)
    plsc.subcore_barrier()

    def gwait(buf, sem):
        pltpu.make_async_copy(h_hbm.at[src_idx.at[0]], buf, sem).wait()

    def scat(j, buf, sem):
        pltpu.async_copy(buf, shared_g.at[dst_idx.at[j]], sem, add=True)

    def swait(buf, sem):
        pltpu.make_async_copy(buf, shared_g.at[dst_idx.at[0]], sem).wait()

    def body(m, _):
        def run(cur, nxt):
            for i in range(GD):
                jn = (m + 1) * GD + i

                @pl.when(jn < ROWS_PER_TILE)
                def _():
                    @pl.when(m > 0)
                    def _():
                        swait(bufs[nxt + i], ssems[nxt + i])
                    gather(jn, bufs[nxt + i], sems[nxt + i])
            for i in range(GD):
                j = m * GD + i

                @pl.when(j < ROWS_PER_TILE)
                def _():
                    gwait(bufs[cur + i], sems[cur + i])
                    scat(j, bufs[cur + i], ssems[cur + i])

        @pl.when(m % 2 == 0)
        def _():
            run(0, GD)

        @pl.when(m % 2 == 1)
        def _():
            run(GD, 0)
        return 0
    lax.fori_loop(0, (ROWS_PER_TILE + GD - 1) // GD, body, 0)

    for i in range(2 * GD):
        j = ROWS_PER_TILE - 1 - i

        @pl.when(j >= 0)
        def _():
            swait(bufs[0], ssems[(j // GD % 2) * GD + (j % GD)])

    plsc.subcore_barrier()
    pltpu.sync_copy(shared_g.at[pl.ds(s * NPT, NPT)],
                    out_hbm.at[c, pl.ds(s * NPT, NPT)])


_hop_kernel = pl.kernel(
    _hop_body,
    out_type=jax.ShapeDtypeStruct((NC, N_PAD, D_OUT), jnp.float32),
    mesh=_mesh,
    compiler_params=pltpu.CompilerParams(use_tc_tiling_on_sc=False),
    scratch_types=(
        [
            pltpu.VMEM((ROWS_PER_TILE, CHUNK), jnp.int32),
            pltpu.VMEM((ROWS_PER_TILE, CHUNK), jnp.int32),
        ]
        + [pltpu.VMEM((CHUNK, D_OUT), jnp.float32)] * (2 * GD)
        + [
            pltpu.VMEM((N_PAD // NS // 5, D_OUT), jnp.float32),
            pltpu.VMEM_SHARED((N_PAD, D_OUT), jnp.float32),
        ]
        + [pltpu.SemaphoreType.DMA] * (4 * GD)
    ),
)


ROW_BLK = 10000


def _prep_body(x_ref, w_ref, da_ref, db_ref, h0_ref, nrm_ref, inv_ref):
    deg = jnp.maximum(da_ref[...] + db_ref[...], 1.0)
    nrm = lax.rsqrt(deg)
    h0_ref[...] = jnp.dot(x_ref[...], w_ref[...],
                          preferred_element_type=jnp.float32) * nrm
    nrm_ref[...] = nrm
    inv_ref[...] = 1.0 / deg


def _mid_body(ga_ref, gb_ref, inv_ref, h1_ref):
    h1_ref[...] = (ga_ref[...] + gb_ref[...]) * inv_ref[...]


def _final_body(ga_ref, gb_ref, nrm_ref, b_ref, out_ref):
    out_ref[...] = (ga_ref[...] + gb_ref[...]) * nrm_ref[...] + b_ref[...]


def _row_spec(cols):
    return pl.BlockSpec((ROW_BLK, cols), lambda i: (i, 0))


def kernel(in_feat, edge_index, W, b):
    src3d = edge_index[0].astype(jnp.int32).reshape(NW, ROWS_PER_TILE, CHUNK)
    dst3d = edge_index[1].astype(jnp.int32).reshape(NW, ROWS_PER_TILE, CHUNK)

    deg_part = _deg_kernel(dst3d).reshape(NC, N_PAD)
    da = deg_part[0, :N_NODES].reshape(N_NODES, 1)
    db = deg_part[1, :N_NODES].reshape(N_NODES, 1)

    grid = (N_NODES // ROW_BLK,)
    h0, nrm, inv = pl.pallas_call(
        _prep_body,
        grid=grid,
        in_specs=[
            _row_spec(D_IN),
            pl.BlockSpec((D_IN, D_OUT), lambda i: (0, 0)),
            _row_spec(1),
            _row_spec(1),
        ],
        out_specs=[_row_spec(D_OUT), _row_spec(1), _row_spec(1)],
        out_shape=[
            jax.ShapeDtypeStruct((N_NODES, D_OUT), jnp.float32),
            jax.ShapeDtypeStruct((N_NODES, 1), jnp.float32),
            jax.ShapeDtypeStruct((N_NODES, 1), jnp.float32),
        ],
    )(in_feat, W, da, db)

    g1 = _hop_kernel(h0, src3d, dst3d)

    h1 = pl.pallas_call(
        _mid_body,
        grid=grid,
        in_specs=[_row_spec(D_OUT), _row_spec(D_OUT), _row_spec(1)],
        out_specs=_row_spec(D_OUT),
        out_shape=jax.ShapeDtypeStruct((N_NODES, D_OUT), jnp.float32),
    )(g1[0, :N_NODES], g1[1, :N_NODES], inv)

    g2 = _hop_kernel(h1, src3d, dst3d)

    out = pl.pallas_call(
        _final_body,
        grid=grid,
        in_specs=[
            _row_spec(D_OUT),
            _row_spec(D_OUT),
            _row_spec(1),
            pl.BlockSpec((1, D_OUT), lambda i: (0, 0)),
        ],
        out_specs=_row_spec(D_OUT),
        out_shape=jax.ShapeDtypeStruct((N_NODES, D_OUT), jnp.float32),
    )(g2[0, :N_NODES], g2[1, :N_NODES], nrm, b.reshape(1, D_OUT))

    return out

# --- scband reference (transcript-rebuilt; emitter-appended) ---
"""Pipeline reference for scband-sgcmodel-2345052144354 (READ-ONLY COPY).

The authoritative reference and input builder live on the scoring server;
editing this copy changes nothing except your own understanding.
"""

import jax, jax.numpy as jnp
import numpy as np

N_NODES = 10000
N_EDGES = 320000
D_IN = 128
D_OUT = 64
K_HOPS = 2


def setup_inputs(seed: int = 0) -> dict:
    key = jax.random.key(seed)
    k1, k2, k3, k4 = jax.random.split(key, 4)
    in_feat = jax.random.normal(k1, (N_NODES, D_IN), dtype=jnp.float32)
    edge_index = jax.random.randint(k2, (2, N_EDGES), 0, N_NODES, dtype=jnp.int64)
    # Linear layer params for SGConv's fc: in_size -> num_classes
    W = jax.random.normal(k3, (D_IN, D_OUT), dtype=jnp.float32) * (1.0 / np.sqrt(D_IN))
    b = jnp.zeros((D_OUT,), dtype=jnp.float32)
    return {"in_feat": in_feat, "edge_index": edge_index, "W": W, "b": b}


def reference(in_feat, edge_index, W, b):
    # SGConv(in_size, num_classes, k=2) with norm='both' (DGL semantics):
    # repeat k times: feat = D^{-1/2} * (A @ (D^{-1/2} * feat)), then fc(feat).
    src = edge_index[0]
    dst = edge_index[1]
    deg = jnp.bincount(dst, length=N_NODES).astype(jnp.float32)
    deg = jnp.clip(deg, 1.0, None)
    norm = jax.lax.rsqrt(deg)[:, None]
    h = in_feat
    for _ in range(K_HOPS):
        h = h * norm
        msg = jnp.take(h, src, axis=0)
        h = jnp.zeros((N_NODES, h.shape[1]), dtype=h.dtype).at[dst].add(msg)
        h = h * norm
    out = h @ W + b
    return out

if __name__ == "__main__":
    import jax
    _d = setup_inputs()
    print(jax.jit(kernel)(*tuple(_d.values())))

</pallas_src>

<mosaic_0001>
#map = affine_map<(d0, d1) -> (0, 0)>
#map1 = affine_map<(d0, d1) -> (0, 0, 0)>
module attributes {stable_mosaic.version = 14 : i64} {
  func.func @_hop_body(%arg0: i32, %arg1: i32, %arg2: memref<10000x64xf32, #tpu.memory_space<hbm>>, %arg3: memref<32x125x80xi32, #tpu.memory_space<hbm>>, %arg4: memref<32x125x80xi32, #tpu.memory_space<hbm>>, %arg5: memref<2x10240x64xf32, #tpu.memory_space<hbm>>, %arg6: memref<125x80xi32, #tpu.memory_space<vmem>>, %arg7: memref<125x80xi32, #tpu.memory_space<vmem>>, %arg8: memref<80x64xf32, #tpu.memory_space<vmem>>, %arg9: memref<80x64xf32, #tpu.memory_space<vmem>>, %arg10: memref<80x64xf32, #tpu.memory_space<vmem>>, %arg11: memref<80x64xf32, #tpu.memory_space<vmem>>, %arg12: memref<80x64xf32, #tpu.memory_space<vmem>>, %arg13: memref<80x64xf32, #tpu.memory_space<vmem>>, %arg14: memref<80x64xf32, #tpu.memory_space<vmem>>, %arg15: memref<80x64xf32, #tpu.memory_space<vmem>>, %arg16: memref<80x64xf32, #tpu.memory_space<vmem>>, %arg17: memref<80x64xf32, #tpu.memory_space<vmem>>, %arg18: memref<80x64xf32, #tpu.memory_space<vmem>>, %arg19: memref<80x64xf32, #tpu.memory_space<vmem>>, %arg20: memref<128x64xf32, #tpu.memory_space<vmem>>, %arg21: memref<10240x64xf32, #tpu.memory_space<vmem_shared>>, %arg22: memref<!tpu.dma_semaphore, #tpu.memory_space<semaphore_mem>>, %arg23: memref<!tpu.dma_semaphore, #tpu.memory_space<semaphore_mem>>, %arg24: memref<!tpu.dma_semaphore, #tpu.memory_space<semaphore_mem>>, %arg25: memref<!tpu.dma_semaphore, #tpu.memory_space<semaphore_mem>>, %arg26: memref<!tpu.dma_semaphore, #tpu.memory_space<semaphore_mem>>, %arg27: memref<!tpu.dma_semaphore, #tpu.memory_space<semaphore_mem>>, %arg28: memref<!tpu.dma_semaphore, #tpu.memory_space<semaphore_mem>>, %arg29: memref<!tpu.dma_semaphore, #tpu.memory_space<semaphore_mem>>, %arg30: memref<!tpu.dma_semaphore, #tpu.memory_space<semaphore_mem>>, %arg31: memref<!tpu.dma_semaphore, #tpu.memory_space<semaphore_mem>>, %arg32: memref<!tpu.dma_semaphore, #tpu.memory_space<semaphore_mem>>, %arg33: memref<!tpu.dma_semaphore, #tpu.memory_space<semaphore_mem>>, %arg34: memref<!tpu.dma_semaphore, #tpu.memory_space<semaphore_mem>>, %arg35: memref<!tpu.dma_semaphore, #tpu.memory_space<semaphore_mem>>, %arg36: memref<!tpu.dma_semaphore, #tpu.memory_space<semaphore_mem>>, %arg37: memref<!tpu.dma_semaphore, #tpu.memory_space<semaphore_mem>>, %arg38: memref<!tpu.dma_semaphore, #tpu.memory_space<semaphore_mem>>, %arg39: memref<!tpu.dma_semaphore, #tpu.memory_space<semaphore_mem>>, %arg40: memref<!tpu.dma_semaphore, #tpu.memory_space<semaphore_mem>>, %arg41: memref<!tpu.dma_semaphore, #tpu.memory_space<semaphore_mem>>, %arg42: memref<!tpu.dma_semaphore, #tpu.memory_space<semaphore_mem>>, %arg43: memref<!tpu.dma_semaphore, #tpu.memory_space<semaphore_mem>>, %arg44: memref<!tpu.dma_semaphore, #tpu.memory_space<semaphore_mem>>, %arg45: memref<!tpu.dma_semaphore, #tpu.memory_space<semaphore_mem>>) attributes {dimension_semantics = [#tpu.dimension_semantics<core_parallel>, #tpu.dimension_semantics<subcore_parallel>], iteration_bounds = array<i64: 2, 16>, scalar_prefetch = 0 : i64, scratch_operands = 40 : i64, tpu.core_type = #tpu.core_type<sc_vector_subcore>, window_params = [{transform_indices = #map}, {transform_indices = #map1}, {transform_indices = #map1}, {transform_indices = #map1}]} {
    %mul3A = arith.constant 16 : i32
    %mul3A_0 = arith.muli %arg0, %mul3A : i32
    %add3A = arith.addi %mul3A_0, %arg1 : i32
    "tpu.region"() ({
      %run_scoped3A = tpu.sem_alloc : memref<!tpu.dma_semaphore, #tpu.memory_space<semaphore_mem>>
      %dma_start3A_153 = arith.constant 0 : i32
      %dma_start3A_154 = arith.constant 0 : i32
      %dma_start3A_155 = tpu.memref_slice %arg3[%add3A, %dma_start3A_153, %dma_start3A_154] : memref<32x125x80xi32, #tpu.memory_space<hbm>> -> memref<1x125x80xi32, #tpu.memory_space<hbm>>
      %dma_start3A_156 = tpu.memref_squeeze %dma_start3A_155 : memref<1x125x80xi32, #tpu.memory_space<hbm>> -> memref<125x80xi32, #tpu.memory_space<hbm>>
      %dma_start3A_157 = arith.constant 0 : i32
      %dma_start3A_158 = arith.constant 0 : i32
      %dma_start3A_159 = tpu.memref_slice %arg3[%add3A, %dma_start3A_157, %dma_start3A_158] : memref<32x125x80xi32, #tpu.memory_space<hbm>> -> memref<1x125x80xi32, #tpu.memory_space<hbm>>
      %dma_start3A_160 = tpu.memref_squeeze %dma_start3A_159 : memref<1x125x80xi32, #tpu.memory_space<hbm>> -> memref<125x80xi32, #tpu.memory_space<hbm>>
      tpu.enqueue_dma source(%dma_start3A_160 : memref<125x80xi32, #tpu.memory_space<hbm>>) target(%arg6 : memref<125x80xi32, #tpu.memory_space<vmem>>) target_semaphore(%run_scoped3A : memref<!tpu.dma_semaphore, #tpu.memory_space<semaphore_mem>>)
      %dma_wait3A_161 = arith.constant 0 : i32
      %dma_wait3A_162 = arith.constant 0 : i32
      %dma_wait3A_163 = tpu.memref_slice %arg3[%add3A, %dma_wait3A_161, %dma_wait3A_162] : memref<32x125x80xi32, #tpu.memory_space<hbm>> -> memref<1x125x80xi32, #tpu.memory_space<hbm>>
      %dma_wait3A_164 = tpu.memref_squeeze %dma_wait3A_163 : memref<1x125x80xi32, #tpu.memory_space<hbm>> -> memref<125x80xi32, #tpu.memory_space<hbm>>
      %dma_wait3A_165 = arith.constant 0 : i32
      %dma_wait3A_166 = arith.constant 0 : i32
      %dma_wait3A_167 = tpu.memref_slice %arg3[%add3A, %dma_wait3A_165, %dma_wait3A_166] : memref<32x125x80xi32, #tpu.memory_space<hbm>> -> memref<1x125x80xi32, #tpu.memory_space<hbm>>
      %dma_wait3A_168 = tpu.memref_squeeze %dma_wait3A_167 : memref<1x125x80xi32, #tpu.memory_space<hbm>> -> memref<125x80xi32, #tpu.memory_space<hbm>>
      tpu.wait_dma2 semaphore(%run_scoped3A : memref<!tpu.dma_semaphore, #tpu.memory_space<semaphore_mem>>) src(%dma_wait3A_168 : memref<125x80xi32, #tpu.memory_space<hbm>>) dst(%arg6 : memref<125x80xi32, #tpu.memory_space<vmem>>)
      tpu.yield
    }) : () -> ()
    %mul3A_1 = arith.constant 16 : i32
    %mul3A_2 = arith.muli %arg0, %mul3A_1 : i32
    %add3A_3 = arith.addi %mul3A_2, %arg1 : i32
    "tpu.region"() ({
      %run_scoped3A = tpu.sem_alloc : memref<!tpu.dma_semaphore, #tpu.memory_space<semaphore_mem>>
      %dma_start3A_153 = arith.constant 0 : i32
      %dma_start3A_154 = arith.constant 0 : i32
      %dma_start3A_155 = tpu.memref_slice %arg4[%add3A_3, %dma_start3A_153, %dma_start3A_154] : memref<32x125x80xi32, #tpu.memory_space<hbm>> -> memref<1x125x80xi32, #tpu.memory_space<hbm>>
      %dma_start3A_156 = tpu.memref_squeeze %dma_start3A_155 : memref<1x125x80xi32, #tpu.memory_space<hbm>> -> memref<125x80xi32, #tpu.memory_space<hbm>>
      %dma_start3A_157 = arith.constant 0 : i32
      %dma_start3A_158 = arith.constant 0 : i32
      %dma_start3A_159 = tpu.memref_slice %arg4[%add3A_3, %dma_start3A_157, %dma_start3A_158] : memref<32x125x80xi32, #tpu.memory_space<hbm>> -> memref<1x125x80xi32, #tpu.memory_space<hbm>>
      %dma_start3A_160 = tpu.memref_squeeze %dma_start3A_159 : memref<1x125x80xi32, #tpu.memory_space<hbm>> -> memref<125x80xi32, #tpu.memory_space<hbm>>
      tpu.enqueue_dma source(%dma_start3A_160 : memref<125x80xi32, #tpu.memory_space<hbm>>) target(%arg7 : memref<125x80xi32, #tpu.memory_space<vmem>>) target_semaphore(%run_scoped3A : memref<!tpu.dma_semaphore, #tpu.memory_space<semaphore_mem>>)
      %dma_wait3A_161 = arith.constant 0 : i32
      %dma_wait3A_162 = arith.constant 0 : i32
      %dma_wait3A_163 = tpu.memref_slice %arg4[%add3A_3, %dma_wait3A_161, %dma_wait3A_162] : memref<32x125x80xi32, #tpu.memory_space<hbm>> -> memref<1x125x80xi32, #tpu.memory_space<hbm>>
      %dma_wait3A_164 = tpu.memref_squeeze %dma_wait3A_163 : memref<1x125x80xi32, #tpu.memory_space<hbm>> -> memref<125x80xi32, #tpu.memory_space<hbm>>
      %dma_wait3A_165 = arith.constant 0 : i32
      %dma_wait3A_166 = arith.constant 0 : i32
      %dma_wait3A_167 = tpu.memref_slice %arg4[%add3A_3, %dma_wait3A_165, %dma_wait3A_166] : memref<32x125x80xi32, #tpu.memory_space<hbm>> -> memref<1x125x80xi32, #tpu.memory_space<hbm>>
      %dma_wait3A_168 = tpu.memref_squeeze %dma_wait3A_167 : memref<1x125x80xi32, #tpu.memory_space<hbm>> -> memref<125x80xi32, #tpu.memory_space<hbm>>
      tpu.wait_dma2 semaphore(%run_scoped3A : memref<!tpu.dma_semaphore, #tpu.memory_space<semaphore_mem>>) src(%dma_wait3A_168 : memref<125x80xi32, #tpu.memory_space<hbm>>) dst(%arg7 : memref<125x80xi32, #tpu.memory_space<vmem>>)
      tpu.yield
    }) : () -> ()
    %dma_start3A = arith.constant 0 : i32
    %dma_start3A_4 = arith.constant 0 : i32
    %dma_start3A_5 = tpu.memref_slice %arg6[%dma_start3A, %dma_start3A_4] : memref<125x80xi32, #tpu.memory_space<vmem>> -> memref<1x80xi32, #tpu.memory_space<vmem>>
    %dma_start3A_6 = tpu.memref_squeeze %dma_start3A_5 : memref<1x80xi32, #tpu.memory_space<vmem>> -> memref<80xi32, #tpu.memory_space<vmem>>
    %dma_start3A_7 = arith.constant 0 : i32
    %dma_start3A_8 = arith.constant 0 : i32
    %dma_start3A_9 = tpu.memref_slice %arg2[%dma_start3A_7, %dma_start3A_8] : memref<10000x64xf32, #tpu.memory_space<hbm>> -> memref<10000x64xf32, #tpu.memory_space<hbm>>
    tpu.enqueue_indirect_dma source(%dma_start3A_9 : memref<10000x64xf32, #tpu.memory_space<hbm>>) target(%arg8 : memref<80x64xf32, #tpu.memory_space<vmem>>) offsets(%dma_start3A_6 : memref<80xi32, #tpu.memory_space<vmem>>) semaphore(%arg22 : memref<!tpu.dma_semaphore, #tpu.memory_space<semaphore_mem>>)
    %dma_start3A_10 = arith.constant 1 : i32
    %dma_start3A_11 = arith.constant 0 : i32
    %dma_start3A_12 = tpu.memref_slice %arg6[%dma_start3A_10, %dma_start3A_11] : memref<125x80xi32, #tpu.memory_space<vmem>> -> memref<1x80xi32, #tpu.memory_space<vmem>>
    %dma_start3A_13 = tpu.memref_squeeze %dma_start3A_12 : memref<1x80xi32, #tpu.memory_space<vmem>> -> memref<80xi32, #tpu.memory_space<vmem>>
    %dma_start3A_14 = arith.constant 0 : i32
    %dma_start3A_15 = arith.constant 0 : i32
    %dma_start3A_16 = tpu.memref_slice %arg2[%dma_start3A_14, %dma_start3A_15] : memref<10000x64xf32, #tpu.memory_space<hbm>> -> memref<10000x64xf32, #tpu.memory_space<hbm>>
    tpu.enqueue_indirect_dma source(%dma_start3A_16 : memref<10000x64xf32, #tpu.memory_space<hbm>>) target(%arg9 : memref<80x64xf32, #tpu.memory_space<vmem>>) offsets(%dma_start3A_13 : memref<80xi32, #tpu.memory_space<vmem>>) semaphore(%arg23 : memref<!tpu.dma_semaphore, #tpu.memory_space<semaphore_mem>>)
    %dma_start3A_17 = arith.constant 2 : i32
    %dma_start3A_18 = arith.constant 0 : i32
    %dma_start3A_19 = tpu.memref_slice %arg6[%dma_start3A_17, %dma_start3A_18] : memref<125x80xi32, #tpu.memory_space<vmem>> -> memref<1x80xi32, #tpu.memory_space<vmem>>
    %dma_start3A_20 = tpu.memref_squeeze %dma_start3A_19 : memref<1x80xi32, #tpu.memory_space<vmem>> -> memref<80xi32, #tpu.memory_space<vmem>>
    %dma_start3A_21 = arith.constant 0 : i32
    %dma_start3A_22 = arith.constant 0 : i32
    %dma_start3A_23 = tpu.memref_slice %arg2[%dma_start3A_21, %dma_start3A_22] : memref<10000x64xf32, #tpu.memory_space<hbm>> -> memref<10000x64xf32, #tpu.memory_space<hbm>>
    tpu.enqueue_indirect_dma source(%dma_start3A_23 : memref<10000x64xf32, #tpu.memory_space<hbm>>) target(%arg10 : memref<80x64xf32, #tpu.memory_space<vmem>>) offsets(%dma_start3A_20 : memref<80xi32, #tpu.memory_space<vmem>>) semaphore(%arg24 : memref<!tpu.dma_semaphore, #tpu.memory_space<semaphore_mem>>)
    %dma_start3A_24 = arith.constant 3 : i32
    %dma_start3A_25 = arith.constant 0 : i32
    %dma_start3A_26 = tpu.memref_slice %arg6[%dma_start3A_24, %dma_start3A_25] : memref<125x80xi32, #tpu.memory_space<vmem>> -> memref<1x80xi32, #tpu.memory_space<vmem>>
    %dma_start3A_27 = tpu.memref_squeeze %dma_start3A_26 : memref<1x80xi32, #tpu.memory_space<vmem>> -> memref<80xi32, #tpu.memory_space<vmem>>
    %dma_start3A_28 = arith.constant 0 : i32
    %dma_start3A_29 = arith.constant 0 : i32
    %dma_start3A_30 = tpu.memref_slice %arg2[%dma_start3A_28, %dma_start3A_29] : memref<10000x64xf32, #tpu.memory_space<hbm>> -> memref<10000x64xf32, #tpu.memory_space<hbm>>
    tpu.enqueue_indirect_dma source(%dma_start3A_30 : memref<10000x64xf32, #tpu.memory_space<hbm>>) target(%arg11 : memref<80x64xf32, #tpu.memory_space<vmem>>) offsets(%dma_start3A_27 : memref<80xi32, #tpu.memory_space<vmem>>) semaphore(%arg25 : memref<!tpu.dma_semaphore, #tpu.memory_space<semaphore_mem>>)
    %dma_start3A_31 = arith.constant 4 : i32
    %dma_start3A_32 = arith.constant 0 : i32
    %dma_start3A_33 = tpu.memref_slice %arg6[%dma_start3A_31, %dma_start3A_32] : memref<125x80xi32, #tpu.memory_space<vmem>> -> memref<1x80xi32, #tpu.memory_space<vmem>>
    %dma_start3A_34 = tpu.memref_squeeze %dma_start3A_33 : memref<1x80xi32, #tpu.memory_space<vmem>> -> memref<80xi32, #tpu.memory_space<vmem>>
    %dma_start3A_35 = arith.constant 0 : i32
    %dma_start3A_36 = arith.constant 0 : i32
    %dma_start3A_37 = tpu.memref_slice %arg2[%dma_start3A_35, %dma_start3A_36] : memref<10000x64xf32, #tpu.memory_space<hbm>> -> memref<10000x64xf32, #tpu.memory_space<hbm>>
    tpu.enqueue_indirect_dma source(%dma_start3A_37 : memref<10000x64xf32, #tpu.memory_space<hbm>>) target(%arg12 : memref<80x64xf32, #tpu.memory_space<vmem>>) offsets(%dma_start3A_34 : memref<80xi32, #tpu.memory_space<vmem>>) semaphore(%arg26 : memref<!tpu.dma_semaphore, #tpu.memory_space<semaphore_mem>>)
    %dma_start3A_38 = arith.constant 5 : i32
    %dma_start3A_39 = arith.constant 0 : i32
    %dma_start3A_40 = tpu.memref_slice %arg6[%dma_start3A_38, %dma_start3A_39] : memref<125x80xi32, #tpu.memory_space<vmem>> -> memref<1x80xi32, #tpu.memory_space<vmem>>
    %dma_start3A_41 = tpu.memref_squeeze %dma_start3A_40 : memref<1x80xi32, #tpu.memory_space<vmem>> -> memref<80xi32, #tpu.memory_space<vmem>>
    %dma_start3A_42 = arith.constant 0 : i32
    %dma_start3A_43 = arith.constant 0 : i32
    %dma_start3A_44 = tpu.memref_slice %arg2[%dma_start3A_42, %dma_start3A_43] : memref<10000x64xf32, #tpu.memory_space<hbm>> -> memref<10000x64xf32, #tpu.memory_space<hbm>>
    tpu.enqueue_indirect_dma source(%dma_start3A_44 : memref<10000x64xf32, #tpu.memory_space<hbm>>) target(%arg13 : memref<80x64xf32, #tpu.memory_space<vmem>>) offsets(%dma_start3A_41 : memref<80xi32, #tpu.memory_space<vmem>>) semaphore(%arg27 : memref<!tpu.dma_semaphore, #tpu.memory_space<semaphore_mem>>)
    %scan3A = arith.constant 0 : i32
    %scan3A_45 = arith.constant 0 : i32
    %scan3A_46 = arith.constant 512 : i32
    %scan3A_47 = arith.addi %scan3A_45, %scan3A_46 : i32
    %scan3A_48 = arith.constant 1 : i32
    %scan3A_49 = scf.for %scan3A_153 = %scan3A_45 to %scan3A_47 step %scan3A_48 iter_args(%scan3A_154 = %scan3A) -> (i32)  : i32 {
      %broadcast_in_dim3A = arith.constant 0.000000e+00 : f32
      %broadcast_in_dim3A_155 = vector.broadcast %broadcast_in_dim3A : f32 to vector<16xf32>
      %jit3A = arith.constant 4 : i32
      %div3A = arith.divsi %scan3A_153, %jit3A : i32
      %sign3A = arith.constant 0 : i32
      %sign3A_156 = arith.cmpi sgt, %scan3A_153, %sign3A : i32
      %sign3A_157 = arith.extui %sign3A_156 : i1 to i32
      %sign3A_158 = arith.constant 0 : i32
      %sign3A_159 = arith.cmpi slt, %scan3A_153, %sign3A_158 : i32
      %sign3A_160 = arith.extui %sign3A_159 : i1 to i32
      %sign3A_161 = arith.subi %sign3A_157, %sign3A_160 : i32
      %sign3A_162 = arith.constant 0 : i32
      %sign3A_163 = arith.cmpi sgt, %jit3A, %sign3A_162 : i32
      %sign3A_164 = arith.extui %sign3A_163 : i1 to i32
      %sign3A_165 = arith.constant 0 : i32
      %sign3A_166 = arith.cmpi slt, %jit3A, %sign3A_165 : i32
      %sign3A_167 = arith.extui %sign3A_166 : i1 to i32
      %sign3A_168 = arith.subi %sign3A_164, %sign3A_167 : i32
      %ne3A = arith.cmpi ne, %sign3A_161, %sign3A_168 : i32
      %rem3A = arith.remsi %scan3A_153, %jit3A : i32
      %ne3A_169 = arith.constant 0 : i32
      %ne3A_170 = arith.cmpi ne, %rem3A, %ne3A_169 : i32
      %and3A = arith.andi %ne3A, %ne3A_170 : i1
      %sub3A = arith.constant 1 : i32
      %sub3A_171 = arith.subi %div3A, %sub3A : i32
      %select_n3A = arith.select %and3A, %sub3A_171, %div3A : i32
      %jit3A_172 = arith.constant 4 : i32
      %eq3A = arith.constant 0 : i32
      %eq3A_173 = arith.cmpi eq, %jit3A_172, %eq3A : i32
      %jit3A_174 = arith.constant 1 : i32
      %select_n3A_175 = arith.select %eq3A_173, %jit3A_174, %jit3A_172 : i32
      %rem3A_176 = arith.remsi %scan3A_153, %select_n3A_175 : i32
      %ne3A_177 = arith.constant 0 : i32
      %ne3A_178 = arith.cmpi ne, %rem3A_176, %ne3A_177 : i32
      %lt3A = arith.constant 0 : i32
      %lt3A_179 = arith.cmpi slt, %rem3A_176, %lt3A : i32
      %lt3A_180 = arith.constant 0 : i32
      %lt3A_181 = arith.cmpi slt, %select_n3A_175, %lt3A_180 : i32
      %ne3A_182 = arith.xori %lt3A_179, %lt3A_181 : i1
      %and3A_183 = arith.andi %ne3A_182, %ne3A_178 : i1
      %add3A_184 = arith.addi %rem3A_176, %select_n3A_175 : i32
      %select_n3A_185 = arith.select %and3A_183, %add3A_184, %rem3A_176 : i32
      %mul3A_186 = arith.constant 16 : i32
      %mul3A_187 = arith.muli %select_n3A_185, %mul3A_186 : i32
      %swap3A = arith.index_cast %select_n3A : i32 to index
      %swap3A_188 = arith.index_cast %mul3A_187 : i32 to index
      %swap3A_189 = tpu.vector_load %arg20[%swap3A, %swap3A_188] {strides = array<i32>} : memref<128x64xf32, #tpu.memory_space<vmem>>, vector<1x16xf32>,
      %swap3A_190 = vector.shape_cast %swap3A_189 : vector<1x16xf32> to vector<16xf32>
      %swap3A_191 = vector.shape_cast %broadcast_in_dim3A_155 : vector<16xf32> to vector<1x16xf32>
      tpu.vector_store %arg20[%swap3A, %swap3A_188], %swap3A_191 {strides = array<i32>} : memref<128x64xf32, #tpu.memory_space<vmem>>, vector<1x16xf32>,
      %scan3A_192 = arith.constant 0 : i32
      scf.yield %scan3A_192 : i32
    }
    %scan3A_50 = arith.constant 512 : i32
    %scan3A_51 = arith.constant 0 : i32
    %scan3A_52 = arith.constant 0 : i32
    %scan3A_53 = arith.constant 5 : i32
    %scan3A_54 = arith.addi %scan3A_52, %scan3A_53 : i32
    %scan3A_55 = arith.constant 1 : i32
    %scan3A_56 = scf.for %scan3A_153 = %scan3A_52 to %scan3A_54 step %scan3A_55 iter_args(%scan3A_154 = %scan3A_51) -> (i32)  : i32 {
      %mul3A_155 = arith.constant 640 : i32
      %mul3A_156 = arith.muli %arg1, %mul3A_155 : i32
      %mul3A_157 = arith.constant 128 : i32
      %mul3A_158 = arith.muli %scan3A_153, %mul3A_157 : i32
      %add3A_159 = arith.addi %mul3A_156, %mul3A_158 : i32
      "tpu.region"() ({
        %run_scoped3A = tpu.sem_alloc : memref<!tpu.dma_semaphore, #tpu.memory_space<semaphore_mem>>
        %dma_start3A_161 = arith.constant 0 : i32
        %dma_start3A_162 = tpu.memref_slice %arg21[%add3A_159, %dma_start3A_161] : memref<10240x64xf32, #tpu.memory_space<vmem_shared>> -> memref<128x64xf32, #tpu.memory_space<vmem_shared>>
        %dma_start3A_163 = arith.constant 0 : i32
        %dma_start3A_164 = tpu.memref_slice %arg21[%add3A_159, %dma_start3A_163] : memref<10240x64xf32, #tpu.memory_space<vmem_shared>> -> memref<128x64xf32, #tpu.memory_space<vmem_shared>>
        tpu.enqueue_dma source(%arg20 : memref<128x64xf32, #tpu.memory_space<vmem>>) target(%dma_start3A_164 : memref<128x64xf32, #tpu.memory_space<vmem_shared>>) target_semaphore(%run_scoped3A : memref<!tpu.dma_semaphore, #tpu.memory_space<semaphore_mem>>)
        %dma_wait3A_165 = arith.constant 0 : i32
        %dma_wait3A_166 = tpu.memref_slice %arg21[%add3A_159, %dma_wait3A_165] : memref<10240x64xf32, #tpu.memory_space<vmem_shared>> -> memref<128x64xf32, #tpu.memory_space<vmem_shared>>
        %dma_wait3A_167 = arith.constant 0 : i32
        %dma_wait3A_168 = tpu.memref_slice %arg21[%add3A_159, %dma_wait3A_167] : memref<10240x64xf32, #tpu.memory_space<vmem_shared>> -> memref<128x64xf32, #tpu.memory_space<vmem_shared>>
        tpu.wait_dma2 semaphore(%run_scoped3A : memref<!tpu.dma_semaphore, #tpu.memory_space<semaphore_mem>>) src(%arg20 : memref<128x64xf32, #tpu.memory_space<vmem>>) dst(%dma_wait3A_168 : memref<128x64xf32, #tpu.memory_space<vmem_shared>>)
        tpu.yield
      }) : () -> ()
      %scan3A_160 = arith.constant 0 : i32
      scf.yield %scan3A_160 : i32
    }
    %scan3A_57 = arith.constant 5 : i32
    %barrier3A = arith.constant 0 : index
    tpu.barrier barrier_id(%barrier3A)
    %scan3A_58 = arith.constant 0 : i32
    %scan3A_59 = arith.constant 0 : i32
    %scan3A_60 = arith.constant 21 : i32
    %scan3A_61 = arith.addi %scan3A_59, %scan3A_60 : i32
    %scan3A_62 = arith.constant 1 : i32
    %scan3A_63 = scf.for %scan3A_153 = %scan3A_59 to %scan3A_61 step %scan3A_62 iter_args(%scan3A_154 = %scan3A_58) -> (i32)  : i32 {
      %jit3A = arith.constant 2 : i32
      %eq3A = arith.constant 0 : i32
      %eq3A_155 = arith.cmpi eq, %jit3A, %eq3A : i32
      %jit3A_156 = arith.constant 1 : i32
      %select_n3A = arith.select %eq3A_155, %jit3A_156, %jit3A : i32
      %rem3A = arith.remsi %scan3A_153, %select_n3A : i32
      %ne3A = arith.constant 0 : i32
      %ne3A_157 = arith.cmpi ne, %rem3A, %ne3A : i32
      %lt3A = arith.constant 0 : i32
      %lt3A_158 = arith.cmpi slt, %rem3A, %lt3A : i32
      %lt3A_159 = arith.constant 0 : i32
      %lt3A_160 = arith.cmpi slt, %select_n3A, %lt3A_159 : i32
      %ne3A_161 = arith.xori %lt3A_158, %lt3A_160 : i1
      %and3A = arith.andi %ne3A_161, %ne3A_157 : i1
      %add3A_162 = arith.addi %rem3A, %select_n3A : i32
      %select_n3A_163 = arith.select %and3A, %add3A_162, %rem3A : i32
      %eq3A_164 = arith.constant 0 : i32
      %eq3A_165 = arith.cmpi eq, %select_n3A_163, %eq3A_164 : i32
      %convert_element_type3A = arith.extui %eq3A_165 : i1 to i32
      %cond3A = arith.constant 0 : i32
      %cond3A_166 = arith.cmpi ne, %convert_element_type3A, %cond3A : i32
      scf.if %cond3A_166 {
        %add3A_189 = arith.constant 1 : i32
        %add3A_190 = arith.addi %scan3A_153, %add3A_189 : i32
        %mul3A_191 = arith.constant 6 : i32
        %mul3A_192 = arith.muli %add3A_190, %mul3A_191 : i32
        %add3A_193 = arith.constant 0 : i32
        %add3A_194 = arith.addi %mul3A_192, %add3A_193 : i32
        %lt3A_195 = arith.constant 125 : i32
        %lt3A_196 = arith.cmpi slt, %add3A_194, %lt3A_195 : i32
        %convert_element_type3A_197 = arith.extui %lt3A_196 : i1 to i32
        %cond3A_198 = arith.constant 0 : i32
        %cond3A_199 = arith.cmpi ne, %convert_element_type3A_197, %cond3A_198 : i32
        scf.if %cond3A_199 {
          %gt3A = arith.constant 0 : i32
          %gt3A_309 = arith.cmpi sgt, %scan3A_153, %gt3A : i32
          %convert_element_type3A_310 = arith.extui %gt3A_309 : i1 to i32
          %cond3A_311 = arith.constant 0 : i32
          %cond3A_312 = arith.cmpi ne, %convert_element_type3A_310, %cond3A_311 : i32
          scf.if %cond3A_312 {
            %dma_wait3A_319 = arith.constant 0 : i32
            %dma_wait3A_320 = arith.constant 0 : i32
            %dma_wait3A_321 = tpu.memref_slice %arg7[%dma_wait3A_319, %dma_wait3A_320] : memref<125x80xi32, #tpu.memory_space<vmem>> -> memref<1x80xi32, #tpu.memory_space<vmem>>
            %dma_wait3A_322 = tpu.memref_squeeze %dma_wait3A_321 : memref<1x80xi32, #tpu.memory_space<vmem>> -> memref<80xi32, #tpu.memory_space<vmem>>
            %dma_wait3A_323 = arith.constant 0 : i32
            %dma_wait3A_324 = arith.constant 0 : i32
            %dma_wait3A_325 = tpu.memref_slice %arg21[%dma_wait3A_323, %dma_wait3A_324] : memref<10240x64xf32, #tpu.memory_space<vmem_shared>> -> memref<10240x64xf32, #tpu.memory_space<vmem_shared>>
            tpu.wait_indirect_dma semaphore(%arg40 : memref<!tpu.dma_semaphore, #tpu.memory_space<semaphore_mem>>) src(%arg14 : memref<80x64xf32, #tpu.memory_space<vmem>>) dst(%dma_wait3A_325 : memref<10240x64xf32, #tpu.memory_space<vmem_shared>>)
          } else {
          }
          %dma_start3A_313 = arith.constant 0 : i32
          %dma_start3A_314 = tpu.memref_slice %arg6[%add3A_194, %dma_start3A_313] : memref<125x80xi32, #tpu.memory_space<vmem>> -> memref<1x80xi32, #tpu.memory_space<vmem>>
          %dma_start3A_315 = tpu.memref_squeeze %dma_start3A_314 : memref<1x80xi32, #tpu.memory_space<vmem>> -> memref<80xi32, #tpu.memory_space<vmem>>
          %dma_start3A_316 = arith.constant 0 : i32
          %dma_start3A_317 = arith.constant 0 : i32
          %dma_start3A_318 = tpu.memref_slice %arg2[%dma_start3A_316, %dma_start3A_317] : memref<10000x64xf32, #tpu.memory_space<hbm>> -> memref<10000x64xf32, #tpu.memory_space<hbm>>
          tpu.enqueue_indirect_dma source(%dma_start3A_318 : memref<10000x64xf32, #tpu.memory_space<hbm>>) target(%arg14 : memref<80x64xf32, #tpu.memory_space<vmem>>) offsets(%dma_start3A_315 : memref<80xi32, #tpu.memory_space<vmem>>) semaphore(%arg28 : memref<!tpu.dma_semaphore, #tpu.memory_space<semaphore_mem>>)
        } else {
        }
        %add3A_200 = arith.constant 1 : i32
        %add3A_201 = arith.addi %scan3A_153, %add3A_200 : i32
        %mul3A_202 = arith.constant 6 : i32
        %mul3A_203 = arith.muli %add3A_201, %mul3A_202 : i32
        %add3A_204 = arith.constant 1 : i32
        %add3A_205 = arith.addi %mul3A_203, %add3A_204 : i32
        %lt3A_206 = arith.constant 125 : i32
        %lt3A_207 = arith.cmpi slt, %add3A_205, %lt3A_206 : i32
        %convert_element_type3A_208 = arith.extui %lt3A_207 : i1 to i32
        %cond3A_209 = arith.constant 0 : i32
        %cond3A_210 = arith.cmpi ne, %convert_element_type3A_208, %cond3A_209 : i32
        scf.if %cond3A_210 {
          %gt3A = arith.constant 0 : i32
          %gt3A_309 = arith.cmpi sgt, %scan3A_153, %gt3A : i32
          %convert_element_type3A_310 = arith.extui %gt3A_309 : i1 to i32
          %cond3A_311 = arith.constant 0 : i32
          %cond3A_312 = arith.cmpi ne, %convert_element_type3A_310, %cond3A_311 : i32
          scf.if %cond3A_312 {
            %dma_wait3A_319 = arith.constant 0 : i32
            %dma_wait3A_320 = arith.constant 0 : i32
            %dma_wait3A_321 = tpu.memref_slice %arg7[%dma_wait3A_319, %dma_wait3A_320] : memref<125x80xi32, #tpu.memory_space<vmem>> -> memref<1x80xi32, #tpu.memory_space<vmem>>
            %dma_wait3A_322 = tpu.memref_squeeze %dma_wait3A_321 : memref<1x80xi32, #tpu.memory_space<vmem>> -> memref<80xi32, #tpu.memory_space<vmem>>
            %dma_wait3A_323 = arith.constant 0 : i32
            %dma_wait3A_324 = arith.constant 0 : i32
            %dma_wait3A_325 = tpu.memref_slice %arg21[%dma_wait3A_323, %dma_wait3A_324] : memref<10240x64xf32, #tpu.memory_space<vmem_shared>> -> memref<10240x64xf32, #tpu.memory_space<vmem_shared>>
            tpu.wait_indirect_dma semaphore(%arg41 : memref<!tpu.dma_semaphore, #tpu.memory_space<semaphore_mem>>) src(%arg15 : memref<80x64xf32, #tpu.memory_space<vmem>>) dst(%dma_wait3A_325 : memref<10240x64xf32, #tpu.memory_space<vmem_shared>>)
          } else {
          }
          %dma_start3A_313 = arith.constant 0 : i32
          %dma_start3A_314 = tpu.memref_slice %arg6[%add3A_205, %dma_start3A_313] : memref<125x80xi32, #tpu.memory_space<vmem>> -> memref<1x80xi32, #tpu.memory_space<vmem>>
          %dma_start3A_315 = tpu.memref_squeeze %dma_start3A_314 : memref<1x80xi32, #tpu.memory_space<vmem>> -> memref<80xi32, #tpu.memory_space<vmem>>
          %dma_start3A_316 = arith.constant 0 : i32
          %dma_start3A_317 = arith.constant 0 : i32
          %dma_start3A_318 = tpu.memref_slice %arg2[%dma_start3A_316, %dma_start3A_317] : memref<10000x64xf32, #tpu.memory_space<hbm>> -> memref<10000x64xf32, #tpu.memory_space<hbm>>
          tpu.enqueue_indirect_dma source(%dma_start3A_318 : memref<10000x64xf32, #tpu.memory_space<hbm>>) target(%arg15 : memref<80x64xf32, #tpu.memory_space<vmem>>) offsets(%dma_start3A_315 : memref<80xi32, #tpu.memory_space<vmem>>) semaphore(%arg29 : memref<!tpu.dma_semaphore, #tpu.memory_space<semaphore_mem>>)
        } else {
        }
        %add3A_211 = arith.constant 1 : i32
        %add3A_212 = arith.addi %scan3A_153, %add3A_211 : i32
        %mul3A_213 = arith.constant 6 : i32
        %mul3A_214 = arith.muli %add3A_212, %mul3A_213 : i32
        %add3A_215 = arith.constant 2 : i32
        %add3A_216 = arith.addi %mul3A_214, %add3A_215 : i32
        %lt3A_217 = arith.constant 125 : i32
        %lt3A_218 = arith.cmpi slt, %add3A_216, %lt3A_217 : i32
        %convert_element_type3A_219 = arith.extui %lt3A_218 : i1 to i32
        %cond3A_220 = arith.constant 0 : i32
        %cond3A_221 = arith.cmpi ne, %convert_element_type3A_219, %cond3A_220 : i32
        scf.if %cond3A_221 {
          %gt3A = arith.constant 0 : i32
          %gt3A_309 = arith.cmpi sgt, %scan3A_153, %gt3A : i32
          %convert_element_type3A_310 = arith.extui %gt3A_309 : i1 to i32
          %cond3A_311 = arith.constant 0 : i32
          %cond3A_312 = arith.cmpi ne, %convert_element_type3A_310, %cond3A_311 : i32
          scf.if %cond3A_312 {
            %dma_wait3A_319 = arith.constant 0 : i32
            %dma_wait3A_320 = arith.constant 0 : i32
            %dma_wait3A_321 = tpu.memref_slice %arg7[%dma_wait3A_319, %dma_wait3A_320] : memref<125x80xi32, #tpu.memory_space<vmem>> -> memref<1x80xi32, #tpu.memory_space<vmem>>
            %dma_wait3A_322 = tpu.memref_squeeze %dma_wait3A_321 : memref<1x80xi32, #tpu.memory_space<vmem>> -> memref<80xi32, #tpu.memory_space<vmem>>
            %dma_wait3A_323 = arith.constant 0 : i32
            %dma_wait3A_324 = arith.constant 0 : i32
            %dma_wait3A_325 = tpu.memref_slice %arg21[%dma_wait3A_323, %dma_wait3A_324] : memref<10240x64xf32, #tpu.memory_space<vmem_shared>> -> memref<10240x64xf32, #tpu.memory_space<vmem_shared>>
            tpu.wait_indirect_dma semaphore(%arg42 : memref<!tpu.dma_semaphore, #tpu.memory_space<semaphore_mem>>) src(%arg16 : memref<80x64xf32, #tpu.memory_space<vmem>>) dst(%dma_wait3A_325 : memref<10240x64xf32, #tpu.memory_space<vmem_shared>>)
          } else {
          }
          %dma_start3A_313 = arith.constant 0 : i32
          %dma_start3A_314 = tpu.memref_slice %arg6[%add3A_216, %dma_start3A_313] : memref<125x80xi32, #tpu.memory_space<vmem>> -> memref<1x80xi32, #tpu.memory_space<vmem>>
          %dma_start3A_315 = tpu.memref_squeeze %dma_start3A_314 : memref<1x80xi32, #tpu.memory_space<vmem>> -> memref<80xi32, #tpu.memory_space<vmem>>
          %dma_start3A_316 = arith.constant 0 : i32
          %dma_start3A_317 = arith.constant 0 : i32
          %dma_start3A_318 = tpu.memref_slice %arg2[%dma_start3A_316, %dma_start3A_317] : memref<10000x64xf32, #tpu.memory_space<hbm>> -> memref<10000x64xf32, #tpu.memory_space<hbm>>
          tpu.enqueue_indirect_dma source(%dma_start3A_318 : memref<10000x64xf32, #tpu.memory_space<hbm>>) target(%arg16 : memref<80x64xf32, #tpu.memory_space<vmem>>) offsets(%dma_start3A_315 : memref<80xi32, #tpu.memory_space<vmem>>) semaphore(%arg30 : memref<!tpu.dma_semaphore, #tpu.memory_space<semaphore_mem>>)
        } else {
        }
        %add3A_222 = arith.constant 1 : i32
        %add3A_223 = arith.addi %scan3A_153, %add3A_222 : i32
        %mul3A_224 = arith.constant 6 : i32
        %mul3A_225 = arith.muli %add3A_223, %mul3A_224 : i32
        %add3A_226 = arith.constant 3 : i32
        %add3A_227 = arith.addi %mul3A_225, %add3A_226 : i32
        %lt3A_228 = arith.constant 125 : i32
        %lt3A_229 = arith.cmpi slt, %add3A_227, %lt3A_228 : i32
        %convert_element_type3A_230 = arith.extui %lt3A_229 : i1 to i32
        %cond3A_231 = arith.constant 0 : i32
        %cond3A_232 = arith.cmpi ne, %convert_element_type3A_230, %cond3A_231 : i32
        scf.if %cond3A_232 {
          %gt3A = arith.constant 0 : i32
          %gt3A_309 = arith.cmpi sgt, %scan3A_153, %gt3A : i32
          %convert_element_type3A_310 = arith.extui %gt3A_309 : i1 to i32
          %cond3A_311 = arith.constant 0 : i32
          %cond3A_312 = arith.cmpi ne, %convert_element_type3A_310, %cond3A_311 : i32
          scf.if %cond3A_312 {
            %dma_wait3A_319 = arith.constant 0 : i32
            %dma_wait3A_320 = arith.constant 0 : i32
            %dma_wait3A_321 = tpu.memref_slice %arg7[%dma_wait3A_319, %dma_wait3A_320] : memref<125x80xi32, #tpu.memory_space<vmem>> -> memref<1x80xi32, #tpu.memory_space<vmem>>
            %dma_wait3A_322 = tpu.memref_squeeze %dma_wait3A_321 : memref<1x80xi32, #tpu.memory_space<vmem>> -> memref<80xi32, #tpu.memory_space<vmem>>
            %dma_wait3A_323 = arith.constant 0 : i32
            %dma_wait3A_324 = arith.constant 0 : i32
            %dma_wait3A_325 = tpu.memref_slice %arg21[%dma_wait3A_323, %dma_wait3A_324] : memref<10240x64xf32, #tpu.memory_space<vmem_shared>> -> memref<10240x64xf32, #tpu.memory_space<vmem_shared>>
            tpu.wait_indirect_dma semaphore(%arg43 : memref<!tpu.dma_semaphore, #tpu.memory_space<semaphore_mem>>) src(%arg17 : memref<80x64xf32, #tpu.memory_space<vmem>>) dst(%dma_wait3A_325 : memref<10240x64xf32, #tpu.memory_space<vmem_shared>>)
          } else {
          }
          %dma_start3A_313 = arith.constant 0 : i32
          %dma_start3A_314 = tpu.memref_slice %arg6[%add3A_227, %dma_start3A_313] : memref<125x80xi32, #tpu.memory_space<vmem>> -> memref<1x80xi32, #tpu.memory_space<vmem>>
          %dma_start3A_315 = tpu.memref_squeeze %dma_start3A_314 : memref<1x80xi32, #tpu.memory_space<vmem>> -> memref<80xi32, #tpu.memory_space<vmem>>
          %dma_start3A_316 = arith.constant 0 : i32
          %dma_start3A_317 = arith.constant 0 : i32
          %dma_start3A_318 = tpu.memref_slice %arg2[%dma_start3A_316, %dma_start3A_317] : memref<10000x64xf32, #tpu.memory_space<hbm>> -> memref<10000x64xf32, #tpu.memory_space<hbm>>
          tpu.enqueue_indirect_dma source(%dma_start3A_318 : memref<10000x64xf32, #tpu.memory_space<hbm>>) target(%arg17 : memref<80x64xf32, #tpu.memory_space<vmem>>) offsets(%dma_start3A_315 : memref<80xi32, #tpu.memory_space<vmem>>) semaphore(%arg31 : memref<!tpu.dma_semaphore, #tpu.memory_space<semaphore_mem>>)
        } else {
        }
        %add3A_233 = arith.constant 1 : i32
        %add3A_234 = arith.addi %scan3A_153, %add3A_233 : i32
        %mul3A_235 = arith.constant 6 : i32
        %mul3A_236 = arith.muli %add3A_234, %mul3A_235 : i32
        %add3A_237 = arith.constant 4 : i32
        %add3A_238 = arith.addi %mul3A_236, %add3A_237 : i32
        %lt3A_239 = arith.constant 125 : i32
        %lt3A_240 = arith.cmpi slt, %add3A_238, %lt3A_239 : i32
        %convert_element_type3A_241 = arith.extui %lt3A_240 : i1 to i32
        %cond3A_242 = arith.constant 0 : i32
        %cond3A_243 = arith.cmpi ne, %convert_element_type3A_241, %cond3A_242 : i32
        scf.if %cond3A_243 {
          %gt3A = arith.constant 0 : i32
          %gt3A_309 = arith.cmpi sgt, %scan3A_153, %gt3A : i32
          %convert_element_type3A_310 = arith.extui %gt3A_309 : i1 to i32
          %cond3A_311 = arith.constant 0 : i32
          %cond3A_312 = arith.cmpi ne, %convert_element_type3A_310, %cond3A_311 : i32
          scf.if %cond3A_312 {
            %dma_wait3A_319 = arith.constant 0 : i32
            %dma_wait3A_320 = arith.constant 0 : i32
            %dma_wait3A_321 = tpu.memref_slice %arg7[%dma_wait3A_319, %dma_wait3A_320] : memref<125x80xi32, #tpu.memory_space<vmem>> -> memref<1x80xi32, #tpu.memory_space<vmem>>
            %dma_wait3A_322 = tpu.memref_squeeze %dma_wait3A_321 : memref<1x80xi32, #tpu.memory_space<vmem>> -> memref<80xi32, #tpu.memory_space<vmem>>
            %dma_wait3A_323 = arith.constant 0 : i32
            %dma_wait3A_324 = arith.constant 0 : i32
            %dma_wait3A_325 = tpu.memref_slice %arg21[%dma_wait3A_323, %dma_wait3A_324] : memref<10240x64xf32, #tpu.memory_space<vmem_shared>> -> memref<10240x64xf32, #tpu.memory_space<vmem_shared>>
            tpu.wait_indirect_dma semaphore(%arg44 : memref<!tpu.dma_semaphore, #tpu.memory_space<semaphore_mem>>) src(%arg18 : memref<80x64xf32, #tpu.memory_space<vmem>>) dst(%dma_wait3A_325 : memref<10240x64xf32, #tpu.memory_space<vmem_shared>>)
          } else {
          }
          %dma_start3A_313 = arith.constant 0 : i32
          %dma_start3A_314 = tpu.memref_slice %arg6[%add3A_238, %dma_start3A_313] : memref<125x80xi32, #tpu.memory_space<vmem>> -> memref<1x80xi32, #tpu.memory_space<vmem>>
          %dma_start3A_315 = tpu.memref_squeeze %dma_start3A_314 : memref<1x80xi32, #tpu.memory_space<vmem>> -> memref<80xi32, #tpu.memory_space<vmem>>
          %dma_start3A_316 = arith.constant 0 : i32
          %dma_start3A_317 = arith.constant 0 : i32
          %dma_start3A_318 = tpu.memref_slice %arg2[%dma_start3A_316, %dma_start3A_317] : memref<10000x64xf32, #tpu.memory_space<hbm>> -> memref<10000x64xf32, #tpu.memory_space<hbm>>
          tpu.enqueue_indirect_dma source(%dma_start3A_318 : memref<10000x64xf32, #tpu.memory_space<hbm>>) target(%arg18 : memref<80x64xf32, #tpu.memory_space<vmem>>) offsets(%dma_start3A_315 : memref<80xi32, #tpu.memory_space<vmem>>) semaphore(%arg32 : memref<!tpu.dma_semaphore, #tpu.memory_space<semaphore_mem>>)
        } else {
        }
        %add3A_244 = arith.constant 1 : i32
        %add3A_245 = arith.addi %scan3A_153, %add3A_244 : i32
        %mul3A_246 = arith.constant 6 : i32
        %mul3A_247 = arith.muli %add3A_245, %mul3A_246 : i32
        %add3A_248 = arith.constant 5 : i32
        %add3A_249 = arith.addi %mul3A_247, %add3A_248 : i32
        %lt3A_250 = arith.constant 125 : i32
        %lt3A_251 = arith.cmpi slt, %add3A_249, %lt3A_250 : i32
        %convert_element_type3A_252 = arith.extui %lt3A_251 : i1 to i32
        %cond3A_253 = arith.constant 0 : i32
        %cond3A_254 = arith.cmpi ne, %convert_element_type3A_252, %cond3A_253 : i32
        scf.if %cond3A_254 {
          %gt3A = arith.constant 0 : i32
          %gt3A_309 = arith.cmpi sgt, %scan3A_153, %gt3A : i32
          %convert_element_type3A_310 = arith.extui %gt3A_309 : i1 to i32
          %cond3A_311 = arith.constant 0 : i32
          %cond3A_312 = arith.cmpi ne, %convert_element_type3A_310, %cond3A_311 : i32
          scf.if %cond3A_312 {
            %dma_wait3A_319 = arith.constant 0 : i32
            %dma_wait3A_320 = arith.constant 0 : i32
            %dma_wait3A_321 = tpu.memref_slice %arg7[%dma_wait3A_319, %dma_wait3A_320] : memref<125x80xi32, #tpu.memory_space<vmem>> -> memref<1x80xi32, #tpu.memory_space<vmem>>
            %dma_wait3A_322 = tpu.memref_squeeze %dma_wait3A_321 : memref<1x80xi32, #tpu.memory_space<vmem>> -> memref<80xi32, #tpu.memory_space<vmem>>
            %dma_wait3A_323 = arith.constant 0 : i32
            %dma_wait3A_324 = arith.constant 0 : i32
            %dma_wait3A_325 = tpu.memref_slice %arg21[%dma_wait3A_323, %dma_wait3A_324] : memref<10240x64xf32, #tpu.memory_space<vmem_shared>> -> memref<10240x64xf32, #tpu.memory_space<vmem_shared>>
            tpu.wait_indirect_dma semaphore(%arg45 : memref<!tpu.dma_semaphore, #tpu.memory_space<semaphore_mem>>) src(%arg19 : memref<80x64xf32, #tpu.memory_space<vmem>>) dst(%dma_wait3A_325 : memref<10240x64xf32, #tpu.memory_space<vmem_shared>>)
          } else {
          }
          %dma_start3A_313 = arith.constant 0 : i32
          %dma_start3A_314 = tpu.memref_slice %arg6[%add3A_249, %dma_start3A_313] : memref<125x80xi32, #tpu.memory_space<vmem>> -> memref<1x80xi32, #tpu.memory_space<vmem>>
          %dma_start3A_315 = tpu.memref_squeeze %dma_start3A_314 : memref<1x80xi32, #tpu.memory_space<vmem>> -> memref<80xi32, #tpu.memory_space<vmem>>
          %dma_start3A_316 = arith.constant 0 : i32
          %dma_start3A_317 = arith.constant 0 : i32
          %dma_start3A_318 = tpu.memref_slice %arg2[%dma_start3A_316, %dma_start3A_317] : memref<10000x64xf32, #tpu.memory_space<hbm>> -> memref<10000x64xf32, #tpu.memory_space<hbm>>
          tpu.enqueue_indirect_dma source(%dma_start3A_318 : memref<10000x64xf32, #tpu.memory_space<hbm>>) target(%arg19 : memref<80x64xf32, #tpu.memory_space<vmem>>) offsets(%dma_start3A_315 : memref<80xi32, #tpu.memory_space<vmem>>) semaphore(%arg33 : memref<!tpu.dma_semaphore, #tpu.memory_space<semaphore_mem>>)
        } else {
        }
        %mul3A_255 = arith.constant 6 : i32
        %mul3A_256 = arith.muli %scan3A_153, %mul3A_255 : i32
        %add3A_257 = arith.constant 0 : i32
        %add3A_258 = arith.addi %mul3A_256, %add3A_257 : i32
        %lt3A_259 = arith.constant 125 : i32
        %lt3A_260 = arith.cmpi slt, %add3A_258, %lt3A_259 : i32
        %convert_element_type3A_261 = arith.extui %lt3A_260 : i1 to i32
        %cond3A_262 = arith.constant 0 : i32
        %cond3A_263 = arith.cmpi ne, %convert_element_type3A_261, %cond3A_262 : i32
        scf.if %cond3A_263 {
          %dma_wait3A_309 = arith.constant 0 : i32
          %dma_wait3A_310 = arith.constant 0 : i32
          %dma_wait3A_311 = tpu.memref_slice %arg6[%dma_wait3A_309, %dma_wait3A_310] : memref<125x80xi32, #tpu.memory_space<vmem>> -> memref<1x80xi32, #tpu.memory_space<vmem>>
          %dma_wait3A_312 = tpu.memref_squeeze %dma_wait3A_311 : memref<1x80xi32, #tpu.memory_space<vmem>> -> memref<80xi32, #tpu.memory_space<vmem>>
          %dma_wait3A_313 = arith.constant 0 : i32
          %dma_wait3A_314 = arith.constant 0 : i32
          %dma_wait3A_315 = tpu.memref_slice %arg2[%dma_wait3A_313, %dma_wait3A_314] : memref<10000x64xf32, #tpu.memory_space<hbm>> -> memref<10000x64xf32, #tpu.memory_space<hbm>>
          tpu.wait_indirect_dma semaphore(%arg22 : memref<!tpu.dma_semaphore, #tpu.memory_space<semaphore_mem>>) src(%dma_wait3A_315 : memref<10000x64xf32, #tpu.memory_space<hbm>>) dst(%arg8 : memref<80x64xf32, #tpu.memory_space<vmem>>)
          %dma_start3A_316 = arith.constant 0 : i32
          %dma_start3A_317 = tpu.memref_slice %arg7[%add3A_258, %dma_start3A_316] : memref<125x80xi32, #tpu.memory_space<vmem>> -> memref<1x80xi32, #tpu.memory_space<vmem>>
          %dma_start3A_318 = tpu.memref_squeeze %dma_start3A_317 : memref<1x80xi32, #tpu.memory_space<vmem>> -> memref<80xi32, #tpu.memory_space<vmem>>
          %dma_start3A_319 = arith.constant 0 : i32
          %dma_start3A_320 = arith.constant 0 : i32
          %dma_start3A_321 = tpu.memref_slice %arg21[%dma_start3A_319, %dma_start3A_320] : memref<10240x64xf32, #tpu.memory_space<vmem_shared>> -> memref<10240x64xf32, #tpu.memory_space<vmem_shared>>
          tpu.enqueue_indirect_dma source(%arg8 : memref<80x64xf32, #tpu.memory_space<vmem>>) target(%dma_start3A_321 : memref<10240x64xf32, #tpu.memory_space<vmem_shared>>) offsets(%dma_start3A_318 : memref<80xi32, #tpu.memory_space<vmem>>) semaphore(%arg34 : memref<!tpu.dma_semaphore, #tpu.memory_space<semaphore_mem>>) {add = true}
        } else {
        }
        %mul3A_264 = arith.constant 6 : i32
        %mul3A_265 = arith.muli %scan3A_153, %mul3A_264 : i32
        %add3A_266 = arith.constant 1 : i32
        %add3A_267 = arith.addi %mul3A_265, %add3A_266 : i32
        %lt3A_268 = arith.constant 125 : i32
        %lt3A_269 = arith.cmpi slt, %add3A_267, %lt3A_268 : i32
        %convert_element_type3A_270 = arith.extui %lt3A_269 : i1 to i32
        %cond3A_271 = arith.constant 0 : i32
        %cond3A_272 = arith.cmpi ne, %convert_element_type3A_270, %cond3A_271 : i32
        scf.if %cond3A_272 {
          %dma_wait3A_309 = arith.constant 0 : i32
          %dma_wait3A_310 = arith.constant 0 : i32
          %dma_wait3A_311 = tpu.memref_slice %arg6[%dma_wait3A_309, %dma_wait3A_310] : memref<125x80xi32, #tpu.memory_space<vmem>> -> memref<1x80xi32, #tpu.memory_space<vmem>>
          %dma_wait3A_312 = tpu.memref_squeeze %dma_wait3A_311 : memref<1x80xi32, #tpu.memory_space<vmem>> -> memref<80xi32, #tpu.memory_space<vmem>>
          %dma_wait3A_313 = arith.constant 0 : i32
          %dma_wait3A_314 = arith.constant 0 : i32
          %dma_wait3A_315 = tpu.memref_slice %arg2[%dma_wait3A_313, %dma_wait3A_314] : memref<10000x64xf32, #tpu.memory_space<hbm>> -> memref<10000x64xf32, #tpu.memory_space<hbm>>
          tpu.wait_indirect_dma semaphore(%arg23 : memref<!tpu.dma_semaphore, #tpu.memory_space<semaphore_mem>>) src(%dma_wait3A_315 : memref<10000x64xf32, #tpu.memory_space<hbm>>) dst(%arg9 : memref<80x64xf32, #tpu.memory_space<vmem>>)
          %dma_start3A_316 = arith.constant 0 : i32
          %dma_start3A_317 = tpu.memref_slice %arg7[%add3A_267, %dma_start3A_316] : memref<125x80xi32, #tpu.memory_space<vmem>> -> memref<1x80xi32, #tpu.memory_space<vmem>>
          %dma_start3A_318 = tpu.memref_squeeze %dma_start3A_317 : memref<1x80xi32, #tpu.memory_space<vmem>> -> memref<80xi32, #tpu.memory_space<vmem>>
          %dma_start3A_319 = arith.constant 0 : i32
          %dma_start3A_320 = arith.constant 0 : i32
          %dma_start3A_321 = tpu.memref_slice %arg21[%dma_start3A_319, %dma_start3A_320] : memref<10240x64xf32, #tpu.memory_space<vmem_shared>> -> memref<10240x64xf32, #tpu.memory_space<vmem_shared>>
          tpu.enqueue_indirect_dma source(%arg9 : memref<80x64xf32, #tpu.memory_space<vmem>>) target(%dma_start3A_321 : memref<10240x64xf32, #tpu.memory_space<vmem_shared>>) offsets(%dma_start3A_318 : memref<80xi32, #tpu.memory_space<vmem>>) semaphore(%arg35 : memref<!tpu.dma_semaphore, #tpu.memory_space<semaphore_mem>>) {add = true}
        } else {
        }
        %mul3A_273 = arith.constant 6 : i32
        %mul3A_274 = arith.muli %scan3A_153, %mul3A_273 : i32
        %add3A_275 = arith.constant 2 : i32
        %add3A_276 = arith.addi %mul3A_274, %add3A_275 : i32
        %lt3A_277 = arith.constant 125 : i32
        %lt3A_278 = arith.cmpi slt, %add3A_276, %lt3A_277 : i32
        %convert_element_type3A_279 = arith.extui %lt3A_278 : i1 to i32
        %cond3A_280 = arith.constant 0 : i32
        %cond3A_281 = arith.cmpi ne, %convert_element_type3A_279, %cond3A_280 : i32
        scf.if %cond3A_281 {
          %dma_wait3A_309 = arith.constant 0 : i32
          %dma_wait3A_310 = arith.constant 0 : i32
          %dma_wait3A_311 = tpu.memref_slice %arg6[%dma_wait3A_309, %dma_wait3A_310] : memref<125x80xi32, #tpu.memory_space<vmem>> -> memref<1x80xi32, #tpu.memory_space<vmem>>
          %dma_wait3A_312 = tpu.memref_squeeze %dma_wait3A_311 : memref<1x80xi32, #tpu.memory_space<vmem>> -> memref<80xi32, #tpu.memory_space<vmem>>
          %dma_wait3A_313 = arith.constant 0 : i32
          %dma_wait3A_314 = arith.constant 0 : i32
          %dma_wait3A_315 = tpu.memref_slice %arg2[%dma_wait3A_313, %dma_wait3A_314] : memref<10000x64xf32, #tpu.memory_space<hbm>> -> memref<10000x64xf32, #tpu.memory_space<hbm>>
          tpu.wait_indirect_dma semaphore(%arg24 : memref<!tpu.dma_semaphore, #tpu.memory_space<semaphore_mem>>) src(%dma_wait3A_315 : memref<10000x64xf32, #tpu.memory_space<hbm>>) dst(%arg10 : memref<80x64xf32, #tpu.memory_space<vmem>>)
          %dma_start3A_316 = arith.constant 0 : i32
          %dma_start3A_317 = tpu.memref_slice %arg7[%add3A_276, %dma_start3A_316] : memref<125x80xi32, #tpu.memory_space<vmem>> -> memref<1x80xi32, #tpu.memory_space<vmem>>
          %dma_start3A_318 = tpu.memref_squeeze %dma_start3A_317 : memref<1x80xi32, #tpu.memory_space<vmem>> -> memref<80xi32, #tpu.memory_space<vmem>>
          %dma_start3A_319 = arith.constant 0 : i32
          %dma_start3A_320 = arith.constant 0 : i32
          %dma_start3A_321 = tpu.memref_slice %arg21[%dma_start3A_319, %dma_start3A_320] : memref<10240x64xf32, #tpu.memory_space<vmem_shared>> -> memref<10240x64xf32, #tpu.memory_space<vmem_shared>>
          tpu.enqueue_indirect_dma source(%arg10 : memref<80x64xf32, #tpu.memory_space<vmem>>) target(%dma_start3A_321 : memref<10240x64xf32, #tpu.memory_space<vmem_shared>>) offsets(%dma_start3A_318 : memref<80xi32, #tpu.memory_space<vmem>>) semaphore(%arg36 : memref<!tpu.dma_semaphore, #tpu.memory_space<semaphore_mem>>) {add = true}
        } else {
        }
        %mul3A_282 = arith.constant 6 : i32
        %mul3A_283 = arith.muli %scan3A_153, %mul3A_282 : i32
        %add3A_284 = arith.constant 3 : i32
        %add3A_285 = arith.addi %mul3A_283, %add3A_284 : i32
        %lt3A_286 = arith.constant 125 : i32
        %lt3A_287 = arith.cmpi slt, %add3A_285, %lt3A_286 : i32
        %convert_element_type3A_288 = arith.extui %lt3A_287 : i1 to i32
        %cond3A_289 = arith.constant 0 : i32
        %cond3A_290 = arith.cmpi ne, %convert_element_type3A_288, %cond3A_289 : i32
        scf.if %cond3A_290 {
          %dma_wait3A_309 = arith.constant 0 : i32
          %dma_wait3A_310 = arith.constant 0 : i32
          %dma_wait3A_311 = tpu.memref_slice %arg6[%dma_wait3A_309, %dma_wait3A_310] : memref<125x80xi32, #tpu.memory_space<vmem>> -> memref<1x80xi32, #tpu.memory_space<vmem>>
          %dma_wait3A_312 = tpu.memref_squeeze %dma_wait3A_311 : memref<1x80xi32, #tpu.memory_space<vmem>> -> memref<80xi32, #tpu.memory_space<vmem>>
          %dma_wait3A_313 = arith.constant 0 : i32
          %dma_wait3A_314 = arith.constant 0 : i32
          %dma_wait3A_315 = tpu.memref_slice %arg2[%dma_wait3A_313, %dma_wait3A_314] : memref<10000x64xf32, #tpu.memory_space<hbm>> -> memref<10000x64xf32, #tpu.memory_space<hbm>>
          tpu.wait_indirect_dma semaphore(%arg25 : memref<!tpu.dma_semaphore, #tpu.memory_space<semaphore_mem>>) src(%dma_wait3A_315 : memref<10000x64xf32, #tpu.memory_space<hbm>>) dst(%arg11 : memref<80x64xf32, #tpu.memory_space<vmem>>)
          %dma_start3A_316 = arith.constant 0 : i32
          %dma_start3A_317 = tpu.memref_slice %arg7[%add3A_285, %dma_start3A_316] : memref<125x80xi32, #tpu.memory_space<vmem>> -> memref<1x80xi32, #tpu.memory_space<vmem>>
          %dma_start3A_318 = tpu.memref_squeeze %dma_start3A_317 : memref<1x80xi32, #tpu.memory_space<vmem>> -> memref<80xi32, #tpu.memory_space<vmem>>
          %dma_start3A_319 = arith.constant 0 : i32
          %dma_start3A_320 = arith.constant 0 : i32
          %dma_start3A_321 = tpu.memref_slice %arg21[%dma_start3A_319, %dma_start3A_320] : memref<10240x64xf32, #tpu.memory_space<vmem_shared>> -> memref<10240x64xf32, #tpu.memory_space<vmem_shared>>
          tpu.enqueue_indirect_dma source(%arg11 : memref<80x64xf32, #tpu.memory_space<vmem>>) target(%dma_start3A_321 : memref<10240x64xf32, #tpu.memory_space<vmem_shared>>) offsets(%dma_start3A_318 : memref<80xi32, #tpu.memory_space<vmem>>) semaphore(%arg37 : memref<!tpu.dma_semaphore, #tpu.memory_space<semaphore_mem>>) {add = true}
        } else {
        }
        %mul3A_291 = arith.constant 6 : i32
        %mul3A_292 = arith.muli %scan3A_153, %mul3A_291 : i32
        %add3A_293 = arith.constant 4 : i32
        %add3A_294 = arith.addi %mul3A_292, %add3A_293 : i32
        %lt3A_295 = arith.constant 125 : i32
        %lt3A_296 = arith.cmpi slt, %add3A_294, %lt3A_295 : i32
        %convert_element_type3A_297 = arith.extui %lt3A_296 : i1 to i32
        %cond3A_298 = arith.constant 0 : i32
        %cond3A_299 = arith.cmpi ne, %convert_element_type3A_297, %cond3A_298 : i32
        scf.if %cond3A_299 {
          %dma_wait3A_309 = arith.constant 0 : i32
          %dma_wait3A_310 = arith.constant 0 : i32
          %dma_wait3A_311 = tpu.memref_slice %arg6[%dma_wait3A_309, %dma_wait3A_310] : memref<125x80xi32, #tpu.memory_space<vmem>> -> memref<1x80xi32, #tpu.memory_space<vmem>>
          %dma_wait3A_312 = tpu.memref_squeeze %dma_wait3A_311 : memref<1x80xi32, #tpu.memory_space<vmem>> -> memref<80xi32, #tpu.memory_space<vmem>>
          %dma_wait3A_313 = arith.constant 0 : i32
          %dma_wait3A_314 = arith.constant 0 : i32
          %dma_wait3A_315 = tpu.memref_slice %arg2[%dma_wait3A_313, %dma_wait3A_314] : memref<10000x64xf32, #tpu.memory_space<hbm>> -> memref<10000x64xf32, #tpu.memory_space<hbm>>
          tpu.wait_indirect_dma semaphore(%arg26 : memref<!tpu.dma_semaphore, #tpu.memory_space<semaphore_mem>>) src(%dma_wait3A_315 : memref<10000x64xf32, #tpu.memory_space<hbm>>) dst(%arg12 : memref<80x64xf32, #tpu.memory_space<vmem>>)
          %dma_start3A_316 = arith.constant 0 : i32
          %dma_start3A_317 = tpu.memref_slice %arg7[%add3A_294, %dma_start3A_316] : memref<125x80xi32, #tpu.memory_space<vmem>> -> memref<1x80xi32, #tpu.memory_space<vmem>>
          %dma_start3A_318 = tpu.memref_squeeze %dma_start3A_317 : memref<1x80xi32, #tpu.memory_space<vmem>> -> memref<80xi32, #tpu.memory_space<vmem>>
          %dma_start3A_319 = arith.constant 0 : i32
          %dma_start3A_320 = arith.constant 0 : i32
          %dma_start3A_321 = tpu.memref_slice %arg21[%dma_start3A_319, %dma_start3A_320] : memref<10240x64xf32, #tpu.memory_space<vmem_shared>> -> memref<10240x64xf32, #tpu.memory_space<vmem_shared>>
          tpu.enqueue_indirect_dma source(%arg12 : memref<80x64xf32, #tpu.memory_space<vmem>>) target(%dma_start3A_321 : memref<10240x64xf32, #tpu.memory_space<vmem_shared>>) offsets(%dma_start3A_318 : memref<80xi32, #tpu.memory_space<vmem>>) semaphore(%arg38 : memref<!tpu.dma_semaphore, #tpu.memory_space<semaphore_mem>>) {add = true}
        } else {
        }
        %mul3A_300 = arith.constant 6 : i32
        %mul3A_301 = arith.muli %scan3A_153, %mul3A_300 : i32
        %add3A_302 = arith.constant 5 : i32
        %add3A_303 = arith.addi %mul3A_301, %add3A_302 : i32
        %lt3A_304 = arith.constant 125 : i32
        %lt3A_305 = arith.cmpi slt, %add3A_303, %lt3A_304 : i32
        %convert_element_type3A_306 = arith.extui %lt3A_305 : i1 to i32
        %cond3A_307 = arith.constant 0 : i32
        %cond3A_308 = arith.cmpi ne, %convert_element_type3A_306, %cond3A_307 : i32
        scf.if %cond3A_308 {
          %dma_wait3A_309 = arith.constant 0 : i32
          %dma_wait3A_310 = arith.constant 0 : i32
          %dma_wait3A_311 = tpu.memref_slice %arg6[%dma_wait3A_309, %dma_wait3A_310] : memref<125x80xi32, #tpu.memory_space<vmem>> -> memref<1x80xi32, #tpu.memory_space<vmem>>
          %dma_wait3A_312 = tpu.memref_squeeze %dma_wait3A_311 : memref<1x80xi32, #tpu.memory_space<vmem>> -> memref<80xi32, #tpu.memory_space<vmem>>
          %dma_wait3A_313 = arith.constant 0 : i32
          %dma_wait3A_314 = arith.constant 0 : i32
          %dma_wait3A_315 = tpu.memref_slice %arg2[%dma_wait3A_313, %dma_wait3A_314] : memref<10000x64xf32, #tpu.memory_space<hbm>> -> memref<10000x64xf32, #tpu.memory_space<hbm>>
          tpu.wait_indirect_dma semaphore(%arg27 : memref<!tpu.dma_semaphore, #tpu.memory_space<semaphore_mem>>) src(%dma_wait3A_315 : memref<10000x64xf32, #tpu.memory_space<hbm>>) dst(%arg13 : memref<80x64xf32, #tpu.memory_space<vmem>>)
          %dma_start3A_316 = arith.constant 0 : i32
          %dma_start3A_317 = tpu.memref_slice %arg7[%add3A_303, %dma_start3A_316] : memref<125x80xi32, #tpu.memory_space<vmem>> -> memref<1x80xi32, #tpu.memory_space<vmem>>
          %dma_start3A_318 = tpu.memref_squeeze %dma_start3A_317 : memref<1x80xi32, #tpu.memory_space<vmem>> -> memref<80xi32, #tpu.memory_space<vmem>>
          %dma_start3A_319 = arith.constant 0 : i32
          %dma_start3A_320 = arith.constant 0 : i32
          %dma_start3A_321 = tpu.memref_slice %arg21[%dma_start3A_319, %dma_start3A_320] : memref<10240x64xf32, #tpu.memory_space<vmem_shared>> -> memref<10240x64xf32, #tpu.memory_space<vmem_shared>>
          tpu.enqueue_indirect_dma source(%arg13 : memref<80x64xf32, #tpu.memory_space<vmem>>) target(%dma_start3A_321 : memref<10240x64xf32, #tpu.memory_space<vmem_shared>>) offsets(%dma_start3A_318 : memref<80xi32, #tpu.memory_space<vmem>>) semaphore(%arg39 : memref<!tpu.dma_semaphore, #tpu.memory_space<semaphore_mem>>) {add = true}
        } else {
        }
      } else {
      }
      %jit3A_167 = arith.constant 2 : i32
      %eq3A_168 = arith.constant 0 : i32
      %eq3A_169 = arith.cmpi eq, %jit3A_167, %eq3A_168 : i32
      %jit3A_170 = arith.constant 1 : i32
      %select_n3A_171 = arith.select %eq3A_169, %jit3A_170, %jit3A_167 : i32
      %rem3A_172 = arith.remsi %scan3A_153, %select_n3A_171 : i32
      %ne3A_173 = arith.constant 0 : i32
      %ne3A_174 = arith.cmpi ne, %rem3A_172, %ne3A_173 : i32
      %lt3A_175 = arith.constant 0 : i32
      %lt3A_176 = arith.cmpi slt, %rem3A_172, %lt3A_175 : i32
      %lt3A_177 = arith.constant 0 : i32
      %lt3A_178 = arith.cmpi slt, %select_n3A_171, %lt3A_177 : i32
      %ne3A_179 = arith.xori %lt3A_176, %lt3A_178 : i1
      %and3A_180 = arith.andi %ne3A_179, %ne3A_174 : i1
      %add3A_181 = arith.addi %rem3A_172, %select_n3A_171 : i32
      %select_n3A_182 = arith.select %and3A_180, %add3A_181, %rem3A_172 : i32
      %eq3A_183 = arith.constant 1 : i32
      %eq3A_184 = arith.cmpi eq, %select_n3A_182, %eq3A_183 : i32
      %convert_element_type3A_185 = arith.extui %eq3A_184 : i1 to i32
      %cond3A_186 = arith.constant 0 : i32
      %cond3A_187 = arith.cmpi ne, %convert_element_type3A_185, %cond3A_186 : i32
      scf.if %cond3A_187 {
        %add3A_189 = arith.constant 1 : i32
        %add3A_190 = arith.addi %scan3A_153, %add3A_189 : i32
        %mul3A_191 = arith.constant 6 : i32
        %mul3A_192 = arith.muli %add3A_190, %mul3A_191 : i32
        %add3A_193 = arith.constant 0 : i32
        %add3A_194 = arith.addi %mul3A_192, %add3A_193 : i32
        %lt3A_195 = arith.constant 125 : i32
        %lt3A_196 = arith.cmpi slt, %add3A_194, %lt3A_195 : i32
        %convert_element_type3A_197 = arith.extui %lt3A_196 : i1 to i32
        %cond3A_198 = arith.constant 0 : i32
        %cond3A_199 = arith.cmpi ne, %convert_element_type3A_197, %cond3A_198 : i32
        scf.if %cond3A_199 {
          %gt3A = arith.constant 0 : i32
          %gt3A_309 = arith.cmpi sgt, %scan3A_153, %gt3A : i32
          %convert_element_type3A_310 = arith.extui %gt3A_309 : i1 to i32
          %cond3A_311 = arith.constant 0 : i32
          %cond3A_312 = arith.cmpi ne, %convert_element_type3A_310, %cond3A_311 : i32
          scf.if %cond3A_312 {
            %dma_wait3A_319 = arith.constant 0 : i32
            %dma_wait3A_320 = arith.constant 0 : i32
            %dma_wait3A_321 = tpu.memref_slice %arg7[%dma_wait3A_319, %dma_wait3A_320] : memref<125x80xi32, #tpu.memory_space<vmem>> -> memref<1x80xi32, #tpu.memory_space<vmem>>
            %dma_wait3A_322 = tpu.memref_squeeze %dma_wait3A_321 : memref<1x80xi32, #tpu.memory_space<vmem>> -> memref<80xi32, #tpu.memory_space<vmem>>
            %dma_wait3A_323 = arith.constant 0 : i32
            %dma_wait3A_324 = arith.constant 0 : i32
            %dma_wait3A_325 = tpu.memref_slice %arg21[%dma_wait3A_323, %dma_wait3A_324] : memref<10240x64xf32, #tpu.memory_space<vmem_shared>> -> memref<10240x64xf32, #tpu.memory_space<vmem_shared>>
            tpu.wait_indirect_dma semaphore(%arg34 : memref<!tpu.dma_semaphore, #tpu.memory_space<semaphore_mem>>) src(%arg8 : memref<80x64xf32, #tpu.memory_space<vmem>>) dst(%dma_wait3A_325 : memref<10240x64xf32, #tpu.memory_space<vmem_shared>>)
          } else {
          }
          %dma_start3A_313 = arith.constant 0 : i32
          %dma_start3A_314 = tpu.memref_slice %arg6[%add3A_194, %dma_start3A_313] : memref<125x80xi32, #tpu.memory_space<vmem>> -> memref<1x80xi32, #tpu.memory_space<vmem>>
          %dma_start3A_315 = tpu.memref_squeeze %dma_start3A_314 : memref<1x80xi32, #tpu.memory_space<vmem>> -> memref<80xi32, #tpu.memory_space<vmem>>
          %dma_start3A_316 = arith.constant 0 : i32
          %dma_start3A_317 = arith.constant 0 : i32
          %dma_start3A_318 = tpu.memref_slice %arg2[%dma_start3A_316, %dma_start3A_317] : memref<10000x64xf32, #tpu.memory_space<hbm>> -> memref<10000x64xf32, #tpu.memory_space<hbm>>
          tpu.enqueue_indirect_dma source(%dma_start3A_318 : memref<10000x64xf32, #tpu.memory_space<hbm>>) target(%arg8 : memref<80x64xf32, #tpu.memory_space<vmem>>) offsets(%dma_start3A_315 : memref<80xi32, #tpu.memory_space<vmem>>) semaphore(%arg22 : memref<!tpu.dma_semaphore, #tpu.memory_space<semaphore_mem>>)
        } else {
        }
        %add3A_200 = arith.constant 1 : i32
        %add3A_201 = arith.addi %scan3A_153, %add3A_200 : i32
        %mul3A_202 = arith.constant 6 : i32
        %mul3A_203 = arith.muli %add3A_201, %mul3A_202 : i32
        %add3A_204 = arith.constant 1 : i32
        %add3A_205 = arith.addi %mul3A_203, %add3A_204 : i32
        %lt3A_206 = arith.constant 125 : i32
        %lt3A_207 = arith.cmpi slt, %add3A_205, %lt3A_206 : i32
        %convert_element_type3A_208 = arith.extui %lt3A_207 : i1 to i32
        %cond3A_209 = arith.constant 0 : i32
        %cond3A_210 = arith.cmpi ne, %convert_element_type3A_208, %cond3A_209 : i32
        scf.if %cond3A_210 {
          %gt3A = arith.constant 0 : i32
          %gt3A_309 = arith.cmpi sgt, %scan3A_153, %gt3A : i32
          %convert_element_type3A_310 = arith.extui %gt3A_309 : i1 to i32
          %cond3A_311 = arith.constant 0 : i32
          %cond3A_312 = arith.cmpi ne, %convert_element_type3A_310, %cond3A_311 : i32
          scf.if %cond3A_312 {
            %dma_wait3A_319 = arith.constant 0 : i32
            %dma_wait3A_320 = arith.constant 0 : i32
            %dma_wait3A_321 = tpu.memref_slice %arg7[%dma_wait3A_319, %dma_wait3A_320] : memref<125x80xi32, #tpu.memory_space<vmem>> -> memref<1x80xi32, #tpu.memory_space<vmem>>
            %dma_wait3A_322 = tpu.memref_squeeze %dma_wait3A_321 : memref<1x80xi32, #tpu.memory_space<vmem>> -> memref<80xi32, #tpu.memory_space<vmem>>
            %dma_wait3A_323 = arith.constant 0 : i32
            %dma_wait3A_324 = arith.constant 0 : i32
            %dma_wait3A_325 = tpu.memref_slice %arg21[%dma_wait3A_323, %dma_wait3A_324] : memref<10240x64xf32, #tpu.memory_space<vmem_shared>> -> memref<10240x64xf32, #tpu.memory_space<vmem_shared>>
            tpu.wait_indirect_dma semaphore(%arg35 : memref<!tpu.dma_semaphore, #tpu.memory_space<semaphore_mem>>) src(%arg9 : memref<80x64xf32, #tpu.memory_space<vmem>>) dst(%dma_wait3A_325 : memref<10240x64xf32, #tpu.memory_space<vmem_shared>>)
          } else {
          }
          %dma_start3A_313 = arith.constant 0 : i32
          %dma_start3A_314 = tpu.memref_slice %arg6[%add3A_205, %dma_start3A_313] : memref<125x80xi32, #tpu.memory_space<vmem>> -> memref<1x80xi32, #tpu.memory_space<vmem>>
          %dma_start3A_315 = tpu.memref_squeeze %dma_start3A_314 : memref<1x80xi32, #tpu.memory_space<vmem>> -> memref<80xi32, #tpu.memory_space<vmem>>
          %dma_start3A_316 = arith.constant 0 : i32
          %dma_start3A_317 = arith.constant 0 : i32
          %dma_start3A_318 = tpu.memref_slice %arg2[%dma_start3A_316, %dma_start3A_317] : memref<10000x64xf32, #tpu.memory_space<hbm>> -> memref<10000x64xf32, #tpu.memory_space<hbm>>
          tpu.enqueue_indirect_dma source(%dma_start3A_318 : memref<10000x64xf32, #tpu.memory_space<hbm>>) target(%arg9 : memref<80x64xf32, #tpu.memory_space<vmem>>) offsets(%dma_start3A_315 : memref<80xi32, #tpu.memory_space<vmem>>) semaphore(%arg23 : memref<!tpu.dma_semaphore, #tpu.memory_space<semaphore_mem>>)
        } else {
        }
        %add3A_211 = arith.constant 1 : i32
        %add3A_212 = arith.addi %scan3A_153, %add3A_211 : i32
        %mul3A_213 = arith.constant 6 : i32
        %mul3A_214 = arith.muli %add3A_212, %mul3A_213 : i32
        %add3A_215 = arith.constant 2 : i32
        %add3A_216 = arith.addi %mul3A_214, %add3A_215 : i32
        %lt3A_217 = arith.constant 125 : i32
        %lt3A_218 = arith.cmpi slt, %add3A_216, %lt3A_217 : i32
        %convert_element_type3A_219 = arith.extui %lt3A_218 : i1 to i32
        %cond3A_220 = arith.constant 0 : i32
        %cond3A_221 = arith.cmpi ne, %convert_element_type3A_219, %cond3A_220 : i32
        scf.if %cond3A_221 {
          %gt3A = arith.constant 0 : i32
          %gt3A_309 = arith.cmpi sgt, %scan3A_153, %gt3A : i32
          %convert_element_type3A_310 = arith.extui %gt3A_309 : i1 to i32
          %cond3A_311 = arith.constant 0 : i32
          %cond3A_312 = arith.cmpi ne, %convert_element_type3A_310, %cond3A_311 : i32
          scf.if %cond3A_312 {
            %dma_wait3A_319 = arith.constant 0 : i32
            %dma_wait3A_320 = arith.constant 0 : i32
            %dma_wait3A_321 = tpu.memref_slice %arg7[%dma_wait3A_319, %dma_wait3A_320] : memref<125x80xi32, #tpu.memory_space<vmem>> -> memref<1x80xi32, #tpu.memory_space<vmem>>
            %dma_wait3A_322 = tpu.memref_squeeze %dma_wait3A_321 : memref<1x80xi32, #tpu.memory_space<vmem>> -> memref<80xi32, #tpu.memory_space<vmem>>
            %dma_wait3A_323 = arith.constant 0 : i32
            %dma_wait3A_324 = arith.constant 0 : i32
            %dma_wait3A_325 = tpu.memref_slice %arg21[%dma_wait3A_323, %dma_wait3A_324] : memref<10240x64xf32, #tpu.memory_space<vmem_shared>> -> memref<10240x64xf32, #tpu.memory_space<vmem_shared>>
            tpu.wait_indirect_dma semaphore(%arg36 : memref<!tpu.dma_semaphore, #tpu.memory_space<semaphore_mem>>) src(%arg10 : memref<80x64xf32, #tpu.memory_space<vmem>>) dst(%dma_wait3A_325 : memref<10240x64xf32, #tpu.memory_space<vmem_shared>>)
          } else {
          }
          %dma_start3A_313 = arith.constant 0 : i32
          %dma_start3A_314 = tpu.memref_slice %arg6[%add3A_216, %dma_start3A_313] : memref<125x80xi32, #tpu.memory_space<vmem>> -> memref<1x80xi32, #tpu.memory_space<vmem>>
          %dma_start3A_315 = tpu.memref_squeeze %dma_start3A_314 : memref<1x80xi32, #tpu.memory_space<vmem>> -> memref<80xi32, #tpu.memory_space<vmem>>
          %dma_start3A_316 = arith.constant 0 : i32
          %dma_start3A_317 = arith.constant 0 : i32
          %dma_start3A_318 = tpu.memref_slice %arg2[%dma_start3A_316, %dma_start3A_317] : memref<10000x64xf32, #tpu.memory_space<hbm>> -> memref<10000x64xf32, #tpu.memory_space<hbm>>
          tpu.enqueue_indirect_dma source(%dma_start3A_318 : memref<10000x64xf32, #tpu.memory_space<hbm>>) target(%arg10 : memref<80x64xf32, #tpu.memory_space<vmem>>) offsets(%dma_start3A_315 : memref<80xi32, #tpu.memory_space<vmem>>) semaphore(%arg24 : memref<!tpu.dma_semaphore, #tpu.memory_space<semaphore_mem>>)
        } else {
        }
        %add3A_222 = arith.constant 1 : i32
        %add3A_223 = arith.addi %scan3A_153, %add3A_222 : i32
        %mul3A_224 = arith.constant 6 : i32
        %mul3A_225 = arith.muli %add3A_223, %mul3A_224 : i32
        %add3A_226 = arith.constant 3 : i32
        %add3A_227 = arith.addi %mul3A_225, %add3A_226 : i32
        %lt3A_228 = arith.constant 125 : i32
        %lt3A_229 = arith.cmpi slt, %add3A_227, %lt3A_228 : i32
        %convert_element_type3A_230 = arith.extui %lt3A_229 : i1 to i32
        %cond3A_231 = arith.constant 0 : i32
        %cond3A_232 = arith.cmpi ne, %convert_element_type3A_230, %cond3A_231 : i32
        scf.if %cond3A_232 {
          %gt3A = arith.constant 0 : i32
          %gt3A_309 = arith.cmpi sgt, %scan3A_153, %gt3A : i32
          %convert_element_type3A_310 = arith.extui %gt3A_309 : i1 to i32
          %cond3A_311 = arith.constant 0 : i32
          %cond3A_312 = arith.cmpi ne, %convert_element_type3A_310, %cond3A_311 : i32
          scf.if %cond3A_312 {
            %dma_wait3A_319 = arith.constant 0 : i32
            %dma_wait3A_320 = arith.constant 0 : i32
            %dma_wait3A_321 = tpu.memref_slice %arg7[%dma_wait3A_319, %dma_wait3A_320] : memref<125x80xi32, #tpu.memory_space<vmem>> -> memref<1x80xi32, #tpu.memory_space<vmem>>
            %dma_wait3A_322 = tpu.memref_squeeze %dma_wait3A_321 : memref<1x80xi32, #tpu.memory_space<vmem>> -> memref<80xi32, #tpu.memory_space<vmem>>
            %dma_wait3A_323 = arith.constant 0 : i32
            %dma_wait3A_324 = arith.constant 0 : i32
            %dma_wait3A_325 = tpu.memref_slice %arg21[%dma_wait3A_323, %dma_wait3A_324] : memref<10240x64xf32, #tpu.memory_space<vmem_shared>> -> memref<10240x64xf32, #tpu.memory_space<vmem_shared>>
            tpu.wait_indirect_dma semaphore(%arg37 : memref<!tpu.dma_semaphore, #tpu.memory_space<semaphore_mem>>) src(%arg11 : memref<80x64xf32, #tpu.memory_space<vmem>>) dst(%dma_wait3A_325 : memref<10240x64xf32, #tpu.memory_space<vmem_shared>>)
          } else {
          }
          %dma_start3A_313 = arith.constant 0 : i32
          %dma_start3A_314 = tpu.memref_slice %arg6[%add3A_227, %dma_start3A_313] : memref<125x80xi32, #tpu.memory_space<vmem>> -> memref<1x80xi32, #tpu.memory_space<vmem>>
          %dma_start3A_315 = tpu.memref_squeeze %dma_start3A_314 : memref<1x80xi32, #tpu.memory_space<vmem>> -> memref<80xi32, #tpu.memory_space<vmem>>
          %dma_start3A_316 = arith.constant 0 : i32
          %dma_start3A_317 = arith.constant 0 : i32
          %dma_start3A_318 = tpu.memref_slice %arg2[%dma_start3A_316, %dma_start3A_317] : memref<10000x64xf32, #tpu.memory_space<hbm>> -> memref<10000x64xf32, #tpu.memory_space<hbm>>
          tpu.enqueue_indirect_dma source(%dma_start3A_318 : memref<10000x64xf32, #tpu.memory_space<hbm>>) target(%arg11 : memref<80x64xf32, #tpu.memory_space<vmem>>) offsets(%dma_start3A_315 : memref<80xi32, #tpu.memory_space<vmem>>) semaphore(%arg25 : memref<!tpu.dma_semaphore, #tpu.memory_space<semaphore_mem>>)
        } else {
        }
        %add3A_233 = arith.constant 1 : i32
        %add3A_234 = arith.addi %scan3A_153, %add3A_233 : i32
        %mul3A_235 = arith.constant 6 : i32
        %mul3A_236 = arith.muli %add3A_234, %mul3A_235 : i32
        %add3A_237 = arith.constant 4 : i32
        %add3A_238 = arith.addi %mul3A_236, %add3A_237 : i32
        %lt3A_239 = arith.constant 125 : i32
        %lt3A_240 = arith.cmpi slt, %add3A_238, %lt3A_239 : i32
        %convert_element_type3A_241 = arith.extui %lt3A_240 : i1 to i32
        %cond3A_242 = arith.constant 0 : i32
        %cond3A_243 = arith.cmpi ne, %convert_element_type3A_241, %cond3A_242 : i32
        scf.if %cond3A_243 {
          %gt3A = arith.constant 0 : i32
          %gt3A_309 = arith.cmpi sgt, %scan3A_153, %gt3A : i32
          %convert_element_type3A_310 = arith.extui %gt3A_309 : i1 to i32
          %cond3A_311 = arith.constant 0 : i32
          %cond3A_312 = arith.cmpi ne, %convert_element_type3A_310, %cond3A_311 : i32
          scf.if %cond3A_312 {
            %dma_wait3A_319 = arith.constant 0 : i32
            %dma_wait3A_320 = arith.constant 0 : i32
            %dma_wait3A_321 = tpu.memref_slice %arg7[%dma_wait3A_319, %dma_wait3A_320] : memref<125x80xi32, #tpu.memory_space<vmem>> -> memref<1x80xi32, #tpu.memory_space<vmem>>
            %dma_wait3A_322 = tpu.memref_squeeze %dma_wait3A_321 : memref<1x80xi32, #tpu.memory_space<vmem>> -> memref<80xi32, #tpu.memory_space<vmem>>
            %dma_wait3A_323 = arith.constant 0 : i32
            %dma_wait3A_324 = arith.constant 0 : i32
            %dma_wait3A_325 = tpu.memref_slice %arg21[%dma_wait3A_323, %dma_wait3A_324] : memref<10240x64xf32, #tpu.memory_space<vmem_shared>> -> memref<10240x64xf32, #tpu.memory_space<vmem_shared>>
            tpu.wait_indirect_dma semaphore(%arg38 : memref<!tpu.dma_semaphore, #tpu.memory_space<semaphore_mem>>) src(%arg12 : memref<80x64xf32, #tpu.memory_space<vmem>>) dst(%dma_wait3A_325 : memref<10240x64xf32, #tpu.memory_space<vmem_shared>>)
          } else {
          }
          %dma_start3A_313 = arith.constant 0 : i32
          %dma_start3A_314 = tpu.memref_slice %arg6[%add3A_238, %dma_start3A_313] : memref<125x80xi32, #tpu.memory_space<vmem>> -> memref<1x80xi32, #tpu.memory_space<vmem>>
          %dma_start3A_315 = tpu.memref_squeeze %dma_start3A_314 : memref<1x80xi32, #tpu.memory_space<vmem>> -> memref<80xi32, #tpu.memory_space<vmem>>
          %dma_start3A_316 = arith.constant 0 : i32
          %dma_start3A_317 = arith.constant 0 : i32
          %dma_start3A_318 = tpu.memref_slice %arg2[%dma_start3A_316, %dma_start3A_317] : memref<10000x64xf32, #tpu.memory_space<hbm>> -> memref<10000x64xf32, #tpu.memory_space<hbm>>
          tpu.enqueue_indirect_dma source(%dma_start3A_318 : memref<10000x64xf32, #tpu.memory_space<hbm>>) target(%arg12 : memref<80x64xf32, #tpu.memory_space<vmem>>) offsets(%dma_start3A_315 : memref<80xi32, #tpu.memory_space<vmem>>) semaphore(%arg26 : memref<!tpu.dma_semaphore, #tpu.memory_space<semaphore_mem>>)
        } else {
        }
        %add3A_244 = arith.constant 1 : i32
        %add3A_245 = arith.addi %scan3A_153, %add3A_244 : i32
        %mul3A_246 = arith.constant 6 : i32
        %mul3A_247 = arith.muli %add3A_245, %mul3A_246 : i32
        %add3A_248 = arith.constant 5 : i32
        %add3A_249 = arith.addi %mul3A_247, %add3A_248 : i32
        %lt3A_250 = arith.constant 125 : i32
        %lt3A_251 = arith.cmpi slt, %add3A_249, %lt3A_250 : i32
        %convert_element_type3A_252 = arith.extui %lt3A_251 : i1 to i32
        %cond3A_253 = arith.constant 0 : i32
        %cond3A_254 = arith.cmpi ne, %convert_element_type3A_252, %cond3A_253 : i32
        scf.if %cond3A_254 {
          %gt3A = arith.constant 0 : i32
          %gt3A_309 = arith.cmpi sgt, %scan3A_153, %gt3A : i32
          %convert_element_type3A_310 = arith.extui %gt3A_309 : i1 to i32
          %cond3A_311 = arith.constant 0 : i32
          %cond3A_312 = arith.cmpi ne, %convert_element_type3A_310, %cond3A_311 : i32
          scf.if %cond3A_312 {
            %dma_wait3A_319 = arith.constant 0 : i32
            %dma_wait3A_320 = arith.constant 0 : i32
            %dma_wait3A_321 = tpu.memref_slice %arg7[%dma_wait3A_319, %dma_wait3A_320] : memref<125x80xi32, #tpu.memory_space<vmem>> -> memref<1x80xi32, #tpu.memory_space<vmem>>
            %dma_wait3A_322 = tpu.memref_squeeze %dma_wait3A_321 : memref<1x80xi32, #tpu.memory_space<vmem>> -> memref<80xi32, #tpu.memory_space<vmem>>
            %dma_wait3A_323 = arith.constant 0 : i32
            %dma_wait3A_324 = arith.constant 0 : i32
            %dma_wait3A_325 = tpu.memref_slice %arg21[%dma_wait3A_323, %dma_wait3A_324] : memref<10240x64xf32, #tpu.memory_space<vmem_shared>> -> memref<10240x64xf32, #tpu.memory_space<vmem_shared>>
            tpu.wait_indirect_dma semaphore(%arg39 : memref<!tpu.dma_semaphore, #tpu.memory_space<semaphore_mem>>) src(%arg13 : memref<80x64xf32, #tpu.memory_space<vmem>>) dst(%dma_wait3A_325 : memref<10240x64xf32, #tpu.memory_space<vmem_shared>>)
          } else {
          }
          %dma_start3A_313 = arith.constant 0 : i32
          %dma_start3A_314 = tpu.memref_slice %arg6[%add3A_249, %dma_start3A_313] : memref<125x80xi32, #tpu.memory_space<vmem>> -> memref<1x80xi32, #tpu.memory_space<vmem>>
          %dma_start3A_315 = tpu.memref_squeeze %dma_start3A_314 : memref<1x80xi32, #tpu.memory_space<vmem>> -> memref<80xi32, #tpu.memory_space<vmem>>
          %dma_start3A_316 = arith.constant 0 : i32
          %dma_start3A_317 = arith.constant 0 : i32
          %dma_start3A_318 = tpu.memref_slice %arg2[%dma_start3A_316, %dma_start3A_317] : memref<10000x64xf32, #tpu.memory_space<hbm>> -> memref<10000x64xf32, #tpu.memory_space<hbm>>
          tpu.enqueue_indirect_dma source(%dma_start3A_318 : memref<10000x64xf32, #tpu.memory_space<hbm>>) target(%arg13 : memref<80x64xf32, #tpu.memory_space<vmem>>) offsets(%dma_start3A_315 : memref<80xi32, #tpu.memory_space<vmem>>) semaphore(%arg27 : memref<!tpu.dma_semaphore, #tpu.memory_space<semaphore_mem>>)
        } else {
        }
        %mul3A_255 = arith.constant 6 : i32
        %mul3A_256 = arith.muli %scan3A_153, %mul3A_255 : i32
        %add3A_257 = arith.constant 0 : i32
        %add3A_258 = arith.addi %mul3A_256, %add3A_257 : i32
        %lt3A_259 = arith.constant 125 : i32
        %lt3A_260 = arith.cmpi slt, %add3A_258, %lt3A_259 : i32
        %convert_element_type3A_261 = arith.extui %lt3A_260 : i1 to i32
        %cond3A_262 = arith.constant 0 : i32
        %cond3A_263 = arith.cmpi ne, %convert_element_type3A_261, %cond3A_262 : i32
        scf.if %cond3A_263 {
          %dma_wait3A_309 = arith.constant 0 : i32
          %dma_wait3A_310 = arith.constant 0 : i32
          %dma_wait3A_311 = tpu.memref_slice %arg6[%dma_wait3A_309, %dma_wait3A_310] : memref<125x80xi32, #tpu.memory_space<vmem>> -> memref<1x80xi32, #tpu.memory_space<vmem>>
          %dma_wait3A_312 = tpu.memref_squeeze %dma_wait3A_311 : memref<1x80xi32, #tpu.memory_space<vmem>> -> memref<80xi32, #tpu.memory_space<vmem>>
          %dma_wait3A_313 = arith.constant 0 : i32
          %dma_wait3A_314 = arith.constant 0 : i32
          %dma_wait3A_315 = tpu.memref_slice %arg2[%dma_wait3A_313, %dma_wait3A_314] : memref<10000x64xf32, #tpu.memory_space<hbm>> -> memref<10000x64xf32, #tpu.memory_space<hbm>>
          tpu.wait_indirect_dma semaphore(%arg28 : memref<!tpu.dma_semaphore, #tpu.memory_space<semaphore_mem>>) src(%dma_wait3A_315 : memref<10000x64xf32, #tpu.memory_space<hbm>>) dst(%arg14 : memref<80x64xf32, #tpu.memory_space<vmem>>)
          %dma_start3A_316 = arith.constant 0 : i32
          %dma_start3A_317 = tpu.memref_slice %arg7[%add3A_258, %dma_start3A_316] : memref<125x80xi32, #tpu.memory_space<vmem>> -> memref<1x80xi32, #tpu.memory_space<vmem>>
          %dma_start3A_318 = tpu.memref_squeeze %dma_start3A_317 : memref<1x80xi32, #tpu.memory_space<vmem>> -> memref<80xi32, #tpu.memory_space<vmem>>
          %dma_start3A_319 = arith.constant 0 : i32
          %dma_start3A_320 = arith.constant 0 : i32
          %dma_start3A_321 = tpu.memref_slice %arg21[%dma_start3A_319, %dma_start3A_320] : memref<10240x64xf32, #tpu.memory_space<vmem_shared>> -> memref<10240x64xf32, #tpu.memory_space<vmem_shared>>
          tpu.enqueue_indirect_dma source(%arg14 : memref<80x64xf32, #tpu.memory_space<vmem>>) target(%dma_start3A_321 : memref<10240x64xf32, #tpu.memory_space<vmem_shared>>) offsets(%dma_start3A_318 : memref<80xi32, #tpu.memory_space<vmem>>) semaphore(%arg40 : memref<!tpu.dma_semaphore, #tpu.memory_space<semaphore_mem>>) {add = true}
        } else {
        }
        %mul3A_264 = arith.constant 6 : i32
        %mul3A_265 = arith.muli %scan3A_153, %mul3A_264 : i32
        %add3A_266 = arith.constant 1 : i32
        %add3A_267 = arith.addi %mul3A_265, %add3A_266 : i32
        %lt3A_268 = arith.constant 125 : i32
        %lt3A_269 = arith.cmpi slt, %add3A_267, %lt3A_268 : i32
        %convert_element_type3A_270 = arith.extui %lt3A_269 : i1 to i32
        %cond3A_271 = arith.constant 0 : i32
        %cond3A_272 = arith.cmpi ne, %convert_element_type3A_270, %cond3A_271 : i32
        scf.if %cond3A_272 {
          %dma_wait3A_309 = arith.constant 0 : i32
          %dma_wait3A_310 = arith.constant 0 : i32
          %dma_wait3A_311 = tpu.memref_slice %arg6[%dma_wait3A_309, %dma_wait3A_310] : memref<125x80xi32, #tpu.memory_space<vmem>> -> memref<1x80xi32, #tpu.memory_space<vmem>>
          %dma_wait3A_312 = tpu.memref_squeeze %dma_wait3A_311 : memref<1x80xi32, #tpu.memory_space<vmem>> -> memref<80xi32, #tpu.memory_space<vmem>>
          %dma_wait3A_313 = arith.constant 0 : i32
          %dma_wait3A_314 = arith.constant 0 : i32
          %dma_wait3A_315 = tpu.memref_slice %arg2[%dma_wait3A_313, %dma_wait3A_314] : memref<10000x64xf32, #tpu.memory_space<hbm>> -> memref<10000x64xf32, #tpu.memory_space<hbm>>
          tpu.wait_indirect_dma semaphore(%arg29 : memref<!tpu.dma_semaphore, #tpu.memory_space<semaphore_mem>>) src(%dma_wait3A_315 : memref<10000x64xf32, #tpu.memory_space<hbm>>) dst(%arg15 : memref<80x64xf32, #tpu.memory_space<vmem>>)
          %dma_start3A_316 = arith.constant 0 : i32
          %dma_start3A_317 = tpu.memref_slice %arg7[%add3A_267, %dma_start3A_316] : memref<125x80xi32, #tpu.memory_space<vmem>> -> memref<1x80xi32, #tpu.memory_space<vmem>>
          %dma_start3A_318 = tpu.memref_squeeze %dma_start3A_317 : memref<1x80xi32, #tpu.memory_space<vmem>> -> memref<80xi32, #tpu.memory_space<vmem>>
          %dma_start3A_319 = arith.constant 0 : i32
          %dma_start3A_320 = arith.constant 0 : i32
          %dma_start3A_321 = tpu.memref_slice %arg21[%dma_start3A_319, %dma_start3A_320] : memref<10240x64xf32, #tpu.memory_space<vmem_shared>> -> memref<10240x64xf32, #tpu.memory_space<vmem_shared>>
          tpu.enqueue_indirect_dma source(%arg15 : memref<80x64xf32, #tpu.memory_space<vmem>>) target(%dma_start3A_321 : memref<10240x64xf32, #tpu.memory_space<vmem_shared>>) offsets(%dma_start3A_318 : memref<80xi32, #tpu.memory_space<vmem>>) semaphore(%arg41 : memref<!tpu.dma_semaphore, #tpu.memory_space<semaphore_mem>>) {add = true}
        } else {
        }
        %mul3A_273 = arith.constant 6 : i32
        %mul3A_274 = arith.muli %scan3A_153, %mul3A_273 : i32
        %add3A_275 = arith.constant 2 : i32
        %add3A_276 = arith.addi %mul3A_274, %add3A_275 : i32
        %lt3A_277 = arith.constant 125 : i32
        %lt3A_278 = arith.cmpi slt, %add3A_276, %lt3A_277 : i32
        %convert_element_type3A_279 = arith.extui %lt3A_278 : i1 to i32
        %cond3A_280 = arith.constant 0 : i32
        %cond3A_281 = arith.cmpi ne, %convert_element_type3A_279, %cond3A_280 : i32
        scf.if %cond3A_281 {
          %dma_wait3A_309 = arith.constant 0 : i32
          %dma_wait3A_310 = arith.constant 0 : i32
          %dma_wait3A_311 = tpu.memref_slice %arg6[%dma_wait3A_309, %dma_wait3A_310] : memref<125x80xi32, #tpu.memory_space<vmem>> -> memref<1x80xi32, #tpu.memory_space<vmem>>
          %dma_wait3A_312 = tpu.memref_squeeze %dma_wait3A_311 : memref<1x80xi32, #tpu.memory_space<vmem>> -> memref<80xi32, #tpu.memory_space<vmem>>
          %dma_wait3A_313 = arith.constant 0 : i32
          %dma_wait3A_314 = arith.constant 0 : i32
          %dma_wait3A_315 = tpu.memref_slice %arg2[%dma_wait3A_313, %dma_wait3A_314] : memref<10000x64xf32, #tpu.memory_space<hbm>> -> memref<10000x64xf32, #tpu.memory_space<hbm>>
          tpu.wait_indirect_dma semaphore(%arg30 : memref<!tpu.dma_semaphore, #tpu.memory_space<semaphore_mem>>) src(%dma_wait3A_315 : memref<10000x64xf32, #tpu.memory_space<hbm>>) dst(%arg16 : memref<80x64xf32, #tpu.memory_space<vmem>>)
          %dma_start3A_316 = arith.constant 0 : i32
          %dma_start3A_317 = tpu.memref_slice %arg7[%add3A_276, %dma_start3A_316] : memref<125x80xi32, #tpu.memory_space<vmem>> -> memref<1x80xi32, #tpu.memory_space<vmem>>
          %dma_start3A_318 = tpu.memref_squeeze %dma_start3A_317 : memref<1x80xi32, #tpu.memory_space<vmem>> -> memref<80xi32, #tpu.memory_space<vmem>>
          %dma_start3A_319 = arith.constant 0 : i32
          %dma_start3A_320 = arith.constant 0 : i32
          %dma_start3A_321 = tpu.memref_slice %arg21[%dma_start3A_319, %dma_start3A_320] : memref<10240x64xf32, #tpu.memory_space<vmem_shared>> -> memref<10240x64xf32, #tpu.memory_space<vmem_shared>>
          tpu.enqueue_indirect_dma source(%arg16 : memref<80x64xf32, #tpu.memory_space<vmem>>) target(%dma_start3A_321 : memref<10240x64xf32, #tpu.memory_space<vmem_shared>>) offsets(%dma_start3A_318 : memref<80xi32, #tpu.memory_space<vmem>>) semaphore(%arg42 : memref<!tpu.dma_semaphore, #tpu.memory_space<semaphore_mem>>) {add = true}
        } else {
        }
        %mul3A_282 = arith.constant 6 : i32
        %mul3A_283 = arith.muli %scan3A_153, %mul3A_282 : i32
        %add3A_284 = arith.constant 3 : i32
        %add3A_285 = arith.addi %mul3A_283, %add3A_284 : i32
        %lt3A_286 = arith.constant 125 : i32
        %lt3A_287 = arith.cmpi slt, %add3A_285, %lt3A_286 : i32
        %convert_element_type3A_288 = arith.extui %lt3A_287 : i1 to i32
        %cond3A_289 = arith.constant 0 : i32
        %cond3A_290 = arith.cmpi ne, %convert_element_type3A_288, %cond3A_289 : i32
        scf.if %cond3A_290 {
          %dma_wait3A_309 = arith.constant 0 : i32
          %dma_wait3A_310 = arith.constant 0 : i32
          %dma_wait3A_311 = tpu.memref_slice %arg6[%dma_wait3A_309, %dma_wait3A_310] : memref<125x80xi32, #tpu.memory_space<vmem>> -> memref<1x80xi32, #tpu.memory_space<vmem>>
          %dma_wait3A_312 = tpu.memref_squeeze %dma_wait3A_311 : memref<1x80xi32, #tpu.memory_space<vmem>> -> memref<80xi32, #tpu.memory_space<vmem>>
          %dma_wait3A_313 = arith.constant 0 : i32
          %dma_wait3A_314 = arith.constant 0 : i32
          %dma_wait3A_315 = tpu.memref_slice %arg2[%dma_wait3A_313, %dma_wait3A_314] : memref<10000x64xf32, #tpu.memory_space<hbm>> -> memref<10000x64xf32, #tpu.memory_space<hbm>>
          tpu.wait_indirect_dma semaphore(%arg31 : memref<!tpu.dma_semaphore, #tpu.memory_space<semaphore_mem>>) src(%dma_wait3A_315 : memref<10000x64xf32, #tpu.memory_space<hbm>>) dst(%arg17 : memref<80x64xf32, #tpu.memory_space<vmem>>)
          %dma_start3A_316 = arith.constant 0 : i32
          %dma_start3A_317 = tpu.memref_slice %arg7[%add3A_285, %dma_start3A_316] : memref<125x80xi32, #tpu.memory_space<vmem>> -> memref<1x80xi32, #tpu.memory_space<vmem>>
          %dma_start3A_318 = tpu.memref_squeeze %dma_start3A_317 : memref<1x80xi32, #tpu.memory_space<vmem>> -> memref<80xi32, #tpu.memory_space<vmem>>
          %dma_start3A_319 = arith.constant 0 : i32
          %dma_start3A_320 = arith.constant 0 : i32
          %dma_start3A_321 = tpu.memref_slice %arg21[%dma_start3A_319, %dma_start3A_320] : memref<10240x64xf32, #tpu.memory_space<vmem_shared>> -> memref<10240x64xf32, #tpu.memory_space<vmem_shared>>
          tpu.enqueue_indirect_dma source(%arg17 : memref<80x64xf32, #tpu.memory_space<vmem>>) target(%dma_start3A_321 : memref<10240x64xf32, #tpu.memory_space<vmem_shared>>) offsets(%dma_start3A_318 : memref<80xi32, #tpu.memory_space<vmem>>) semaphore(%arg43 : memref<!tpu.dma_semaphore, #tpu.memory_space<semaphore_mem>>) {add = true}
        } else {
        }
        %mul3A_291 = arith.constant 6 : i32
        %mul3A_292 = arith.muli %scan3A_153, %mul3A_291 : i32
        %add3A_293 = arith.constant 4 : i32
        %add3A_294 = arith.addi %mul3A_292, %add3A_293 : i32
        %lt3A_295 = arith.constant 125 : i32
        %lt3A_296 = arith.cmpi slt, %add3A_294, %lt3A_295 : i32
        %convert_element_type3A_297 = arith.extui %lt3A_296 : i1 to i32
        %cond3A_298 = arith.constant 0 : i32
        %cond3A_299 = arith.cmpi ne, %convert_element_type3A_297, %cond3A_298 : i32
        scf.if %cond3A_299 {
          %dma_wait3A_309 = arith.constant 0 : i32
          %dma_wait3A_310 = arith.constant 0 : i32
          %dma_wait3A_311 = tpu.memref_slice %arg6[%dma_wait3A_309, %dma_wait3A_310] : memref<125x80xi32, #tpu.memory_space<vmem>> -> memref<1x80xi32, #tpu.memory_space<vmem>>
          %dma_wait3A_312 = tpu.memref_squeeze %dma_wait3A_311 : memref<1x80xi32, #tpu.memory_space<vmem>> -> memref<80xi32, #tpu.memory_space<vmem>>
          %dma_wait3A_313 = arith.constant 0 : i32
          %dma_wait3A_314 = arith.constant 0 : i32
          %dma_wait3A_315 = tpu.memref_slice %arg2[%dma_wait3A_313, %dma_wait3A_314] : memref<10000x64xf32, #tpu.memory_space<hbm>> -> memref<10000x64xf32, #tpu.memory_space<hbm>>
          tpu.wait_indirect_dma semaphore(%arg32 : memref<!tpu.dma_semaphore, #tpu.memory_space<semaphore_mem>>) src(%dma_wait3A_315 : memref<10000x64xf32, #tpu.memory_space<hbm>>) dst(%arg18 : memref<80x64xf32, #tpu.memory_space<vmem>>)
          %dma_start3A_316 = arith.constant 0 : i32
          %dma_start3A_317 = tpu.memref_slice %arg7[%add3A_294, %dma_start3A_316] : memref<125x80xi32, #tpu.memory_space<vmem>> -> memref<1x80xi32, #tpu.memory_space<vmem>>
          %dma_start3A_318 = tpu.memref_squeeze %dma_start3A_317 : memref<1x80xi32, #tpu.memory_space<vmem>> -> memref<80xi32, #tpu.memory_space<vmem>>
          %dma_start3A_319 = arith.constant 0 : i32
          %dma_start3A_320 = arith.constant 0 : i32
          %dma_start3A_321 = tpu.memref_slice %arg21[%dma_start3A_319, %dma_start3A_320] : memref<10240x64xf32, #tpu.memory_space<vmem_shared>> -> memref<10240x64xf32, #tpu.memory_space<vmem_shared>>
          tpu.enqueue_indirect_dma source(%arg18 : memref<80x64xf32, #tpu.memory_space<vmem>>) target(%dma_start3A_321 : memref<10240x64xf32, #tpu.memory_space<vmem_shared>>) offsets(%dma_start3A_318 : memref<80xi32, #tpu.memory_space<vmem>>) semaphore(%arg44 : memref<!tpu.dma_semaphore, #tpu.memory_space<semaphore_mem>>) {add = true}
        } else {
        }
        %mul3A_300 = arith.constant 6 : i32
        %mul3A_301 = arith.muli %scan3A_153, %mul3A_300 : i32
        %add3A_302 = arith.constant 5 : i32
        %add3A_303 = arith.addi %mul3A_301, %add3A_302 : i32
        %lt3A_304 = arith.constant 125 : i32
        %lt3A_305 = arith.cmpi slt, %add3A_303, %lt3A_304 : i32
        %convert_element_type3A_306 = arith.extui %lt3A_305 : i1 to i32
        %cond3A_307 = arith.constant 0 : i32
        %cond3A_308 = arith.cmpi ne, %convert_element_type3A_306, %cond3A_307 : i32
        scf.if %cond3A_308 {
          %dma_wait3A_309 = arith.constant 0 : i32
          %dma_wait3A_310 = arith.constant 0 : i32
          %dma_wait3A_311 = tpu.memref_slice %arg6[%dma_wait3A_309, %dma_wait3A_310] : memref<125x80xi32, #tpu.memory_space<vmem>> -> memref<1x80xi32, #tpu.memory_space<vmem>>
          %dma_wait3A_312 = tpu.memref_squeeze %dma_wait3A_311 : memref<1x80xi32, #tpu.memory_space<vmem>> -> memref<80xi32, #tpu.memory_space<vmem>>
          %dma_wait3A_313 = arith.constant 0 : i32
          %dma_wait3A_314 = arith.constant 0 : i32
          %dma_wait3A_315 = tpu.memref_slice %arg2[%dma_wait3A_313, %dma_wait3A_314] : memref<10000x64xf32, #tpu.memory_space<hbm>> -> memref<10000x64xf32, #tpu.memory_space<hbm>>
          tpu.wait_indirect_dma semaphore(%arg33 : memref<!tpu.dma_semaphore, #tpu.memory_space<semaphore_mem>>) src(%dma_wait3A_315 : memref<10000x64xf32, #tpu.memory_space<hbm>>) dst(%arg19 : memref<80x64xf32, #tpu.memory_space<vmem>>)
          %dma_start3A_316 = arith.constant 0 : i32
          %dma_start3A_317 = tpu.memref_slice %arg7[%add3A_303, %dma_start3A_316] : memref<125x80xi32, #tpu.memory_space<vmem>> -> memref<1x80xi32, #tpu.memory_space<vmem>>
          %dma_start3A_318 = tpu.memref_squeeze %dma_start3A_317 : memref<1x80xi32, #tpu.memory_space<vmem>> -> memref<80xi32, #tpu.memory_space<vmem>>
          %dma_start3A_319 = arith.constant 0 : i32
          %dma_start3A_320 = arith.constant 0 : i32
          %dma_start3A_321 = tpu.memref_slice %arg21[%dma_start3A_319, %dma_start3A_320] : memref<10240x64xf32, #tpu.memory_space<vmem_shared>> -> memref<10240x64xf32, #tpu.memory_space<vmem_shared>>
          tpu.enqueue_indirect_dma source(%arg19 : memref<80x64xf32, #tpu.memory_space<vmem>>) target(%dma_start3A_321 : memref<10240x64xf32, #tpu.memory_space<vmem_shared>>) offsets(%dma_start3A_318 : memref<80xi32, #tpu.memory_space<vmem>>) semaphore(%arg45 : memref<!tpu.dma_semaphore, #tpu.memory_space<semaphore_mem>>) {add = true}
        } else {
        }
      } else {
      }
      %scan3A_188 = arith.constant 0 : i32
      scf.yield %scan3A_188 : i32
    }
    %scan3A_64 = arith.constant 21 : i32
    %dma_wait3A = arith.constant 0 : i32
    %dma_wait3A_65 = arith.constant 0 : i32
    %dma_wait3A_66 = tpu.memref_slice %arg7[%dma_wait3A, %dma_wait3A_65] : memref<125x80xi32, #tpu.memory_space<vmem>> -> memref<1x80xi32, #tpu.memory_space<vmem>>
    %dma_wait3A_67 = tpu.memref_squeeze %dma_wait3A_66 : memref<1x80xi32, #tpu.memory_space<vmem>> -> memref<80xi32, #tpu.memory_space<vmem>>
    %dma_wait3A_68 = arith.constant 0 : i32
    %dma_wait3A_69 = arith.constant 0 : i32
    %dma_wait3A_70 = tpu.memref_slice %arg21[%dma_wait3A_68, %dma_wait3A_69] : memref<10240x64xf32, #tpu.memory_space<vmem_shared>> -> memref<10240x64xf32, #tpu.memory_space<vmem_shared>>
    tpu.wait_indirect_dma semaphore(%arg38 : memref<!tpu.dma_semaphore, #tpu.memory_space<semaphore_mem>>) src(%arg8 : memref<80x64xf32, #tpu.memory_space<vmem>>) dst(%dma_wait3A_70 : memref<10240x64xf32, #tpu.memory_space<vmem_shared>>)
    %dma_wait3A_71 = arith.constant 0 : i32
    %dma_wait3A_72 = arith.constant 0 : i32
    %dma_wait3A_73 = tpu.memref_slice %arg7[%dma_wait3A_71, %dma_wait3A_72] : memref<125x80xi32, #tpu.memory_space<vmem>> -> memref<1x80xi32, #tpu.memory_space<vmem>>
    %dma_wait3A_74 = tpu.memref_squeeze %dma_wait3A_73 : memref<1x80xi32, #tpu.memory_space<vmem>> -> memref<80xi32, #tpu.memory_space<vmem>>
    %dma_wait3A_75 = arith.constant 0 : i32
    %dma_wait3A_76 = arith.constant 0 : i32
    %dma_wait3A_77 = tpu.memref_slice %arg21[%dma_wait3A_75, %dma_wait3A_76] : memref<10240x64xf32, #tpu.memory_space<vmem_shared>> -> memref<10240x64xf32, #tpu.memory_space<vmem_shared>>
    tpu.wait_indirect_dma semaphore(%arg37 : memref<!tpu.dma_semaphore, #tpu.memory_space<semaphore_mem>>) src(%arg8 : memref<80x64xf32, #tpu.memory_space<vmem>>) dst(%dma_wait3A_77 : memref<10240x64xf32, #tpu.memory_space<vmem_shared>>)
    %dma_wait3A_78 = arith.constant 0 : i32
    %dma_wait3A_79 = arith.constant 0 : i32
    %dma_wait3A_80 = tpu.memref_slice %arg7[%dma_wait3A_78, %dma_wait3A_79] : memref<125x80xi32, #tpu.memory_space<vmem>> -> memref<1x80xi32, #tpu.memory_space<vmem>>
    %dma_wait3A_81 = tpu.memref_squeeze %dma_wait3A_80 : memref<1x80xi32, #tpu.memory_space<vmem>> -> memref<80xi32, #tpu.memory_space<vmem>>
    %dma_wait3A_82 = arith.constant 0 : i32
    %dma_wait3A_83 = arith.constant 0 : i32
    %dma_wait3A_84 = tpu.memref_slice %arg21[%dma_wait3A_82, %dma_wait3A_83] : memref<10240x64xf32, #tpu.memory_space<vmem_shared>> -> memref<10240x64xf32, #tpu.memory_space<vmem_shared>>
    tpu.wait_indirect_dma semaphore(%arg36 : memref<!tpu.dma_semaphore, #tpu.memory_space<semaphore_mem>>) src(%arg8 : memref<80x64xf32, #tpu.memory_space<vmem>>) dst(%dma_wait3A_84 : memref<10240x64xf32, #tpu.memory_space<vmem_shared>>)
    %dma_wait3A_85 = arith.constant 0 : i32
    %dma_wait3A_86 = arith.constant 0 : i32
    %dma_wait3A_87 = tpu.memref_slice %arg7[%dma_wait3A_85, %dma_wait3A_86] : memref<125x80xi32, #tpu.memory_space<vmem>> -> memref<1x80xi32, #tpu.memory_space<vmem>>
    %dma_wait3A_88 = tpu.memref_squeeze %dma_wait3A_87 : memref<1x80xi32, #tpu.memory_space<vmem>> -> memref<80xi32, #tpu.memory_space<vmem>>
    %dma_wait3A_89 = arith.constant 0 : i32
    %dma_wait3A_90 = arith.constant 0 : i32
    %dma_wait3A_91 = tpu.memref_slice %arg21[%dma_wait3A_89, %dma_wait3A_90] : memref<10240x64xf32, #tpu.memory_space<vmem_shared>> -> memref<10240x64xf32, #tpu.memory_space<vmem_shared>>
    tpu.wait_indirect_dma semaphore(%arg35 : memref<!tpu.dma_semaphore, #tpu.memory_space<semaphore_mem>>) src(%arg8 : memref<80x64xf32, #tpu.memory_space<vmem>>) dst(%dma_wait3A_91 : memref<10240x64xf32, #tpu.memory_space<vmem_shared>>)
    %dma_wait3A_92 = arith.constant 0 : i32
    %dma_wait3A_93 = arith.constant 0 : i32
    %dma_wait3A_94 = tpu.memref_slice %arg7[%dma_wait3A_92, %dma_wait3A_93] : memref<125x80xi32, #tpu.memory_space<vmem>> -> memref<1x80xi32, #tpu.memory_space<vmem>>
    %dma_wait3A_95 = tpu.memref_squeeze %dma_wait3A_94 : memref<1x80xi32, #tpu.memory_space<vmem>> -> memref<80xi32, #tpu.memory_space<vmem>>
    %dma_wait3A_96 = arith.constant 0 : i32
    %dma_wait3A_97 = arith.constant 0 : i32
    %dma_wait3A_98 = tpu.memref_slice %arg21[%dma_wait3A_96, %dma_wait3A_97] : memref<10240x64xf32, #tpu.memory_space<vmem_shared>> -> memref<10240x64xf32, #tpu.memory_space<vmem_shared>>
    tpu.wait_indirect_dma semaphore(%arg34 : memref<!tpu.dma_semaphore, #tpu.memory_space<semaphore_mem>>) src(%arg8 : memref<80x64xf32, #tpu.memory_space<vmem>>) dst(%dma_wait3A_98 : memref<10240x64xf32, #tpu.memory_space<vmem_shared>>)
    %dma_wait3A_99 = arith.constant 0 : i32
    %dma_wait3A_100 = arith.constant 0 : i32
    %dma_wait3A_101 = tpu.memref_slice %arg7[%dma_wait3A_99, %dma_wait3A_100] : memref<125x80xi32, #tpu.memory_space<vmem>> -> memref<1x80xi32, #tpu.memory_space<vmem>>
    %dma_wait3A_102 = tpu.memref_squeeze %dma_wait3A_101 : memref<1x80xi32, #tpu.memory_space<vmem>> -> memref<80xi32, #tpu.memory_space<vmem>>
    %dma_wait3A_103 = arith.constant 0 : i32
    %dma_wait3A_104 = arith.constant 0 : i32
    %dma_wait3A_105 = tpu.memref_slice %arg21[%dma_wait3A_103, %dma_wait3A_104] : memref<10240x64xf32, #tpu.memory_space<vmem_shared>> -> memref<10240x64xf32, #tpu.memory_space<vmem_shared>>
    tpu.wait_indirect_dma semaphore(%arg45 : memref<!tpu.dma_semaphore, #tpu.memory_space<semaphore_mem>>) src(%arg8 : memref<80x64xf32, #tpu.memory_space<vmem>>) dst(%dma_wait3A_105 : memref<10240x64xf32, #tpu.memory_space<vmem_shared>>)
    %dma_wait3A_106 = arith.constant 0 : i32
    %dma_wait3A_107 = arith.constant 0 : i32
    %dma_wait3A_108 = tpu.memref_slice %arg7[%dma_wait3A_106, %dma_wait3A_107] : memref<125x80xi32, #tpu.memory_space<vmem>> -> memref<1x80xi32, #tpu.memory_space<vmem>>
    %dma_wait3A_109 = tpu.memref_squeeze %dma_wait3A_108 : memref<1x80xi32, #tpu.memory_space<vmem>> -> memref<80xi32, #tpu.memory_space<vmem>>
    %dma_wait3A_110 = arith.constant 0 : i32
    %dma_wait3A_111 = arith.constant 0 : i32
    %dma_wait3A_112 = tpu.memref_slice %arg21[%dma_wait3A_110, %dma_wait3A_111] : memref<10240x64xf32, #tpu.memory_space<vmem_shared>> -> memref<10240x64xf32, #tpu.memory_space<vmem_shared>>
    tpu.wait_indirect_dma semaphore(%arg44 : memref<!tpu.dma_semaphore, #tpu.memory_space<semaphore_mem>>) src(%arg8 : memref<80x64xf32, #tpu.memory_space<vmem>>) dst(%dma_wait3A_112 : memref<10240x64xf32, #tpu.memory_space<vmem_shared>>)
    %dma_wait3A_113 = arith.constant 0 : i32
    %dma_wait3A_114 = arith.constant 0 : i32
    %dma_wait3A_115 = tpu.memref_slice %arg7[%dma_wait3A_113, %dma_wait3A_114] : memref<125x80xi32, #tpu.memory_space<vmem>> -> memref<1x80xi32, #tpu.memory_space<vmem>>
    %dma_wait3A_116 = tpu.memref_squeeze %dma_wait3A_115 : memref<1x80xi32, #tpu.memory_space<vmem>> -> memref<80xi32, #tpu.memory_space<vmem>>
    %dma_wait3A_117 = arith.constant 0 : i32
    %dma_wait3A_118 = arith.constant 0 : i32
    %dma_wait3A_119 = tpu.memref_slice %arg21[%dma_wait3A_117, %dma_wait3A_118] : memref<10240x64xf32, #tpu.memory_space<vmem_shared>> -> memref<10240x64xf32, #tpu.memory_space<vmem_shared>>
    tpu.wait_indirect_dma semaphore(%arg43 : memref<!tpu.dma_semaphore, #tpu.memory_space<semaphore_mem>>) src(%arg8 : memref<80x64xf32, #tpu.memory_space<vmem>>) dst(%dma_wait3A_119 : memref<10240x64xf32, #tpu.memory_space<vmem_shared>>)
    %dma_wait3A_120 = arith.constant 0 : i32
    %dma_wait3A_121 = arith.constant 0 : i32
    %dma_wait3A_122 = tpu.memref_slice %arg7[%dma_wait3A_120, %dma_wait3A_121] : memref<125x80xi32, #tpu.memory_space<vmem>> -> memref<1x80xi32, #tpu.memory_space<vmem>>
    %dma_wait3A_123 = tpu.memref_squeeze %dma_wait3A_122 : memref<1x80xi32, #tpu.memory_space<vmem>> -> memref<80xi32, #tpu.memory_space<vmem>>
    %dma_wait3A_124 = arith.constant 0 : i32
    %dma_wait3A_125 = arith.constant 0 : i32
    %dma_wait3A_126 = tpu.memref_slice %arg21[%dma_wait3A_124, %dma_wait3A_125] : memref<10240x64xf32, #tpu.memory_space<vmem_shared>> -> memref<10240x64xf32, #tpu.memory_space<vmem_shared>>
    tpu.wait_indirect_dma semaphore(%arg42 : memref<!tpu.dma_semaphore, #tpu.memory_space<semaphore_mem>>) src(%arg8 : memref<80x64xf32, #tpu.memory_space<vmem>>) dst(%dma_wait3A_126 : memref<10240x64xf32, #tpu.memory_space<vmem_shared>>)
    %dma_wait3A_127 = arith.constant 0 : i32
    %dma_wait3A_128 = arith.constant 0 : i32
    %dma_wait3A_129 = tpu.memref_slice %arg7[%dma_wait3A_127, %dma_wait3A_128] : memref<125x80xi32, #tpu.memory_space<vmem>> -> memref<1x80xi32, #tpu.memory_space<vmem>>
    %dma_wait3A_130 = tpu.memref_squeeze %dma_wait3A_129 : memref<1x80xi32, #tpu.memory_space<vmem>> -> memref<80xi32, #tpu.memory_space<vmem>>
    %dma_wait3A_131 = arith.constant 0 : i32
    %dma_wait3A_132 = arith.constant 0 : i32
    %dma_wait3A_133 = tpu.memref_slice %arg21[%dma_wait3A_131, %dma_wait3A_132] : memref<10240x64xf32, #tpu.memory_space<vmem_shared>> -> memref<10240x64xf32, #tpu.memory_space<vmem_shared>>
    tpu.wait_indirect_dma semaphore(%arg41 : memref<!tpu.dma_semaphore, #tpu.memory_space<semaphore_mem>>) src(%arg8 : memref<80x64xf32, #tpu.memory_space<vmem>>) dst(%dma_wait3A_133 : memref<10240x64xf32, #tpu.memory_space<vmem_shared>>)
    %dma_wait3A_134 = arith.constant 0 : i32
    %dma_wait3A_135 = arith.constant 0 : i32
    %dma_wait3A_136 = tpu.memref_slice %arg7[%dma_wait3A_134, %dma_wait3A_135] : memref<125x80xi32, #tpu.memory_space<vmem>> -> memref<1x80xi32, #tpu.memory_space<vmem>>
    %dma_wait3A_137 = tpu.memref_squeeze %dma_wait3A_136 : memref<1x80xi32, #tpu.memory_space<vmem>> -> memref<80xi32, #tpu.memory_space<vmem>>
    %dma_wait3A_138 = arith.constant 0 : i32
    %dma_wait3A_139 = arith.constant 0 : i32
    %dma_wait3A_140 = tpu.memref_slice %arg21[%dma_wait3A_138, %dma_wait3A_139] : memref<10240x64xf32, #tpu.memory_space<vmem_shared>> -> memref<10240x64xf32, #tpu.memory_space<vmem_shared>>
    tpu.wait_indirect_dma semaphore(%arg40 : memref<!tpu.dma_semaphore, #tpu.memory_space<semaphore_mem>>) src(%arg8 : memref<80x64xf32, #tpu.memory_space<vmem>>) dst(%dma_wait3A_140 : memref<10240x64xf32, #tpu.memory_space<vmem_shared>>)
    %dma_wait3A_141 = arith.constant 0 : i32
    %dma_wait3A_142 = arith.constant 0 : i32
    %dma_wait3A_143 = tpu.memref_slice %arg7[%dma_wait3A_141, %dma_wait3A_142] : memref<125x80xi32, #tpu.memory_space<vmem>> -> memref<1x80xi32, #tpu.memory_space<vmem>>
    %dma_wait3A_144 = tpu.memref_squeeze %dma_wait3A_143 : memref<1x80xi32, #tpu.memory_space<vmem>> -> memref<80xi32, #tpu.memory_space<vmem>>
    %dma_wait3A_145 = arith.constant 0 : i32
    %dma_wait3A_146 = arith.constant 0 : i32
    %dma_wait3A_147 = tpu.memref_slice %arg21[%dma_wait3A_145, %dma_wait3A_146] : memref<10240x64xf32, #tpu.memory_space<vmem_shared>> -> memref<10240x64xf32, #tpu.memory_space<vmem_shared>>
    tpu.wait_indirect_dma semaphore(%arg39 : memref<!tpu.dma_semaphore, #tpu.memory_space<semaphore_mem>>) src(%arg8 : memref<80x64xf32, #tpu.memory_space<vmem>>) dst(%dma_wait3A_147 : memref<10240x64xf32, #tpu.memory_space<vmem_shared>>)
    %barrier3A_148 = arith.constant 0 : index
    tpu.barrier barrier_id(%barrier3A_148)
    %mul3A_149 = arith.constant 640 : i32
    %mul3A_150 = arith.muli %arg1, %mul3A_149 : i32
    %mul3A_151 = arith.constant 640 : i32
    %mul3A_152 = arith.muli %arg1, %mul3A_151 : i32
    "tpu.region"() ({
      %run_scoped3A = tpu.sem_alloc : memref<!tpu.dma_semaphore, #tpu.memory_space<semaphore_mem>>
      %dma_start3A_153 = arith.constant 0 : i32
      %dma_start3A_154 = tpu.memref_slice %arg5[%arg0, %mul3A_152, %dma_start3A_153] : memref<2x10240x64xf32, #tpu.memory_space<hbm>> -> memref<1x640x64xf32, #tpu.memory_space<hbm>>
      %dma_start3A_155 = tpu.memref_squeeze %dma_start3A_154 : memref<1x640x64xf32, #tpu.memory_space<hbm>> -> memref<640x64xf32, #tpu.memory_space<hbm>>
      %dma_start3A_156 = arith.constant 0 : i32
      %dma_start3A_157 = tpu.memref_slice %arg21[%mul3A_150, %dma_start3A_156] : memref<10240x64xf32, #tpu.memory_space<vmem_shared>> -> memref<640x64xf32, #tpu.memory_space<vmem_shared>>
      tpu.enqueue_dma source(%dma_start3A_157 : memref<640x64xf32, #tpu.memory_space<vmem_shared>>) target(%dma_start3A_155 : memref<640x64xf32, #tpu.memory_space<hbm>>) target_semaphore(%run_scoped3A : memref<!tpu.dma_semaphore, #tpu.memory_space<semaphore_mem>>)
      %dma_wait3A_158 = arith.constant 0 : i32
      %dma_wait3A_159 = tpu.memref_slice %arg5[%arg0, %mul3A_152, %dma_wait3A_158] : memref<2x10240x64xf32, #tpu.memory_space<hbm>> -> memref<1x640x64xf32, #tpu.memory_space<hbm>>
      %dma_wait3A_160 = tpu.memref_squeeze %dma_wait3A_159 : memref<1x640x64xf32, #tpu.memory_space<hbm>> -> memref<640x64xf32, #tpu.memory_space<hbm>>
      %dma_wait3A_161 = arith.constant 0 : i32
      %dma_wait3A_162 = tpu.memref_slice %arg21[%mul3A_150, %dma_wait3A_161] : memref<10240x64xf32, #tpu.memory_space<vmem_shared>> -> memref<640x64xf32, #tpu.memory_space<vmem_shared>>
      tpu.wait_dma2 semaphore(%run_scoped3A : memref<!tpu.dma_semaphore, #tpu.memory_space<semaphore_mem>>) src(%dma_wait3A_162 : memref<640x64xf32, #tpu.memory_space<vmem_shared>>) dst(%dma_wait3A_160 : memref<640x64xf32, #tpu.memory_space<hbm>>)
      tpu.yield
    }) : () -> ()
    return
  }
}

#map = affine_map<(d0, d1) -> (0, 0)>
#map1 = affine_map<(d0, d1) -> (0, 0, 0)>
module attributes {stable_mosaic.version = 14 : i64} {
  func.func @_hop_body(%arg0: i32, %arg1: i32, %arg2: memref<10000x64xf32, #tpu.memory_space<hbm>>, %arg3: memref<32x125x80xi32, #tpu.memory_space<hbm>>, %arg4: memref<32x125x80xi32, #tpu.memory_space<hbm>>, %arg5: memref<2x10240x64xf32, #tpu.memory_space<hbm>>, %arg6: memref<125x80xi32, #tpu.memory_space<vmem>>, %arg7: memref<125x80xi32, #tpu.memory_space<vmem>>, %arg8: memref<80x64xf32, #tpu.memory_space<vmem>>, %arg9: memref<80x64xf32, #tpu.memory_space<vmem>>, %arg10: memref<80x64xf32, #tpu.memory_space<vmem>>, %arg11: memref<80x64xf32, #tpu.memory_space<vmem>>, %arg12: memref<80x64xf32, #tpu.memory_space<vmem>>, %arg13: memref<80x64xf32, #tpu.memory_space<vmem>>, %arg14: memref<80x64xf32, #tpu.memory_space<vmem>>, %arg15: memref<80x64xf32, #tpu.memory_space<vmem>>, %arg16: memref<80x64xf32, #tpu.memory_space<vmem>>, %arg17: memref<80x64xf32, #tpu.memory_space<vmem>>, %arg18: memref<80x64xf32, #tpu.memory_space<vmem>>, %arg19: memref<80x64xf32, #tpu.memory_space<vmem>>, %arg20: memref<128x64xf32, #tpu.memory_space<vmem>>, %arg21: memref<10240x64xf32, #tpu.memory_space<vmem_shared>>, %arg22: memref<!tpu.dma_semaphore, #tpu.memory_space<semaphore_mem>>, %arg23: memref<!tpu.dma_semaphore, #tpu.memory_space<semaphore_mem>>, %arg24: memref<!tpu.dma_semaphore, #tpu.memory_space<semaphore_mem>>, %arg25: memref<!tpu.dma_semaphore, #tpu.memory_space<semaphore_mem>>, %arg26: memref<!tpu.dma_semaphore, #tpu.memory_space<semaphore_mem>>, %arg27: memref<!tpu.dma_semaphore, #tpu.memory_space<semaphore_mem>>, %arg28: memref<!tpu.dma_semaphore, #tpu.memory_space<semaphore_mem>>, %arg29: memref<!tpu.dma_semaphore, #tpu.memory_space<semaphore_mem>>, %arg30: memref<!tpu.dma_semaphore, #tpu.memory_space<semaphore_mem>>, %arg31: memref<!tpu.dma_semaphore, #tpu.memory_space<semaphore_mem>>, %arg32: memref<!tpu.dma_semaphore, #tpu.memory_space<semaphore_mem>>, %arg33: memref<!tpu.dma_semaphore, #tpu.memory_space<semaphore_mem>>, %arg34: memref<!tpu.dma_semaphore, #tpu.memory_space<semaphore_mem>>, %arg35: memref<!tpu.dma_semaphore, #tpu.memory_space<semaphore_mem>>, %arg36: memref<!tpu.dma_semaphore, #tpu.memory_space<semaphore_mem>>, %arg37: memref<!tpu.dma_semaphore, #tpu.memory_space<semaphore_mem>>, %arg38: memref<!tpu.dma_semaphore, #tpu.memory_space<semaphore_mem>>, %arg39: memref<!tpu.dma_semaphore, #tpu.memory_space<semaphore_mem>>, %arg40: memref<!tpu.dma_semaphore, #tpu.memory_space<semaphore_mem>>, %arg41: memref<!tpu.dma_semaphore, #tpu.memory_space<semaphore_mem>>, %arg42: memref<!tpu.dma_semaphore, #tpu.memory_space<semaphore_mem>>, %arg43: memref<!tpu.dma_semaphore, #tpu.memory_space<semaphore_mem>>, %arg44: memref<!tpu.dma_semaphore, #tpu.memory_space<semaphore_mem>>, %arg45: memref<!tpu.dma_semaphore, #tpu.memory_space<semaphore_mem>>) attributes {dimension_semantics = [#tpu.dimension_semantics<core_parallel>, #tpu.dimension_semantics<subcore_parallel>], iteration_bounds = array<i64: 2, 16>, scalar_prefetch = 0 : i64, scratch_operands = 40 : i64, tpu.core_type = #tpu.core_type<sc_vector_subcore>, window_params = [{transform_indices = #map}, {transform_indices = #map1}, {transform_indices = #map1}, {transform_indices = #map1}]} {
    %mul3A = arith.constant 16 : i32
    %mul3A_0 = arith.muli %arg0, %mul3A : i32
    %add3A = arith.addi %mul3A_0, %arg1 : i32
    "tpu.region"() ({
      %run_scoped3A = tpu.sem_alloc : memref<!tpu.dma_semaphore, #tpu.memory_space<semaphore_mem>>
      %dma_start3A_153 = arith.constant 0 : i32
      %dma_start3A_154 = arith.constant 0 : i32
      %dma_start3A_155 = tpu.memref_slice %arg3[%add3A, %dma_start3A_153, %dma_start3A_154] : memref<32x125x80xi32, #tpu.memory_space<hbm>> -> memref<1x125x80xi32, #tpu.memory_space<hbm>>
      %dma_start3A_156 = tpu.memref_squeeze %dma_start3A_155 : memref<1x125x80xi32, #tpu.memory_space<hbm>> -> memref<125x80xi32, #tpu.memory_space<hbm>>
      %dma_start3A_157 = arith.constant 0 : i32
      %dma_start3A_158 = arith.constant 0 : i32
      %dma_start3A_159 = tpu.memref_slice %arg3[%add3A, %dma_start3A_157, %dma_start3A_158] : memref<32x125x80xi32, #tpu.memory_space<hbm>> -> memref<1x125x80xi32, #tpu.memory_space<hbm>>
      %dma_start3A_160 = tpu.memref_squeeze %dma_start3A_159 : memref<1x125x80xi32, #tpu.memory_space<hbm>> -> memref<125x80xi32, #tpu.memory_space<hbm>>
      tpu.enqueue_dma source(%dma_start3A_160 : memref<125x80xi32, #tpu.memory_space<hbm>>) target(%arg6 : memref<125x80xi32, #tpu.memory_space<vmem>>) target_semaphore(%run_scoped3A : memref<!tpu.dma_semaphore, #tpu.memory_space<semaphore_mem>>)
      %dma_wait3A_161 = arith.constant 0 : i32
      %dma_wait3A_162 = arith.constant 0 : i32
      %dma_wait3A_163 = tpu.memref_slice %arg3[%add3A, %dma_wait3A_161, %dma_wait3A_162] : memref<32x125x80xi32, #tpu.memory_space<hbm>> -> memref<1x125x80xi32, #tpu.memory_space<hbm>>
      %dma_wait3A_164 = tpu.memref_squeeze %dma_wait3A_163 : memref<1x125x80xi32, #tpu.memory_space<hbm>> -> memref<125x80xi32, #tpu.memory_space<hbm>>
      %dma_wait3A_165 = arith.constant 0 : i32
      %dma_wait3A_166 = arith.constant 0 : i32
      %dma_wait3A_167 = tpu.memref_slice %arg3[%add3A, %dma_wait3A_165, %dma_wait3A_166] : memref<32x125x80xi32, #tpu.memory_space<hbm>> -> memref<1x125x80xi32, #tpu.memory_space<hbm>>
      %dma_wait3A_168 = tpu.memref_squeeze %dma_wait3A_167 : memref<1x125x80xi32, #tpu.memory_space<hbm>> -> memref<125x80xi32, #tpu.memory_space<hbm>>
      tpu.wait_dma2 semaphore(%run_scoped3A : memref<!tpu.dma_semaphore, #tpu.memory_space<semaphore_mem>>) src(%dma_wait3A_168 : memref<125x80xi32, #tpu.memory_space<hbm>>) dst(%arg6 : memref<125x80xi32, #tpu.memory_space<vmem>>)
      tpu.yield
    }) : () -> ()
    %mul3A_1 = arith.constant 16 : i32
    %mul3A_2 = arith.muli %arg0, %mul3A_1 : i32
    %add3A_3 = arith.addi %mul3A_2, %arg1 : i32
    "tpu.region"() ({
      %run_scoped3A = tpu.sem_alloc : memref<!tpu.dma_semaphore, #tpu.memory_space<semaphore_mem>>
      %dma_start3A_153 = arith.constant 0 : i32
      %dma_start3A_154 = arith.constant 0 : i32
      %dma_start3A_155 = tpu.memref_slice %arg4[%add3A_3, %dma_start3A_153, %dma_start3A_154] : memref<32x125x80xi32, #tpu.memory_space<hbm>> -> memref<1x125x80xi32, #tpu.memory_space<hbm>>
      %dma_start3A_156 = tpu.memref_squeeze %dma_start3A_155 : memref<1x125x80xi32, #tpu.memory_space<hbm>> -> memref<125x80xi32, #tpu.memory_space<hbm>>
      %dma_start3A_157 = arith.constant 0 : i32
      %dma_start3A_158 = arith.constant 0 : i32
      %dma_start3A_159 = tpu.memref_slice %arg4[%add3A_3, %dma_start3A_157, %dma_start3A_158] : memref<32x125x80xi32, #tpu.memory_space<hbm>> -> memref<1x125x80xi32, #tpu.memory_space<hbm>>
      %dma_start3A_160 = tpu.memref_squeeze %dma_start3A_159 : memref<1x125x80xi32, #tpu.memory_space<hbm>> -> memref<125x80xi32, #tpu.memory_space<hbm>>
      tpu.enqueue_dma source(%dma_start3A_160 : memref<125x80xi32, #tpu.memory_space<hbm>>) target(%arg7 : memref<125x80xi32, #tpu.memory_space<vmem>>) target_semaphore(%run_scoped3A : memref<!tpu.dma_semaphore, #tpu.memory_space<semaphore_mem>>)
      %dma_wait3A_161 = arith.constant 0 : i32
      %dma_wait3A_162 = arith.constant 0 : i32
      %dma_wait3A_163 = tpu.memref_slice %arg4[%add3A_3, %dma_wait3A_161, %dma_wait3A_162] : memref<32x125x80xi32, #tpu.memory_space<hbm>> -> memref<1x125x80xi32, #tpu.memory_space<hbm>>
      %dma_wait3A_164 = tpu.memref_squeeze %dma_wait3A_163 : memref<1x125x80xi32, #tpu.memory_space<hbm>> -> memref<125x80xi32, #tpu.memory_space<hbm>>
      %dma_wait3A_165 = arith.constant 0 : i32
      %dma_wait3A_166 = arith.constant 0 : i32
      %dma_wait3A_167 = tpu.memref_slice %arg4[%add3A_3, %dma_wait3A_165, %dma_wait3A_166] : memref<32x125x80xi32, #tpu.memory_space<hbm>> -> memref<1x125x80xi32, #tpu.memory_space<hbm>>
      %dma_wait3A_168 = tpu.memref_squeeze %dma_wait3A_167 : memref<1x125x80xi32, #tpu.memory_space<hbm>> -> memref<125x80xi32, #tpu.memory_space<hbm>>
      tpu.wait_dma2 semaphore(%run_scoped3A : memref<!tpu.dma_semaphore, #tpu.memory_space<semaphore_mem>>) src(%dma_wait3A_168 : memref<125x80xi32, #tpu.memory_space<hbm>>) dst(%arg7 : memref<125x80xi32, #tpu.memory_space<vmem>>)
      tpu.yield
    }) : () -> ()
    %dma_start3A = arith.constant 0 : i32
    %dma_start3A_4 = arith.constant 0 : i32
    %dma_start3A_5 = tpu.memref_slice %arg6[%dma_start3A, %dma_start3A_4] : memref<125x80xi32, #tpu.memory_space<vmem>> -> memref<1x80xi32, #tpu.memory_space<vmem>>
    %dma_start3A_6 = tpu.memref_squeeze %dma_start3A_5 : memref<1x80xi32, #tpu.memory_space<vmem>> -> memref<80xi32, #tpu.memory_space<vmem>>
    %dma_start3A_7 = arith.constant 0 : i32
    %dma_start3A_8 = arith.constant 0 : i32
    %dma_start3A_9 = tpu.memref_slice %arg2[%dma_start3A_7, %dma_start3A_8] : memref<10000x64xf32, #tpu.memory_space<hbm>> -> memref<10000x64xf32, #tpu.memory_space<hbm>>
    tpu.enqueue_indirect_dma source(%dma_start3A_9 : memref<10000x64xf32, #tpu.memory_space<hbm>>) target(%arg8 : memref<80x64xf32, #tpu.memory_space<vmem>>) offsets(%dma_start3A_6 : memref<80xi32, #tpu.memory_space<vmem>>) semaphore(%arg22 : memref<!tpu.dma_semaphore, #tpu.memory_space<semaphore_mem>>)
    %dma_start3A_10 = arith.constant 1 : i32
    %dma_start3A_11 = arith.constant 0 : i32
    %dma_start3A_12 = tpu.memref_slice %arg6[%dma_start3A_10, %dma_start3A_11] : memref<125x80xi32, #tpu.memory_space<vmem>> -> memref<1x80xi32, #tpu.memory_space<vmem>>
    %dma_start3A_13 = tpu.memref_squeeze %dma_start3A_12 : memref<1x80xi32, #tpu.memory_space<vmem>> -> memref<80xi32, #tpu.memory_space<vmem>>
    %dma_start3A_14 = arith.constant 0 : i32
    %dma_start3A_15 = arith.constant 0 : i32
    %dma_start3A_16 = tpu.memref_slice %arg2[%dma_start3A_14, %dma_start3A_15] : memref<10000x64xf32, #tpu.memory_space<hbm>> -> memref<10000x64xf32, #tpu.memory_space<hbm>>
    tpu.enqueue_indirect_dma source(%dma_start3A_16 : memref<10000x64xf32, #tpu.memory_space<hbm>>) target(%arg9 : memref<80x64xf32, #tpu.memory_space<vmem>>) offsets(%dma_start3A_13 : memref<80xi32, #tpu.memory_space<vmem>>) semaphore(%arg23 : memref<!tpu.dma_semaphore, #tpu.memory_space<semaphore_mem>>)
    %dma_start3A_17 = arith.constant 2 : i32
    %dma_start3A_18 = arith.constant 0 : i32
    %dma_start3A_19 = tpu.memref_slice %arg6[%dma_start3A_17, %dma_start3A_18] : memref<125x80xi32, #tpu.memory_space<vmem>> -> memref<1x80xi32, #tpu.memory_space<vmem>>
    %dma_start3A_20 = tpu.memref_squeeze %dma_start3A_19 : memref<1x80xi32, #tpu.memory_space<vmem>> -> memref<80xi32, #tpu.memory_space<vmem>>
    %dma_start3A_21 = arith.constant 0 : i32
    %dma_start3A_22 = arith.constant 0 : i32
    %dma_start3A_23 = tpu.memref_slice %arg2[%dma_start3A_21, %dma_start3A_22] : memref<10000x64xf32, #tpu.memory_space<hbm>> -> memref<10000x64xf32, #tpu.memory_space<hbm>>
    tpu.enqueue_indirect_dma source(%dma_start3A_23 : memref<10000x64xf32, #tpu.memory_space<hbm>>) target(%arg10 : memref<80x64xf32, #tpu.memory_space<vmem>>) offsets(%dma_start3A_20 : memref<80xi32, #tpu.memory_space<vmem>>) semaphore(%arg24 : memref<!tpu.dma_semaphore, #tpu.memory_space<semaphore_mem>>)
    %dma_start3A_24 = arith.constant 3 : i32
    %dma_start3A_25 = arith.constant 0 : i32
    %dma_start3A_26 = tpu.memref_slice %arg6[%dma_start3A_24, %dma_start3A_25] : memref<125x80xi32, #tpu.memory_space<vmem>> -> memref<1x80xi32, #tpu.memory_space<vmem>>
    %dma_start3A_27 = tpu.memref_squeeze %dma_start3A_26 : memref<1x80xi32, #tpu.memory_space<vmem>> -> memref<80xi32, #tpu.memory_space<vmem>>
    %dma_start3A_28 = arith.constant 0 : i32
    %dma_start3A_29 = arith.constant 0 : i32
    %dma_start3A_30 = tpu.memref_slice %arg2[%dma_start3A_28, %dma_start3A_29] : memref<10000x64xf32, #tpu.memory_space<hbm>> -> memref<10000x64xf32, #tpu.memory_space<hbm>>
    tpu.enqueue_indirect_dma source(%dma_start3A_30 : memref<10000x64xf32, #tpu.memory_space<hbm>>) target(%arg11 : memref<80x64xf32, #tpu.memory_space<vmem>>) offsets(%dma_start3A_27 : memref<80xi32, #tpu.memory_space<vmem>>) semaphore(%arg25 : memref<!tpu.dma_semaphore, #tpu.memory_space<semaphore_mem>>)
    %dma_start3A_31 = arith.constant 4 : i32
    %dma_start3A_32 = arith.constant 0 : i32
    %dma_start3A_33 = tpu.memref_slice %arg6[%dma_start3A_31, %dma_start3A_32] : memref<125x80xi32, #tpu.memory_space<vmem>> -> memref<1x80xi32, #tpu.memory_space<vmem>>
    %dma_start3A_34 = tpu.memref_squeeze %dma_start3A_33 : memref<1x80xi32, #tpu.memory_space<vmem>> -> memref<80xi32, #tpu.memory_space<vmem>>
    %dma_start3A_35 = arith.constant 0 : i32
    %dma_start3A_36 = arith.constant 0 : i32
    %dma_start3A_37 = tpu.memref_slice %arg2[%dma_start3A_35, %dma_start3A_36] : memref<10000x64xf32, #tpu.memory_space<hbm>> -> memref<10000x64xf32, #tpu.memory_space<hbm>>
    tpu.enqueue_indirect_dma source(%dma_start3A_37 : memref<10000x64xf32, #tpu.memory_space<hbm>>) target(%arg12 : memref<80x64xf32, #tpu.memory_space<vmem>>) offsets(%dma_start3A_34 : memref<80xi32, #tpu.memory_space<vmem>>) semaphore(%arg26 : memref<!tpu.dma_semaphore, #tpu.memory_space<semaphore_mem>>)
    %dma_start3A_38 = arith.constant 5 : i32
    %dma_start3A_39 = arith.constant 0 : i32
    %dma_start3A_40 = tpu.memref_slice %arg6[%dma_start3A_38, %dma_start3A_39] : memref<125x80xi32, #tpu.memory_space<vmem>> -> memref<1x80xi32, #tpu.memory_space<vmem>>
    %dma_start3A_41 = tpu.memref_squeeze %dma_start3A_40 : memref<1x80xi32, #tpu.memory_space<vmem>> -> memref<80xi32, #tpu.memory_space<vmem>>
    %dma_start3A_42 = arith.constant 0 : i32
    %dma_start3A_43 = arith.constant 0 : i32
    %dma_start3A_44 = tpu.memref_slice %arg2[%dma_start3A_42, %dma_start3A_43] : memref<10000x64xf32, #tpu.memory_space<hbm>> -> memref<10000x64xf32, #tpu.memory_space<hbm>>
    tpu.enqueue_indirect_dma source(%dma_start3A_44 : memref<10000x64xf32, #tpu.memory_space<hbm>>) target(%arg13 : memref<80x64xf32, #tpu.memory_space<vmem>>) offsets(%dma_start3A_41 : memref<80xi32, #tpu.memory_space<vmem>>) semaphore(%arg27 : memref<!tpu.dma_semaphore, #tpu.memory_space<semaphore_mem>>)
    %scan3A = arith.constant 0 : i32
    %scan3A_45 = arith.constant 0 : i32
    %scan3A_46 = arith.constant 512 : i32
    %scan3A_47 = arith.addi %scan3A_45, %scan3A_46 : i32
    %scan3A_48 = arith.constant 1 : i32
    %scan3A_49 = scf.for %scan3A_153 = %scan3A_45 to %scan3A_47 step %scan3A_48 iter_args(%scan3A_154 = %scan3A) -> (i32)  : i32 {
      %broadcast_in_dim3A = arith.constant 0.000000e+00 : f32
      %broadcast_in_dim3A_155 = vector.broadcast %broadcast_in_dim3A : f32 to vector<16xf32>
      %jit3A = arith.constant 4 : i32
      %div3A = arith.divsi %scan3A_153, %jit3A : i32
      %sign3A = arith.constant 0 : i32
      %sign3A_156 = arith.cmpi sgt, %scan3A_153, %sign3A : i32
      %sign3A_157 = arith.extui %sign3A_156 : i1 to i32
      %sign3A_158 = arith.constant 0 : i32
      %sign3A_159 = arith.cmpi slt, %scan3A_153, %sign3A_158 : i32
      %sign3A_160 = arith.extui %sign3A_159 : i1 to i32
      %sign3A_161 = arith.subi %sign3A_157, %sign3A_160 : i32
      %sign3A_162 = arith.constant 0 : i32
      %sign3A_163 = arith.cmpi sgt, %jit3A, %sign3A_162 : i32
      %sign3A_164 = arith.extui %sign3A_163 : i1 to i32
      %sign3A_165 = arith.constant 0 : i32
      %sign3A_166 = arith.cmpi slt, %jit3A, %sign3A_165 : i32
      %sign3A_167 = arith.extui %sign3A_166 : i1 to i32
      %sign3A_168 = arith.subi %sign3A_164, %sign3A_167 : i32
      %ne3A = arith.cmpi ne, %sign3A_161, %sign3A_168 : i32
      %rem3A = arith.remsi %scan3A_153, %jit3A : i32
      %ne3A_169 = arith.constant 0 : i32
      %ne3A_170 = arith.cmpi ne, %rem3A, %ne3A_169 : i32
      %and3A = arith.andi %ne3A, %ne3A_170 : i1
      %sub3A = arith.constant 1 : i32
      %sub3A_171 = arith.subi %div3A, %sub3A : i32
      %select_n3A = arith.select %and3A, %sub3A_171, %div3A : i32
      %jit3A_172 = arith.constant 4 : i32
      %eq3A = arith.constant 0 : i32
      %eq3A_173 = arith.cmpi eq, %jit3A_172, %eq3A : i32
      %jit3A_174 = arith.constant 1 : i32
      %select_n3A_175 = arith.select %eq3A_173, %jit3A_174, %jit3A_172 : i32
      %rem3A_176 = arith.remsi %scan3A_153, %select_n3A_175 : i32
      %ne3A_177 = arith.constant 0 : i32
      %ne3A_178 = arith.cmpi ne, %rem3A_176, %ne3A_177 : i32
      %lt3A = arith.constant 0 : i32
      %lt3A_179 = arith.cmpi slt, %rem3A_176, %lt3A : i32
      %lt3A_180 = arith.constant 0 : i32
      %lt3A_181 = arith.cmpi slt, %select_n3A_175, %lt3A_180 : i32
      %ne3A_182 = arith.xori %lt3A_179, %lt3A_181 : i1
      %and3A_183 = arith.andi %ne3A_182, %ne3A_178 : i1
      %add3A_184 = arith.addi %rem3A_176, %select_n3A_175 : i32
      %select_n3A_185 = arith.select %and3A_183, %add3A_184, %rem3A_176 : i32
      %mul3A_186 = arith.constant 16 : i32
      %mul3A_187 = arith.muli %select_n3A_185, %mul3A_186 : i32
      %swap3A = arith.index_cast %select_n3A : i32 to index
      %swap3A_188 = arith.index_cast %mul3A_187 : i32 to index
      %swap3A_189 = tpu.vector_load %arg20[%swap3A, %swap3A_188] {strides = array<i32>} : memref<128x64xf32, #tpu.memory_space<vmem>>, vector<1x16xf32>,
      %swap3A_190 = vector.shape_cast %swap3A_189 : vector<1x16xf32> to vector<16xf32>
      %swap3A_191 = vector.shape_cast %broadcast_in_dim3A_155 : vector<16xf32> to vector<1x16xf32>
      tpu.vector_store %arg20[%swap3A, %swap3A_188], %swap3A_191 {strides = array<i32>} : memref<128x64xf32, #tpu.memory_space<vmem>>, vector<1x16xf32>,
      %scan3A_192 = arith.constant 0 : i32
      scf.yield %scan3A_192 : i32
    }
    %scan3A_50 = arith.constant 512 : i32
    %scan3A_51 = arith.constant 0 : i32
    %scan3A_52 = arith.constant 0 : i32
    %scan3A_53 = arith.constant 5 : i32
    %scan3A_54 = arith.addi %scan3A_52, %scan3A_53 : i32
    %scan3A_55 = arith.constant 1 : i32
    %scan3A_56 = scf.for %scan3A_153 = %scan3A_52 to %scan3A_54 step %scan3A_55 iter_args(%scan3A_154 = %scan3A_51) -> (i32)  : i32 {
      %mul3A_155 = arith.constant 640 : i32
      %mul3A_156 = arith.muli %arg1, %mul3A_155 : i32
      %mul3A_157 = arith.constant 128 : i32
      %mul3A_158 = arith.muli %scan3A_153, %mul3A_157 : i32
      %add3A_159 = arith.addi %mul3A_156, %mul3A_158 : i32
      "tpu.region"() ({
        %run_scoped3A = tpu.sem_alloc : memref<!tpu.dma_semaphore, #tpu.memory_space<semaphore_mem>>
        %dma_start3A_161 = arith.constant 0 : i32
        %dma_start3A_162 = tpu.memref_slice %arg21[%add3A_159, %dma_start3A_161] : memref<10240x64xf32, #tpu.memory_space<vmem_shared>> -> memref<128x64xf32, #tpu.memory_space<vmem_shared>>
        %dma_start3A_163 = arith.constant 0 : i32
        %dma_start3A_164 = tpu.memref_slice %arg21[%add3A_159, %dma_start3A_163] : memref<10240x64xf32, #tpu.memory_space<vmem_shared>> -> memref<128x64xf32, #tpu.memory_space<vmem_shared>>
        tpu.enqueue_dma source(%arg20 : memref<128x64xf32, #tpu.memory_space<vmem>>) target(%dma_start3A_164 : memref<128x64xf32, #tpu.memory_space<vmem_shared>>) target_semaphore(%run_scoped3A : memref<!tpu.dma_semaphore, #tpu.memory_space<semaphore_mem>>)
        %dma_wait3A_165 = arith.constant 0 : i32
        %dma_wait3A_166 = tpu.memref_slice %arg21[%add3A_159, %dma_wait3A_165] : memref<10240x64xf32, #tpu.memory_space<vmem_shared>> -> memref<128x64xf32, #tpu.memory_space<vmem_shared>>
        %dma_wait3A_167 = arith.constant 0 : i32
        %dma_wait3A_168 = tpu.memref_slice %arg21[%add3A_159, %dma_wait3A_167] : memref<10240x64xf32, #tpu.memory_space<vmem_shared>> -> memref<128x64xf32, #tpu.memory_space<vmem_shared>>
        tpu.wait_dma2 semaphore(%run_scoped3A : memref<!tpu.dma_semaphore, #tpu.memory_space<semaphore_mem>>) src(%arg20 : memref<128x64xf32, #tpu.memory_space<vmem>>) dst(%dma_wait3A_168 : memref<128x64xf32, #tpu.memory_space<vmem_shared>>)
        tpu.yield
      }) : () -> ()
      %scan3A_160 = arith.constant 0 : i32
      scf.yield %scan3A_160 : i32
    }
    %scan3A_57 = arith.constant 5 : i32
    %barrier3A = arith.constant 0 : index
    tpu.barrier barrier_id(%barrier3A)
    %scan3A_58 = arith.constant 0 : i32
    %scan3A_59 = arith.constant 0 : i32
    %scan3A_60 = arith.constant 21 : i32
    %scan3A_61 = arith.addi %scan3A_59, %scan3A_60 : i32
    %scan3A_62 = arith.constant 1 : i32
    %scan3A_63 = scf.for %scan3A_153 = %scan3A_59 to %scan3A_61 step %scan3A_62 iter_args(%scan3A_154 = %scan3A_58) -> (i32)  : i32 {
      %jit3A = arith.constant 2 : i32
      %eq3A = arith.constant 0 : i32
      %eq3A_155 = arith.cmpi eq, %jit3A, %eq3A : i32
      %jit3A_156 = arith.constant 1 : i32
      %select_n3A = arith.select %eq3A_155, %jit3A_156, %jit3A : i32
      %rem3A = arith.remsi %scan3A_153, %select_n3A : i32
      %ne3A = arith.constant 0 : i32
      %ne3A_157 = arith.cmpi ne, %rem3A, %ne3A : i32
      %lt3A = arith.constant 0 : i32
      %lt3A_158 = arith.cmpi slt, %rem3A, %lt3A : i32
      %lt3A_159 = arith.constant 0 : i32
      %lt3A_160 = arith.cmpi slt, %select_n3A, %lt3A_159 : i32
      %ne3A_161 = arith.xori %lt3A_158, %lt3A_160 : i1
      %and3A = arith.andi %ne3A_161, %ne3A_157 : i1
      %add3A_162 = arith.addi %rem3A, %select_n3A : i32
      %select_n3A_163 = arith.select %and3A, %add3A_162, %rem3A : i32
      %eq3A_164 = arith.constant 0 : i32
      %eq3A_165 = arith.cmpi eq, %select_n3A_163, %eq3A_164 : i32
      %convert_element_type3A = arith.extui %eq3A_165 : i1 to i32
      %cond3A = arith.constant 0 : i32
      %cond3A_166 = arith.cmpi ne, %convert_element_type3A, %cond3A : i32
      scf.if %cond3A_166 {
        %add3A_189 = arith.constant 1 : i32
        %add3A_190 = arith.addi %scan3A_153, %add3A_189 : i32
        %mul3A_191 = arith.constant 6 : i32
        %mul3A_192 = arith.muli %add3A_190, %mul3A_191 : i32
        %add3A_193 = arith.constant 0 : i32
        %add3A_194 = arith.addi %mul3A_192, %add3A_193 : i32
        %lt3A_195 = arith.constant 125 : i32
        %lt3A_196 = arith.cmpi slt, %add3A_194, %lt3A_195 : i32
        %convert_element_type3A_197 = arith.extui %lt3A_196 : i1 to i32
        %cond3A_198 = arith.constant 0 : i32
        %cond3A_199 = arith.cmpi ne, %convert_element_type3A_197, %cond3A_198 : i32
        scf.if %cond3A_199 {
          %gt3A = arith.constant 0 : i32
          %gt3A_309 = arith.cmpi sgt, %scan3A_153, %gt3A : i32
          %convert_element_type3A_310 = arith.extui %gt3A_309 : i1 to i32
          %cond3A_311 = arith.constant 0 : i32
          %cond3A_312 = arith.cmpi ne, %convert_element_type3A_310, %cond3A_311 : i32
          scf.if %cond3A_312 {
            %dma_wait3A_319 = arith.constant 0 : i32
            %dma_wait3A_320 = arith.constant 0 : i32
            %dma_wait3A_321 = tpu.memref_slice %arg7[%dma_wait3A_319, %dma_wait3A_320] : memref<125x80xi32, #tpu.memory_space<vmem>> -> memref<1x80xi32, #tpu.memory_space<vmem>>
            %dma_wait3A_322 = tpu.memref_squeeze %dma_wait3A_321 : memref<1x80xi32, #tpu.memory_space<vmem>> -> memref<80xi32, #tpu.memory_space<vmem>>
            %dma_wait3A_323 = arith.constant 0 : i32
            %dma_wait3A_324 = arith.constant 0 : i32
            %dma_wait3A_325 = tpu.memref_slice %arg21[%dma_wait3A_323, %dma_wait3A_324] : memref<10240x64xf32, #tpu.memory_space<vmem_shared>> -> memref<10240x64xf32, #tpu.memory_space<vmem_shared>>
            tpu.wait_indirect_dma semaphore(%arg40 : memref<!tpu.dma_semaphore, #tpu.memory_space<semaphore_mem>>) src(%arg14 : memref<80x64xf32, #tpu.memory_space<vmem>>) dst(%dma_wait3A_325 : memref<10240x64xf32, #tpu.memory_space<vmem_shared>>)
          } else {
          }
          %dma_start3A_313 = arith.constant 0 : i32
          %dma_start3A_314 = tpu.memref_slice %arg6[%add3A_194, %dma_start3A_313] : memref<125x80xi32, #tpu.memory_space<vmem>> -> memref<1x80xi32, #tpu.memory_space<vmem>>
          %dma_start3A_315 = tpu.memref_squeeze %dma_start3A_314 : memref<1x80xi32, #tpu.memory_space<vmem>> -> memref<80xi32, #tpu.memory_space<vmem>>
          %dma_start3A_316 = arith.constant 0 : i32
          %dma_start3A_317 = arith.constant 0 : i32
          %dma_start3A_318 = tpu.memref_slice %arg2[%dma_start3A_316, %dma_start3A_317] : memref<10000x64xf32, #tpu.memory_space<hbm>> -> memref<10000x64xf32, #tpu.memory_space<hbm>>
          tpu.enqueue_indirect_dma source(%dma_start3A_318 : memref<10000x64xf32, #tpu.memory_space<hbm>>) target(%arg14 : memref<80x64xf32, #tpu.memory_space<vmem>>) offsets(%dma_start3A_315 : memref<80xi32, #tpu.memory_space<vmem>>) semaphore(%arg28 : memref<!tpu.dma_semaphore, #tpu.memory_space<semaphore_mem>>)
        } else {
        }
        %add3A_200 = arith.constant 1 : i32
        %add3A_201 = arith.addi %scan3A_153, %add3A_200 : i32
        %mul3A_202 = arith.constant 6 : i32
        %mul3A_203 = arith.muli %add3A_201, %mul3A_202 : i32
        %add3A_204 = arith.constant 1 : i32
        %add3A_205 = arith.addi %mul3A_203, %add3A_204 : i32
        %lt3A_206 = arith.constant 125 : i32
        %lt3A_207 = arith.cmpi slt, %add3A_205, %lt3A_206 : i32
        %convert_element_type3A_208 = arith.extui %lt3A_207 : i1 to i32
        %cond3A_209 = arith.constant 0 : i32
        %cond3A_210 = arith.cmpi ne, %convert_element_type3A_208, %cond3A_209 : i32
        scf.if %cond3A_210 {
          %gt3A = arith.constant 0 : i32
          %gt3A_309 = arith.cmpi sgt, %scan3A_153, %gt3A : i32
          %convert_element_type3A_310 = arith.extui %gt3A_309 : i1 to i32
          %cond3A_311 = arith.constant 0 : i32
          %cond3A_312 = arith.cmpi ne, %convert_element_type3A_310, %cond3A_311 : i32
          scf.if %cond3A_312 {
            %dma_wait3A_319 = arith.constant 0 : i32
            %dma_wait3A_320 = arith.constant 0 : i32
            %dma_wait3A_321 = tpu.memref_slice %arg7[%dma_wait3A_319, %dma_wait3A_320] : memref<125x80xi32, #tpu.memory_space<vmem>> -> memref<1x80xi32, #tpu.memory_space<vmem>>
            %dma_wait3A_322 = tpu.memref_squeeze %dma_wait3A_321 : memref<1x80xi32, #tpu.memory_space<vmem>> -> memref<80xi32, #tpu.memory_space<vmem>>
            %dma_wait3A_323 = arith.constant 0 : i32
            %dma_wait3A_324 = arith.constant 0 : i32
            %dma_wait3A_325 = tpu.memref_slice %arg21[%dma_wait3A_323, %dma_wait3A_324] : memref<10240x64xf32, #tpu.memory_space<vmem_shared>> -> memref<10240x64xf32, #tpu.memory_space<vmem_shared>>
            tpu.wait_indirect_dma semaphore(%arg41 : memref<!tpu.dma_semaphore, #tpu.memory_space<semaphore_mem>>) src(%arg15 : memref<80x64xf32, #tpu.memory_space<vmem>>) dst(%dma_wait3A_325 : memref<10240x64xf32, #tpu.memory_space<vmem_shared>>)
          } else {
          }
          %dma_start3A_313 = arith.constant 0 : i32
          %dma_start3A_314 = tpu.memref_slice %arg6[%add3A_205, %dma_start3A_313] : memref<125x80xi32, #tpu.memory_space<vmem>> -> memref<1x80xi32, #tpu.memory_space<vmem>>
          %dma_start3A_315 = tpu.memref_squeeze %dma_start3A_314 : memref<1x80xi32, #tpu.memory_space<vmem>> -> memref<80xi32, #tpu.memory_space<vmem>>
          %dma_start3A_316 = arith.constant 0 : i32
          %dma_start3A_317 = arith.constant 0 : i32
          %dma_start3A_318 = tpu.memref_slice %arg2[%dma_start3A_316, %dma_start3A_317] : memref<10000x64xf32, #tpu.memory_space<hbm>> -> memref<10000x64xf32, #tpu.memory_space<hbm>>
          tpu.enqueue_indirect_dma source(%dma_start3A_318 : memref<10000x64xf32, #tpu.memory_space<hbm>>) target(%arg15 : memref<80x64xf32, #tpu.memory_space<vmem>>) offsets(%dma_start3A_315 : memref<80xi32, #tpu.memory_space<vmem>>) semaphore(%arg29 : memref<!tpu.dma_semaphore, #tpu.memory_space<semaphore_mem>>)
        } else {
        }
        %add3A_211 = arith.constant 1 : i32
        %add3A_212 = arith.addi %scan3A_153, %add3A_211 : i32
        %mul3A_213 = arith.constant 6 : i32
        %mul3A_214 = arith.muli %add3A_212, %mul3A_213 : i32
        %add3A_215 = arith.constant 2 : i32
        %add3A_216 = arith.addi %mul3A_214, %add3A_215 : i32
        %lt3A_217 = arith.constant 125 : i32
        %lt3A_218 = arith.cmpi slt, %add3A_216, %lt3A_217 : i32
        %convert_element_type3A_219 = arith.extui %lt3A_218 : i1 to i32
        %cond3A_220 = arith.constant 0 : i32
        %cond3A_221 = arith.cmpi ne, %convert_element_type3A_219, %cond3A_220 : i32
        scf.if %cond3A_221 {
          %gt3A = arith.constant 0 : i32
          %gt3A_309 = arith.cmpi sgt, %scan3A_153, %gt3A : i32
          %convert_element_type3A_310 = arith.extui %gt3A_309 : i1 to i32
          %cond3A_311 = arith.constant 0 : i32
          %cond3A_312 = arith.cmpi ne, %convert_element_type3A_310, %cond3A_311 : i32
          scf.if %cond3A_312 {
            %dma_wait3A_319 = arith.constant 0 : i32
            %dma_wait3A_320 = arith.constant 0 : i32
            %dma_wait3A_321 = tpu.memref_slice %arg7[%dma_wait3A_319, %dma_wait3A_320] : memref<125x80xi32, #tpu.memory_space<vmem>> -> memref<1x80xi32, #tpu.memory_space<vmem>>
            %dma_wait3A_322 = tpu.memref_squeeze %dma_wait3A_321 : memref<1x80xi32, #tpu.memory_space<vmem>> -> memref<80xi32, #tpu.memory_space<vmem>>
            %dma_wait3A_323 = arith.constant 0 : i32
            %dma_wait3A_324 = arith.constant 0 : i32
            %dma_wait3A_325 = tpu.memref_slice %arg21[%dma_wait3A_323, %dma_wait3A_324] : memref<10240x64xf32, #tpu.memory_space<vmem_shared>> -> memref<10240x64xf32, #tpu.memory_space<vmem_shared>>
            tpu.wait_indirect_dma semaphore(%arg42 : memref<!tpu.dma_semaphore, #tpu.memory_space<semaphore_mem>>) src(%arg16 : memref<80x64xf32, #tpu.memory_space<vmem>>) dst(%dma_wait3A_325 : memref<10240x64xf32, #tpu.memory_space<vmem_shared>>)
          } else {
          }
          %dma_start3A_313 = arith.constant 0 : i32
          %dma_start3A_314 = tpu.memref_slice %arg6[%add3A_216, %dma_start3A_313] : memref<125x80xi32, #tpu.memory_space<vmem>> -> memref<1x80xi32, #tpu.memory_space<vmem>>
          %dma_start3A_315 = tpu.memref_squeeze %dma_start3A_314 : memref<1x80xi32, #tpu.memory_space<vmem>> -> memref<80xi32, #tpu.memory_space<vmem>>
          %dma_start3A_316 = arith.constant 0 : i32
          %dma_start3A_317 = arith.constant 0 : i32
          %dma_start3A_318 = tpu.memref_slice %arg2[%dma_start3A_316, %dma_start3A_317] : memref<10000x64xf32, #tpu.memory_space<hbm>> -> memref<10000x64xf32, #tpu.memory_space<hbm>>
          tpu.enqueue_indirect_dma source(%dma_start3A_318 : memref<10000x64xf32, #tpu.memory_space<hbm>>) target(%arg16 : memref<80x64xf32, #tpu.memory_space<vmem>>) offsets(%dma_start3A_315 : memref<80xi32, #tpu.memory_space<vmem>>) semaphore(%arg30 : memref<!tpu.dma_semaphore, #tpu.memory_space<semaphore_mem>>)
        } else {
        }
        %add3A_222 = arith.constant 1 : i32
        %add3A_223 = arith.addi %scan3A_153, %add3A_222 : i32
        %mul3A_224 = arith.constant 6 : i32
        %mul3A_225 = arith.muli %add3A_223, %mul3A_224 : i32
        %add3A_226 = arith.constant 3 : i32
        %add3A_227 = arith.addi %mul3A_225, %add3A_226 : i32
        %lt3A_228 = arith.constant 125 : i32
        %lt3A_229 = arith.cmpi slt, %add3A_227, %lt3A_228 : i32
        %convert_element_type3A_230 = arith.extui %lt3A_229 : i1 to i32
        %cond3A_231 = arith.constant 0 : i32
        %cond3A_232 = arith.cmpi ne, %convert_element_type3A_230, %cond3A_231 : i32
        scf.if %cond3A_232 {
          %gt3A = arith.constant 0 : i32
          %gt3A_309 = arith.cmpi sgt, %scan3A_153, %gt3A : i32
          %convert_element_type3A_310 = arith.extui %gt3A_309 : i1 to i32
          %cond3A_311 = arith.constant 0 : i32
          %cond3A_312 = arith.cmpi ne, %convert_element_type3A_310, %cond3A_311 : i32
          scf.if %cond3A_312 {
            %dma_wait3A_319 = arith.constant 0 : i32
            %dma_wait3A_320 = arith.constant 0 : i32
            %dma_wait3A_321 = tpu.memref_slice %arg7[%dma_wait3A_319, %dma_wait3A_320] : memref<125x80xi32, #tpu.memory_space<vmem>> -> memref<1x80xi32, #tpu.memory_space<vmem>>
            %dma_wait3A_322 = tpu.memref_squeeze %dma_wait3A_321 : memref<1x80xi32, #tpu.memory_space<vmem>> -> memref<80xi32, #tpu.memory_space<vmem>>
            %dma_wait3A_323 = arith.constant 0 : i32
            %dma_wait3A_324 = arith.constant 0 : i32
            %dma_wait3A_325 = tpu.memref_slice %arg21[%dma_wait3A_323, %dma_wait3A_324] : memref<10240x64xf32, #tpu.memory_space<vmem_shared>> -> memref<10240x64xf32, #tpu.memory_space<vmem_shared>>
            tpu.wait_indirect_dma semaphore(%arg43 : memref<!tpu.dma_semaphore, #tpu.memory_space<semaphore_mem>>) src(%arg17 : memref<80x64xf32, #tpu.memory_space<vmem>>) dst(%dma_wait3A_325 : memref<10240x64xf32, #tpu.memory_space<vmem_shared>>)
          } else {
          }
          %dma_start3A_313 = arith.constant 0 : i32
          %dma_start3A_314 = tpu.memref_slice %arg6[%add3A_227, %dma_start3A_313] : memref<125x80xi32, #tpu.memory_space<vmem>> -> memref<1x80xi32, #tpu.memory_space<vmem>>
          %dma_start3A_315 = tpu.memref_squeeze %dma_start3A_314 : memref<1x80xi32, #tpu.memory_space<vmem>> -> memref<80xi32, #tpu.memory_space<vmem>>
          %dma_start3A_316 = arith.constant 0 : i32
          %dma_start3A_317 = arith.constant 0 : i32
          %dma_start3A_318 = tpu.memref_slice %arg2[%dma_start3A_316, %dma_start3A_317] : memref<10000x64xf32, #tpu.memory_space<hbm>> -> memref<10000x64xf32, #tpu.memory_space<hbm>>
          tpu.enqueue_indirect_dma source(%dma_start3A_318 : memref<10000x64xf32, #tpu.memory_space<hbm>>) target(%arg17 : memref<80x64xf32, #tpu.memory_space<vmem>>) offsets(%dma_start3A_315 : memref<80xi32, #tpu.memory_space<vmem>>) semaphore(%arg31 : memref<!tpu.dma_semaphore, #tpu.memory_space<semaphore_mem>>)
        } else {
        }
        %add3A_233 = arith.constant 1 : i32
        %add3A_234 = arith.addi %scan3A_153, %add3A_233 : i32
        %mul3A_235 = arith.constant 6 : i32
        %mul3A_236 = arith.muli %add3A_234, %mul3A_235 : i32
        %add3A_237 = arith.constant 4 : i32
        %add3A_238 = arith.addi %mul3A_236, %add3A_237 : i32
        %lt3A_239 = arith.constant 125 : i32
        %lt3A_240 = arith.cmpi slt, %add3A_238, %lt3A_239 : i32
        %convert_element_type3A_241 = arith.extui %lt3A_240 : i1 to i32
        %cond3A_242 = arith.constant 0 : i32
        %cond3A_243 = arith.cmpi ne, %convert_element_type3A_241, %cond3A_242 : i32
        scf.if %cond3A_243 {
          %gt3A = arith.constant 0 : i32
          %gt3A_309 = arith.cmpi sgt, %scan3A_153, %gt3A : i32
          %convert_element_type3A_310 = arith.extui %gt3A_309 : i1 to i32
          %cond3A_311 = arith.constant 0 : i32
          %cond3A_312 = arith.cmpi ne, %convert_element_type3A_310, %cond3A_311 : i32
          scf.if %cond3A_312 {
            %dma_wait3A_319 = arith.constant 0 : i32
            %dma_wait3A_320 = arith.constant 0 : i32
            %dma_wait3A_321 = tpu.memref_slice %arg7[%dma_wait3A_319, %dma_wait3A_320] : memref<125x80xi32, #tpu.memory_space<vmem>> -> memref<1x80xi32, #tpu.memory_space<vmem>>
            %dma_wait3A_322 = tpu.memref_squeeze %dma_wait3A_321 : memref<1x80xi32, #tpu.memory_space<vmem>> -> memref<80xi32, #tpu.memory_space<vmem>>
            %dma_wait3A_323 = arith.constant 0 : i32
            %dma_wait3A_324 = arith.constant 0 : i32
            %dma_wait3A_325 = tpu.memref_slice %arg21[%dma_wait3A_323, %dma_wait3A_324] : memref<10240x64xf32, #tpu.memory_space<vmem_shared>> -> memref<10240x64xf32, #tpu.memory_space<vmem_shared>>
            tpu.wait_indirect_dma semaphore(%arg44 : memref<!tpu.dma_semaphore, #tpu.memory_space<semaphore_mem>>) src(%arg18 : memref<80x64xf32, #tpu.memory_space<vmem>>) dst(%dma_wait3A_325 : memref<10240x64xf32, #tpu.memory_space<vmem_shared>>)
          } else {
          }
          %dma_start3A_313 = arith.constant 0 : i32
          %dma_start3A_314 = tpu.memref_slice %arg6[%add3A_238, %dma_start3A_313] : memref<125x80xi32, #tpu.memory_space<vmem>> -> memref<1x80xi32, #tpu.memory_space<vmem>>
          %dma_start3A_315 = tpu.memref_squeeze %dma_start3A_314 : memref<1x80xi32, #tpu.memory_space<vmem>> -> memref<80xi32, #tpu.memory_space<vmem>>
          %dma_start3A_316 = arith.constant 0 : i32
          %dma_start3A_317 = arith.constant 0 : i32
          %dma_start3A_318 = tpu.memref_slice %arg2[%dma_start3A_316, %dma_start3A_317] : memref<10000x64xf32, #tpu.memory_space<hbm>> -> memref<10000x64xf32, #tpu.memory_space<hbm>>
          tpu.enqueue_indirect_dma source(%dma_start3A_318 : memref<10000x64xf32, #tpu.memory_space<hbm>>) target(%arg18 : memref<80x64xf32, #tpu.memory_space<vmem>>) offsets(%dma_start3A_315 : memref<80xi32, #tpu.memory_space<vmem>>) semaphore(%arg32 : memref<!tpu.dma_semaphore, #tpu.memory_space<semaphore_mem>>)
        } else {
        }
        %add3A_244 = arith.constant 1 : i32
        %add3A_245 = arith.addi %scan3A_153, %add3A_244 : i32
        %mul3A_246 = arith.constant 6 : i32
        %mul3A_247 = arith.muli %add3A_245, %mul3A_246 : i32
        %add3A_248 = arith.constant 5 : i32
        %add3A_249 = arith.addi %mul3A_247, %add3A_248 : i32
        %lt3A_250 = arith.constant 125 : i32
        %lt3A_251 = arith.cmpi slt, %add3A_249, %lt3A_250 : i32
        %convert_element_type3A_252 = arith.extui %lt3A_251 : i1 to i32
        %cond3A_253 = arith.constant 0 : i32
        %cond3A_254 = arith.cmpi ne, %convert_element_type3A_252, %cond3A_253 : i32
        scf.if %cond3A_254 {
          %gt3A = arith.constant 0 : i32
          %gt3A_309 = arith.cmpi sgt, %scan3A_153, %gt3A : i32
          %convert_element_type3A_310 = arith.extui %gt3A_309 : i1 to i32
          %cond3A_311 = arith.constant 0 : i32
          %cond3A_312 = arith.cmpi ne, %convert_element_type3A_310, %cond3A_311 : i32
          scf.if %cond3A_312 {
            %dma_wait3A_319 = arith.constant 0 : i32
            %dma_wait3A_320 = arith.constant 0 : i32
            %dma_wait3A_321 = tpu.memref_slice %arg7[%dma_wait3A_319, %dma_wait3A_320] : memref<125x80xi32, #tpu.memory_space<vmem>> -> memref<1x80xi32, #tpu.memory_space<vmem>>
            %dma_wait3A_322 = tpu.memref_squeeze %dma_wait3A_321 : memref<1x80xi32, #tpu.memory_space<vmem>> -> memref<80xi32, #tpu.memory_space<vmem>>
            %dma_wait3A_323 = arith.constant 0 : i32
            %dma_wait3A_324 = arith.constant 0 : i32
            %dma_wait3A_325 = tpu.memref_slice %arg21[%dma_wait3A_323, %dma_wait3A_324] : memref<10240x64xf32, #tpu.memory_space<vmem_shared>> -> memref<10240x64xf32, #tpu.memory_space<vmem_shared>>
            tpu.wait_indirect_dma semaphore(%arg45 : memref<!tpu.dma_semaphore, #tpu.memory_space<semaphore_mem>>) src(%arg19 : memref<80x64xf32, #tpu.memory_space<vmem>>) dst(%dma_wait3A_325 : memref<10240x64xf32, #tpu.memory_space<vmem_shared>>)
          } else {
          }
          %dma_start3A_313 = arith.constant 0 : i32
          %dma_start3A_314 = tpu.memref_slice %arg6[%add3A_249, %dma_start3A_313] : memref<125x80xi32, #tpu.memory_space<vmem>> -> memref<1x80xi32, #tpu.memory_space<vmem>>
          %dma_start3A_315 = tpu.memref_squeeze %dma_start3A_314 : memref<1x80xi32, #tpu.memory_space<vmem>> -> memref<80xi32, #tpu.memory_space<vmem>>
          %dma_start3A_316 = arith.constant 0 : i32
          %dma_start3A_317 = arith.constant 0 : i32
          %dma_start3A_318 = tpu.memref_slice %arg2[%dma_start3A_316, %dma_start3A_317] : memref<10000x64xf32, #tpu.memory_space<hbm>> -> memref<10000x64xf32, #tpu.memory_space<hbm>>
          tpu.enqueue_indirect_dma source(%dma_start3A_318 : memref<10000x64xf32, #tpu.memory_space<hbm>>) target(%arg19 : memref<80x64xf32, #tpu.memory_space<vmem>>) offsets(%dma_start3A_315 : memref<80xi32, #tpu.memory_space<vmem>>) semaphore(%arg33 : memref<!tpu.dma_semaphore, #tpu.memory_space<semaphore_mem>>)
        } else {
        }
        %mul3A_255 = arith.constant 6 : i32
        %mul3A_256 = arith.muli %scan3A_153, %mul3A_255 : i32
        %add3A_257 = arith.constant 0 : i32
        %add3A_258 = arith.addi %mul3A_256, %add3A_257 : i32
        %lt3A_259 = arith.constant 125 : i32
        %lt3A_260 = arith.cmpi slt, %add3A_258, %lt3A_259 : i32
        %convert_element_type3A_261 = arith.extui %lt3A_260 : i1 to i32
        %cond3A_262 = arith.constant 0 : i32
        %cond3A_263 = arith.cmpi ne, %convert_element_type3A_261, %cond3A_262 : i32
        scf.if %cond3A_263 {
          %dma_wait3A_309 = arith.constant 0 : i32
          %dma_wait3A_310 = arith.constant 0 : i32
          %dma_wait3A_311 = tpu.memref_slice %arg6[%dma_wait3A_309, %dma_wait3A_310] : memref<125x80xi32, #tpu.memory_space<vmem>> -> memref<1x80xi32, #tpu.memory_space<vmem>>
          %dma_wait3A_312 = tpu.memref_squeeze %dma_wait3A_311 : memref<1x80xi32, #tpu.memory_space<vmem>> -> memref<80xi32, #tpu.memory_space<vmem>>
          %dma_wait3A_313 = arith.constant 0 : i32
          %dma_wait3A_314 = arith.constant 0 : i32
          %dma_wait3A_315 = tpu.memref_slice %arg2[%dma_wait3A_313, %dma_wait3A_314] : memref<10000x64xf32, #tpu.memory_space<hbm>> -> memref<10000x64xf32, #tpu.memory_space<hbm>>
          tpu.wait_indirect_dma semaphore(%arg22 : memref<!tpu.dma_semaphore, #tpu.memory_space<semaphore_mem>>) src(%dma_wait3A_315 : memref<10000x64xf32, #tpu.memory_space<hbm>>) dst(%arg8 : memref<80x64xf32, #tpu.memory_space<vmem>>)
          %dma_start3A_316 = arith.constant 0 : i32
          %dma_start3A_317 = tpu.memref_slice %arg7[%add3A_258, %dma_start3A_316] : memref<125x80xi32, #tpu.memory_space<vmem>> -> memref<1x80xi32, #tpu.memory_space<vmem>>
          %dma_start3A_318 = tpu.memref_squeeze %dma_start3A_317 : memref<1x80xi32, #tpu.memory_space<vmem>> -> memref<80xi32, #tpu.memory_space<vmem>>
          %dma_start3A_319 = arith.constant 0 : i32
          %dma_start3A_320 = arith.constant 0 : i32
          %dma_start3A_321 = tpu.memref_slice %arg21[%dma_start3A_319, %dma_start3A_320] : memref<10240x64xf32, #tpu.memory_space<vmem_shared>> -> memref<10240x64xf32, #tpu.memory_space<vmem_shared>>
          tpu.enqueue_indirect_dma source(%arg8 : memref<80x64xf32, #tpu.memory_space<vmem>>) target(%dma_start3A_321 : memref<10240x64xf32, #tpu.memory_space<vmem_shared>>) offsets(%dma_start3A_318 : memref<80xi32, #tpu.memory_space<vmem>>) semaphore(%arg34 : memref<!tpu.dma_semaphore, #tpu.memory_space<semaphore_mem>>) {add = true}
        } else {
        }
        %mul3A_264 = arith.constant 6 : i32
        %mul3A_265 = arith.muli %scan3A_153, %mul3A_264 : i32
        %add3A_266 = arith.constant 1 : i32
        %add3A_267 = arith.addi %mul3A_265, %add3A_266 : i32
        %lt3A_268 = arith.constant 125 : i32
        %lt3A_269 = arith.cmpi slt, %add3A_267, %lt3A_268 : i32
        %convert_element_type3A_270 = arith.extui %lt3A_269 : i1 to i32
        %cond3A_271 = arith.constant 0 : i32
        %cond3A_272 = arith.cmpi ne, %convert_element_type3A_270, %cond3A_271 : i32
        scf.if %cond3A_272 {
          %dma_wait3A_309 = arith.constant 0 : i32
          %dma_wait3A_310 = arith.constant 0 : i32
          %dma_wait3A_311 = tpu.memref_slice %arg6[%dma_wait3A_309, %dma_wait3A_310] : memref<125x80xi32, #tpu.memory_space<vmem>> -> memref<1x80xi32, #tpu.memory_space<vmem>>
          %dma_wait3A_312 = tpu.memref_squeeze %dma_wait3A_311 : memref<1x80xi32, #tpu.memory_space<vmem>> -> memref<80xi32, #tpu.memory_space<vmem>>
          %dma_wait3A_313 = arith.constant 0 : i32
          %dma_wait3A_314 = arith.constant 0 : i32
          %dma_wait3A_315 = tpu.memref_slice %arg2[%dma_wait3A_313, %dma_wait3A_314] : memref<10000x64xf32, #tpu.memory_space<hbm>> -> memref<10000x64xf32, #tpu.memory_space<hbm>>
          tpu.wait_indirect_dma semaphore(%arg23 : memref<!tpu.dma_semaphore, #tpu.memory_space<semaphore_mem>>) src(%dma_wait3A_315 : memref<10000x64xf32, #tpu.memory_space<hbm>>) dst(%arg9 : memref<80x64xf32, #tpu.memory_space<vmem>>)
          %dma_start3A_316 = arith.constant 0 : i32
          %dma_start3A_317 = tpu.memref_slice %arg7[%add3A_267, %dma_start3A_316] : memref<125x80xi32, #tpu.memory_space<vmem>> -> memref<1x80xi32, #tpu.memory_space<vmem>>
          %dma_start3A_318 = tpu.memref_squeeze %dma_start3A_317 : memref<1x80xi32, #tpu.memory_space<vmem>> -> memref<80xi32, #tpu.memory_space<vmem>>
          %dma_start3A_319 = arith.constant 0 : i32
          %dma_start3A_320 = arith.constant 0 : i32
          %dma_start3A_321 = tpu.memref_slice %arg21[%dma_start3A_319, %dma_start3A_320] : memref<10240x64xf32, #tpu.memory_space<vmem_shared>> -> memref<10240x64xf32, #tpu.memory_space<vmem_shared>>
          tpu.enqueue_indirect_dma source(%arg9 : memref<80x64xf32, #tpu.memory_space<vmem>>) target(%dma_start3A_321 : memref<10240x64xf32, #tpu.memory_space<vmem_shared>>) offsets(%dma_start3A_318 : memref<80xi32, #tpu.memory_space<vmem>>) semaphore(%arg35 : memref<!tpu.dma_semaphore, #tpu.memory_space<semaphore_mem>>) {add = true}
        } else {
        }
        %mul3A_273 = arith.constant 6 : i32
        %mul3A_274 = arith.muli %scan3A_153, %mul3A_273 : i32
        %add3A_275 = arith.constant 2 : i32
        %add3A_276 = arith.addi %mul3A_274, %add3A_275 : i32
        %lt3A_277 = arith.constant 125 : i32
        %lt3A_278 = arith.cmpi slt, %add3A_276, %lt3A_277 : i32
        %convert_element_type3A_279 = arith.extui %lt3A_278 : i1 to i32
        %cond3A_280 = arith.constant 0 : i32
        %cond3A_281 = arith.cmpi ne, %convert_element_type3A_279, %cond3A_280 : i32
        scf.if %cond3A_281 {
          %dma_wait3A_309 = arith.constant 0 : i32
          %dma_wait3A_310 = arith.constant 0 : i32
          %dma_wait3A_311 = tpu.memref_slice %arg6[%dma_wait3A_309, %dma_wait3A_310] : memref<125x80xi32, #tpu.memory_space<vmem>> -> memref<1x80xi32, #tpu.memory_space<vmem>>
          %dma_wait3A_312 = tpu.memref_squeeze %dma_wait3A_311 : memref<1x80xi32, #tpu.memory_space<vmem>> -> memref<80xi32, #tpu.memory_space<vmem>>
          %dma_wait3A_313 = arith.constant 0 : i32
          %dma_wait3A_314 = arith.constant 0 : i32
          %dma_wait3A_315 = tpu.memref_slice %arg2[%dma_wait3A_313, %dma_wait3A_314] : memref<10000x64xf32, #tpu.memory_space<hbm>> -> memref<10000x64xf32, #tpu.memory_space<hbm>>
          tpu.wait_indirect_dma semaphore(%arg24 : memref<!tpu.dma_semaphore, #tpu.memory_space<semaphore_mem>>) src(%dma_wait3A_315 : memref<10000x64xf32, #tpu.memory_space<hbm>>) dst(%arg10 : memref<80x64xf32, #tpu.memory_space<vmem>>)
          %dma_start3A_316 = arith.constant 0 : i32
          %dma_start3A_317 = tpu.memref_slice %arg7[%add3A_276, %dma_start3A_316] : memref<125x80xi32, #tpu.memory_space<vmem>> -> memref<1x80xi32, #tpu.memory_space<vmem>>
          %dma_start3A_318 = tpu.memref_squeeze %dma_start3A_317 : memref<1x80xi32, #tpu.memory_space<vmem>> -> memref<80xi32, #tpu.memory_space<vmem>>
          %dma_start3A_319 = arith.constant 0 : i32
          %dma_start3A_320 = arith.constant 0 : i32
          %dma_start3A_321 = tpu.memref_slice %arg21[%dma_start3A_319, %dma_start3A_320] : memref<10240x64xf32, #tpu.memory_space<vmem_shared>> -> memref<10240x64xf32, #tpu.memory_space<vmem_shared>>
          tpu.enqueue_indirect_dma source(%arg10 : memref<80x64xf32, #tpu.memory_space<vmem>>) target(%dma_start3A_321 : memref<10240x64xf32, #tpu.memory_space<vmem_shared>>) offsets(%dma_start3A_318 : memref<80xi32, #tpu.memory_space<vmem>>) semaphore(%arg36 : memref<!tpu.dma_semaphore, #tpu.memory_space<semaphore_mem>>) {add = true}
        } else {
        }
        %mul3A_282 = arith.constant 6 : i32
        %mul3A_283 = arith.muli %scan3A_153, %mul3A_282 : i32
        %add3A_284 = arith.constant 3 : i32
        %add3A_285 = arith.addi %mul3A_283, %add3A_284 : i32
        %lt3A_286 = arith.constant 125 : i32
        %lt3A_287 = arith.cmpi slt, %add3A_285, %lt3A_286 : i32
        %convert_element_type3A_288 = arith.extui %lt3A_287 : i1 to i32
        %cond3A_289 = arith.constant 0 : i32
        %cond3A_290 = arith.cmpi ne, %convert_element_type3A_288, %cond3A_289 : i32
        scf.if %cond3A_290 {
          %dma_wait3A_309 = arith.constant 0 : i32
          %dma_wait3A_310 = arith.constant 0 : i32
          %dma_wait3A_311 = tpu.memref_slice %arg6[%dma_wait3A_309, %dma_wait3A_310] : memref<125x80xi32, #tpu.memory_space<vmem>> -> memref<1x80xi32, #tpu.memory_space<vmem>>
          %dma_wait3A_312 = tpu.memref_squeeze %dma_wait3A_311 : memref<1x80xi32, #tpu.memory_space<vmem>> -> memref<80xi32, #tpu.memory_space<vmem>>
          %dma_wait3A_313 = arith.constant 0 : i32
          %dma_wait3A_314 = arith.constant 0 : i32
          %dma_wait3A_315 = tpu.memref_slice %arg2[%dma_wait3A_313, %dma_wait3A_314] : memref<10000x64xf32, #tpu.memory_space<hbm>> -> memref<10000x64xf32, #tpu.memory_space<hbm>>
          tpu.wait_indirect_dma semaphore(%arg25 : memref<!tpu.dma_semaphore, #tpu.memory_space<semaphore_mem>>) src(%dma_wait3A_315 : memref<10000x64xf32, #tpu.memory_space<hbm>>) dst(%arg11 : memref<80x64xf32, #tpu.memory_space<vmem>>)
          %dma_start3A_316 = arith.constant 0 : i32
          %dma_start3A_317 = tpu.memref_slice %arg7[%add3A_285, %dma_start3A_316] : memref<125x80xi32, #tpu.memory_space<vmem>> -> memref<1x80xi32, #tpu.memory_space<vmem>>
          %dma_start3A_318 = tpu.memref_squeeze %dma_start3A_317 : memref<1x80xi32, #tpu.memory_space<vmem>> -> memref<80xi32, #tpu.memory_space<vmem>>
          %dma_start3A_319 = arith.constant 0 : i32
          %dma_start3A_320 = arith.constant 0 : i32
          %dma_start3A_321 = tpu.memref_slice %arg21[%dma_start3A_319, %dma_start3A_320] : memref<10240x64xf32, #tpu.memory_space<vmem_shared>> -> memref<10240x64xf32, #tpu.memory_space<vmem_shared>>
          tpu.enqueue_indirect_dma source(%arg11 : memref<80x64xf32, #tpu.memory_space<vmem>>) target(%dma_start3A_321 : memref<10240x64xf32, #tpu.memory_space<vmem_shared>>) offsets(%dma_start3A_318 : memref<80xi32, #tpu.memory_space<vmem>>) semaphore(%arg37 : memref<!tpu.dma_semaphore, #tpu.memory_space<semaphore_mem>>) {add = true}
        } else {
        }
        %mul3A_291 = arith.constant 6 : i32
        %mul3A_292 = arith.muli %scan3A_153, %mul3A_291 : i32
        %add3A_293 = arith.constant 4 : i32
        %add3A_294 = arith.addi %mul3A_292, %add3A_293 : i32
        %lt3A_295 = arith.constant 125 : i32
        %lt3A_296 = arith.cmpi slt, %add3A_294, %lt3A_295 : i32
        %convert_element_type3A_297 = arith.extui %lt3A_296 : i1 to i32
        %cond3A_298 = arith.constant 0 : i32
        %cond3A_299 = arith.cmpi ne, %convert_element_type3A_297, %cond3A_298 : i32
        scf.if %cond3A_299 {
          %dma_wait3A_309 = arith.constant 0 : i32
          %dma_wait3A_310 = arith.constant 0 : i32
          %dma_wait3A_311 = tpu.memref_slice %arg6[%dma_wait3A_309, %dma_wait3A_310] : memref<125x80xi32, #tpu.memory_space<vmem>> -> memref<1x80xi32, #tpu.memory_space<vmem>>
          %dma_wait3A_312 = tpu.memref_squeeze %dma_wait3A_311 : memref<1x80xi32, #tpu.memory_space<vmem>> -> memref<80xi32, #tpu.memory_space<vmem>>
          %dma_wait3A_313 = arith.constant 0 : i32
          %dma_wait3A_314 = arith.constant 0 : i32
          %dma_wait3A_315 = tpu.memref_slice %arg2[%dma_wait3A_313, %dma_wait3A_314] : memref<10000x64xf32, #tpu.memory_space<hbm>> -> memref<10000x64xf32, #tpu.memory_space<hbm>>
          tpu.wait_indirect_dma semaphore(%arg26 : memref<!tpu.dma_semaphore, #tpu.memory_space<semaphore_mem>>) src(%dma_wait3A_315 : memref<10000x64xf32, #tpu.memory_space<hbm>>) dst(%arg12 : memref<80x64xf32, #tpu.memory_space<vmem>>)
          %dma_start3A_316 = arith.constant 0 : i32
          %dma_start3A_317 = tpu.memref_slice %arg7[%add3A_294, %dma_start3A_316] : memref<125x80xi32, #tpu.memory_space<vmem>> -> memref<1x80xi32, #tpu.memory_space<vmem>>
          %dma_start3A_318 = tpu.memref_squeeze %dma_start3A_317 : memref<1x80xi32, #tpu.memory_space<vmem>> -> memref<80xi32, #tpu.memory_space<vmem>>
          %dma_start3A_319 = arith.constant 0 : i32
          %dma_start3A_320 = arith.constant 0 : i32
          %dma_start3A_321 = tpu.memref_slice %arg21[%dma_start3A_319, %dma_start3A_320] : memref<10240x64xf32, #tpu.memory_space<vmem_shared>> -> memref<10240x64xf32, #tpu.memory_space<vmem_shared>>
          tpu.enqueue_indirect_dma source(%arg12 : memref<80x64xf32, #tpu.memory_space<vmem>>) target(%dma_start3A_321 : memref<10240x64xf32, #tpu.memory_space<vmem_shared>>) offsets(%dma_start3A_318 : memref<80xi32, #tpu.memory_space<vmem>>) semaphore(%arg38 : memref<!tpu.dma_semaphore, #tpu.memory_space<semaphore_mem>>) {add = true}
        } else {
        }
        %mul3A_300 = arith.constant 6 : i32
        %mul3A_301 = arith.muli %scan3A_153, %mul3A_300 : i32
        %add3A_302 = arith.constant 5 : i32
        %add3A_303 = arith.addi %mul3A_301, %add3A_302 : i32
        %lt3A_304 = arith.constant 125 : i32
        %lt3A_305 = arith.cmpi slt, %add3A_303, %lt3A_304 : i32
        %convert_element_type3A_306 = arith.extui %lt3A_305 : i1 to i32
        %cond3A_307 = arith.constant 0 : i32
        %cond3A_308 = arith.cmpi ne, %convert_element_type3A_306, %cond3A_307 : i32
        scf.if %cond3A_308 {
          %dma_wait3A_309 = arith.constant 0 : i32
          %dma_wait3A_310 = arith.constant 0 : i32
          %dma_wait3A_311 = tpu.memref_slice %arg6[%dma_wait3A_309, %dma_wait3A_310] : memref<125x80xi32, #tpu.memory_space<vmem>> -> memref<1x80xi32, #tpu.memory_space<vmem>>
          %dma_wait3A_312 = tpu.memref_squeeze %dma_wait3A_311 : memref<1x80xi32, #tpu.memory_space<vmem>> -> memref<80xi32, #tpu.memory_space<vmem>>
          %dma_wait3A_313 = arith.constant 0 : i32
          %dma_wait3A_314 = arith.constant 0 : i32
          %dma_wait3A_315 = tpu.memref_slice %arg2[%dma_wait3A_313, %dma_wait3A_314] : memref<10000x64xf32, #tpu.memory_space<hbm>> -> memref<10000x64xf32, #tpu.memory_space<hbm>>
          tpu.wait_indirect_dma semaphore(%arg27 : memref<!tpu.dma_semaphore, #tpu.memory_space<semaphore_mem>>) src(%dma_wait3A_315 : memref<10000x64xf32, #tpu.memory_space<hbm>>) dst(%arg13 : memref<80x64xf32, #tpu.memory_space<vmem>>)
          %dma_start3A_316 = arith.constant 0 : i32
          %dma_start3A_317 = tpu.memref_slice %arg7[%add3A_303, %dma_start3A_316] : memref<125x80xi32, #tpu.memory_space<vmem>> -> memref<1x80xi32, #tpu.memory_space<vmem>>
          %dma_start3A_318 = tpu.memref_squeeze %dma_start3A_317 : memref<1x80xi32, #tpu.memory_space<vmem>> -> memref<80xi32, #tpu.memory_space<vmem>>
          %dma_start3A_319 = arith.constant 0 : i32
          %dma_start3A_320 = arith.constant 0 : i32
          %dma_start3A_321 = tpu.memref_slice %arg21[%dma_start3A_319, %dma_start3A_320] : memref<10240x64xf32, #tpu.memory_space<vmem_shared>> -> memref<10240x64xf32, #tpu.memory_space<vmem_shared>>
          tpu.enqueue_indirect_dma source(%arg13 : memref<80x64xf32, #tpu.memory_space<vmem>>) target(%dma_start3A_321 : memref<10240x64xf32, #tpu.memory_space<vmem_shared>>) offsets(%dma_start3A_318 : memref<80xi32, #tpu.memory_space<vmem>>) semaphore(%arg39 : memref<!tpu.dma_semaphore, #tpu.memory_space<semaphore_mem>>) {add = true}
        } else {
        }
      } else {
      }
      %jit3A_167 = arith.constant 2 : i32
      %eq3A_168 = arith.constant 0 : i32
      %eq3A_169 = arith.cmpi eq, %jit3A_167, %eq3A_168 : i32
      %jit3A_170 = arith.constant 1 : i32
      %select_n3A_171 = arith.select %eq3A_169, %jit3A_170, %jit3A_167 : i32
      %rem3A_172 = arith.remsi %scan3A_153, %select_n3A_171 : i32
      %ne3A_173 = arith.constant 0 : i32
      %ne3A_174 = arith.cmpi ne, %rem3A_172, %ne3A_173 : i32
      %lt3A_175 = arith.constant 0 : i32
      %lt3A_176 = arith.cmpi slt, %rem3A_172, %lt3A_175 : i32
      %lt3A_177 = arith.constant 0 : i32
      %lt3A_178 = arith.cmpi slt, %select_n3A_171, %lt3A_177 : i32
      %ne3A_179 = arith.xori %lt3A_176, %lt3A_178 : i1
      %and3A_180 = arith.andi %ne3A_179, %ne3A_174 : i1
      %add3A_181 = arith.addi %rem3A_172, %select_n3A_171 : i32
      %select_n3A_182 = arith.select %and3A_180, %add3A_181, %rem3A_172 : i32
      %eq3A_183 = arith.constant 1 : i32
      %eq3A_184 = arith.cmpi eq, %select_n3A_182, %eq3A_183 : i32
      %convert_element_type3A_185 = arith.extui %eq3A_184 : i1 to i32
      %cond3A_186 = arith.constant 0 : i32
      %cond3A_187 = arith.cmpi ne, %convert_element_type3A_185, %cond3A_186 : i32
      scf.if %cond3A_187 {
        %add3A_189 = arith.constant 1 : i32
        %add3A_190 = arith.addi %scan3A_153, %add3A_189 : i32
        %mul3A_191 = arith.constant 6 : i32
        %mul3A_192 = arith.muli %add3A_190, %mul3A_191 : i32
        %add3A_193 = arith.constant 0 : i32
        %add3A_194 = arith.addi %mul3A_192, %add3A_193 : i32
        %lt3A_195 = arith.constant 125 : i32
        %lt3A_196 = arith.cmpi slt, %add3A_194, %lt3A_195 : i32
        %convert_element_type3A_197 = arith.extui %lt3A_196 : i1 to i32
        %cond3A_198 = arith.constant 0 : i32
        %cond3A_199 = arith.cmpi ne, %convert_element_type3A_197, %cond3A_198 : i32
        scf.if %cond3A_199 {
          %gt3A = arith.constant 0 : i32
          %gt3A_309 = arith.cmpi sgt, %scan3A_153, %gt3A : i32
          %convert_element_type3A_310 = arith.extui %gt3A_309 : i1 to i32
          %cond3A_311 = arith.constant 0 : i32
          %cond3A_312 = arith.cmpi ne, %convert_element_type3A_310, %cond3A_311 : i32
          scf.if %cond3A_312 {
            %dma_wait3A_319 = arith.constant 0 : i32
            %dma_wait3A_320 = arith.constant 0 : i32
            %dma_wait3A_321 = tpu.memref_slice %arg7[%dma_wait3A_319, %dma_wait3A_320] : memref<125x80xi32, #tpu.memory_space<vmem>> -> memref<1x80xi32, #tpu.memory_space<vmem>>
            %dma_wait3A_322 = tpu.memref_squeeze %dma_wait3A_321 : memref<1x80xi32, #tpu.memory_space<vmem>> -> memref<80xi32, #tpu.memory_space<vmem>>
            %dma_wait3A_323 = arith.constant 0 : i32
            %dma_wait3A_324 = arith.constant 0 : i32
            %dma_wait3A_325 = tpu.memref_slice %arg21[%dma_wait3A_323, %dma_wait3A_324] : memref<10240x64xf32, #tpu.memory_space<vmem_shared>> -> memref<10240x64xf32, #tpu.memory_space<vmem_shared>>
            tpu.wait_indirect_dma semaphore(%arg34 : memref<!tpu.dma_semaphore, #tpu.memory_space<semaphore_mem>>) src(%arg8 : memref<80x64xf32, #tpu.memory_space<vmem>>) dst(%dma_wait3A_325 : memref<10240x64xf32, #tpu.memory_space<vmem_shared>>)
          } else {
          }
          %dma_start3A_313 = arith.constant 0 : i32
          %dma_start3A_314 = tpu.memref_slice %arg6[%add3A_194, %dma_start3A_313] : memref<125x80xi32, #tpu.memory_space<vmem>> -> memref<1x80xi32, #tpu.memory_space<vmem>>
          %dma_start3A_315 = tpu.memref_squeeze %dma_start3A_314 : memref<1x80xi32, #tpu.memory_space<vmem>> -> memref<80xi32, #tpu.memory_space<vmem>>
          %dma_start3A_316 = arith.constant 0 : i32
          %dma_start3A_317 = arith.constant 0 : i32
          %dma_start3A_318 = tpu.memref_slice %arg2[%dma_start3A_316, %dma_start3A_317] : memref<10000x64xf32, #tpu.memory_space<hbm>> -> memref<10000x64xf32, #tpu.memory_space<hbm>>
          tpu.enqueue_indirect_dma source(%dma_start3A_318 : memref<10000x64xf32, #tpu.memory_space<hbm>>) target(%arg8 : memref<80x64xf32, #tpu.memory_space<vmem>>) offsets(%dma_start3A_315 : memref<80xi32, #tpu.memory_space<vmem>>) semaphore(%arg22 : memref<!tpu.dma_semaphore, #tpu.memory_space<semaphore_mem>>)
        } else {
        }
        %add3A_200 = arith.constant 1 : i32
        %add3A_201 = arith.addi %scan3A_153, %add3A_200 : i32
        %mul3A_202 = arith.constant 6 : i32
        %mul3A_203 = arith.muli %add3A_201, %mul3A_202 : i32
        %add3A_204 = arith.constant 1 : i32
        %add3A_205 = arith.addi %mul3A_203, %add3A_204 : i32
        %lt3A_206 = arith.constant 125 : i32
        %lt3A_207 = arith.cmpi slt, %add3A_205, %lt3A_206 : i32
        %convert_element_type3A_208 = arith.extui %lt3A_207 : i1 to i32
        %cond3A_209 = arith.constant 0 : i32
        %cond3A_210 = arith.cmpi ne, %convert_element_type3A_208, %cond3A_209 : i32
        scf.if %cond3A_210 {
          %gt3A = arith.constant 0 : i32
          %gt3A_309 = arith.cmpi sgt, %scan3A_153, %gt3A : i32
          %convert_element_type3A_310 = arith.extui %gt3A_309 : i1 to i32
          %cond3A_311 = arith.constant 0 : i32
          %cond3A_312 = arith.cmpi ne, %convert_element_type3A_310, %cond3A_311 : i32
          scf.if %cond3A_312 {
            %dma_wait3A_319 = arith.constant 0 : i32
            %dma_wait3A_320 = arith.constant 0 : i32
            %dma_wait3A_321 = tpu.memref_slice %arg7[%dma_wait3A_319, %dma_wait3A_320] : memref<125x80xi32, #tpu.memory_space<vmem>> -> memref<1x80xi32, #tpu.memory_space<vmem>>
            %dma_wait3A_322 = tpu.memref_squeeze %dma_wait3A_321 : memref<1x80xi32, #tpu.memory_space<vmem>> -> memref<80xi32, #tpu.memory_space<vmem>>
            %dma_wait3A_323 = arith.constant 0 : i32
            %dma_wait3A_324 = arith.constant 0 : i32
            %dma_wait3A_325 = tpu.memref_slice %arg21[%dma_wait3A_323, %dma_wait3A_324] : memref<10240x64xf32, #tpu.memory_space<vmem_shared>> -> memref<10240x64xf32, #tpu.memory_space<vmem_shared>>
            tpu.wait_indirect_dma semaphore(%arg35 : memref<!tpu.dma_semaphore, #tpu.memory_space<semaphore_mem>>) src(%arg9 : memref<80x64xf32, #tpu.memory_space<vmem>>) dst(%dma_wait3A_325 : memref<10240x64xf32, #tpu.memory_space<vmem_shared>>)
          } else {
          }
          %dma_start3A_313 = arith.constant 0 : i32
          %dma_start3A_314 = tpu.memref_slice %arg6[%add3A_205, %dma_start3A_313] : memref<125x80xi32, #tpu.memory_space<vmem>> -> memref<1x80xi32, #tpu.memory_space<vmem>>
          %dma_start3A_315 = tpu.memref_squeeze %dma_start3A_314 : memref<1x80xi32, #tpu.memory_space<vmem>> -> memref<80xi32, #tpu.memory_space<vmem>>
          %dma_start3A_316 = arith.constant 0 : i32
          %dma_start3A_317 = arith.constant 0 : i32
          %dma_start3A_318 = tpu.memref_slice %arg2[%dma_start3A_316, %dma_start3A_317] : memref<10000x64xf32, #tpu.memory_space<hbm>> -> memref<10000x64xf32, #tpu.memory_space<hbm>>
          tpu.enqueue_indirect_dma source(%dma_start3A_318 : memref<10000x64xf32, #tpu.memory_space<hbm>>) target(%arg9 : memref<80x64xf32, #tpu.memory_space<vmem>>) offsets(%dma_start3A_315 : memref<80xi32, #tpu.memory_space<vmem>>) semaphore(%arg23 : memref<!tpu.dma_semaphore, #tpu.memory_space<semaphore_mem>>)
        } else {
        }
        %add3A_211 = arith.constant 1 : i32
        %add3A_212 = arith.addi %scan3A_153, %add3A_211 : i32
        %mul3A_213 = arith.constant 6 : i32
        %mul3A_214 = arith.muli %add3A_212, %mul3A_213 : i32
        %add3A_215 = arith.constant 2 : i32
        %add3A_216 = arith.addi %mul3A_214, %add3A_215 : i32
        %lt3A_217 = arith.constant 125 : i32
        %lt3A_218 = arith.cmpi slt, %add3A_216, %lt3A_217 : i32
        %convert_element_type3A_219 = arith.extui %lt3A_218 : i1 to i32
        %cond3A_220 = arith.constant 0 : i32
        %cond3A_221 = arith.cmpi ne, %convert_element_type3A_219, %cond3A_220 : i32
        scf.if %cond3A_221 {
          %gt3A = arith.constant 0 : i32
          %gt3A_309 = arith.cmpi sgt, %scan3A_153, %gt3A : i32
          %convert_element_type3A_310 = arith.extui %gt3A_309 : i1 to i32
          %cond3A_311 = arith.constant 0 : i32
          %cond3A_312 = arith.cmpi ne, %convert_element_type3A_310, %cond3A_311 : i32
          scf.if %cond3A_312 {
            %dma_wait3A_319 = arith.constant 0 : i32
            %dma_wait3A_320 = arith.constant 0 : i32
            %dma_wait3A_321 = tpu.memref_slice %arg7[%dma_wait3A_319, %dma_wait3A_320] : memref<125x80xi32, #tpu.memory_space<vmem>> -> memref<1x80xi32, #tpu.memory_space<vmem>>
            %dma_wait3A_322 = tpu.memref_squeeze %dma_wait3A_321 : memref<1x80xi32, #tpu.memory_space<vmem>> -> memref<80xi32, #tpu.memory_space<vmem>>
            %dma_wait3A_323 = arith.constant 0 : i32
            %dma_wait3A_324 = arith.constant 0 : i32
            %dma_wait3A_325 = tpu.memref_slice %arg21[%dma_wait3A_323, %dma_wait3A_324] : memref<10240x64xf32, #tpu.memory_space<vmem_shared>> -> memref<10240x64xf32, #tpu.memory_space<vmem_shared>>
            tpu.wait_indirect_dma semaphore(%arg36 : memref<!tpu.dma_semaphore, #tpu.memory_space<semaphore_mem>>) src(%arg10 : memref<80x64xf32, #tpu.memory_space<vmem>>) dst(%dma_wait3A_325 : memref<10240x64xf32, #tpu.memory_space<vmem_shared>>)
          } else {
          }
          %dma_start3A_313 = arith.constant 0 : i32
          %dma_start3A_314 = tpu.memref_slice %arg6[%add3A_216, %dma_start3A_313] : memref<125x80xi32, #tpu.memory_space<vmem>> -> memref<1x80xi32, #tpu.memory_space<vmem>>
          %dma_start3A_315 = tpu.memref_squeeze %dma_start3A_314 : memref<1x80xi32, #tpu.memory_space<vmem>> -> memref<80xi32, #tpu.memory_space<vmem>>
          %dma_start3A_316 = arith.constant 0 : i32
          %dma_start3A_317 = arith.constant 0 : i32
          %dma_start3A_318 = tpu.memref_slice %arg2[%dma_start3A_316, %dma_start3A_317] : memref<10000x64xf32, #tpu.memory_space<hbm>> -> memref<10000x64xf32, #tpu.memory_space<hbm>>
          tpu.enqueue_indirect_dma source(%dma_start3A_318 : memref<10000x64xf32, #tpu.memory_space<hbm>>) target(%arg10 : memref<80x64xf32, #tpu.memory_space<vmem>>) offsets(%dma_start3A_315 : memref<80xi32, #tpu.memory_space<vmem>>) semaphore(%arg24 : memref<!tpu.dma_semaphore, #tpu.memory_space<semaphore_mem>>)
        } else {
        }
        %add3A_222 = arith.constant 1 : i32
        %add3A_223 = arith.addi %scan3A_153, %add3A_222 : i32
        %mul3A_224 = arith.constant 6 : i32
        %mul3A_225 = arith.muli %add3A_223, %mul3A_224 : i32
        %add3A_226 = arith.constant 3 : i32
        %add3A_227 = arith.addi %mul3A_225, %add3A_226 : i32
        %lt3A_228 = arith.constant 125 : i32
        %lt3A_229 = arith.cmpi slt, %add3A_227, %lt3A_228 : i32
        %convert_element_type3A_230 = arith.extui %lt3A_229 : i1 to i32
        %cond3A_231 = arith.constant 0 : i32
        %cond3A_232 = arith.cmpi ne, %convert_element_type3A_230, %cond3A_231 : i32
        scf.if %cond3A_232 {
          %gt3A = arith.constant 0 : i32
          %gt3A_309 = arith.cmpi sgt, %scan3A_153, %gt3A : i32
          %convert_element_type3A_310 = arith.extui %gt3A_309 : i1 to i32
          %cond3A_311 = arith.constant 0 : i32
          %cond3A_312 = arith.cmpi ne, %convert_element_type3A_310, %cond3A_311 : i32
          scf.if %cond3A_312 {
            %dma_wait3A_319 = arith.constant 0 : i32
            %dma_wait3A_320 = arith.constant 0 : i32
            %dma_wait3A_321 = tpu.memref_slice %arg7[%dma_wait3A_319, %dma_wait3A_320] : memref<125x80xi32, #tpu.memory_space<vmem>> -> memref<1x80xi32, #tpu.memory_space<vmem>>
            %dma_wait3A_322 = tpu.memref_squeeze %dma_wait3A_321 : memref<1x80xi32, #tpu.memory_space<vmem>> -> memref<80xi32, #tpu.memory_space<vmem>>
            %dma_wait3A_323 = arith.constant 0 : i32
            %dma_wait3A_324 = arith.constant 0 : i32
            %dma_wait3A_325 = tpu.memref_slice %arg21[%dma_wait3A_323, %dma_wait3A_324] : memref<10240x64xf32, #tpu.memory_space<vmem_shared>> -> memref<10240x64xf32, #tpu.memory_space<vmem_shared>>
            tpu.wait_indirect_dma semaphore(%arg37 : memref<!tpu.dma_semaphore, #tpu.memory_space<semaphore_mem>>) src(%arg11 : memref<80x64xf32, #tpu.memory_space<vmem>>) dst(%dma_wait3A_325 : memref<10240x64xf32, #tpu.memory_space<vmem_shared>>)
          } else {
          }
          %dma_start3A_313 = arith.constant 0 : i32
          %dma_start3A_314 = tpu.memref_slice %arg6[%add3A_227, %dma_start3A_313] : memref<125x80xi32, #tpu.memory_space<vmem>> -> memref<1x80xi32, #tpu.memory_space<vmem>>
          %dma_start3A_315 = tpu.memref_squeeze %dma_start3A_314 : memref<1x80xi32, #tpu.memory_space<vmem>> -> memref<80xi32, #tpu.memory_space<vmem>>
          %dma_start3A_316 = arith.constant 0 : i32
          %dma_start3A_317 = arith.constant 0 : i32
          %dma_start3A_318 = tpu.memref_slice %arg2[%dma_start3A_316, %dma_start3A_317] : memref<10000x64xf32, #tpu.memory_space<hbm>> -> memref<10000x64xf32, #tpu.memory_space<hbm>>
          tpu.enqueue_indirect_dma source(%dma_start3A_318 : memref<10000x64xf32, #tpu.memory_space<hbm>>) target(%arg11 : memref<80x64xf32, #tpu.memory_space<vmem>>) offsets(%dma_start3A_315 : memref<80xi32, #tpu.memory_space<vmem>>) semaphore(%arg25 : memref<!tpu.dma_semaphore, #tpu.memory_space<semaphore_mem>>)
        } else {
        }
        %add3A_233 = arith.constant 1 : i32
        %add3A_234 = arith.addi %scan3A_153, %add3A_233 : i32
        %mul3A_235 = arith.constant 6 : i32
        %mul3A_236 = arith.muli %add3A_234, %mul3A_235 : i32
        %add3A_237 = arith.constant 4 : i32
        %add3A_238 = arith.addi %mul3A_236, %add3A_237 : i32
        %lt3A_239 = arith.constant 125 : i32
        %lt3A_240 = arith.cmpi slt, %add3A_238, %lt3A_239 : i32
        %convert_element_type3A_241 = arith.extui %lt3A_240 : i1 to i32
        %cond3A_242 = arith.constant 0 : i32
        %cond3A_243 = arith.cmpi ne, %convert_element_type3A_241, %cond3A_242 : i32
        scf.if %cond3A_243 {
          %gt3A = arith.constant 0 : i32
          %gt3A_309 = arith.cmpi sgt, %scan3A_153, %gt3A : i32
          %convert_element_type3A_310 = arith.extui %gt3A_309 : i1 to i32
          %cond3A_311 = arith.constant 0 : i32
          %cond3A_312 = arith.cmpi ne, %convert_element_type3A_310, %cond3A_311 : i32
          scf.if %cond3A_312 {
            %dma_wait3A_319 = arith.constant 0 : i32
            %dma_wait3A_320 = arith.constant 0 : i32
            %dma_wait3A_321 = tpu.memref_slice %arg7[%dma_wait3A_319, %dma_wait3A_320] : memref<125x80xi32, #tpu.memory_space<vmem>> -> memref<1x80xi32, #tpu.memory_space<vmem>>
            %dma_wait3A_322 = tpu.memref_squeeze %dma_wait3A_321 : memref<1x80xi32, #tpu.memory_space<vmem>> -> memref<80xi32, #tpu.memory_space<vmem>>
            %dma_wait3A_323 = arith.constant 0 : i32
            %dma_wait3A_324 = arith.constant 0 : i32
            %dma_wait3A_325 = tpu.memref_slice %arg21[%dma_wait3A_323, %dma_wait3A_324] : memref<10240x64xf32, #tpu.memory_space<vmem_shared>> -> memref<10240x64xf32, #tpu.memory_space<vmem_shared>>
            tpu.wait_indirect_dma semaphore(%arg38 : memref<!tpu.dma_semaphore, #tpu.memory_space<semaphore_mem>>) src(%arg12 : memref<80x64xf32, #tpu.memory_space<vmem>>) dst(%dma_wait3A_325 : memref<10240x64xf32, #tpu.memory_space<vmem_shared>>)
          } else {
          }
          %dma_start3A_313 = arith.constant 0 : i32
          %dma_start3A_314 = tpu.memref_slice %arg6[%add3A_238, %dma_start3A_313] : memref<125x80xi32, #tpu.memory_space<vmem>> -> memref<1x80xi32, #tpu.memory_space<vmem>>
          %dma_start3A_315 = tpu.memref_squeeze %dma_start3A_314 : memref<1x80xi32, #tpu.memory_space<vmem>> -> memref<80xi32, #tpu.memory_space<vmem>>
          %dma_start3A_316 = arith.constant 0 : i32
          %dma_start3A_317 = arith.constant 0 : i32
          %dma_start3A_318 = tpu.memref_slice %arg2[%dma_start3A_316, %dma_start3A_317] : memref<10000x64xf32, #tpu.memory_space<hbm>> -> memref<10000x64xf32, #tpu.memory_space<hbm>>
          tpu.enqueue_indirect_dma source(%dma_start3A_318 : memref<10000x64xf32, #tpu.memory_space<hbm>>) target(%arg12 : memref<80x64xf32, #tpu.memory_space<vmem>>) offsets(%dma_start3A_315 : memref<80xi32, #tpu.memory_space<vmem>>) semaphore(%arg26 : memref<!tpu.dma_semaphore, #tpu.memory_space<semaphore_mem>>)
        } else {
        }
        %add3A_244 = arith.constant 1 : i32
        %add3A_245 = arith.addi %scan3A_153, %add3A_244 : i32
        %mul3A_246 = arith.constant 6 : i32
        %mul3A_247 = arith.muli %add3A_245, %mul3A_246 : i32
        %add3A_248 = arith.constant 5 : i32
        %add3A_249 = arith.addi %mul3A_247, %add3A_248 : i32
        %lt3A_250 = arith.constant 125 : i32
        %lt3A_251 = arith.cmpi slt, %add3A_249, %lt3A_250 : i32
        %convert_element_type3A_252 = arith.extui %lt3A_251 : i1 to i32
        %cond3A_253 = arith.constant 0 : i32
        %cond3A_254 = arith.cmpi ne, %convert_element_type3A_252, %cond3A_253 : i32
        scf.if %cond3A_254 {
          %gt3A = arith.constant 0 : i32
          %gt3A_309 = arith.cmpi sgt, %scan3A_153, %gt3A : i32
          %convert_element_type3A_310 = arith.extui %gt3A_309 : i1 to i32
          %cond3A_311 = arith.constant 0 : i32
          %cond3A_312 = arith.cmpi ne, %convert_element_type3A_310, %cond3A_311 : i32
          scf.if %cond3A_312 {
            %dma_wait3A_319 = arith.constant 0 : i32
            %dma_wait3A_320 = arith.constant 0 : i32
            %dma_wait3A_321 = tpu.memref_slice %arg7[%dma_wait3A_319, %dma_wait3A_320] : memref<125x80xi32, #tpu.memory_space<vmem>> -> memref<1x80xi32, #tpu.memory_space<vmem>>
            %dma_wait3A_322 = tpu.memref_squeeze %dma_wait3A_321 : memref<1x80xi32, #tpu.memory_space<vmem>> -> memref<80xi32, #tpu.memory_space<vmem>>
            %dma_wait3A_323 = arith.constant 0 : i32
            %dma_wait3A_324 = arith.constant 0 : i32
            %dma_wait3A_325 = tpu.memref_slice %arg21[%dma_wait3A_323, %dma_wait3A_324] : memref<10240x64xf32, #tpu.memory_space<vmem_shared>> -> memref<10240x64xf32, #tpu.memory_space<vmem_shared>>
            tpu.wait_indirect_dma semaphore(%arg39 : memref<!tpu.dma_semaphore, #tpu.memory_space<semaphore_mem>>) src(%arg13 : memref<80x64xf32, #tpu.memory_space<vmem>>) dst(%dma_wait3A_325 : memref<10240x64xf32, #tpu.memory_space<vmem_shared>>)
          } else {
          }
          %dma_start3A_313 = arith.constant 0 : i32
          %dma_start3A_314 = tpu.memref_slice %arg6[%add3A_249, %dma_start3A_313] : memref<125x80xi32, #tpu.memory_space<vmem>> -> memref<1x80xi32, #tpu.memory_space<vmem>>
          %dma_start3A_315 = tpu.memref_squeeze %dma_start3A_314 : memref<1x80xi32, #tpu.memory_space<vmem>> -> memref<80xi32, #tpu.memory_space<vmem>>
          %dma_start3A_316 = arith.constant 0 : i32
          %dma_start3A_317 = arith.constant 0 : i32
          %dma_start3A_318 = tpu.memref_slice %arg2[%dma_start3A_316, %dma_start3A_317] : memref<10000x64xf32, #tpu.memory_space<hbm>> -> memref<10000x64xf32, #tpu.memory_space<hbm>>
          tpu.enqueue_indirect_dma source(%dma_start3A_318 : memref<10000x64xf32, #tpu.memory_space<hbm>>) target(%arg13 : memref<80x64xf32, #tpu.memory_space<vmem>>) offsets(%dma_start3A_315 : memref<80xi32, #tpu.memory_space<vmem>>) semaphore(%arg27 : memref<!tpu.dma_semaphore, #tpu.memory_space<semaphore_mem>>)
        } else {
        }
        %mul3A_255 = arith.constant 6 : i32
        %mul3A_256 = arith.muli %scan3A_153, %mul3A_255 : i32
        %add3A_257 = arith.constant 0 : i32
        %add3A_258 = arith.addi %mul3A_256, %add3A_257 : i32
        %lt3A_259 = arith.constant 125 : i32
        %lt3A_260 = arith.cmpi slt, %add3A_258, %lt3A_259 : i32
        %convert_element_type3A_261 = arith.extui %lt3A_260 : i1 to i32
        %cond3A_262 = arith.constant 0 : i32
        %cond3A_263 = arith.cmpi ne, %convert_element_type3A_261, %cond3A_262 : i32
        scf.if %cond3A_263 {
          %dma_wait3A_309 = arith.constant 0 : i32
          %dma_wait3A_310 = arith.constant 0 : i32
          %dma_wait3A_311 = tpu.memref_slice %arg6[%dma_wait3A_309, %dma_wait3A_310] : memref<125x80xi32, #tpu.memory_space<vmem>> -> memref<1x80xi32, #tpu.memory_space<vmem>>
          %dma_wait3A_312 = tpu.memref_squeeze %dma_wait3A_311 : memref<1x80xi32, #tpu.memory_space<vmem>> -> memref<80xi32, #tpu.memory_space<vmem>>
          %dma_wait3A_313 = arith.constant 0 : i32
          %dma_wait3A_314 = arith.constant 0 : i32
          %dma_wait3A_315 = tpu.memref_slice %arg2[%dma_wait3A_313, %dma_wait3A_314] : memref<10000x64xf32, #tpu.memory_space<hbm>> -> memref<10000x64xf32, #tpu.memory_space<hbm>>
          tpu.wait_indirect_dma semaphore(%arg28 : memref<!tpu.dma_semaphore, #tpu.memory_space<semaphore_mem>>) src(%dma_wait3A_315 : memref<10000x64xf32, #tpu.memory_space<hbm>>) dst(%arg14 : memref<80x64xf32, #tpu.memory_space<vmem>>)
          %dma_start3A_316 = arith.constant 0 : i32
          %dma_start3A_317 = tpu.memref_slice %arg7[%add3A_258, %dma_start3A_316] : memref<125x80xi32, #tpu.memory_space<vmem>> -> memref<1x80xi32, #tpu.memory_space<vmem>>
          %dma_start3A_318 = tpu.memref_squeeze %dma_start3A_317 : memref<1x80xi32, #tpu.memory_space<vmem>> -> memref<80xi32, #tpu.memory_space<vmem>>
          %dma_start3A_319 = arith.constant 0 : i32
          %dma_start3A_320 = arith.constant 0 : i32
          %dma_start3A_321 = tpu.memref_slice %arg21[%dma_start3A_319, %dma_start3A_320] : memref<10240x64xf32, #tpu.memory_space<vmem_shared>> -> memref<10240x64xf32, #tpu.memory_space<vmem_shared>>
          tpu.enqueue_indirect_dma source(%arg14 : memref<80x64xf32, #tpu.memory_space<vmem>>) target(%dma_start3A_321 : memref<10240x64xf32, #tpu.memory_space<vmem_shared>>) offsets(%dma_start3A_318 : memref<80xi32, #tpu.memory_space<vmem>>) semaphore(%arg40 : memref<!tpu.dma_semaphore, #tpu.memory_space<semaphore_mem>>) {add = true}
        } else {
        }
        %mul3A_264 = arith.constant 6 : i32
        %mul3A_265 = arith.muli %scan3A_153, %mul3A_264 : i32
        %add3A_266 = arith.constant 1 : i32
        %add3A_267 = arith.addi %mul3A_265, %add3A_266 : i32
        %lt3A_268 = arith.constant 125 : i32
        %lt3A_269 = arith.cmpi slt, %add3A_267, %lt3A_268 : i32
        %convert_element_type3A_270 = arith.extui %lt3A_269 : i1 to i32
        %cond3A_271 = arith.constant 0 : i32
        %cond3A_272 = arith.cmpi ne, %convert_element_type3A_270, %cond3A_271 : i32
        scf.if %cond3A_272 {
          %dma_wait3A_309 = arith.constant 0 : i32
          %dma_wait3A_310 = arith.constant 0 : i32
          %dma_wait3A_311 = tpu.memref_slice %arg6[%dma_wait3A_309, %dma_wait3A_310] : memref<125x80xi32, #tpu.memory_space<vmem>> -> memref<1x80xi32, #tpu.memory_space<vmem>>
          %dma_wait3A_312 = tpu.memref_squeeze %dma_wait3A_311 : memref<1x80xi32, #tpu.memory_space<vmem>> -> memref<80xi32, #tpu.memory_space<vmem>>
          %dma_wait3A_313 = arith.constant 0 : i32
          %dma_wait3A_314 = arith.constant 0 : i32
          %dma_wait3A_315 = tpu.memref_slice %arg2[%dma_wait3A_313, %dma_wait3A_314] : memref<10000x64xf32, #tpu.memory_space<hbm>> -> memref<10000x64xf32, #tpu.memory_space<hbm>>
          tpu.wait_indirect_dma semaphore(%arg29 : memref<!tpu.dma_semaphore, #tpu.memory_space<semaphore_mem>>) src(%dma_wait3A_315 : memref<10000x64xf32, #tpu.memory_space<hbm>>) dst(%arg15 : memref<80x64xf32, #tpu.memory_space<vmem>>)
          %dma_start3A_316 = arith.constant 0 : i32
          %dma_start3A_317 = tpu.memref_slice %arg7[%add3A_267, %dma_start3A_316] : memref<125x80xi32, #tpu.memory_space<vmem>> -> memref<1x80xi32, #tpu.memory_space<vmem>>
          %dma_start3A_318 = tpu.memref_squeeze %dma_start3A_317 : memref<1x80xi32, #tpu.memory_space<vmem>> -> memref<80xi32, #tpu.memory_space<vmem>>
          %dma_start3A_319 = arith.constant 0 : i32
          %dma_start3A_320 = arith.constant 0 : i32
          %dma_start3A_321 = tpu.memref_slice %arg21[%dma_start3A_319, %dma_start3A_320] : memref<10240x64xf32, #tpu.memory_space<vmem_shared>> -> memref<10240x64xf32, #tpu.memory_space<vmem_shared>>
          tpu.enqueue_indirect_dma source(%arg15 : memref<80x64xf32, #tpu.memory_space<vmem>>) target(%dma_start3A_321 : memref<10240x64xf32, #tpu.memory_space<vmem_shared>>) offsets(%dma_start3A_318 : memref<80xi32, #tpu.memory_space<vmem>>) semaphore(%arg41 : memref<!tpu.dma_semaphore, #tpu.memory_space<semaphore_mem>>) {add = true}
        } else {
        }
        %mul3A_273 = arith.constant 6 : i32
        %mul3A_274 = arith.muli %scan3A_153, %mul3A_273 : i32
        %add3A_275 = arith.constant 2 : i32
        %add3A_276 = arith.addi %mul3A_274, %add3A_275 : i32
        %lt3A_277 = arith.constant 125 : i32
        %lt3A_278 = arith.cmpi slt, %add3A_276, %lt3A_277 : i32
        %convert_element_type3A_279 = arith.extui %lt3A_278 : i1 to i32
        %cond3A_280 = arith.constant 0 : i32
        %cond3A_281 = arith.cmpi ne, %convert_element_type3A_279, %cond3A_280 : i32
        scf.if %cond3A_281 {
          %dma_wait3A_309 = arith.constant 0 : i32
          %dma_wait3A_310 = arith.constant 0 : i32
          %dma_wait3A_311 = tpu.memref_slice %arg6[%dma_wait3A_309, %dma_wait3A_310] : memref<125x80xi32, #tpu.memory_space<vmem>> -> memref<1x80xi32, #tpu.memory_space<vmem>>
          %dma_wait3A_312 = tpu.memref_squeeze %dma_wait3A_311 : memref<1x80xi32, #tpu.memory_space<vmem>> -> memref<80xi32, #tpu.memory_space<vmem>>
          %dma_wait3A_313 = arith.constant 0 : i32
          %dma_wait3A_314 = arith.constant 0 : i32
          %dma_wait3A_315 = tpu.memref_slice %arg2[%dma_wait3A_313, %dma_wait3A_314] : memref<10000x64xf32, #tpu.memory_space<hbm>> -> memref<10000x64xf32, #tpu.memory_space<hbm>>
          tpu.wait_indirect_dma semaphore(%arg30 : memref<!tpu.dma_semaphore, #tpu.memory_space<semaphore_mem>>) src(%dma_wait3A_315 : memref<10000x64xf32, #tpu.memory_space<hbm>>) dst(%arg16 : memref<80x64xf32, #tpu.memory_space<vmem>>)
          %dma_start3A_316 = arith.constant 0 : i32
          %dma_start3A_317 = tpu.memref_slice %arg7[%add3A_276, %dma_start3A_316] : memref<125x80xi32, #tpu.memory_space<vmem>> -> memref<1x80xi32, #tpu.memory_space<vmem>>
          %dma_start3A_318 = tpu.memref_squeeze %dma_start3A_317 : memref<1x80xi32, #tpu.memory_space<vmem>> -> memref<80xi32, #tpu.memory_space<vmem>>
          %dma_start3A_319 = arith.constant 0 : i32
          %dma_start3A_320 = arith.constant 0 : i32
          %dma_start3A_321 = tpu.memref_slice %arg21[%dma_start3A_319, %dma_start3A_320] : memref<10240x64xf32, #tpu.memory_space<vmem_shared>> -> memref<10240x64xf32, #tpu.memory_space<vmem_shared>>
          tpu.enqueue_indirect_dma source(%arg16 : memref<80x64xf32, #tpu.memory_space<vmem>>) target(%dma_start3A_321 : memref<10240x64xf32, #tpu.memory_space<vmem_shared>>) offsets(%dma_start3A_318 : memref<80xi32, #tpu.memory_space<vmem>>) semaphore(%arg42 : memref<!tpu.dma_semaphore, #tpu.memory_space<semaphore_mem>>) {add = true}
        } else {
        }
        %mul3A_282 = arith.constant 6 : i32
        %mul3A_283 = arith.muli %scan3A_153, %mul3A_282 : i32
        %add3A_284 = arith.constant 3 : i32
        %add3A_285 = arith.addi %mul3A_283, %add3A_284 : i32
        %lt3A_286 = arith.constant 125 : i32
        %lt3A_287 = arith.cmpi slt, %add3A_285, %lt3A_286 : i32
        %convert_element_type3A_288 = arith.extui %lt3A_287 : i1 to i32
        %cond3A_289 = arith.constant 0 : i32
        %cond3A_290 = arith.cmpi ne, %convert_element_type3A_288, %cond3A_289 : i32
        scf.if %cond3A_290 {
          %dma_wait3A_309 = arith.constant 0 : i32
          %dma_wait3A_310 = arith.constant 0 : i32
          %dma_wait3A_311 = tpu.memref_slice %arg6[%dma_wait3A_309, %dma_wait3A_310] : memref<125x80xi32, #tpu.memory_space<vmem>> -> memref<1x80xi32, #tpu.memory_space<vmem>>
          %dma_wait3A_312 = tpu.memref_squeeze %dma_wait3A_311 : memref<1x80xi32, #tpu.memory_space<vmem>> -> memref<80xi32, #tpu.memory_space<vmem>>
          %dma_wait3A_313 = arith.constant 0 : i32
          %dma_wait3A_314 = arith.constant 0 : i32
          %dma_wait3A_315 = tpu.memref_slice %arg2[%dma_wait3A_313, %dma_wait3A_314] : memref<10000x64xf32, #tpu.memory_space<hbm>> -> memref<10000x64xf32, #tpu.memory_space<hbm>>
          tpu.wait_indirect_dma semaphore(%arg31 : memref<!tpu.dma_semaphore, #tpu.memory_space<semaphore_mem>>) src(%dma_wait3A_315 : memref<10000x64xf32, #tpu.memory_space<hbm>>) dst(%arg17 : memref<80x64xf32, #tpu.memory_space<vmem>>)
          %dma_start3A_316 = arith.constant 0 : i32
          %dma_start3A_317 = tpu.memref_slice %arg7[%add3A_285, %dma_start3A_316] : memref<125x80xi32, #tpu.memory_space<vmem>> -> memref<1x80xi32, #tpu.memory_space<vmem>>
          %dma_start3A_318 = tpu.memref_squeeze %dma_start3A_317 : memref<1x80xi32, #tpu.memory_space<vmem>> -> memref<80xi32, #tpu.memory_space<vmem>>
          %dma_start3A_319 = arith.constant 0 : i32
          %dma_start3A_320 = arith.constant 0 : i32
          %dma_start3A_321 = tpu.memref_slice %arg21[%dma_start3A_319, %dma_start3A_320] : memref<10240x64xf32, #tpu.memory_space<vmem_shared>> -> memref<10240x64xf32, #tpu.memory_space<vmem_shared>>
          tpu.enqueue_indirect_dma source(%arg17 : memref<80x64xf32, #tpu.memory_space<vmem>>) target(%dma_start3A_321 : memref<10240x64xf32, #tpu.memory_space<vmem_shared>>) offsets(%dma_start3A_318 : memref<80xi32, #tpu.memory_space<vmem>>) semaphore(%arg43 : memref<!tpu.dma_semaphore, #tpu.memory_space<semaphore_mem>>) {add = true}
        } else {
        }
        %mul3A_291 = arith.constant 6 : i32
        %mul3A_292 = arith.muli %scan3A_153, %mul3A_291 : i32
        %add3A_293 = arith.constant 4 : i32
        %add3A_294 = arith.addi %mul3A_292, %add3A_293 : i32
        %lt3A_295 = arith.constant 125 : i32
        %lt3A_296 = arith.cmpi slt, %add3A_294, %lt3A_295 : i32
        %convert_element_type3A_297 = arith.extui %lt3A_296 : i1 to i32
        %cond3A_298 = arith.constant 0 : i32
        %cond3A_299 = arith.cmpi ne, %convert_element_type3A_297, %cond3A_298 : i32
        scf.if %cond3A_299 {
          %dma_wait3A_309 = arith.constant 0 : i32
          %dma_wait3A_310 = arith.constant 0 : i32
          %dma_wait3A_311 = tpu.memref_slice %arg6[%dma_wait3A_309, %dma_wait3A_310] : memref<125x80xi32, #tpu.memory_space<vmem>> -> memref<1x80xi32, #tpu.memory_space<vmem>>
          %dma_wait3A_312 = tpu.memref_squeeze %dma_wait3A_311 : memref<1x80xi32, #tpu.memory_space<vmem>> -> memref<80xi32, #tpu.memory_space<vmem>>
          %dma_wait3A_313 = arith.constant 0 : i32
          %dma_wait3A_314 = arith.constant 0 : i32
          %dma_wait3A_315 = tpu.memref_slice %arg2[%dma_wait3A_313, %dma_wait3A_314] : memref<10000x64xf32, #tpu.memory_space<hbm>> -> memref<10000x64xf32, #tpu.memory_space<hbm>>
          tpu.wait_indirect_dma semaphore(%arg32 : memref<!tpu.dma_semaphore, #tpu.memory_space<semaphore_mem>>) src(%dma_wait3A_315 : memref<10000x64xf32, #tpu.memory_space<hbm>>) dst(%arg18 : memref<80x64xf32, #tpu.memory_space<vmem>>)
          %dma_start3A_316 = arith.constant 0 : i32
          %dma_start3A_317 = tpu.memref_slice %arg7[%add3A_294, %dma_start3A_316] : memref<125x80xi32, #tpu.memory_space<vmem>> -> memref<1x80xi32, #tpu.memory_space<vmem>>
          %dma_start3A_318 = tpu.memref_squeeze %dma_start3A_317 : memref<1x80xi32, #tpu.memory_space<vmem>> -> memref<80xi32, #tpu.memory_space<vmem>>
          %dma_start3A_319 = arith.constant 0 : i32
          %dma_start3A_320 = arith.constant 0 : i32
          %dma_start3A_321 = tpu.memref_slice %arg21[%dma_start3A_319, %dma_start3A_320] : memref<10240x64xf32, #tpu.memory_space<vmem_shared>> -> memref<10240x64xf32, #tpu.memory_space<vmem_shared>>
          tpu.enqueue_indirect_dma source(%arg18 : memref<80x64xf32, #tpu.memory_space<vmem>>) target(%dma_start3A_321 : memref<10240x64xf32, #tpu.memory_space<vmem_shared>>) offsets(%dma_start3A_318 : memref<80xi32, #tpu.memory_space<vmem>>) semaphore(%arg44 : memref<!tpu.dma_semaphore, #tpu.memory_space<semaphore_mem>>) {add = true}
        } else {
        }
        %mul3A_300 = arith.constant 6 : i32
        %mul3A_301 = arith.muli %scan3A_153, %mul3A_300 : i32
        %add3A_302 = arith.constant 5 : i32
        %add3A_303 = arith.addi %mul3A_301, %add3A_302 : i32
        %lt3A_304 = arith.constant 125 : i32
        %lt3A_305 = arith.cmpi slt, %add3A_303, %lt3A_304 : i32
        %convert_element_type3A_306 = arith.extui %lt3A_305 : i1 to i32
        %cond3A_307 = arith.constant 0 : i32
        %cond3A_308 = arith.cmpi ne, %convert_element_type3A_306, %cond3A_307 : i32
        scf.if %cond3A_308 {
          %dma_wait3A_309 = arith.constant 0 : i32
          %dma_wait3A_310 = arith.constant 0 : i32
          %dma_wait3A_311 = tpu.memref_slice %arg6[%dma_wait3A_309, %dma_wait3A_310] : memref<125x80xi32, #tpu.memory_space<vmem>> -> memref<1x80xi32, #tpu.memory_space<vmem>>
          %dma_wait3A_312 = tpu.memref_squeeze %dma_wait3A_311 : memref<1x80xi32, #tpu.memory_space<vmem>> -> memref<80xi32, #tpu.memory_space<vmem>>
          %dma_wait3A_313 = arith.constant 0 : i32
          %dma_wait3A_314 = arith.constant 0 : i32
          %dma_wait3A_315 = tpu.memref_slice %arg2[%dma_wait3A_313, %dma_wait3A_314] : memref<10000x64xf32, #tpu.memory_space<hbm>> -> memref<10000x64xf32, #tpu.memory_space<hbm>>
          tpu.wait_indirect_dma semaphore(%arg33 : memref<!tpu.dma_semaphore, #tpu.memory_space<semaphore_mem>>) src(%dma_wait3A_315 : memref<10000x64xf32, #tpu.memory_space<hbm>>) dst(%arg19 : memref<80x64xf32, #tpu.memory_space<vmem>>)
          %dma_start3A_316 = arith.constant 0 : i32
          %dma_start3A_317 = tpu.memref_slice %arg7[%add3A_303, %dma_start3A_316] : memref<125x80xi32, #tpu.memory_space<vmem>> -> memref<1x80xi32, #tpu.memory_space<vmem>>
          %dma_start3A_318 = tpu.memref_squeeze %dma_start3A_317 : memref<1x80xi32, #tpu.memory_space<vmem>> -> memref<80xi32, #tpu.memory_space<vmem>>
          %dma_start3A_319 = arith.constant 0 : i32
          %dma_start3A_320 = arith.constant 0 : i32
          %dma_start3A_321 = tpu.memref_slice %arg21[%dma_start3A_319, %dma_start3A_320] : memref<10240x64xf32, #tpu.memory_space<vmem_shared>> -> memref<10240x64xf32, #tpu.memory_space<vmem_shared>>
          tpu.enqueue_indirect_dma source(%arg19 : memref<80x64xf32, #tpu.memory_space<vmem>>) target(%dma_start3A_321 : memref<10240x64xf32, #tpu.memory_space<vmem_shared>>) offsets(%dma_start3A_318 : memref<80xi32, #tpu.memory_space<vmem>>) semaphore(%arg45 : memref<!tpu.dma_semaphore, #tpu.memory_space<semaphore_mem>>) {add = true}
        } else {
        }
      } else {
      }
      %scan3A_188 = arith.constant 0 : i32
      scf.yield %scan3A_188 : i32
    }
    %scan3A_64 = arith.constant 21 : i32
    %dma_wait3A = arith.constant 0 : i32
    %dma_wait3A_65 = arith.constant 0 : i32
    %dma_wait3A_66 = tpu.memref_slice %arg7[%dma_wait3A, %dma_wait3A_65] : memref<125x80xi32, #tpu.memory_space<vmem>> -> memref<1x80xi32, #tpu.memory_space<vmem>>
    %dma_wait3A_67 = tpu.memref_squeeze %dma_wait3A_66 : memref<1x80xi32, #tpu.memory_space<vmem>> -> memref<80xi32, #tpu.memory_space<vmem>>
    %dma_wait3A_68 = arith.constant 0 : i32
    %dma_wait3A_69 = arith.constant 0 : i32
    %dma_wait3A_70 = tpu.memref_slice %arg21[%dma_wait3A_68, %dma_wait3A_69] : memref<10240x64xf32, #tpu.memory_space<vmem_shared>> -> memref<10240x64xf32, #tpu.memory_space<vmem_shared>>
    tpu.wait_indirect_dma semaphore(%arg38 : memref<!tpu.dma_semaphore, #tpu.memory_space<semaphore_mem>>) src(%arg8 : memref<80x64xf32, #tpu.memory_space<vmem>>) dst(%dma_wait3A_70 : memref<10240x64xf32, #tpu.memory_space<vmem_shared>>)
    %dma_wait3A_71 = arith.constant 0 : i32
    %dma_wait3A_72 = arith.constant 0 : i32
    %dma_wait3A_73 = tpu.memref_slice %arg7[%dma_wait3A_71, %dma_wait3A_72] : memref<125x80xi32, #tpu.memory_space<vmem>> -> memref<1x80xi32, #tpu.memory_space<vmem>>
    %dma_wait3A_74 = tpu.memref_squeeze %dma_wait3A_73 : memref<1x80xi32, #tpu.memory_space<vmem>> -> memref<80xi32, #tpu.memory_space<vmem>>
    %dma_wait3A_75 = arith.constant 0 : i32
    %dma_wait3A_76 = arith.constant 0 : i32
    %dma_wait3A_77 = tpu.memref_slice %arg21[%dma_wait3A_75, %dma_wait3A_76] : memref<10240x64xf32, #tpu.memory_space<vmem_shared>> -> memref<10240x64xf32, #tpu.memory_space<vmem_shared>>
    tpu.wait_indirect_dma semaphore(%arg37 : memref<!tpu.dma_semaphore, #tpu.memory_space<semaphore_mem>>) src(%arg8 : memref<80x64xf32, #tpu.memory_space<vmem>>) dst(%dma_wait3A_77 : memref<10240x64xf32, #tpu.memory_space<vmem_shared>>)
    %dma_wait3A_78 = arith.constant 0 : i32
    %dma_wait3A_79 = arith.constant 0 : i32
    %dma_wait3A_80 = tpu.memref_slice %arg7[%dma_wait3A_78, %dma_wait3A_79] : memref<125x80xi32, #tpu.memory_space<vmem>> -> memref<1x80xi32, #tpu.memory_space<vmem>>
    %dma_wait3A_81 = tpu.memref_squeeze %dma_wait3A_80 : memref<1x80xi32, #tpu.memory_space<vmem>> -> memref<80xi32, #tpu.memory_space<vmem>>
    %dma_wait3A_82 = arith.constant 0 : i32
    %dma_wait3A_83 = arith.constant 0 : i32
    %dma_wait3A_84 = tpu.memref_slice %arg21[%dma_wait3A_82, %dma_wait3A_83] : memref<10240x64xf32, #tpu.memory_space<vmem_shared>> -> memref<10240x64xf32, #tpu.memory_space<vmem_shared>>
    tpu.wait_indirect_dma semaphore(%arg36 : memref<!tpu.dma_semaphore, #tpu.memory_space<semaphore_mem>>) src(%arg8 : memref<80x64xf32, #tpu.memory_space<vmem>>) dst(%dma_wait3A_84 : memref<10240x64xf32, #tpu.memory_space<vmem_shared>>)
    %dma_wait3A_85 = arith.constant 0 : i32
    %dma_wait3A_86 = arith.constant 0 : i32
    %dma_wait3A_87 = tpu.memref_slice %arg7[%dma_wait3A_85, %dma_wait3A_86] : memref<125x80xi32, #tpu.memory_space<vmem>> -> memref<1x80xi32, #tpu.memory_space<vmem>>
    %dma_wait3A_88 = tpu.memref_squeeze %dma_wait3A_87 : memref<1x80xi32, #tpu.memory_space<vmem>> -> memref<80xi32, #tpu.memory_space<vmem>>
    %dma_wait3A_89 = arith.constant 0 : i32
    %dma_wait3A_90 = arith.constant 0 : i32
    %dma_wait3A_91 = tpu.memref_slice %arg21[%dma_wait3A_89, %dma_wait3A_90] : memref<10240x64xf32, #tpu.memory_space<vmem_shared>> -> memref<10240x64xf32, #tpu.memory_space<vmem_shared>>
    tpu.wait_indirect_dma semaphore(%arg35 : memref<!tpu.dma_semaphore, #tpu.memory_space<semaphore_mem>>) src(%arg8 : memref<80x64xf32, #tpu.memory_space<vmem>>) dst(%dma_wait3A_91 : memref<10240x64xf32, #tpu.memory_space<vmem_shared>>)
    %dma_wait3A_92 = arith.constant 0 : i32
    %dma_wait3A_93 = arith.constant 0 : i32
    %dma_wait3A_94 = tpu.memref_slice %arg7[%dma_wait3A_92, %dma_wait3A_93] : memref<125x80xi32, #tpu.memory_space<vmem>> -> memref<1x80xi32, #tpu.memory_space<vmem>>
    %dma_wait3A_95 = tpu.memref_squeeze %dma_wait3A_94 : memref<1x80xi32, #tpu.memory_space<vmem>> -> memref<80xi32, #tpu.memory_space<vmem>>
    %dma_wait3A_96 = arith.constant 0 : i32
    %dma_wait3A_97 = arith.constant 0 : i32
    %dma_wait3A_98 = tpu.memref_slice %arg21[%dma_wait3A_96, %dma_wait3A_97] : memref<10240x64xf32, #tpu.memory_space<vmem_shared>> -> memref<10240x64xf32, #tpu.memory_space<vmem_shared>>
    tpu.wait_indirect_dma semaphore(%arg34 : memref<!tpu.dma_semaphore, #tpu.memory_space<semaphore_mem>>) src(%arg8 : memref<80x64xf32, #tpu.memory_space<vmem>>) dst(%dma_wait3A_98 : memref<10240x64xf32, #tpu.memory_space<vmem_shared>>)
    %dma_wait3A_99 = arith.constant 0 : i32
    %dma_wait3A_100 = arith.constant 0 : i32
    %dma_wait3A_101 = tpu.memref_slice %arg7[%dma_wait3A_99, %dma_wait3A_100] : memref<125x80xi32, #tpu.memory_space<vmem>> -> memref<1x80xi32, #tpu.memory_space<vmem>>
    %dma_wait3A_102 = tpu.memref_squeeze %dma_wait3A_101 : memref<1x80xi32, #tpu.memory_space<vmem>> -> memref<80xi32, #tpu.memory_space<vmem>>
    %dma_wait3A_103 = arith.constant 0 : i32
    %dma_wait3A_104 = arith.constant 0 : i32
    %dma_wait3A_105 = tpu.memref_slice %arg21[%dma_wait3A_103, %dma_wait3A_104] : memref<10240x64xf32, #tpu.memory_space<vmem_shared>> -> memref<10240x64xf32, #tpu.memory_space<vmem_shared>>
    tpu.wait_indirect_dma semaphore(%arg45 : memref<!tpu.dma_semaphore, #tpu.memory_space<semaphore_mem>>) src(%arg8 : memref<80x64xf32, #tpu.memory_space<vmem>>) dst(%dma_wait3A_105 : memref<10240x64xf32, #tpu.memory_space<vmem_shared>>)
    %dma_wait3A_106 = arith.constant 0 : i32
    %dma_wait3A_107 = arith.constant 0 : i32
    %dma_wait3A_108 = tpu.memref_slice %arg7[%dma_wait3A_106, %dma_wait3A_107] : memref<125x80xi32, #tpu.memory_space<vmem>> -> memref<1x80xi32, #tpu.memory_space<vmem>>
    %dma_wait3A_109 = tpu.memref_squeeze %dma_wait3A_108 : memref<1x80xi32, #tpu.memory_space<vmem>> -> memref<80xi32, #tpu.memory_space<vmem>>
    %dma_wait3A_110 = arith.constant 0 : i32
    %dma_wait3A_111 = arith.constant 0 : i32
    %dma_wait3A_112 = tpu.memref_slice %arg21[%dma_wait3A_110, %dma_wait3A_111] : memref<10240x64xf32, #tpu.memory_space<vmem_shared>> -> memref<10240x64xf32, #tpu.memory_space<vmem_shared>>
    tpu.wait_indirect_dma semaphore(%arg44 : memref<!tpu.dma_semaphore, #tpu.memory_space<semaphore_mem>>) src(%arg8 : memref<80x64xf32, #tpu.memory_space<vmem>>) dst(%dma_wait3A_112 : memref<10240x64xf32, #tpu.memory_space<vmem_shared>>)
    %dma_wait3A_113 = arith.constant 0 : i32
    %dma_wait3A_114 = arith.constant 0 : i32
    %dma_wait3A_115 = tpu.memref_slice %arg7[%dma_wait3A_113, %dma_wait3A_114] : memref<125x80xi32, #tpu.memory_space<vmem>> -> memref<1x80xi32, #tpu.memory_space<vmem>>
    %dma_wait3A_116 = tpu.memref_squeeze %dma_wait3A_115 : memref<1x80xi32, #tpu.memory_space<vmem>> -> memref<80xi32, #tpu.memory_space<vmem>>
    %dma_wait3A_117 = arith.constant 0 : i32
    %dma_wait3A_118 = arith.constant 0 : i32
    %dma_wait3A_119 = tpu.memref_slice %arg21[%dma_wait3A_117, %dma_wait3A_118] : memref<10240x64xf32, #tpu.memory_space<vmem_shared>> -> memref<10240x64xf32, #tpu.memory_space<vmem_shared>>
    tpu.wait_indirect_dma semaphore(%arg43 : memref<!tpu.dma_semaphore, #tpu.memory_space<semaphore_mem>>) src(%arg8 : memref<80x64xf32, #tpu.memory_space<vmem>>) dst(%dma_wait3A_119 : memref<10240x64xf32, #tpu.memory_space<vmem_shared>>)
    %dma_wait3A_120 = arith.constant 0 : i32
    %dma_wait3A_121 = arith.constant 0 : i32
    %dma_wait3A_122 = tpu.memref_slice %arg7[%dma_wait3A_120, %dma_wait3A_121] : memref<125x80xi32, #tpu.memory_space<vmem>> -> memref<1x80xi32, #tpu.memory_space<vmem>>
    %dma_wait3A_123 = tpu.memref_squeeze %dma_wait3A_122 : memref<1x80xi32, #tpu.memory_space<vmem>> -> memref<80xi32, #tpu.memory_space<vmem>>
    %dma_wait3A_124 = arith.constant 0 : i32
    %dma_wait3A_125 = arith.constant 0 : i32
    %dma_wait3A_126 = tpu.memref_slice %arg21[%dma_wait3A_124, %dma_wait3A_125] : memref<10240x64xf32, #tpu.memory_space<vmem_shared>> -> memref<10240x64xf32, #tpu.memory_space<vmem_shared>>
    tpu.wait_indirect_dma semaphore(%arg42 : memref<!tpu.dma_semaphore, #tpu.memory_space<semaphore_mem>>) src(%arg8 : memref<80x64xf32, #tpu.memory_space<vmem>>) dst(%dma_wait3A_126 : memref<10240x64xf32, #tpu.memory_space<vmem_shared>>)
    %dma_wait3A_127 = arith.constant 0 : i32
    %dma_wait3A_128 = arith.constant 0 : i32
    %dma_wait3A_129 = tpu.memref_slice %arg7[%dma_wait3A_127, %dma_wait3A_128] : memref<125x80xi32, #tpu.memory_space<vmem>> -> memref<1x80xi32, #tpu.memory_space<vmem>>
    %dma_wait3A_130 = tpu.memref_squeeze %dma_wait3A_129 : memref<1x80xi32, #tpu.memory_space<vmem>> -> memref<80xi32, #tpu.memory_space<vmem>>
    %dma_wait3A_131 = arith.constant 0 : i32
    %dma_wait3A_132 = arith.constant 0 : i32
    %dma_wait3A_133 = tpu.memref_slice %arg21[%dma_wait3A_131, %dma_wait3A_132] : memref<10240x64xf32, #tpu.memory_space<vmem_shared>> -> memref<10240x64xf32, #tpu.memory_space<vmem_shared>>
    tpu.wait_indirect_dma semaphore(%arg41 : memref<!tpu.dma_semaphore, #tpu.memory_space<semaphore_mem>>) src(%arg8 : memref<80x64xf32, #tpu.memory_space<vmem>>) dst(%dma_wait3A_133 : memref<10240x64xf32, #tpu.memory_space<vmem_shared>>)
    %dma_wait3A_134 = arith.constant 0 : i32
    %dma_wait3A_135 = arith.constant 0 : i32
    %dma_wait3A_136 = tpu.memref_slice %arg7[%dma_wait3A_134, %dma_wait3A_135] : memref<125x80xi32, #tpu.memory_space<vmem>> -> memref<1x80xi32, #tpu.memory_space<vmem>>
    %dma_wait3A_137 = tpu.memref_squeeze %dma_wait3A_136 : memref<1x80xi32, #tpu.memory_space<vmem>> -> memref<80xi32, #tpu.memory_space<vmem>>
    %dma_wait3A_138 = arith.constant 0 : i32
    %dma_wait3A_139 = arith.constant 0 : i32
    %dma_wait3A_140 = tpu.memref_slice %arg21[%dma_wait3A_138, %dma_wait3A_139] : memref<10240x64xf32, #tpu.memory_space<vmem_shared>> -> memref<10240x64xf32, #tpu.memory_space<vmem_shared>>
    tpu.wait_indirect_dma semaphore(%arg40 : memref<!tpu.dma_semaphore, #tpu.memory_space<semaphore_mem>>) src(%arg8 : memref<80x64xf32, #tpu.memory_space<vmem>>) dst(%dma_wait3A_140 : memref<10240x64xf32, #tpu.memory_space<vmem_shared>>)
    %dma_wait3A_141 = arith.constant 0 : i32
    %dma_wait3A_142 = arith.constant 0 : i32
    %dma_wait3A_143 = tpu.memref_slice %arg7[%dma_wait3A_141, %dma_wait3A_142] : memref<125x80xi32, #tpu.memory_space<vmem>> -> memref<1x80xi32, #tpu.memory_space<vmem>>
    %dma_wait3A_144 = tpu.memref_squeeze %dma_wait3A_143 : memref<1x80xi32, #tpu.memory_space<vmem>> -> memref<80xi32, #tpu.memory_space<vmem>>
    %dma_wait3A_145 = arith.constant 0 : i32
    %dma_wait3A_146 = arith.constant 0 : i32
    %dma_wait3A_147 = tpu.memref_slice %arg21[%dma_wait3A_145, %dma_wait3A_146] : memref<10240x64xf32, #tpu.memory_space<vmem_shared>> -> memref<10240x64xf32, #tpu.memory_space<vmem_shared>>
    tpu.wait_indirect_dma semaphore(%arg39 : memref<!tpu.dma_semaphore, #tpu.memory_space<semaphore_mem>>) src(%arg8 : memref<80x64xf32, #tpu.memory_space<vmem>>) dst(%dma_wait3A_147 : memref<10240x64xf32, #tpu.memory_space<vmem_shared>>)
    %barrier3A_148 = arith.constant 0 : index
    tpu.barrier barrier_id(%barrier3A_148)
    %mul3A_149 = arith.constant 640 : i32
    %mul3A_150 = arith.muli %arg1, %mul3A_149 : i32
    %mul3A_151 = arith.constant 640 : i32
    %mul3A_152 = arith.muli %arg1, %mul3A_151 : i32
    "tpu.region"() ({
      %run_scoped3A = tpu.sem_alloc : memref<!tpu.dma_semaphore, #tpu.memory_space<semaphore_mem>>
      %dma_start3A_153 = arith.constant 0 : i32
      %dma_start3A_154 = tpu.memref_slice %arg5[%arg0, %mul3A_152, %dma_start3A_153] : memref<2x10240x64xf32, #tpu.memory_space<hbm>> -> memref<1x640x64xf32, #tpu.memory_space<hbm>>
      %dma_start3A_155 = tpu.memref_squeeze %dma_start3A_154 : memref<1x640x64xf32, #tpu.memory_space<hbm>> -> memref<640x64xf32, #tpu.memory_space<hbm>>
      %dma_start3A_156 = arith.constant 0 : i32
      %dma_start3A_157 = tpu.memref_slice %arg21[%mul3A_150, %dma_start3A_156] : memref<10240x64xf32, #tpu.memory_space<vmem_shared>> -> memref<640x64xf32, #tpu.memory_space<vmem_shared>>
      tpu.enqueue_dma source(%dma_start3A_157 : memref<640x64xf32, #tpu.memory_space<vmem_shared>>) target(%dma_start3A_155 : memref<640x64xf32, #tpu.memory_space<hbm>>) target_semaphore(%run_scoped3A : memref<!tpu.dma_semaphore, #tpu.memory_space<semaphore_mem>>)
      %dma_wait3A_158 = arith.constant 0 : i32
      %dma_wait3A_159 = tpu.memref_slice %arg5[%arg0, %mul3A_152, %dma_wait3A_158] : memref<2x10240x64xf32, #tpu.memory_space<hbm>> -> memref<1x640x64xf32, #tpu.memory_space<hbm>>
      %dma_wait3A_160 = tpu.memref_squeeze %dma_wait3A_159 : memref<1x640x64xf32, #tpu.memory_space<hbm>> -> memref<640x64xf32, #tpu.memory_space<hbm>>
      %dma_wait3A_161 = arith.constant 0 : i32
      %dma_wait3A_162 = tpu.memref_slice %arg21[%mul3A_150, %dma_wait3A_161] : memref<10240x64xf32, #tpu.memory_space<vmem_shared>> -> memref<640x64xf32, #tpu.memory_space<vmem_shared>>
      tpu.wait_dma2 semaphore(%run_scoped3A : memref<!tpu.dma_semaphore, #tpu.memory_space<semaphore_mem>>) src(%dma_wait3A_162 : memref<640x64xf32, #tpu.memory_space<vmem_shared>>) dst(%dma_wait3A_160 : memref<640x64xf32, #tpu.memory_space<hbm>>)
      tpu.yield
    }) : () -> ()
    return
  }
}

#map = affine_map<(d0, d1) -> (0, 0, 0)>
#map1 = affine_map<(d0, d1) -> (0)>
module attributes {stable_mosaic.version = 14 : i64} {
  func.func @_deg_body(%arg0: i32, %arg1: i32, %arg2: memref<32x125x80xi32, #tpu.memory_space<hbm>>, %arg3: memref<20480xf32, #tpu.memory_space<hbm>>, %arg4: memref<125x80xi32, #tpu.memory_space<vmem>>, %arg5: memref<80xf32, #tpu.memory_space<vmem>>, %arg6: memref<640xf32, #tpu.memory_space<vmem>>, %arg7: memref<10240xf32, #tpu.memory_space<vmem_shared>>, %arg8: memref<!tpu.dma_semaphore, #tpu.memory_space<semaphore_mem>>, %arg9: memref<!tpu.dma_semaphore, #tpu.memory_space<semaphore_mem>>) attributes {dimension_semantics = [#tpu.dimension_semantics<core_parallel>, #tpu.dimension_semantics<subcore_parallel>], iteration_bounds = array<i64: 2, 16>, scalar_prefetch = 0 : i64, scratch_operands = 6 : i64, tpu.core_type = #tpu.core_type<sc_vector_subcore>, window_params = [{transform_indices = #map}, {transform_indices = #map1}]} {
    %scan3A = arith.constant 0 : i32
    %scan3A_0 = arith.constant 0 : i32
    %scan3A_1 = arith.constant 5 : i32
    %scan3A_2 = arith.addi %scan3A_0, %scan3A_1 : i32
    %scan3A_3 = arith.constant 1 : i32
    %scan3A_4 = scf.for %scan3A_38 = %scan3A_0 to %scan3A_2 step %scan3A_3 iter_args(%scan3A_39 = %scan3A) -> (i32)  : i32 {
      %broadcast_in_dim3A = arith.constant 1.000000e+00 : f32
      %broadcast_in_dim3A_40 = vector.broadcast %broadcast_in_dim3A : f32 to vector<16xf32>
      %mul3A_41 = arith.constant 16 : i32
      %mul3A_42 = arith.muli %scan3A_38, %mul3A_41 : i32
      %swap3A = arith.index_cast %mul3A_42 : i32 to index
      %swap3A_43 = tpu.vector_load %arg5[%swap3A] {strides = array<i32>} : memref<80xf32, #tpu.memory_space<vmem>>, vector<16xf32>,
      %swap3A_44 = vector.shape_cast %swap3A_43 : vector<16xf32> to vector<16xf32>
      %swap3A_45 = vector.shape_cast %broadcast_in_dim3A_40 : vector<16xf32> to vector<16xf32>
      tpu.vector_store %arg5[%swap3A], %swap3A_45 {strides = array<i32>} : memref<80xf32, #tpu.memory_space<vmem>>, vector<16xf32>,
      %scan3A_46 = arith.constant 0 : i32
      scf.yield %scan3A_46 : i32
    }
    %scan3A_5 = arith.constant 5 : i32
    %scan3A_6 = arith.constant 0 : i32
    %scan3A_7 = arith.constant 0 : i32
    %scan3A_8 = arith.constant 40 : i32
    %scan3A_9 = arith.addi %scan3A_7, %scan3A_8 : i32
    %scan3A_10 = arith.constant 1 : i32
    %scan3A_11 = scf.for %scan3A_38 = %scan3A_7 to %scan3A_9 step %scan3A_10 iter_args(%scan3A_39 = %scan3A_6) -> (i32)  : i32 {
      %broadcast_in_dim3A = arith.constant 0.000000e+00 : f32
      %broadcast_in_dim3A_40 = vector.broadcast %broadcast_in_dim3A : f32 to vector<16xf32>
      %mul3A_41 = arith.constant 16 : i32
      %mul3A_42 = arith.muli %scan3A_38, %mul3A_41 : i32
      %swap3A = arith.index_cast %mul3A_42 : i32 to index
      %swap3A_43 = tpu.vector_load %arg6[%swap3A] {strides = array<i32>} : memref<640xf32, #tpu.memory_space<vmem>>, vector<16xf32>,
      %swap3A_44 = vector.shape_cast %swap3A_43 : vector<16xf32> to vector<16xf32>
      %swap3A_45 = vector.shape_cast %broadcast_in_dim3A_40 : vector<16xf32> to vector<16xf32>
      tpu.vector_store %arg6[%swap3A], %swap3A_45 {strides = array<i32>} : memref<640xf32, #tpu.memory_space<vmem>>, vector<16xf32>,
      %scan3A_46 = arith.constant 0 : i32
      scf.yield %scan3A_46 : i32
    }
    %scan3A_12 = arith.constant 40 : i32
    %mul3A = arith.constant 640 : i32
    %mul3A_13 = arith.muli %arg1, %mul3A : i32
    "tpu.region"() ({
      %run_scoped3A = tpu.sem_alloc : memref<!tpu.dma_semaphore, #tpu.memory_space<semaphore_mem>>
      %dma_start3A = tpu.memref_slice %arg7[%mul3A_13] : memref<10240xf32, #tpu.memory_space<vmem_shared>> -> memref<640xf32, #tpu.memory_space<vmem_shared>>
      %dma_start3A_38 = tpu.memref_slice %arg7[%mul3A_13] : memref<10240xf32, #tpu.memory_space<vmem_shared>> -> memref<640xf32, #tpu.memory_space<vmem_shared>>
      tpu.enqueue_dma source(%arg6 : memref<640xf32, #tpu.memory_space<vmem>>) target(%dma_start3A_38 : memref<640xf32, #tpu.memory_space<vmem_shared>>) target_semaphore(%run_scoped3A : memref<!tpu.dma_semaphore, #tpu.memory_space<semaphore_mem>>)
      %dma_wait3A = tpu.memref_slice %arg7[%mul3A_13] : memref<10240xf32, #tpu.memory_space<vmem_shared>> -> memref<640xf32, #tpu.memory_space<vmem_shared>>
      %dma_wait3A_39 = tpu.memref_slice %arg7[%mul3A_13] : memref<10240xf32, #tpu.memory_space<vmem_shared>> -> memref<640xf32, #tpu.memory_space<vmem_shared>>
      tpu.wait_dma2 semaphore(%run_scoped3A : memref<!tpu.dma_semaphore, #tpu.memory_space<semaphore_mem>>) src(%arg6 : memref<640xf32, #tpu.memory_space<vmem>>) dst(%dma_wait3A_39 : memref<640xf32, #tpu.memory_space<vmem_shared>>)
      tpu.yield
    }) : () -> ()
    %barrier3A = arith.constant 0 : index
    tpu.barrier barrier_id(%barrier3A)
    %mul3A_14 = arith.constant 16 : i32
    %mul3A_15 = arith.muli %arg0, %mul3A_14 : i32
    %add3A = arith.addi %mul3A_15, %arg1 : i32
    "tpu.region"() ({
      %run_scoped3A = tpu.sem_alloc : memref<!tpu.dma_semaphore, #tpu.memory_space<semaphore_mem>>
      %dma_start3A = arith.constant 0 : i32
      %dma_start3A_38 = arith.constant 0 : i32
      %dma_start3A_39 = tpu.memref_slice %arg2[%add3A, %dma_start3A, %dma_start3A_38] : memref<32x125x80xi32, #tpu.memory_space<hbm>> -> memref<1x125x80xi32, #tpu.memory_space<hbm>>
      %dma_start3A_40 = tpu.memref_squeeze %dma_start3A_39 : memref<1x125x80xi32, #tpu.memory_space<hbm>> -> memref<125x80xi32, #tpu.memory_space<hbm>>
      %dma_start3A_41 = arith.constant 0 : i32
      %dma_start3A_42 = arith.constant 0 : i32
      %dma_start3A_43 = tpu.memref_slice %arg2[%add3A, %dma_start3A_41, %dma_start3A_42] : memref<32x125x80xi32, #tpu.memory_space<hbm>> -> memref<1x125x80xi32, #tpu.memory_space<hbm>>
      %dma_start3A_44 = tpu.memref_squeeze %dma_start3A_43 : memref<1x125x80xi32, #tpu.memory_space<hbm>> -> memref<125x80xi32, #tpu.memory_space<hbm>>
      tpu.enqueue_dma source(%dma_start3A_44 : memref<125x80xi32, #tpu.memory_space<hbm>>) target(%arg4 : memref<125x80xi32, #tpu.memory_space<vmem>>) target_semaphore(%run_scoped3A : memref<!tpu.dma_semaphore, #tpu.memory_space<semaphore_mem>>)
      %dma_wait3A = arith.constant 0 : i32
      %dma_wait3A_45 = arith.constant 0 : i32
      %dma_wait3A_46 = tpu.memref_slice %arg2[%add3A, %dma_wait3A, %dma_wait3A_45] : memref<32x125x80xi32, #tpu.memory_space<hbm>> -> memref<1x125x80xi32, #tpu.memory_space<hbm>>
      %dma_wait3A_47 = tpu.memref_squeeze %dma_wait3A_46 : memref<1x125x80xi32, #tpu.memory_space<hbm>> -> memref<125x80xi32, #tpu.memory_space<hbm>>
      %dma_wait3A_48 = arith.constant 0 : i32
      %dma_wait3A_49 = arith.constant 0 : i32
      %dma_wait3A_50 = tpu.memref_slice %arg2[%add3A, %dma_wait3A_48, %dma_wait3A_49] : memref<32x125x80xi32, #tpu.memory_space<hbm>> -> memref<1x125x80xi32, #tpu.memory_space<hbm>>
      %dma_wait3A_51 = tpu.memref_squeeze %dma_wait3A_50 : memref<1x125x80xi32, #tpu.memory_space<hbm>> -> memref<125x80xi32, #tpu.memory_space<hbm>>
      tpu.wait_dma2 semaphore(%run_scoped3A : memref<!tpu.dma_semaphore, #tpu.memory_space<semaphore_mem>>) src(%dma_wait3A_51 : memref<125x80xi32, #tpu.memory_space<hbm>>) dst(%arg4 : memref<125x80xi32, #tpu.memory_space<vmem>>)
      tpu.yield
    }) : () -> ()
    %scan3A_16 = arith.constant 0 : i32
    %scan3A_17 = arith.constant 0 : i32
    %scan3A_18 = arith.constant 125 : i32
    %scan3A_19 = arith.addi %scan3A_17, %scan3A_18 : i32
    %scan3A_20 = arith.constant 1 : i32
    %scan3A_21 = scf.for %scan3A_38 = %scan3A_17 to %scan3A_19 step %scan3A_20 iter_args(%scan3A_39 = %scan3A_16) -> (i32)  : i32 {
      %dma_start3A = arith.constant 0 : i32
      %dma_start3A_40 = tpu.memref_slice %arg4[%scan3A_38, %dma_start3A] : memref<125x80xi32, #tpu.memory_space<vmem>> -> memref<1x80xi32, #tpu.memory_space<vmem>>
      %dma_start3A_41 = tpu.memref_squeeze %dma_start3A_40 : memref<1x80xi32, #tpu.memory_space<vmem>> -> memref<80xi32, #tpu.memory_space<vmem>>
      %dma_start3A_42 = arith.constant 0 : i32
      %dma_start3A_43 = tpu.memref_slice %arg7[%dma_start3A_42] : memref<10240xf32, #tpu.memory_space<vmem_shared>> -> memref<10240xf32, #tpu.memory_space<vmem_shared>>
      tpu.enqueue_indirect_dma source(%arg5 : memref<80xf32, #tpu.memory_space<vmem>>) target(%dma_start3A_43 : memref<10240xf32, #tpu.memory_space<vmem_shared>>) offsets(%dma_start3A_41 : memref<80xi32, #tpu.memory_space<vmem>>) semaphore(%arg9 : memref<!tpu.dma_semaphore, #tpu.memory_space<semaphore_mem>>) {add = true}
      %scan3A_44 = arith.constant 0 : i32
      scf.yield %scan3A_44 : i32
    }
    %scan3A_22 = arith.constant 125 : i32
    %scan3A_23 = arith.constant 0 : i32
    %scan3A_24 = arith.constant 0 : i32
    %scan3A_25 = arith.constant 125 : i32
    %scan3A_26 = arith.addi %scan3A_24, %scan3A_25 : i32
    %scan3A_27 = arith.constant 1 : i32
    %scan3A_28 = scf.for %scan3A_38 = %scan3A_24 to %scan3A_26 step %scan3A_27 iter_args(%scan3A_39 = %scan3A_23) -> (i32)  : i32 {
      %dma_wait3A = arith.constant 0 : i32
      %dma_wait3A_40 = arith.constant 0 : i32
      %dma_wait3A_41 = tpu.memref_slice %arg4[%dma_wait3A, %dma_wait3A_40] : memref<125x80xi32, #tpu.memory_space<vmem>> -> memref<1x80xi32, #tpu.memory_space<vmem>>
      %dma_wait3A_42 = tpu.memref_squeeze %dma_wait3A_41 : memref<1x80xi32, #tpu.memory_space<vmem>> -> memref<80xi32, #tpu.memory_space<vmem>>
      %dma_wait3A_43 = arith.constant 0 : i32
      %dma_wait3A_44 = tpu.memref_slice %arg7[%dma_wait3A_43] : memref<10240xf32, #tpu.memory_space<vmem_shared>> -> memref<10240xf32, #tpu.memory_space<vmem_shared>>
      tpu.wait_indirect_dma semaphore(%arg9 : memref<!tpu.dma_semaphore, #tpu.memory_space<semaphore_mem>>) src(%arg5 : memref<80xf32, #tpu.memory_space<vmem>>) dst(%dma_wait3A_44 : memref<10240xf32, #tpu.memory_space<vmem_shared>>)
      %scan3A_45 = arith.constant 0 : i32
      scf.yield %scan3A_45 : i32
    }
    %scan3A_29 = arith.constant 125 : i32
    %barrier3A_30 = arith.constant 0 : index
    tpu.barrier barrier_id(%barrier3A_30)
    %mul3A_31 = arith.constant 640 : i32
    %mul3A_32 = arith.muli %arg1, %mul3A_31 : i32
    %mul3A_33 = arith.constant 10240 : i32
    %mul3A_34 = arith.muli %arg0, %mul3A_33 : i32
    %mul3A_35 = arith.constant 640 : i32
    %mul3A_36 = arith.muli %arg1, %mul3A_35 : i32
    %add3A_37 = arith.addi %mul3A_34, %mul3A_36 : i32
    "tpu.region"() ({
      %run_scoped3A = tpu.sem_alloc : memref<!tpu.dma_semaphore, #tpu.memory_space<semaphore_mem>>
      %dma_start3A = tpu.memref_slice %arg3[%add3A_37] : memref<20480xf32, #tpu.memory_space<hbm>> -> memref<640xf32, #tpu.memory_space<hbm>>
      %dma_start3A_38 = tpu.memref_slice %arg7[%mul3A_32] : memref<10240xf32, #tpu.memory_space<vmem_shared>> -> memref<640xf32, #tpu.memory_space<vmem_shared>>
      tpu.enqueue_dma source(%dma_start3A_38 : memref<640xf32, #tpu.memory_space<vmem_shared>>) target(%dma_start3A : memref<640xf32, #tpu.memory_space<hbm>>) target_semaphore(%run_scoped3A : memref<!tpu.dma_semaphore, #tpu.memory_space<semaphore_mem>>)
      %dma_wait3A = tpu.memref_slice %arg3[%add3A_37] : memref<20480xf32, #tpu.memory_space<hbm>> -> memref<640xf32, #tpu.memory_space<hbm>>
      %dma_wait3A_39 = tpu.memref_slice %arg7[%mul3A_32] : memref<10240xf32, #tpu.memory_space<vmem_shared>> -> memref<640xf32, #tpu.memory_space<vmem_shared>>
      tpu.wait_dma2 semaphore(%run_scoped3A : memref<!tpu.dma_semaphore, #tpu.memory_space<semaphore_mem>>) src(%dma_wait3A_39 : memref<640xf32, #tpu.memory_space<vmem_shared>>) dst(%dma_wait3A : memref<640xf32, #tpu.memory_space<hbm>>)
      tpu.yield
    }) : () -> ()
    return
  }
}

module attributes {stable_mosaic.version = 14 : i64} {
  func.func @_prep_body(%arg0: i32, %arg1: memref<10000x128xf32, #tpu.memory_space<vmem>>, %arg2: memref<128x64xf32, #tpu.memory_space<vmem>>, %arg3: memref<10000x1xf32, #tpu.memory_space<vmem>>, %arg4: memref<10000x1xf32, #tpu.memory_space<vmem>>, %arg5: memref<10000x64xf32, #tpu.memory_space<vmem>>, %arg6: memref<10000x1xf32, #tpu.memory_space<vmem>>, %arg7: memref<10000x1xf32, #tpu.memory_space<vmem>>) attributes {dimension_semantics = [#tpu.dimension_semantics<arbitrary>], iteration_bounds = array<i64: 1>, scalar_prefetch = 0 : i64, scratch_operands = 0 : i64, tpu.core_type = #tpu.core_type<tc>, window_params = [{transform_indices = @transform_0, window_bounds = array<i64: 10000, 128>}, {pipeline_mode = #tpu.pipeline_mode<synchronous>, transform_indices = @transform_1, window_bounds = array<i64: 128, 64>}, {transform_indices = @transform_2, window_bounds = array<i64: 10000, 1>}, {transform_indices = @transform_3, window_bounds = array<i64: 10000, 1>}, {transform_indices = @transform_4, window_bounds = array<i64: 10000, 64>}, {transform_indices = @transform_5, window_bounds = array<i64: 10000, 1>}, {transform_indices = @transform_6, window_bounds = array<i64: 10000, 1>}]} {
    %get3A = arith.constant 0 : index
    %get3A_0 = arith.constant 0 : index
    %get3A_1 = vector.load %arg3[%get3A, %get3A_0] : memref<10000x1xf32, #tpu.memory_space<vmem>>, vector<10000x1xf32>
    %get3A_2 = arith.constant 0 : index
    %get3A_3 = arith.constant 0 : index
    %get3A_4 = vector.load %arg4[%get3A_2, %get3A_3] : memref<10000x1xf32, #tpu.memory_space<vmem>>, vector<10000x1xf32>
    %add3A = arith.addf %get3A_1, %get3A_4 : vector<10000x1xf32>
    %max3A = arith.constant 1.000000e+00 : f32
    %max3A_5 = vector.broadcast %max3A : f32 to vector<10000x1xf32>
    %max3A_6 = arith.maximumf %add3A, %max3A_5 : vector<10000x1xf32>
    %rsqrt3A = math.rsqrt %max3A_6 : vector<10000x1xf32>
    %get3A_7 = arith.constant 0 : index
    %get3A_8 = arith.constant 0 : index
    %get3A_9 = vector.load %arg1[%get3A_7, %get3A_8] : memref<10000x128xf32, #tpu.memory_space<vmem>>, vector<10000x128xf32>
    %get3A_10 = arith.constant 0 : index
    %get3A_11 = arith.constant 0 : index
    %get3A_12 = vector.load %arg2[%get3A_10, %get3A_11] : memref<128x64xf32, #tpu.memory_space<vmem>>, vector<128x64xf32>
    %dot_general3A = arith.constant dense<0.000000e+00> : vector<10000x64xf32>
    %dot_general3A_13 = tpu.matmul %get3A_9, %get3A_12, %dot_general3A {dimension_numbers = #tpu.dot_dimension_numbers<[1], [0], [0], [1], [0, 0, 1, 1], [], []>, transpose_lhs_hint = false} : vector<10000x128xf32>, vector<128x64xf32>, vector<10000x64xf32> -> vector<10000x64xf32>
    %mul3A = vector.broadcast %rsqrt3A : vector<10000x1xf32> to vector<10000x64xf32>
    %mul3A_14 = arith.mulf %dot_general3A_13, %mul3A : vector<10000x64xf32>
    %swap3A = arith.constant 0 : index
    %swap3A_15 = arith.constant 0 : index
    %swap3A_16 = vector.load %arg5[%swap3A, %swap3A_15] : memref<10000x64xf32, #tpu.memory_space<vmem>>, vector<10000x64xf32>
    tpu.vector_store %arg5[%swap3A, %swap3A_15], %mul3A_14 {strides = array<i32>} : memref<10000x64xf32, #tpu.memory_space<vmem>>, vector<10000x64xf32>,
    %swap3A_17 = arith.constant 0 : index
    %swap3A_18 = arith.constant 0 : index
    %swap3A_19 = vector.load %arg6[%swap3A_17, %swap3A_18] : memref<10000x1xf32, #tpu.memory_space<vmem>>, vector<10000x1xf32>
    tpu.vector_store %arg6[%swap3A_17, %swap3A_18], %rsqrt3A {strides = array<i32>} : memref<10000x1xf32, #tpu.memory_space<vmem>>, vector<10000x1xf32>,
    %div3A = arith.constant 1.000000e+00 : f32
    %div3A_20 = vector.broadcast %div3A : f32 to vector<10000x1xf32>
    %div3A_21 = arith.divf %div3A_20, %max3A_6 : vector<10000x1xf32>
    %swap3A_22 = arith.constant 0 : index
    %swap3A_23 = arith.constant 0 : index
    %swap3A_24 = vector.load %arg7[%swap3A_22, %swap3A_23] : memref<10000x1xf32, #tpu.memory_space<vmem>>, vector<10000x1xf32>
    tpu.vector_store %arg7[%swap3A_22, %swap3A_23], %div3A_21 {strides = array<i32>} : memref<10000x1xf32, #tpu.memory_space<vmem>>, vector<10000x1xf32>,
    return
  }
  func.func @transform_0(%arg0: i32) -> (i32, i32) {
    %c0_i32 = arith.constant 0 : i32
    %c0_i32_0 = arith.constant 0 : i32
    return %arg0, %c0_i32 : i32, i32
  }
  func.func @transform_1(%arg0: i32) -> (i32, i32) {
    %c0_i32 = arith.constant 0 : i32
    %c0_i32_0 = arith.constant 0 : i32
    %c0_i32_1 = arith.constant 0 : i32
    return %c0_i32, %c0_i32_0 : i32, i32
  }
  func.func @transform_2(%arg0: i32) -> (i32, i32) {
    %c0_i32 = arith.constant 0 : i32
    %c0_i32_0 = arith.constant 0 : i32
    return %arg0, %c0_i32 : i32, i32
  }
  func.func @transform_3(%arg0: i32) -> (i32, i32) {
    %c0_i32 = arith.constant 0 : i32
    %c0_i32_0 = arith.constant 0 : i32
    return %arg0, %c0_i32 : i32, i32
  }
  func.func @transform_4(%arg0: i32) -> (i32, i32) {
    %c0_i32 = arith.constant 0 : i32
    %c0_i32_0 = arith.constant 0 : i32
    return %arg0, %c0_i32 : i32, i32
  }
  func.func @transform_5(%arg0: i32) -> (i32, i32) {
    %c0_i32 = arith.constant 0 : i32
    %c0_i32_0 = arith.constant 0 : i32
    return %arg0, %c0_i32 : i32, i32
  }
  func.func @transform_6(%arg0: i32) -> (i32, i32) {
    %c0_i32 = arith.constant 0 : i32
    %c0_i32_0 = arith.constant 0 : i32
    return %arg0, %c0_i32 : i32, i32
  }
}

module attributes {stable_mosaic.version = 14 : i64} {
  func.func @_mid_body(%arg0: i32, %arg1: memref<10000x64xf32, #tpu.memory_space<vmem>>, %arg2: memref<10000x64xf32, #tpu.memory_space<vmem>>, %arg3: memref<10000x1xf32, #tpu.memory_space<vmem>>, %arg4: memref<10000x64xf32, #tpu.memory_space<vmem>>) attributes {dimension_semantics = [#tpu.dimension_semantics<arbitrary>], iteration_bounds = array<i64: 1>, scalar_prefetch = 0 : i64, scratch_operands = 0 : i64, tpu.core_type = #tpu.core_type<tc>, window_params = [{transform_indices = @transform_0, window_bounds = array<i64: 10000, 64>}, {transform_indices = @transform_1, window_bounds = array<i64: 10000, 64>}, {transform_indices = @transform_2, window_bounds = array<i64: 10000, 1>}, {transform_indices = @transform_3, window_bounds = array<i64: 10000, 64>}]} {
    %get3A = arith.constant 0 : index
    %get3A_0 = arith.constant 0 : index
    %get3A_1 = vector.load %arg1[%get3A, %get3A_0] : memref<10000x64xf32, #tpu.memory_space<vmem>>, vector<10000x64xf32>
    %get3A_2 = arith.constant 0 : index
    %get3A_3 = arith.constant 0 : index
    %get3A_4 = vector.load %arg2[%get3A_2, %get3A_3] : memref<10000x64xf32, #tpu.memory_space<vmem>>, vector<10000x64xf32>
    %add3A = arith.addf %get3A_1, %get3A_4 : vector<10000x64xf32>
    %get3A_5 = arith.constant 0 : index
    %get3A_6 = arith.constant 0 : index
    %get3A_7 = vector.load %arg3[%get3A_5, %get3A_6] : memref<10000x1xf32, #tpu.memory_space<vmem>>, vector<10000x1xf32>
    %mul3A = vector.broadcast %get3A_7 : vector<10000x1xf32> to vector<10000x64xf32>
    %mul3A_8 = arith.mulf %add3A, %mul3A : vector<10000x64xf32>
    %swap3A = arith.constant 0 : index
    %swap3A_9 = arith.constant 0 : index
    %swap3A_10 = vector.load %arg4[%swap3A, %swap3A_9] : memref<10000x64xf32, #tpu.memory_space<vmem>>, vector<10000x64xf32>
    tpu.vector_store %arg4[%swap3A, %swap3A_9], %mul3A_8 {strides = array<i32>} : memref<10000x64xf32, #tpu.memory_space<vmem>>, vector<10000x64xf32>,
    return
  }
  func.func @transform_0(%arg0: i32) -> (i32, i32) {
    %c0_i32 = arith.constant 0 : i32
    %c0_i32_0 = arith.constant 0 : i32
    return %arg0, %c0_i32 : i32, i32
  }
  func.func @transform_1(%arg0: i32) -> (i32, i32) {
    %c0_i32 = arith.constant 0 : i32
    %c0_i32_0 = arith.constant 0 : i32
    return %arg0, %c0_i32 : i32, i32
  }
  func.func @transform_2(%arg0: i32) -> (i32, i32) {
    %c0_i32 = arith.constant 0 : i32
    %c0_i32_0 = arith.constant 0 : i32
    return %arg0, %c0_i32 : i32, i32
  }
  func.func @transform_3(%arg0: i32) -> (i32, i32) {
    %c0_i32 = arith.constant 0 : i32
    %c0_i32_0 = arith.constant 0 : i32
    return %arg0, %c0_i32 : i32, i32
  }
}

module attributes {stable_mosaic.version = 14 : i64} {
  func.func @_final_body(%arg0: i32, %arg1: memref<10000x64xf32, #tpu.memory_space<vmem>>, %arg2: memref<10000x64xf32, #tpu.memory_space<vmem>>, %arg3: memref<10000x1xf32, #tpu.memory_space<vmem>>, %arg4: memref<1x64xf32, #tpu.memory_space<vmem>>, %arg5: memref<10000x64xf32, #tpu.memory_space<vmem>>) attributes {dimension_semantics = [#tpu.dimension_semantics<arbitrary>], iteration_bounds = array<i64: 1>, scalar_prefetch = 0 : i64, scratch_operands = 0 : i64, tpu.core_type = #tpu.core_type<tc>, window_params = [{transform_indices = @transform_0, window_bounds = array<i64: 10000, 64>}, {transform_indices = @transform_1, window_bounds = array<i64: 10000, 64>}, {transform_indices = @transform_2, window_bounds = array<i64: 10000, 1>}, {pipeline_mode = #tpu.pipeline_mode<synchronous>, transform_indices = @transform_3, window_bounds = array<i64: 1, 64>}, {transform_indices = @transform_4, window_bounds = array<i64: 10000, 64>}]} {
    %get3A = arith.constant 0 : index
    %get3A_0 = arith.constant 0 : index
    %get3A_1 = vector.load %arg1[%get3A, %get3A_0] : memref<10000x64xf32, #tpu.memory_space<vmem>>, vector<10000x64xf32>
    %get3A_2 = arith.constant 0 : index
    %get3A_3 = arith.constant 0 : index
    %get3A_4 = vector.load %arg2[%get3A_2, %get3A_3] : memref<10000x64xf32, #tpu.memory_space<vmem>>, vector<10000x64xf32>
    %add3A = arith.addf %get3A_1, %get3A_4 : vector<10000x64xf32>
    %get3A_5 = arith.constant 0 : index
    %get3A_6 = arith.constant 0 : index
    %get3A_7 = vector.load %arg3[%get3A_5, %get3A_6] : memref<10000x1xf32, #tpu.memory_space<vmem>>, vector<10000x1xf32>
    %mul3A = vector.broadcast %get3A_7 : vector<10000x1xf32> to vector<10000x64xf32>
    %mul3A_8 = arith.mulf %add3A, %mul3A : vector<10000x64xf32>
    %get3A_9 = arith.constant 0 : index
    %get3A_10 = arith.constant 0 : index
    %get3A_11 = vector.load %arg4[%get3A_9, %get3A_10] : memref<1x64xf32, #tpu.memory_space<vmem>>, vector<1x64xf32>
    %add3A_12 = vector.broadcast %get3A_11 : vector<1x64xf32> to vector<10000x64xf32>
    %add3A_13 = arith.addf %mul3A_8, %add3A_12 : vector<10000x64xf32>
    %swap3A = arith.constant 0 : index
    %swap3A_14 = arith.constant 0 : index
    %swap3A_15 = vector.load %arg5[%swap3A, %swap3A_14] : memref<10000x64xf32, #tpu.memory_space<vmem>>, vector<10000x64xf32>
    tpu.vector_store %arg5[%swap3A, %swap3A_14], %add3A_13 {strides = array<i32>} : memref<10000x64xf32, #tpu.memory_space<vmem>>, vector<10000x64xf32>,
    return
  }
  func.func @transform_0(%arg0: i32) -> (i32, i32) {
    %c0_i32 = arith.constant 0 : i32
    %c0_i32_0 = arith.constant 0 : i32
    return %arg0, %c0_i32 : i32, i32
  }
  func.func @transform_1(%arg0: i32) -> (i32, i32) {
    %c0_i32 = arith.constant 0 : i32
    %c0_i32_0 = arith.constant 0 : i32
    return %arg0, %c0_i32 : i32, i32
  }
  func.func @transform_2(%arg0: i32) -> (i32, i32) {
    %c0_i32 = arith.constant 0 : i32
    %c0_i32_0 = arith.constant 0 : i32
    return %arg0, %c0_i32 : i32, i32
  }
  func.func @transform_3(%arg0: i32) -> (i32, i32) {
    %c0_i32 = arith.constant 0 : i32
    %c0_i32_0 = arith.constant 0 : i32
    %c0_i32_1 = arith.constant 0 : i32
    return %c0_i32, %c0_i32_0 : i32, i32
  }
  func.func @transform_4(%arg0: i32) -> (i32, i32) {
    %c0_i32 = arith.constant 0 : i32
    %c0_i32_0 = arith.constant 0 : i32
    return %arg0, %c0_i32 : i32, i32
  }
}

</mosaic_0001>

<sc_bundles>
// kernel: kernel.11.cloned.1.call-start
scs
__scs_entry_jumppad:
0x0: {  	(pc) =	sbr.rel $0x88, $3  }
0x1: {  	(tag) =	ssettag $0x0;
	lr =	simm.s32 $0x1  }
0x2: {  	[smem:$0x3F9D] =	sst lr;
	_ =	strace $0xD0000000  }
0x3: {  	_ = 	snop  }
0x4: {  	_ = 	snop  }
0x5: {  	_ = 	snop  }
0x6: {  	_ = 	snop  }
0x7: {  	_ = 	snop  }
__scs_overlays_trampoline_lowered:
0x8: {  	[smem:$0x3FAC] =	sst s0  }
0x9: {  	[smem:$0x3FAD] =	sst s1  }
0xa: {  	[smem:$0x3FAE] =	sst s2  }
0xb: {  	[smem:$0x3FAF] =	sst s3  }
0xc: {  	[smem:$0x3FB0] =	sst s4  }
0xd: {  	[smem:$0x3FB1] =	sst s5  }
0xe: {  	[smem:$0x3FB2] =	sst s6  }
0xf: {  	[smem:$0x3FB3] =	sst s7  }
0x10: {  	[smem:$0x3FB4] =	sst s8  }
0x11: {  	[smem:$0x3FB5] =	sst s9;
	s0 =	simm.s32 @!p0 $0x0  }
0x12: {  	s1 =	sld [smem:$0x3F9B];
	s0 =	simm.s32 @p0 $0x1  }
0x13: {  	[smem:$0x3FB6] =	sst s0;
	s0 =	simm.s32 @!p1 $0x0  }
0x14: {  	s2 =	sld [smem:$0x3F9A];
	s0 =	simm.s32 @p1 $0x1  }
0x15: {  	[smem:$0x3FB7] =	sst s0;
	s0 =	simm.s32 @!p2 $0x0  }
0x16: {  	s3 =	sld [smem:$0x3FDB];
	s0 =	simm.s32 @p2 $0x1  }
0x17: {  	s4 =	simm.s32 $0x1BF5;
	[smem:$0x3FB9] =	sst s0  }
0x18: {  	s0 =	sld [smem:$0x3F9C];
	_ =	swait.ge [sflag:s4], $0x0  }
0x19: {  	s7 =	sld [smem:$0x3F9D]  }
0x1a: {  	s8 =	sadd.s32 $0xFFFFE003, lr  }
0x1b: {  	s9 =	sadd.s32 $0xFFFFFEF7, lr;
	s5 =	simm.s32 $0xFFFFFFFF;
	p2 =	slt.u32 s8, $0xFFFFF086  }
0x1c: {  	p1 =	slt.u32 s9, $0xF7A;
	s5 =	simm.s32 @!p2 $0x0  }
0x1d: {  	s5 =	simm.s32 @p1 $0x1;
	p0 =	seq.s32 s7, s2  }
0x1e: {  	s7 =	smul.u32 @!p0 $0xF7A, s2;
	p2 =	seq.s32 @!p0 s5, $0x0  }
0x1f: {  	s9 =	smul.u32 $0xF7A, s1;
	s8 =	simm.s32 @!p0 $0x1BF5;
	p2 =	por !p2, p0  }
0x20: {  	[sflag:s8] =	ssyncset.s32 @!p0 $0xFFFFF086;
	s6 =	sadd.s32 @!p0 s3, s7;
	s7 =	simm.s32 @!p0 $0x108  }
0x21: {  	s3 =	sadd.s32 s3, s9;
	s6 =	sadd.s32 @!p0 $0x88, s6;
	s7 =	simm.s32 @p2 $0x1082  }
0x22: {  	[simem:s7], [sflag:s8] =	dma.local @!p0 [hbm:s6], $0xF7A  }
0x23: {  	s9 =	sor.u32 $0xD0000000, s2;
	s6 =	simm.s32 $0x108;
	_ =	swait.ge @!p0 [sflag:s8], $0x0  }
0x24: {  	s3 =	sadd.s32 $0x88, s3;
	s6 =	simm.s32 @!p1 $0x1082;
	[sflag:s4] =	ssyncset.s32 $0xFFFFF086  }
0x25: {  	[simem:s6], [sflag:s4] =	dma.local [hbm:s3], $0xF7A  }
0x26: {  	[smem:$0x3F9D] =	sst s1;
	(tag) =	ssettag s2;
	_ =	strace s9  }
0x27: {  	s1 =	sld [smem:$0x3FAD]  }
0x28: {  	s2 =	sld [smem:$0x3FAE]  }
0x29: {  	s4 =	sld [smem:$0x3FB0]  }
0x2a: {  	p0 =	seq.s32 s5, $0x0;
	s5 =	sld [smem:$0x3FB1]  }
0x2b: {  	s6 =	sld [smem:$0x3FB2]  }
0x2c: {  	s7 =	sld [smem:$0x3FB3]  }
0x2d: {  	s3 =	simm.s32 $0x108;
	s8 =	sld [smem:$0x3FB4]  }
0x2e: {  	s3 =	simm.s32 @!p0 $0x1082;
	s9 =	sld [smem:$0x3FB5]  }
0x2f: {  	lr =	sadd.s32 s0, s3;
	s0 =	sld [smem:$0x3FAC]  }
0x30: {  	s3 =	sld [smem:$0x3FAF]  }
0x31: {  	[smem:$0x3FB8] =	sst s10  }
0x32: {  	s10 =	sld [smem:$0x3FB6];
	_ =	sdelay $0x3  }
0x33: {  	p0 =	seq.s32 s10, $0x1;
	s10 =	sld [smem:$0x3FB8];
	_ =	sdelay $0x3  }
0x34: {  	[smem:$0x3FB8] =	sst s10  }
0x35: {  	s10 =	sld [smem:$0x3FB7];
	_ =	sdelay $0x3  }
0x36: {  	p1 =	seq.s32 s10, $0x1;
	s10 =	sld [smem:$0x3FB8];
	_ =	sdelay $0x3  }
0x37: {  	[smem:$0x3FB8] =	sst s10  }
0x38: {  	s10 =	sld [smem:$0x3FB9]  }
0x39: {  	_ = 	snop;
	(pc) =	sbr.ind lr, $3  }
0x3a: {  	_ = 	snop  }
0x3b: {  	_ = 	snop  }
0x3c: {  	p2 =	seq.s32 s10, $0x1;
	s10 =	sld [smem:$0x3FB8]  }
0x3d: {  	_ =	shalt  }
0x3e: {  	_ =	shalt  }
0x3f: {  	_ =	shalt  }
0x40: {  	_ =	shalt  }
0x41: {  	_ =	shalt  }
0x42: {  	_ =	shalt  }
0x43: {  	_ =	shalt  }
0x44: {  	_ =	shalt  }
0x45: {  	_ =	shalt  }
0x46: {  	_ =	shalt  }
0x47: {  	_ =	shalt  }
0x48: {  	_ =	shalt  }
0x49: {  	_ =	shalt  }
0x4a: {  	_ =	shalt  }
0x4b: {  	_ =	shalt  }
0x4c: {  	_ =	shalt  }
0x4d: {  	_ =	shalt  }
0x4e: {  	_ =	shalt  }
0x4f: {  	_ =	shalt  }
0x50: {  	_ =	shalt  }
0x51: {  	_ =	shalt  }
0x52: {  	_ =	shalt  }
0x53: {  	_ =	shalt  }
0x54: {  	_ =	shalt  }
0x55: {  	_ =	shalt  }
0x56: {  	_ =	shalt  }
0x57: {  	_ =	shalt  }
0x58: {  	_ =	shalt  }
0x59: {  	_ =	shalt  }
0x5a: {  	_ =	shalt  }
0x5b: {  	_ =	shalt  }
0x5c: {  	_ =	shalt  }
0x5d: {  	_ =	shalt  }
0x5e: {  	_ =	shalt  }
0x5f: {  	_ =	shalt  }
0x60: {  	_ =	shalt  }
0x61: {  	_ =	shalt  }
0x62: {  	_ =	shalt  }
0x63: {  	_ =	shalt  }
0x64: {  	_ =	shalt  }
0x65: {  	_ =	shalt  }
0x66: {  	_ =	shalt  }
0x67: {  	_ =	shalt  }
0x68: {  	_ =	shalt  }
0x69: {  	_ =	shalt  }
0x6a: {  	_ =	shalt  }
0x6b: {  	_ =	shalt  }
0x6c: {  	_ =	shalt  }
0x6d: {  	_ =	shalt  }
0x6e: {  	_ =	shalt  }
0x6f: {  	_ =	shalt  }
0x70: {  	_ =	shalt  }
0x71: {  	_ =	shalt  }
0x72: {  	_ =	shalt  }
0x73: {  	_ =	shalt  }
0x74: {  	_ =	shalt  }
0x75: {  	_ =	shalt  }
0x76: {  	_ =	shalt  }
0x77: {  	_ =	shalt  }
0x78: {  	_ =	shalt  }
0x79: {  	_ =	shalt  }
0x7a: {  	_ =	shalt  }
0x7b: {  	_ =	shalt  }
0x7c: {  	_ =	shalt  }
0x7d: {  	_ =	shalt  }
0x7e: {  	_ =	shalt  }
0x7f: {  	_ =	shalt  }
0x80: {  	_ =	shalt  }
0x81: {  	_ =	shalt  }
0x82: {  	_ =	shalt  }
0x83: {  	_ =	shalt  }
0x84: {  	_ =	shalt  }
0x85: {  	_ =	shalt  }
0x86: {  	_ =	shalt  }
0x87: {  	_ =	shalt  }
.Lfunc_end0:
.L_simem_size_0:
called_computation.1_lowered:
.L_overlay_start_0:
0x88: {  	s2 =	sld [smem:$0x3FD9]  }
0x89: {  	s3 =	sld [smem:$0x3FFE];
	_ =	sdelay $0x1  }
0x8a: {  	s1 =	srdreg.scid  }
0x8b: {  	s0 =	sand.u32 $0x1, s1  }
0x8c: {  	s17 =	sshll.u32 s0, $0xA;
	s2 =	sadd.s32 s3, s2  }
0x8d: {  	s2 =	sadd.s32 s2, s17  }
0x8e: {  	[smem:$0x3FC4] =	sst s2  }
0x8f: {  	_ = 	snop  }
0x90: {  	s2 =	sld [smem:$0x3FD0];
	(tm) =	ssettm $0x1  }
0x91: {  	s18 =	sld [smem:$0x3FFB];
	_ =	sdelay $0x3  }
0x92: {  	_ =	strace s18  }
0x93: {  	s3 =	sld [smem:$0x3FFC];
	_ =	sdelay $0x3  }
0x94: {  	_ =	strace s3  }
0x95: {  	s3 =	sld [smem:$0x3FFD];
	_ =	sdelay $0x3  }
0x96: {  	_ =	strace s3  }
0x97: {  	_ =	strace $0x8FFFFFFF  }
0x98: {  	s19 =	sld [smem:$0x3FDB];
	_ =	sdelay $0x1  }
0x99: {  	s4 =	simm.s32 $_scs_section_size  }
0x9a: {  	s5 =	simm.s32 $_size__tile_overlayer_lowered;
	s6 =	simm.s32 $_tile_overlayer_lowered  }
0x9b: {  	s22 =	simm.s32 $0x1BFF;
	s21 =	sshll.u32 s6, $0x1;
	s3 =	sadd.s32 s4, s19  }
0x9c: {  	s7 =	simm.s32 $0x0;
	s20 =	sshll.u32 s5, $0x1;
	s5 =	sadd.s32 s21, s3  }
0x9d: {  	[timem:s7], [sflag:s22] =	dma.local [hbm:s5], s20  }
0x9e: {  	_ =	swait.ge [sflag:s22], s20  }
0x9f: {  	s4 =	ssub.s32 $0x0, s20;
	[sflag:s22] =	ssyncset.done $0x0  }
0xa0: {  	[sflag:s22] =	ssyncadd.s32 s4;
	_ =	sdelay $0x1  }
0xa1: {  	s23 =	simm.s32 $0x1B8B  }
0xa2: {  	_ =	swait.ge [sflag:s23], $0x1  }
0xa3: {  	[sflag:s23] =	ssyncset.done $0x0  }
0xa4: {  	s25 =	simm.s32 $0x1B8E;
	s24 =	sld [smem:$0x3FFE];
	[sflag:s23] =	ssyncadd.s32 $0xFFFFFFFF  }
0xa5: {  	s26 =	simm.s32 $execute0_lowered;
	[smem:$0x3FD2] =	sst s25  }
0xa6: {  	s5 =	sshll.u32 s26, $0x1;
	_ =	strace $0x80000049;
	[dreg:$0x1] =	wrdreg $0xFFFFFFFF  }
0xa7: {  	s28 =	simm.s32 $_size_execute0_lowered;
	s3 =	sadd.s32 s3, s5;
	[dreg:$0x0] =	wrdreg $0x0  }
0xa8: {  	s5 =	sshll.u32 s28, $0x1;
	[dreg:$0x2] =	wrdreg s3  }
0xa9: {  	[dreg:$0x3] =	wrdreg s5  }
0xaa: {  	[dreg:$0x4] =	wrdreg $0xC0  }
0xab: {  	_ =	task [dreg:s7], $0x5FFFF  }
0xac: {  	[dreg:$0x1] =	wrdreg $0xFFFFFFFF  }
0xad: {  	[dreg:$0x0] =	wrdreg $0x60  }
0xae: {  	[dreg:$0x2] =	wrdreg s2  }
0xaf: {  	[dreg:$0x3] =	wrdreg s24  }
0xb0: {  	[dreg:$0x4] =	wrdreg $0x15E200  }
0xb1: {  	[dreg:$0x5] =	wrdreg $0x9  }
0xb2: {  	_ =	task.clear_ibuf [dreg:s7], $0x6FFFF;
	_ =	strace $0x90000049  }
0xb3: {  	s29 =	simm.s32 $0x9;
	_ =	strace $0x8000004B  }
0xb4: {  	_ =	swait.ge [sflag:s29], $0x1  }
0xb5: {  	[sflag:s29] =	ssyncadd.s32 $0xFFFFFFFF  }
0xb6: {  	_ =	strace $0x9000004B  }
0xb7: {  	_ =	sfence  }
0xb8: {  	s30 =	sld [smem:$0x0];
	_ =	sdelay $0x2  }
0xb9: {  	s31 =	sshll.u32 s1, $0xD;
	s1 =	sshrl.u32 s1, $0x2  }
0xba: {  	s3 =	sand.u32 $0x4000, s31;
	s1 =	sadd.s32 s1, s30  }
0xbb: {  	s0 =	sor.u32 s3, s0;
	s1 =	sshll.u32 s1, $0x11  }
0xbc: {  	s0 =	sor.u32 s1, s0  }
0xbd: {  	s0 =	sadd.s32 $0x8F2B, s0  }
0xbe: {  	[sflag:s0] =	ssyncadd.remote.s32 $0x1  }
0xbf: {  	_ =	sfence.sel $0xFFFF  }
0xc0: {  	[dreg:$0x0] =	wrdreg $0xFFFFFFFF;
	(pc) =	sbr.abs _section_cstart, $3  }
0xc1: {  	[dreg:$0x1] =	wrdreg $0xFFFFFFFF  }
0xc2: {  	_ =	task.clear_ibuf [dreg:s7], $0x2FFFF;
	_ =	strace $0x9FFFFFFF  }
0xc3: {  	(tm) =	ssettm $0x7FFFFFFF  }
tec
execute0_lowered:
.L_overlay_start_1:
0x0: {  	(tag) =	ssettag $0x1  }
0x1: {  	s1 =	rddreg [dreg:$0x0]  }
0x2: {  	s0 =	rddreg [dreg:$0x1]  }
0x3: {  	s3 =	rddreg [dreg:$0x2]  }
0x4: {  	s2 =	srdreg.scid;
	s7 =	stileid.u32  }
0x5: {  	s8 =	simm.s32 $0x0;
	s14 =	simm.s32 $0x19;
	s16 =	simm.s32 $0x50  }
0x6: {  	s30 =	simm.s32 $0x7;
	s31 =	simm.s32 $0xC620;
	s15 =	simm.s32 $0xDA20  }
0x7: {  	s11 =	simm.s32 $0x14;
	s12 =	simm.s32 $0x13;
	s13 =	simm.s32 $0x1  }
0x8: {  	s29 =	simm.s32 $0x3;
	s28 =	simm.s32 $0x5;
	s17 =	simm.s32 $0x6  }
0x9: {  	s18 =	simm.s32 $0x0;
	s2 =	sand.u32 $0x1, s2;
	s6 =	smul.u32 $0xA000, s7  }
0xa: {  	[smem:$0x7FF] =	sst s8;
	s4 =	smul.u32 $0xA0000, s2;
	s5 =	sshll.u32 s2, $0x4  }
0xb: {  	s2 =	ssub.s32 $0x2, s2;
	s5 =	sor.u32 s7, s5;
	s7 =	smul.u32 $0x28000, s7  }
0xc: {  	s19 =	sshrl.u32 s2, $0x1;
	s5 =	smul.u32 $0x4E2, s5;
	s4 =	sadd.s32 s6, s4  }
0xd: {  	_ =	strace $0x8000004A;
	s2 =	ssub.s32 s2, s19;
	s4 =	sshrl.u32 s4, $0x3  }
0xe: {  	s21 =	sshrl.u32 s7, $0x2;
	s2 =	smax.u32 s2, $0x1;
	s5 =	sadd.s32 s5, s0  }
0xf: {  	s0 =	sadd.s32 s4, s0;
	s4 =	sadd.s32 s21, s3;
	[dreg:$0x8] =	wrdreg s2  }
0x10: {  	s8 =	simm.s32 $0x12A20;
	s20 =	sadd.s32 $0x1A00, s5;
	[dreg:$0x6] =	wrdreg s4  }
0x11: {  	s22 =	sadd.s32 s6, s3;
	s5 =	sadd.s32 $0xB800, s5;
	[dreg:$0x4] =	wrdreg s20  }
0x12: {  	s19 =	simm.s32 $0x9;
	s0 =	sadd.s32 $0x15600, s0;
	[dreg:$0x5] =	wrdreg s5  }
0x13: {  	s6 =	simm.s32 $0xC;
	s23 =	sadd.s32 $0x2000, s4;
	[dreg:$0x7] =	wrdreg s0  }
0x14: {  	s21 =	simm.s32 $0xEE20;
	s24 =	sadd.s32 $0x4000, s4;
	[dreg:$0x9] =	wrdreg s23  }
.Ltmp0:
0x15: {  	s25 =	sadd.s32 $0x6000, s4;
	[dreg:$0xa] =	wrdreg s24;
	(pc) =	sbr.rel .LBB2_1-.Ltmp0, $4  }
0x16: {  	s2 =	simm.s32 $0xB;
	s26 =	sadd.s32 $0x8000, s4;
	[dreg:$0xb] =	wrdreg s25  }
0x17: {  	s4 =	simm.s32 $0x2;
	[dreg:$0xc] =	wrdreg s26;
	s0 =	sshrl.u32 s22, $0x3  }
0x18: {  	s23 =	simm.s32 $0xA;
	s26 =	simm.s32 $0x10220;
	s5 =	simm.s32 $0x11620  }
0x19: {  	v0 =	vimm.f32 $0.0e+00;
	s25 =	simm.s32 $0x4;
	[dreg:$0xd] =	wrdreg s0;
	s0 =	simm.s32 $0x8  }
.LBB2_17:
0x1a: {  	s7 =	simm.s32 $0x11  }
0x1b: {  	_ =	swait.ge [sflag:s7], $0x1400  }
0x1c: {  	[sflag:s7] =	ssyncset.done $0x0  }
0x1d: {  	s24 =	simm.s32 $0x10;
	[sflag:s7] =	ssyncadd.s32 $0xFFFFEC00  }
0x1e: {  	_ =	swait.ge [sflag:s24], $0x1400  }
0x1f: {  	[sflag:s24] =	ssyncset.done $0x0  }
0x20: {  	s9 =	simm.s32 $0xF;
	[sflag:s24] =	ssyncadd.s32 $0xFFFFEC00  }
0x21: {  	_ =	swait.ge [sflag:s9], $0x1400  }
0x22: {  	[sflag:s9] =	ssyncset.done $0x0  }
0x23: {  	s10 =	simm.s32 $0xE;
	[sflag:s9] =	ssyncadd.s32 $0xFFFFEC00  }
0x24: {  	_ =	swait.ge [sflag:s10], $0x1400  }
0x25: {  	[sflag:s10] =	ssyncset.done $0x0  }
0x26: {  	s20 =	simm.s32 $0xD;
	[sflag:s10] =	ssyncadd.s32 $0xFFFFEC00  }
0x27: {  	_ =	swait.ge [sflag:s20], $0x1400  }
0x28: {  	[sflag:s20] =	ssyncset.done $0x0  }
0x29: {  	s22 =	simm.s32 $0x18;
	[sflag:s20] =	ssyncadd.s32 $0xFFFFEC00  }
0x2a: {  	_ =	swait.ge [sflag:s22], $0x1400  }
0x2b: {  	[sflag:s22] =	ssyncset.done $0x0  }
0x2c: {  	s24 =	simm.s32 $0x17;
	[sflag:s22] =	ssyncadd.s32 $0xFFFFEC00  }
0x2d: {  	_ =	swait.ge [sflag:s24], $0x1400  }
0x2e: {  	[sflag:s24] =	ssyncset.done $0x0  }
0x2f: {  	s9 =	simm.s32 $0x16;
	[sflag:s24] =	ssyncadd.s32 $0xFFFFEC00  }
0x30: {  	_ =	swait.ge [sflag:s9], $0x1400  }
0x31: {  	[sflag:s9] =	ssyncset.done $0x0  }
0x32: {  	s10 =	simm.s32 $0x15;
	[sflag:s9] =	ssyncadd.s32 $0xFFFFEC00  }
0x33: {  	_ =	swait.ge [sflag:s10], $0x1400  }
0x34: {  	[sflag:s10] =	ssyncset.done $0x0  }
0x35: {  	[sflag:s10] =	ssyncadd.s32 $0xFFFFEC00  }
0x36: {  	_ =	swait.ge [sflag:s11], $0x1400  }
0x37: {  	[sflag:s11] =	ssyncset.done $0x0  }
0x38: {  	[sflag:s11] =	ssyncadd.s32 $0xFFFFEC00  }
0x39: {  	_ =	swait.ge [sflag:s12], $0x1400  }
0x3a: {  	[sflag:s12] =	ssyncset.done $0x0  }
0x3b: {  	s20 =	simm.s32 $0x12;
	[sflag:s12] =	ssyncadd.s32 $0xFFFFEC00  }
0x3c: {  	_ =	swait.ge [sflag:s20], $0x1400  }
0x3d: {  	[sflag:s20] =	ssyncset.done $0x0  }
0x3e: {  	[sflag:s20] =	ssyncadd.s32 $0xFFFFEC00  }
0x3f: {  	s22 =	stileid.u32;
	[bflag:$0x0] =	sbarrier.arrive $0xFFFF  }
0x40: {  	s7 =	sshll.u32 s22, $0x6;
	s9 =	rddreg [dreg:$0x7]  }
0x41: {  	s7 =	sor.u32 $0x1C19, s7;
	s10 =	rddreg [dreg:$0xd]  }
0x42: {  	[hbm:s9], [sflag:s7] =	dma.local [spmem:s10], $0x1400  }
0x43: {  	_ =	swait.ge [sflag:s14], $0x1400  }
0x44: {  	s18 =	sadd.s32 $0x1, s18;
	s24 =	rddreg [dreg:$0x8]  }
0x45: {  	p0 =	sne.s32 s18, s24  }
.Ltmp1:
0x46: {  	_ = 	snop;
	(pc) =	sbr.rel @!p0 .LBB2_18-.Ltmp1, $3  }
0x47: {  	_ =	sdelay $0x1  }
0x48: {  	[sflag:s14] =	ssyncset.done $0x0  }
0x49: {  	[sflag:s14] =	ssyncadd.s32 $0xFFFFEC00  }
.LBB2_1:
0x4a: {  	s9 =	simm.s32 $0x0;
	s7 =	rddreg [dreg:$0x4]  }
0x4b: {  	[tilespmem:s9], [sflag:$0x19] =	stream.linear.gather [hbm4b:s7+s9], $0x2710, $0x38;
	[tilespmem:$0x1FE20] =	vst v63  }
0x4c: {  	_ =	swait.ge [sflag:s14], $0x2710  }
0x4d: {  	[sflag:s14] =	ssyncset.done $0x0  }
0x4e: {  	s10 =	simm.s32 $0x2710;
	s24 =	rddreg [dreg:$0x5];
	[sflag:s14] =	ssyncadd.s32 $0xFFFFD8F0  }
0x4f: {  	[tilespmem:s10], [sflag:$0x19] =	stream.linear.gather [hbm4b:s24+s9], $0x2710, $0x38;
	[tilespmem:$0x1FE20] =	vst v63  }
0x50: {  	_ =	swait.ge [sflag:s14], $0x2710  }
0x51: {  	[sflag:s14] =	ssyncset.done $0x0  }
0x52: {  	s10 =	simm.s32 $0x4E20;
	[sflag:s14] =	ssyncadd.s32 $0xFFFFD8F0  }
0x53: {  	[tilespmem:s10], [sflag:$0x1] =	stream.indirect.gather [hbm4b:s1+s16], $0x40, s9, s16, $0xb8;
	[tilespmem:$0x1FE20] =	vst v63  }
0x54: {  	s20 =	simm.s32 $0x6220  }
0x55: {  	[tilespmem:s20], [sflag:$0x2] =	stream.indirect.gather [hbm4b:s1+s16], $0x40, s16, s16, $0xb8;
	[tilespmem:$0x1FE20] =	vst v63  }
0x56: {  	s22 =	simm.s32 $0xA0;
	s24 =	simm.s32 $0x7620  }
0x57: {  	[tilespmem:s24], [sflag:$0x3] =	stream.indirect.gather [hbm4b:s1+s16], $0x40, s22, s16, $0xb8;
	[tilespmem:$0x1FE20] =	vst v63  }
0x58: {  	s10 =	simm.s32 $0xF0;
	s20 =	simm.s32 $0x8A20  }
0x59: {  	[tilespmem:s20], [sflag:$0x4] =	stream.indirect.gather [hbm4b:s1+s16], $0x40, s10, s16, $0xb8;
	[tilespmem:$0x1FE20] =	vst v63  }
0x5a: {  	s22 =	simm.s32 $0x140;
	s24 =	simm.s32 $0x9E20  }
0x5b: {  	[tilespmem:s24], [sflag:$0x5] =	stream.indirect.gather [hbm4b:s1+s16], $0x40, s22, s16, $0xb8;
	[tilespmem:$0x1FE20] =	vst v63  }
0x5c: {  	s20 =	simm.s32 $0x190;
	s22 =	simm.s32 $0xB220;
	s24 =	sand.u32 $0x7F00, s9  }
0x5d: {  	[tilespmem:s22], [sflag:$0x6] =	stream.indirect.gather [hbm4b:s1+s16], $0x40, s20, s16, $0xb8;
	[tilespmem:$0x1FE20] =	vst v63  }
0x5e: {  	s20 =	sand.u32 $0x30, s9;
	s22 =	sshrl.u32 s24, $0x2  }
0x5f: {  	s7 =	simm.s32 $0x40;
	s22 =	sor.u32 s20, s22;
	s20 =	simm.s32 $0x0  }
.LBB2_2:
0x60: {  	p0 =	sne.s32 s7, $0x7FC0  }
0x61: {  	[tilespmem:s22+$0x13E20] =	vst v0;
	s20 =	sadd.s32 $0x10, s20;
	s22 =	smov.u32 s7;
	s7 =	sadd.s32 $0x40, s7  }
.Ltmp2:
0x62: {  	(pc) =	sbr.rel @p0 .LBB2_2-.Ltmp2, $4  }
0x63: {  	_ = 	snop  }
0x64: {  	s22 =	sand.u32 $0x7F00, s22  }
0x65: {  	s24 =	sand.u32 $0x30, s20;
	s22 =	sshrl.u32 s22, $0x2  }
0x66: {  	s22 =	sor.u32 s24, s22  }
0x67: {  	[tilespmem:s22+$0x13E20] =	vst v0;
	s7 =	rddreg [dreg:$0x6];
	s9 =	simm.s32 $0x13E20  }
0x68: {  	[spmem:s7] =	stream.linear.scatter [tilespmem:s9], [sflag:$0x19], $0x2000, $0x38;
	[tilespmem:$0x1FE20] =	vst v63  }
0x69: {  	_ =	swait.ge [sflag:s14], $0x2000  }
0x6a: {  	[sflag:s14] =	ssyncset.done $0x0  }
0x6b: {  	s10 =	rddreg [dreg:$0x9];
	[sflag:s14] =	ssyncadd.s32 $0xFFFFE000  }
0x6c: {  	[spmem:s10] =	stream.linear.scatter [tilespmem:s9], [sflag:$0x19], $0x2000, $0x38;
	[tilespmem:$0x1FE20] =	vst v63  }
0x6d: {  	_ =	swait.ge [sflag:s14], $0x2000  }
0x6e: {  	[sflag:s14] =	ssyncset.done $0x0  }
0x6f: {  	s20 =	rddreg [dreg:$0xa];
	[sflag:s14] =	ssyncadd.s32 $0xFFFFE000  }
0x70: {  	[spmem:s20] =	stream.linear.scatter [tilespmem:s9], [sflag:$0x19], $0x2000, $0x38;
	[tilespmem:$0x1FE20] =	vst v63  }
0x71: {  	_ =	swait.ge [sflag:s14], $0x2000  }
0x72: {  	[sflag:s14] =	ssyncset.done $0x0  }
0x73: {  	s22 =	rddreg [dreg:$0xb];
	[sflag:s14] =	ssyncadd.s32 $0xFFFFE000  }
0x74: {  	[spmem:s22] =	stream.linear.scatter [tilespmem:s9], [sflag:$0x19], $0x2000, $0x38;
	[tilespmem:$0x1FE20] =	vst v63  }
0x75: {  	_ =	swait.ge [sflag:s14], $0x2000  }
0x76: {  	[sflag:s14] =	ssyncset.done $0x0  }
0x77: {  	s24 =	rddreg [dreg:$0xc];
	[sflag:s14] =	ssyncadd.s32 $0xFFFFE000  }
0x78: {  	[spmem:s24] =	stream.linear.scatter [tilespmem:s9], [sflag:$0x19], $0x2000, $0x38;
	[tilespmem:$0x1FE20] =	vst v63  }
.Ltmp3:
0x79: {  	_ =	swait.ge [sflag:s14], $0x2000;
	(pc) =	sbr.rel .LBB2_4-.Ltmp3, $4  }
0x7a: {  	[sflag:s14] =	ssyncset.done $0x0  }
0x7b: {  	[sflag:s14] =	ssyncadd.s32 $0xFFFFE000  }
0x7c: {  	[bflag:$0x0] =	sbarrier.arrive $0xFFFF  }
0x7d: {  	s20 =	simm.s32 $0x0;
	s22 =	simm.s32 $0x0  }
.LBB2_16:
0x7e: {  	s20 =	sadd.s32 $0x780, s20  }
0x7f: {  	p0 =	sne.s32 s20, $0x9D80  }
.Ltmp4:
0x80: {  	_ = 	snop;
	(pc) =	sbr.rel @!p0 .LBB2_17-.Ltmp4, $2  }
0x81: {  	_ =	sdelay $0x2  }
0x82: {  	s22 =	sadd.s32 $0x1, s22  }
.LBB2_4:
0x83: {  	s24 =	sand.u32 $0x1, s22  }
0x84: {  	p0 =	seq.s32 s24, $0x1  }
.Ltmp5:
0x85: {  	_ = 	snop;
	(pc) =	sbr.rel @p0 .LBB2_14-.Ltmp5, $1  }
0x86: {  	_ =	sdelay $0x3  }
0x87: {  	p0 =	seq.s32 s22, $0x14  }
.Ltmp6:
0x88: {  	_ = 	snop;
	(pc) =	sbr.rel @p0 .LBB2_6-.Ltmp6, $1  }
0x89: {  	_ =	sdelay $0x3  }
0x8a: {  	p0 =	sne.s32 s22, $0x0  }
.Ltmp7:
0x8b: {  	_ = 	snop;
	(pc) =	sbr.rel @p0 .LBB2_9-.Ltmp7, $1  }
0x8c: {  	_ =	sdelay $0x3  }
0x8d: {  	s7 =	simm.s32 $0x1E0  }
0x8e: {  	[tilespmem:s31], [sflag:$0x7] =	stream.indirect.gather [hbm4b:s1+s16], $0x40, s7, s16, $0xb8;
	[tilespmem:$0x1FE20] =	vst v63  }
0x8f: {  	s9 =	simm.s32 $0x230  }
0x90: {  	[tilespmem:s15], [sflag:$0x8] =	stream.indirect.gather [hbm4b:s1+s16], $0x40, s9, s16, $0xb8;
	[tilespmem:$0x1FE20] =	vst v63  }
0x91: {  	s10 =	simm.s32 $0x280  }
0x92: {  	[tilespmem:s21], [sflag:$0x9] =	stream.indirect.gather [hbm4b:s1+s16], $0x40, s10, s16, $0xb8;
	[tilespmem:$0x1FE20] =	vst v63  }
.Ltmp8:
0x93: {  	_ = 	snop;
	(pc) =	sbr.rel .LBB2_11-.Ltmp8, $4  }
0x94: {  	s9 =	simm.s32 $0x2D0  }
0x95: {  	[tilespmem:s26], [sflag:$0xA] =	stream.indirect.gather [hbm4b:s1+s16], $0x40, s9, s16, $0xb8;
	[tilespmem:$0x1FE20] =	vst v63  }
0x96: {  	s7 =	simm.s32 $0x0;
	s10 =	simm.s32 $0x320  }
0x97: {  	[tilespmem:s5], [sflag:$0xB] =	stream.indirect.gather [hbm4b:s1+s16], $0x40, s10, s16, $0xb8;
	[tilespmem:$0x1FE20] =	vst v63  }
.LBB2_6:
.Ltmp9:
0x98: {  	(pc) =	sbr.rel .LBB2_12-.Ltmp9, $2  }
0x99: {  	_ =	sdelay $0x2  }
0x9a: {  	s7 =	simm.s32 $0x9600  }
.LBB2_9:
0x9b: {  	_ =	swait.ge [sflag:s12], $0x1400  }
0x9c: {  	s7 =	sshra.s32 s20, $0x2;
	[sflag:s12] =	ssyncset.done $0x0  }
0x9d: {  	s9 =	sadd.s32 $0x1E0, s7;
	[sflag:s12] =	ssyncadd.s32 $0xFFFFEC00  }
0x9e: {  	[tilespmem:s31], [sflag:$0x7] =	stream.indirect.gather [hbm4b:s1+s16], $0x40, s9, s16, $0xb8;
	[tilespmem:$0x1FE20] =	vst v63  }
0x9f: {  	_ =	swait.ge [sflag:s11], $0x1400  }
0xa0: {  	[sflag:s11] =	ssyncset.done $0x0  }
0xa1: {  	s10 =	sadd.s32 $0x230, s7;
	[sflag:s11] =	ssyncadd.s32 $0xFFFFEC00  }
0xa2: {  	[tilespmem:s15], [sflag:$0x8] =	stream.indirect.gather [hbm4b:s1+s16], $0x40, s10, s16, $0xb8;
	[tilespmem:$0x1FE20] =	vst v63  }
0xa3: {  	s10 =	simm.s32 $0x15  }
0xa4: {  	_ =	swait.ge [sflag:s10], $0x1400  }
0xa5: {  	[sflag:s10] =	ssyncset.done $0x0  }
0xa6: {  	[sflag:s10] =	ssyncadd.s32 $0xFFFFEC00;
	s10 =	sadd.s32 $0x280, s7  }
0xa7: {  	[tilespmem:s21], [sflag:$0x9] =	stream.indirect.gather [hbm4b:s1+s16], $0x40, s10, s16, $0xb8;
	[tilespmem:$0x1FE20] =	vst v63  }
0xa8: {  	s10 =	simm.s32 $0x16  }
0xa9: {  	_ =	swait.ge [sflag:s10], $0x1400  }
0xaa: {  	[sflag:s10] =	ssyncset.done $0x0  }
0xab: {  	[sflag:s10] =	ssyncadd.s32 $0xFFFFEC00;
	s10 =	sadd.s32 $0x2D0, s7  }
0xac: {  	[tilespmem:s26], [sflag:$0xA] =	stream.indirect.gather [hbm4b:s1+s16], $0x40, s10, s16, $0xb8;
	[tilespmem:$0x1FE20] =	vst v63  }
0xad: {  	p0 =	sgt.u32 s22, $0x12;
	s10 =	simm.s32 $0x17  }
.Ltmp10:
0xae: {  	_ =	swait.ge [sflag:s10], $0x1400;
	(pc) =	sbr.rel @p0 .LBB2_12-.Ltmp10, $4  }
0xaf: {  	[sflag:s10] =	ssyncset.done $0x0  }
0xb0: {  	s7 =	sadd.s32 $0x320, s7;
	[sflag:s10] =	ssyncadd.s32 $0xFFFFEC00  }
0xb1: {  	[tilespmem:s5], [sflag:$0xB] =	stream.indirect.gather [hbm4b:s1+s16], $0x40, s7, s16, $0xb8;
	[tilespmem:$0x1FE20] =	vst v63  }
0xb2: {  	s7 =	smov.u32 s20  }
0xb3: {  	s7 =	simm.s32 $0x18  }
0xb4: {  	_ =	swait.ge [sflag:s7], $0x1400  }
0xb5: {  	[sflag:s7] =	ssyncset.done $0x0  }
0xb6: {  	[sflag:s7] =	ssyncadd.s32 $0xFFFFEC00;
	s7 =	smov.u32 s20  }
.LBB2_11:
0xb7: {  	s9 =	sshra.s32 s7, $0x2  }
0xb8: {  	s9 =	sadd.s32 $0x370, s9  }
0xb9: {  	[tilespmem:s8], [sflag:$0xC] =	stream.indirect.gather [hbm4b:s1+s16], $0x40, s9, s16, $0xb8;
	[tilespmem:$0x1FE20] =	vst v63  }
.LBB2_12:
0xba: {  	_ =	swait.ge [sflag:s13], $0x1400  }
0xbb: {  	s7 =	sshra.s32 s7, $0x2;
	[sflag:s13] =	ssyncset.done $0x0  }
0xbc: {  	s10 =	simm.s32 $0x4E20;
	s9 =	sadd.s32 $0x2710, s7;
	[sflag:s13] =	ssyncadd.s32 $0xFFFFEC00  }
0xbd: {  	[spmem:s3] =	stream.indirect.scatter.add.f32 [tilespmem:s10], [sflag:$0xD], $0x40, s9, s16, $0xb8;
	[tilespmem:$0x1FE20] =	vst v63  }
0xbe: {  	_ =	swait.ge [sflag:s4], $0x1400  }
0xbf: {  	[sflag:s4] =	ssyncset.done $0x0  }
0xc0: {  	s9 =	sadd.s32 $0x2760, s7;
	s10 =	simm.s32 $0x6220;
	[sflag:s4] =	ssyncadd.s32 $0xFFFFEC00  }
0xc1: {  	[spmem:s3] =	stream.indirect.scatter.add.f32 [tilespmem:s10], [sflag:$0xE], $0x40, s9, s16, $0xb8;
	[tilespmem:$0x1FE20] =	vst v63  }
0xc2: {  	_ =	swait.ge [sflag:s29], $0x1400  }
0xc3: {  	[sflag:s29] =	ssyncset.done $0x0  }
0xc4: {  	s9 =	sadd.s32 $0x27B0, s7;
	s10 =	simm.s32 $0x7620;
	[sflag:s29] =	ssyncadd.s32 $0xFFFFEC00  }
0xc5: {  	[spmem:s3] =	stream.indirect.scatter.add.f32 [tilespmem:s10], [sflag:$0xF], $0x40, s9, s16, $0xb8;
	[tilespmem:$0x1FE20] =	vst v63  }
0xc6: {  	_ =	swait.ge [sflag:s25], $0x1400  }
0xc7: {  	p0 =	seq.s32 s20, $0x9600;
	[sflag:s25] =	ssyncset.done $0x0  }
0xc8: {  	s9 =	sadd.s32 $0x2800, s7;
	s10 =	simm.s32 $0x8A20;
	[sflag:s25] =	ssyncadd.s32 $0xFFFFEC00  }
0xc9: {  	[spmem:s3] =	stream.indirect.scatter.add.f32 [tilespmem:s10], [sflag:$0x10], $0x40, s9, s16, $0xb8;
	[tilespmem:$0x1FE20] =	vst v63  }
.Ltmp11:
0xca: {  	_ = 	snop;
	(pc) =	sbr.rel @p0 .LBB2_17-.Ltmp11, $4  }
0xcb: {  	_ =	swait.ge [sflag:s28], $0x1400  }
0xcc: {  	[sflag:s28] =	ssyncset.done $0x0  }
0xcd: {  	s9 =	sadd.s32 $0x2850, s7;
	s10 =	simm.s32 $0x9E20;
	[sflag:s28] =	ssyncadd.s32 $0xFFFFEC00  }
0xce: {  	[spmem:s3] =	stream.indirect.scatter.add.f32 [tilespmem:s10], [sflag:$0x11], $0x40, s9, s16, $0xb8;
	[tilespmem:$0x1FE20] =	vst v63  }
0xcf: {  	p0 =	seq.s32 s24, $0x0  }
.Ltmp12:
0xd0: {  	_ = 	snop;
	(pc) =	sbr.rel @p0 .LBB2_16-.Ltmp12, $4  }
0xd1: {  	_ =	swait.ge [sflag:s17], $0x1400  }
0xd2: {  	[sflag:s17] =	ssyncset.done $0x0  }
0xd3: {  	s7 =	sadd.s32 $0x28A0, s7;
	s9 =	simm.s32 $0xB220;
	[sflag:s17] =	ssyncadd.s32 $0xFFFFEC00  }
0xd4: {  	[spmem:s3] =	stream.indirect.scatter.add.f32 [tilespmem:s9], [sflag:$0x12], $0x40, s7, s16, $0xb8;
	[tilespmem:$0x1FE20] =	vst v63  }
.LBB2_14:
0xd5: {  	p0 =	seq.s32 s20, $0x9600  }
0xd6: {  	s7 =	simm.s32 @!p0 $0xD  }
0xd7: {  	_ =	swait.ge @!p0 [sflag:s7], $0x1400  }
0xd8: {  	[sflag:s7] =	ssyncset.done @!p0 $0x0  }
0xd9: {  	[sflag:s7] =	ssyncadd.s32 @!p0 $0xFFFFEC00;
	s7 =	sshra.s32 @!p0 s20, $0x2  }
0xda: {  	s24 =	simm.s32 @!p0 $0x50;
	s10 =	simm.s32 @!p0 $0x4E20;
	s9 =	sadd.s32 @!p0 $0x1E0, s7  }
0xdb: {  	[tilespmem:s10], [sflag:$0x1] =	stream.indirect.gather @!p0 [hbm4b:s1+s24], $0x40, s9, s24, $0xb8;
	[tilespmem:$0x1FE20] =	vst v63  }
0xdc: {  	s9 =	simm.s32 @!p0 $0xE  }
0xdd: {  	_ =	swait.ge @!p0 [sflag:s9], $0x1400  }
0xde: {  	[sflag:s9] =	ssyncset.done @!p0 $0x0  }
0xdf: {  	s10 =	simm.s32 @!p0 $0x6220;
	[sflag:s9] =	ssyncadd.s32 @!p0 $0xFFFFEC00;
	s9 =	sadd.s32 @!p0 $0x230, s7  }
0xe0: {  	[tilespmem:s10], [sflag:$0x2] =	stream.indirect.gather @!p0 [hbm4b:s1+s24], $0x40, s9, s24, $0xb8;
	[tilespmem:$0x1FE20] =	vst v63  }
0xe1: {  	s9 =	simm.s32 @!p0 $0xF  }
0xe2: {  	_ =	swait.ge @!p0 [sflag:s9], $0x1400  }
0xe3: {  	[sflag:s9] =	ssyncset.done @!p0 $0x0  }
0xe4: {  	s10 =	simm.s32 @!p0 $0x7620;
	[sflag:s9] =	ssyncadd.s32 @!p0 $0xFFFFEC00;
	s9 =	sadd.s32 @!p0 $0x280, s7  }
0xe5: {  	[tilespmem:s10], [sflag:$0x3] =	stream.indirect.gather @!p0 [hbm4b:s1+s24], $0x40, s9, s24, $0xb8;
	[tilespmem:$0x1FE20] =	vst v63  }
0xe6: {  	s9 =	simm.s32 @!p0 $0x10  }
0xe7: {  	_ =	swait.ge @!p0 [sflag:s9], $0x1400  }
0xe8: {  	[sflag:s9] =	ssyncset.done @!p0 $0x0  }
0xe9: {  	s10 =	simm.s32 @!p0 $0x8A20;
	[sflag:s9] =	ssyncadd.s32 @!p0 $0xFFFFEC00;
	s9 =	sadd.s32 @!p0 $0x2D0, s7  }
0xea: {  	[tilespmem:s10], [sflag:$0x4] =	stream.indirect.gather @!p0 [hbm4b:s1+s24], $0x40, s9, s24, $0xb8;
	[tilespmem:$0x1FE20] =	vst v63  }
0xeb: {  	s9 =	simm.s32 @!p0 $0x11  }
0xec: {  	p1 =	sgt.u32 @!p0 s22, $0x12;
	_ =	swait.ge @!p0 [sflag:s9], $0x1400  }
0xed: {  	p1 =	por p1, p0;
	[sflag:s9] =	ssyncset.done @!p0 $0x0  }
0xee: {  	s7 =	sadd.s32 @!p0 $0x320, s7;
	[sflag:s9] =	ssyncadd.s32 @!p0 $0xFFFFEC00;
	s9 =	simm.s32 @!p0 $0x9E20  }
0xef: {  	[tilespmem:s9], [sflag:$0x5] =	stream.indirect.gather @!p0 [hbm4b:s1+s24], $0x40, s7, s24, $0xb8;
	[tilespmem:$0x1FE20] =	vst v63  }
0xf0: {  	s7 =	simm.s32 @!p1 $0x12  }
0xf1: {  	_ =	swait.ge @!p1 [sflag:s7], $0x1400  }
0xf2: {  	[sflag:s7] =	ssyncset.done @!p1 $0x0  }
0xf3: {  	[sflag:s7] =	ssyncadd.s32 @!p1 $0xFFFFEC00;
	s7 =	sshra.s32 @!p1 s20, $0x2  }
0xf4: {  	s10 =	simm.s32 @!p1 $0xB220;
	s9 =	simm.s32 @!p1 $0x50;
	s7 =	sadd.s32 @!p1 $0x370, s7  }
0xf5: {  	[tilespmem:s10], [sflag:$0x6] =	stream.indirect.gather @!p1 [hbm4b:s1+s9], $0x40, s7, s9, $0xb8;
	[tilespmem:$0x1FE20] =	vst v63  }
0xf6: {  	s7 =	smov.u32 s20  }
0xf7: {  	s7 =	simm.s32 @p0 $0x9600;
	_ =	swait.ge [sflag:s30], $0x1400  }
0xf8: {  	[sflag:s30] =	ssyncset.done $0x0;
	s7 =	sshra.s32 s7, $0x2  }
0xf9: {  	[sflag:s30] =	ssyncadd.s32 $0xFFFFEC00;
	s24 =	sadd.s32 $0x2710, s7  }
0xfa: {  	[spmem:s3] =	stream.indirect.scatter.add.f32 [tilespmem:s31], [sflag:$0x13], $0x40, s24, s16, $0xb8;
	[tilespmem:$0x1FE20] =	vst v63  }
0xfb: {  	_ =	swait.ge [sflag:s0], $0x1400  }
0xfc: {  	[sflag:s0] =	ssyncset.done $0x0  }
0xfd: {  	s10 =	sadd.s32 $0x2760, s7;
	[sflag:s0] =	ssyncadd.s32 $0xFFFFEC00  }
0xfe: {  	[spmem:s3] =	stream.indirect.scatter.add.f32 [tilespmem:s15], [sflag:$0x14], $0x40, s10, s16, $0xb8;
	[tilespmem:$0x1FE20] =	vst v63  }
0xff: {  	_ =	swait.ge [sflag:s19], $0x1400  }
0x100: {  	[sflag:s19] =	ssyncset.done $0x0  }
0x101: {  	s24 =	sadd.s32 $0x27B0, s7;
	[sflag:s19] =	ssyncadd.s32 $0xFFFFEC00  }
0x102: {  	[spmem:s3] =	stream.indirect.scatter.add.f32 [tilespmem:s21], [sflag:$0x15], $0x40, s24, s16, $0xb8;
	[tilespmem:$0x1FE20] =	vst v63  }
0x103: {  	_ =	swait.ge [sflag:s23], $0x1400  }
0x104: {  	[sflag:s23] =	ssyncset.done $0x0  }
0x105: {  	s10 =	sadd.s32 $0x2800, s7;
	[sflag:s23] =	ssyncadd.s32 $0xFFFFEC00  }
0x106: {  	[spmem:s3] =	stream.indirect.scatter.add.f32 [tilespmem:s26], [sflag:$0x16], $0x40, s10, s16, $0xb8;
	[tilespmem:$0x1FE20] =	vst v63  }
.Ltmp13:
0x107: {  	_ = 	snop;
	(pc) =	sbr.rel @p0 .LBB2_17-.Ltmp13, $4  }
0x108: {  	_ =	swait.ge [sflag:s2], $0x1400  }
0x109: {  	[sflag:s2] =	ssyncset.done $0x0  }
0x10a: {  	s24 =	sadd.s32 $0x2850, s7;
	[sflag:s2] =	ssyncadd.s32 $0xFFFFEC00  }
0x10b: {  	[spmem:s3] =	stream.indirect.scatter.add.f32 [tilespmem:s5], [sflag:$0x17], $0x40, s24, s16, $0xb8;
	[tilespmem:$0x1FE20] =	vst v63  }
.Ltmp14:
0x10c: {  	(pc) =	sbr.rel .LBB2_16-.Ltmp14, $4  }
0x10d: {  	_ =	swait.ge [sflag:s6], $0x1400  }
0x10e: {  	[sflag:s6] =	ssyncset.done $0x0  }
0x10f: {  	s7 =	sadd.s32 $0x28A0, s7;
	[sflag:s6] =	ssyncadd.s32 $0xFFFFEC00  }
0x110: {  	[spmem:s3] =	stream.indirect.scatter.add.f32 [tilespmem:s8], [sflag:$0x18], $0x40, s7, s16, $0xb8;
	[tilespmem:$0x1FE20] =	vst v63  }
.LBB2_18:
0x111: {  	_ =	sfence.sel $0x180000  }
0x112: {  	[bflag:$0x0] =	sbarrier.arrive $0xFFFF  }
0x113: {  	_ =	strace $0x9000004A  }
0x114: {  	s0 =	stileid.u32;
	[bflag:$0x2] =	sbarrier.arrive $0xFFFF  }
0x115: {  	p0 =	sne.s32 s0, $0x0;
	s0 =	rddreg [dreg:$0x3]  }
0x116: {  	s0 =	sadd.s32 @!p0 $0x100000, s0  }
0x117: {  	[sflag:s0] =	ssyncadd.tile.s32 @!p0 $0x1;
	_ =	shalt  }
.Lfunc_end2:
_tile_overlayer_lowered:
.L_overlay_start_2:
0x118: {  	(tag) =	ssettag $0x2  }
0x119: {  	s0 =	rddreg [dreg:$0x0];
	s2 =	stileid.u32  }
0x11a: {  	s1 =	rddreg [dreg:$0x1];
	p0 =	sne.s32 s2, $0x0  }
0x11b: {  	s3 =	rddreg [dreg:$0x2];
	[bflag:$0x3] =	sbarrier.arrive $0xFFFF;
	s2 =	simm.s32 @!p0 $0x1C19  }
0x11c: {  	[timem:s3], [sflag:s2] =	dma.local @!p0 [hbm:s0], s1  }
0x11d: {  	s0 =	simm.s32 @!p0 $0x19  }
0x11e: {  	_ =	swait.ge @!p0 [sflag:s0], s1  }
0x11f: {  	s1 =	ssub.s32 @!p0 $0x0, s1;
	[sflag:s0] =	ssyncset.done @!p0 $0x0  }
0x120: {  	[sflag:s0] =	ssyncadd.s32 @!p0 s1  }
0x121: {  	[bflag:$0x3] =	sbarrier.arrive $0xFFFF  }
0x122: {  	_ =	shalt  }

// kernel: kernel.14.cloned.1.call-start
scs
__scs_entry_jumppad:
0x0: {  	(pc) =	sbr.rel $0x88, $3  }
0x1: {  	(tag) =	ssettag $0x0;
	lr =	simm.s32 $0x1  }
0x2: {  	[smem:$0x3F9D] =	sst lr;
	_ =	strace $0xD0000000  }
0x3: {  	_ = 	snop  }
0x4: {  	_ = 	snop  }
0x5: {  	_ = 	snop  }
0x6: {  	_ = 	snop  }
0x7: {  	_ = 	snop  }
__scs_overlays_trampoline_lowered:
0x8: {  	[smem:$0x3FAC] =	sst s0  }
0x9: {  	[smem:$0x3FAD] =	sst s1  }
0xa: {  	[smem:$0x3FAE] =	sst s2  }
0xb: {  	[smem:$0x3FAF] =	sst s3  }
0xc: {  	[smem:$0x3FB0] =	sst s4  }
0xd: {  	[smem:$0x3FB1] =	sst s5  }
0xe: {  	[smem:$0x3FB2] =	sst s6  }
0xf: {  	[smem:$0x3FB3] =	sst s7  }
0x10: {  	[smem:$0x3FB4] =	sst s8  }
0x11: {  	[smem:$0x3FB5] =	sst s9;
	s0 =	simm.s32 @!p0 $0x0  }
0x12: {  	s1 =	sld [smem:$0x3F9B];
	s0 =	simm.s32 @p0 $0x1  }
0x13: {  	[smem:$0x3FB6] =	sst s0;
	s0 =	simm.s32 @!p1 $0x0  }
0x14: {  	s2 =	sld [smem:$0x3F9A];
	s0 =	simm.s32 @p1 $0x1  }
0x15: {  	[smem:$0x3FB7] =	sst s0;
	s0 =	simm.s32 @!p2 $0x0  }
0x16: {  	s3 =	sld [smem:$0x3FDB];
	s0 =	simm.s32 @p2 $0x1  }
0x17: {  	s4 =	simm.s32 $0x1BF5;
	[smem:$0x3FB9] =	sst s0  }
0x18: {  	s0 =	sld [smem:$0x3F9C];
	_ =	swait.ge [sflag:s4], $0x0  }
0x19: {  	s7 =	sld [smem:$0x3F9D]  }
0x1a: {  	s8 =	sadd.s32 $0xFFFFE003, lr  }
0x1b: {  	s9 =	sadd.s32 $0xFFFFFEF7, lr;
	s5 =	simm.s32 $0xFFFFFFFF;
	p2 =	slt.u32 s8, $0xFFFFF086  }
0x1c: {  	p1 =	slt.u32 s9, $0xF7A;
	s5 =	simm.s32 @!p2 $0x0  }
0x1d: {  	s5 =	simm.s32 @p1 $0x1;
	p0 =	seq.s32 s7, s2  }
0x1e: {  	s7 =	smul.u32 @!p0 $0xF7A, s2;
	p2 =	seq.s32 @!p0 s5, $0x0  }
0x1f: {  	s9 =	smul.u32 $0xF7A, s1;
	s8 =	simm.s32 @!p0 $0x1BF5;
	p2 =	por !p2, p0  }
0x20: {  	[sflag:s8] =	ssyncset.s32 @!p0 $0xFFFFF086;
	s6 =	sadd.s32 @!p0 s3, s7;
	s7 =	simm.s32 @!p0 $0x108  }
0x21: {  	s3 =	sadd.s32 s3, s9;
	s6 =	sadd.s32 @!p0 $0x88, s6;
	s7 =	simm.s32 @p2 $0x1082  }
0x22: {  	[simem:s7], [sflag:s8] =	dma.local @!p0 [hbm:s6], $0xF7A  }
0x23: {  	s9 =	sor.u32 $0xD0000000, s2;
	s6 =	simm.s32 $0x108;
	_ =	swait.ge @!p0 [sflag:s8], $0x0  }
0x24: {  	s3 =	sadd.s32 $0x88, s3;
	s6 =	simm.s32 @!p1 $0x1082;
	[sflag:s4] =	ssyncset.s32 $0xFFFFF086  }
0x25: {  	[simem:s6], [sflag:s4] =	dma.local [hbm:s3], $0xF7A  }
0x26: {  	[smem:$0x3F9D] =	sst s1;
	(tag) =	ssettag s2;
	_ =	strace s9  }
0x27: {  	s1 =	sld [smem:$0x3FAD]  }
0x28: {  	s2 =	sld [smem:$0x3FAE]  }
0x29: {  	s4 =	sld [smem:$0x3FB0]  }
0x2a: {  	p0 =	seq.s32 s5, $0x0;
	s5 =	sld [smem:$0x3FB1]  }
0x2b: {  	s6 =	sld [smem:$0x3FB2]  }
0x2c: {  	s7 =	sld [smem:$0x3FB3]  }
0x2d: {  	s3 =	simm.s32 $0x108;
	s8 =	sld [smem:$0x3FB4]  }
0x2e: {  	s3 =	simm.s32 @!p0 $0x1082;
	s9 =	sld [smem:$0x3FB5]  }
0x2f: {  	lr =	sadd.s32 s0, s3;
	s0 =	sld [smem:$0x3FAC]  }
0x30: {  	s3 =	sld [smem:$0x3FAF]  }
0x31: {  	[smem:$0x3FB8] =	sst s10  }
0x32: {  	s10 =	sld [smem:$0x3FB6];
	_ =	sdelay $0x3  }
0x33: {  	p0 =	seq.s32 s10, $0x1;
	s10 =	sld [smem:$0x3FB8];
	_ =	sdelay $0x3  }
0x34: {  	[smem:$0x3FB8] =	sst s10  }
0x35: {  	s10 =	sld [smem:$0x3FB7];
	_ =	sdelay $0x3  }
0x36: {  	p1 =	seq.s32 s10, $0x1;
	s10 =	sld [smem:$0x3FB8];
	_ =	sdelay $0x3  }
0x37: {  	[smem:$0x3FB8] =	sst s10  }
0x38: {  	s10 =	sld [smem:$0x3FB9]  }
0x39: {  	_ = 	snop;
	(pc) =	sbr.ind lr, $3  }
0x3a: {  	_ = 	snop  }
0x3b: {  	_ = 	snop  }
0x3c: {  	p2 =	seq.s32 s10, $0x1;
	s10 =	sld [smem:$0x3FB8]  }
0x3d: {  	_ =	shalt  }
0x3e: {  	_ =	shalt  }
0x3f: {  	_ =	shalt  }
0x40: {  	_ =	shalt  }
0x41: {  	_ =	shalt  }
0x42: {  	_ =	shalt  }
0x43: {  	_ =	shalt  }
0x44: {  	_ =	shalt  }
0x45: {  	_ =	shalt  }
0x46: {  	_ =	shalt  }
0x47: {  	_ =	shalt  }
0x48: {  	_ =	shalt  }
0x49: {  	_ =	shalt  }
0x4a: {  	_ =	shalt  }
0x4b: {  	_ =	shalt  }
0x4c: {  	_ =	shalt  }
0x4d: {  	_ =	shalt  }
0x4e: {  	_ =	shalt  }
0x4f: {  	_ =	shalt  }
0x50: {  	_ =	shalt  }
0x51: {  	_ =	shalt  }
0x52: {  	_ =	shalt  }
0x53: {  	_ =	shalt  }
0x54: {  	_ =	shalt  }
0x55: {  	_ =	shalt  }
0x56: {  	_ =	shalt  }
0x57: {  	_ =	shalt  }
0x58: {  	_ =	shalt  }
0x59: {  	_ =	shalt  }
0x5a: {  	_ =	shalt  }
0x5b: {  	_ =	shalt  }
0x5c: {  	_ =	shalt  }
0x5d: {  	_ =	shalt  }
0x5e: {  	_ =	shalt  }
0x5f: {  	_ =	shalt  }
0x60: {  	_ =	shalt  }
0x61: {  	_ =	shalt  }
0x62: {  	_ =	shalt  }
0x63: {  	_ =	shalt  }
0x64: {  	_ =	shalt  }
0x65: {  	_ =	shalt  }
0x66: {  	_ =	shalt  }
0x67: {  	_ =	shalt  }
0x68: {  	_ =	shalt  }
0x69: {  	_ =	shalt  }
0x6a: {  	_ =	shalt  }
0x6b: {  	_ =	shalt  }
0x6c: {  	_ =	shalt  }
0x6d: {  	_ =	shalt  }
0x6e: {  	_ =	shalt  }
0x6f: {  	_ =	shalt  }
0x70: {  	_ =	shalt  }
0x71: {  	_ =	shalt  }
0x72: {  	_ =	shalt  }
0x73: {  	_ =	shalt  }
0x74: {  	_ =	shalt  }
0x75: {  	_ =	shalt  }
0x76: {  	_ =	shalt  }
0x77: {  	_ =	shalt  }
0x78: {  	_ =	shalt  }
0x79: {  	_ =	shalt  }
0x7a: {  	_ =	shalt  }
0x7b: {  	_ =	shalt  }
0x7c: {  	_ =	shalt  }
0x7d: {  	_ =	shalt  }
0x7e: {  	_ =	shalt  }
0x7f: {  	_ =	shalt  }
0x80: {  	_ =	shalt  }
0x81: {  	_ =	shalt  }
0x82: {  	_ =	shalt  }
0x83: {  	_ =	shalt  }
0x84: {  	_ =	shalt  }
0x85: {  	_ =	shalt  }
0x86: {  	_ =	shalt  }
0x87: {  	_ =	shalt  }
.Lfunc_end0:
.L_simem_size_0:
called_computation.2_lowered:
.L_overlay_start_0:
0x88: {  	s2 =	sld [smem:$0x3FD9]  }
0x89: {  	s3 =	sld [smem:$0x3FFE];
	_ =	sdelay $0x1  }
0x8a: {  	s1 =	srdreg.scid  }
0x8b: {  	s0 =	sand.u32 $0x1, s1  }
0x8c: {  	s17 =	sshll.u32 s0, $0xA;
	s2 =	sadd.s32 s3, s2  }
0x8d: {  	s2 =	sadd.s32 s2, s17  }
0x8e: {  	[smem:$0x3FC4] =	sst s2  }
0x8f: {  	_ = 	snop  }
0x90: {  	s2 =	sld [smem:$0x3FD0];
	(tm) =	ssettm $0x1  }
0x91: {  	s18 =	sld [smem:$0x3FFB];
	_ =	sdelay $0x3  }
0x92: {  	_ =	strace s18  }
0x93: {  	s3 =	sld [smem:$0x3FFC];
	_ =	sdelay $0x3  }
0x94: {  	_ =	strace s3  }
0x95: {  	s3 =	sld [smem:$0x3FFD];
	_ =	sdelay $0x3  }
0x96: {  	_ =	strace s3  }
0x97: {  	_ =	strace $0x8FFFFFFF  }
0x98: {  	s19 =	sld [smem:$0x3FDB];
	_ =	sdelay $0x1  }
0x99: {  	s4 =	simm.s32 $_scs_section_size  }
0x9a: {  	s5 =	simm.s32 $_size__tile_overlayer_lowered;
	s6 =	simm.s32 $_tile_overlayer_lowered  }
0x9b: {  	s22 =	simm.s32 $0x1BFF;
	s21 =	sshll.u32 s6, $0x1;
	s3 =	sadd.s32 s4, s19  }
0x9c: {  	s7 =	simm.s32 $0x0;
	s20 =	sshll.u32 s5, $0x1;
	s5 =	sadd.s32 s21, s3  }
0x9d: {  	[timem:s7], [sflag:s22] =	dma.local [hbm:s5], s20  }
0x9e: {  	_ =	swait.ge [sflag:s22], s20  }
0x9f: {  	s4 =	ssub.s32 $0x0, s20;
	[sflag:s22] =	ssyncset.done $0x0  }
0xa0: {  	[sflag:s22] =	ssyncadd.s32 s4;
	_ =	sdelay $0x1  }
0xa1: {  	s23 =	simm.s32 $0x1B8B  }
0xa2: {  	_ =	swait.ge [sflag:s23], $0x1  }
0xa3: {  	[sflag:s23] =	ssyncset.done $0x0  }
0xa4: {  	s25 =	simm.s32 $0x1B8E;
	s24 =	sld [smem:$0x3FFE];
	[sflag:s23] =	ssyncadd.s32 $0xFFFFFFFF  }
0xa5: {  	s26 =	simm.s32 $execute0_lowered;
	[smem:$0x3FD2] =	sst s25  }
0xa6: {  	s5 =	sshll.u32 s26, $0x1;
	_ =	strace $0x8000004C;
	[dreg:$0x1] =	wrdreg $0xFFFFFFFF  }
0xa7: {  	s28 =	simm.s32 $_size_execute0_lowered;
	s3 =	sadd.s32 s3, s5;
	[dreg:$0x0] =	wrdreg $0x0  }
0xa8: {  	s5 =	sshll.u32 s28, $0x1;
	[dreg:$0x2] =	wrdreg s3  }
0xa9: {  	[dreg:$0x3] =	wrdreg s5  }
0xaa: {  	[dreg:$0x4] =	wrdreg $0xC0  }
0xab: {  	_ =	task [dreg:s7], $0x5FFFF  }
0xac: {  	[dreg:$0x1] =	wrdreg $0xFFFFFFFF  }
0xad: {  	[dreg:$0x0] =	wrdreg $0x60  }
0xae: {  	[dreg:$0x2] =	wrdreg s2  }
0xaf: {  	[dreg:$0x3] =	wrdreg s24  }
0xb0: {  	[dreg:$0x4] =	wrdreg $0x15E200  }
0xb1: {  	[dreg:$0x5] =	wrdreg $0x9  }
0xb2: {  	_ =	task.clear_ibuf [dreg:s7], $0x6FFFF;
	_ =	strace $0x9000004C  }
0xb3: {  	s29 =	simm.s32 $0x9;
	_ =	strace $0x8000004E  }
0xb4: {  	_ =	swait.ge [sflag:s29], $0x1  }
0xb5: {  	[sflag:s29] =	ssyncadd.s32 $0xFFFFFFFF  }
0xb6: {  	_ =	strace $0x9000004E  }
0xb7: {  	_ =	sfence  }
0xb8: {  	s30 =	sld [smem:$0x0];
	_ =	sdelay $0x2  }
0xb9: {  	s31 =	sshll.u32 s1, $0xD;
	s1 =	sshrl.u32 s1, $0x2  }
0xba: {  	s3 =	sand.u32 $0x4000, s31;
	s1 =	sadd.s32 s1, s30  }
0xbb: {  	s0 =	sor.u32 s3, s0;
	s1 =	sshll.u32 s1, $0x11  }
0xbc: {  	s0 =	sor.u32 s1, s0  }
0xbd: {  	s0 =	sadd.s32 $0x8F2B, s0  }
0xbe: {  	[sflag:s0] =	ssyncadd.remote.s32 $0x1  }
0xbf: {  	_ =	sfence.sel $0xFFFF  }
0xc0: {  	[dreg:$0x0] =	wrdreg $0xFFFFFFFF;
	(pc) =	sbr.abs _section_cstart, $3  }
0xc1: {  	[dreg:$0x1] =	wrdreg $0xFFFFFFFF  }
0xc2: {  	_ =	task.clear_ibuf [dreg:s7], $0x2FFFF;
	_ =	strace $0x9FFFFFFF  }
0xc3: {  	(tm) =	ssettm $0x7FFFFFFF  }
tec
execute0_lowered:
.L_overlay_start_1:
0x0: {  	(tag) =	ssettag $0x1  }
0x1: {  	s1 =	rddreg [dreg:$0x0]  }
0x2: {  	s0 =	rddreg [dreg:$0x1]  }
0x3: {  	s3 =	rddreg [dreg:$0x2]  }
0x4: {  	s2 =	srdreg.scid;
	s7 =	stileid.u32  }
0x5: {  	s8 =	simm.s32 $0x0;
	s14 =	simm.s32 $0x19;
	s16 =	simm.s32 $0x50  }
0x6: {  	s30 =	simm.s32 $0x7;
	s31 =	simm.s32 $0xC620;
	s15 =	simm.s32 $0xDA20  }
0x7: {  	s11 =	simm.s32 $0x14;
	s12 =	simm.s32 $0x13;
	s13 =	simm.s32 $0x1  }
0x8: {  	s29 =	simm.s32 $0x3;
	s28 =	simm.s32 $0x5;
	s17 =	simm.s32 $0x6  }
0x9: {  	s18 =	simm.s32 $0x0;
	s2 =	sand.u32 $0x1, s2;
	s6 =	smul.u32 $0xA000, s7  }
0xa: {  	[smem:$0x7FF] =	sst s8;
	s4 =	smul.u32 $0xA0000, s2;
	s5 =	sshll.u32 s2, $0x4  }
0xb: {  	s2 =	ssub.s32 $0x2, s2;
	s5 =	sor.u32 s7, s5;
	s7 =	smul.u32 $0x28000, s7  }
0xc: {  	s19 =	sshrl.u32 s2, $0x1;
	s5 =	smul.u32 $0x4E2, s5;
	s4 =	sadd.s32 s6, s4  }
0xd: {  	_ =	strace $0x8000004D;
	s2 =	ssub.s32 s2, s19;
	s4 =	sshrl.u32 s4, $0x3  }
0xe: {  	s21 =	sshrl.u32 s7, $0x2;
	s2 =	smax.u32 s2, $0x1;
	s5 =	sadd.s32 s5, s0  }
0xf: {  	s0 =	sadd.s32 s4, s0;
	s4 =	sadd.s32 s21, s3;
	[dreg:$0x8] =	wrdreg s2  }
0x10: {  	s8 =	simm.s32 $0x12A20;
	s20 =	sadd.s32 $0x1A00, s5;
	[dreg:$0x6] =	wrdreg s4  }
0x11: {  	s22 =	sadd.s32 s6, s3;
	s5 =	sadd.s32 $0xB800, s5;
	[dreg:$0x4] =	wrdreg s20  }
0x12: {  	s19 =	simm.s32 $0x9;
	s0 =	sadd.s32 $0x15600, s0;
	[dreg:$0x5] =	wrdreg s5  }
0x13: {  	s6 =	simm.s32 $0xC;
	s23 =	sadd.s32 $0x2000, s4;
	[dreg:$0x7] =	wrdreg s0  }
0x14: {  	s21 =	simm.s32 $0xEE20;
	s24 =	sadd.s32 $0x4000, s4;
	[dreg:$0x9] =	wrdreg s23  }
.Ltmp0:
0x15: {  	s25 =	sadd.s32 $0x6000, s4;
	[dreg:$0xa] =	wrdreg s24;
	(pc) =	sbr.rel .LBB2_1-.Ltmp0, $4  }
0x16: {  	s2 =	simm.s32 $0xB;
	s26 =	sadd.s32 $0x8000, s4;
	[dreg:$0xb] =	wrdreg s25  }
0x17: {  	s4 =	simm.s32 $0x2;
	[dreg:$0xc] =	wrdreg s26;
	s0 =	sshrl.u32 s22, $0x3  }
0x18: {  	s23 =	simm.s32 $0xA;
	s26 =	simm.s32 $0x10220;
	s5 =	simm.s32 $0x11620  }
0x19: {  	v0 =	vimm.f32 $0.0e+00;
	s25 =	simm.s32 $0x4;
	[dreg:$0xd] =	wrdreg s0;
	s0 =	simm.s32 $0x8  }
.LBB2_17:
0x1a: {  	s7 =	simm.s32 $0x11  }
0x1b: {  	_ =	swait.ge [sflag:s7], $0x1400  }
0x1c: {  	[sflag:s7] =	ssyncset.done $0x0  }
0x1d: {  	s24 =	simm.s32 $0x10;
	[sflag:s7] =	ssyncadd.s32 $0xFFFFEC00  }
0x1e: {  	_ =	swait.ge [sflag:s24], $0x1400  }
0x1f: {  	[sflag:s24] =	ssyncset.done $0x0  }
0x20: {  	s9 =	simm.s32 $0xF;
	[sflag:s24] =	ssyncadd.s32 $0xFFFFEC00  }
0x21: {  	_ =	swait.ge [sflag:s9], $0x1400  }
0x22: {  	[sflag:s9] =	ssyncset.done $0x0  }
0x23: {  	s10 =	simm.s32 $0xE;
	[sflag:s9] =	ssyncadd.s32 $0xFFFFEC00  }
0x24: {  	_ =	swait.ge [sflag:s10], $0x1400  }
0x25: {  	[sflag:s10] =	ssyncset.done $0x0  }
0x26: {  	s20 =	simm.s32 $0xD;
	[sflag:s10] =	ssyncadd.s32 $0xFFFFEC00  }
0x27: {  	_ =	swait.ge [sflag:s20], $0x1400  }
0x28: {  	[sflag:s20] =	ssyncset.done $0x0  }
0x29: {  	s22 =	simm.s32 $0x18;
	[sflag:s20] =	ssyncadd.s32 $0xFFFFEC00  }
0x2a: {  	_ =	swait.ge [sflag:s22], $0x1400  }
0x2b: {  	[sflag:s22] =	ssyncset.done $0x0  }
0x2c: {  	s24 =	simm.s32 $0x17;
	[sflag:s22] =	ssyncadd.s32 $0xFFFFEC00  }
0x2d: {  	_ =	swait.ge [sflag:s24], $0x1400  }
0x2e: {  	[sflag:s24] =	ssyncset.done $0x0  }
0x2f: {  	s9 =	simm.s32 $0x16;
	[sflag:s24] =	ssyncadd.s32 $0xFFFFEC00  }
0x30: {  	_ =	swait.ge [sflag:s9], $0x1400  }
0x31: {  	[sflag:s9] =	ssyncset.done $0x0  }
0x32: {  	s10 =	simm.s32 $0x15;
	[sflag:s9] =	ssyncadd.s32 $0xFFFFEC00  }
0x33: {  	_ =	swait.ge [sflag:s10], $0x1400  }
0x34: {  	[sflag:s10] =	ssyncset.done $0x0  }
0x35: {  	[sflag:s10] =	ssyncadd.s32 $0xFFFFEC00  }
0x36: {  	_ =	swait.ge [sflag:s11], $0x1400  }
0x37: {  	[sflag:s11] =	ssyncset.done $0x0  }
0x38: {  	[sflag:s11] =	ssyncadd.s32 $0xFFFFEC00  }
0x39: {  	_ =	swait.ge [sflag:s12], $0x1400  }
0x3a: {  	[sflag:s12] =	ssyncset.done $0x0  }
0x3b: {  	s20 =	simm.s32 $0x12;
	[sflag:s12] =	ssyncadd.s32 $0xFFFFEC00  }
0x3c: {  	_ =	swait.ge [sflag:s20], $0x1400  }
0x3d: {  	[sflag:s20] =	ssyncset.done $0x0  }
0x3e: {  	[sflag:s20] =	ssyncadd.s32 $0xFFFFEC00  }
0x3f: {  	s22 =	stileid.u32;
	[bflag:$0x0] =	sbarrier.arrive $0xFFFF  }
0x40: {  	s7 =	sshll.u32 s22, $0x6;
	s9 =	rddreg [dreg:$0x7]  }
0x41: {  	s7 =	sor.u32 $0x1C19, s7;
	s10 =	rddreg [dreg:$0xd]  }
0x42: {  	[hbm:s9], [sflag:s7] =	dma.local [spmem:s10], $0x1400  }
0x43: {  	_ =	swait.ge [sflag:s14], $0x1400  }
0x44: {  	s18 =	sadd.s32 $0x1, s18;
	s24 =	rddreg [dreg:$0x8]  }
0x45: {  	p0 =	sne.s32 s18, s24  }
.Ltmp1:
0x46: {  	_ = 	snop;
	(pc) =	sbr.rel @!p0 .LBB2_18-.Ltmp1, $3  }
0x47: {  	_ =	sdelay $0x1  }
0x48: {  	[sflag:s14] =	ssyncset.done $0x0  }
0x49: {  	[sflag:s14] =	ssyncadd.s32 $0xFFFFEC00  }
.LBB2_1:
0x4a: {  	s9 =	simm.s32 $0x0;
	s7 =	rddreg [dreg:$0x4]  }
0x4b: {  	[tilespmem:s9], [sflag:$0x19] =	stream.linear.gather [hbm4b:s7+s9], $0x2710, $0x38;
	[tilespmem:$0x1FE20] =	vst v63  }
0x4c: {  	_ =	swait.ge [sflag:s14], $0x2710  }
0x4d: {  	[sflag:s14] =	ssyncset.done $0x0  }
0x4e: {  	s10 =	simm.s32 $0x2710;
	s24 =	rddreg [dreg:$0x5];
	[sflag:s14] =	ssyncadd.s32 $0xFFFFD8F0  }
0x4f: {  	[tilespmem:s10], [sflag:$0x19] =	stream.linear.gather [hbm4b:s24+s9], $0x2710, $0x38;
	[tilespmem:$0x1FE20] =	vst v63  }
0x50: {  	_ =	swait.ge [sflag:s14], $0x2710  }
0x51: {  	[sflag:s14] =	ssyncset.done $0x0  }
0x52: {  	s10 =	simm.s32 $0x4E20;
	[sflag:s14] =	ssyncadd.s32 $0xFFFFD8F0  }
0x53: {  	[tilespmem:s10], [sflag:$0x1] =	stream.indirect.gather [hbm4b:s1+s16], $0x40, s9, s16, $0xb8;
	[tilespmem:$0x1FE20] =	vst v63  }
0x54: {  	s20 =	simm.s32 $0x6220  }
0x55: {  	[tilespmem:s20], [sflag:$0x2] =	stream.indirect.gather [hbm4b:s1+s16], $0x40, s16, s16, $0xb8;
	[tilespmem:$0x1FE20] =	vst v63  }
0x56: {  	s22 =	simm.s32 $0xA0;
	s24 =	simm.s32 $0x7620  }
0x57: {  	[tilespmem:s24], [sflag:$0x3] =	stream.indirect.gather [hbm4b:s1+s16], $0x40, s22, s16, $0xb8;
	[tilespmem:$0x1FE20] =	vst v63  }
0x58: {  	s10 =	simm.s32 $0xF0;
	s20 =	simm.s32 $0x8A20  }
0x59: {  	[tilespmem:s20], [sflag:$0x4] =	stream.indirect.gather [hbm4b:s1+s16], $0x40, s10, s16, $0xb8;
	[tilespmem:$0x1FE20] =	vst v63  }
0x5a: {  	s22 =	simm.s32 $0x140;
	s24 =	simm.s32 $0x9E20  }
0x5b: {  	[tilespmem:s24], [sflag:$0x5] =	stream.indirect.gather [hbm4b:s1+s16], $0x40, s22, s16, $0xb8;
	[tilespmem:$0x1FE20] =	vst v63  }
0x5c: {  	s20 =	simm.s32 $0x190;
	s22 =	simm.s32 $0xB220;
	s24 =	sand.u32 $0x7F00, s9  }
0x5d: {  	[tilespmem:s22], [sflag:$0x6] =	stream.indirect.gather [hbm4b:s1+s16], $0x40, s20, s16, $0xb8;
	[tilespmem:$0x1FE20] =	vst v63  }
0x5e: {  	s20 =	sand.u32 $0x30, s9;
	s22 =	sshrl.u32 s24, $0x2  }
0x5f: {  	s7 =	simm.s32 $0x40;
	s22 =	sor.u32 s20, s22;
	s20 =	simm.s32 $0x0  }
.LBB2_2:
0x60: {  	p0 =	sne.s32 s7, $0x7FC0  }
0x61: {  	[tilespmem:s22+$0x13E20] =	vst v0;
	s20 =	sadd.s32 $0x10, s20;
	s22 =	smov.u32 s7;
	s7 =	sadd.s32 $0x40, s7  }
.Ltmp2:
0x62: {  	(pc) =	sbr.rel @p0 .LBB2_2-.Ltmp2, $4  }
0x63: {  	_ = 	snop  }
0x64: {  	s22 =	sand.u32 $0x7F00, s22  }
0x65: {  	s24 =	sand.u32 $0x30, s20;
	s22 =	sshrl.u32 s22, $0x2  }
0x66: {  	s22 =	sor.u32 s24, s22  }
0x67: {  	[tilespmem:s22+$0x13E20] =	vst v0;
	s7 =	rddreg [dreg:$0x6];
	s9 =	simm.s32 $0x13E20  }
0x68: {  	[spmem:s7] =	stream.linear.scatter [tilespmem:s9], [sflag:$0x19], $0x2000, $0x38;
	[tilespmem:$0x1FE20] =	vst v63  }
0x69: {  	_ =	swait.ge [sflag:s14], $0x2000  }
0x6a: {  	[sflag:s14] =	ssyncset.done $0x0  }
0x6b: {  	s10 =	rddreg [dreg:$0x9];
	[sflag:s14] =	ssyncadd.s32 $0xFFFFE000  }
0x6c: {  	[spmem:s10] =	stream.linear.scatter [tilespmem:s9], [sflag:$0x19], $0x2000, $0x38;
	[tilespmem:$0x1FE20] =	vst v63  }
0x6d: {  	_ =	swait.ge [sflag:s14], $0x2000  }
0x6e: {  	[sflag:s14] =	ssyncset.done $0x0  }
0x6f: {  	s20 =	rddreg [dreg:$0xa];
	[sflag:s14] =	ssyncadd.s32 $0xFFFFE000  }
0x70: {  	[spmem:s20] =	stream.linear.scatter [tilespmem:s9], [sflag:$0x19], $0x2000, $0x38;
	[tilespmem:$0x1FE20] =	vst v63  }
0x71: {  	_ =	swait.ge [sflag:s14], $0x2000  }
0x72: {  	[sflag:s14] =	ssyncset.done $0x0  }
0x73: {  	s22 =	rddreg [dreg:$0xb];
	[sflag:s14] =	ssyncadd.s32 $0xFFFFE000  }
0x74: {  	[spmem:s22] =	stream.linear.scatter [tilespmem:s9], [sflag:$0x19], $0x2000, $0x38;
	[tilespmem:$0x1FE20] =	vst v63  }
0x75: {  	_ =	swait.ge [sflag:s14], $0x2000  }
0x76: {  	[sflag:s14] =	ssyncset.done $0x0  }
0x77: {  	s24 =	rddreg [dreg:$0xc];
	[sflag:s14] =	ssyncadd.s32 $0xFFFFE000  }
0x78: {  	[spmem:s24] =	stream.linear.scatter [tilespmem:s9], [sflag:$0x19], $0x2000, $0x38;
	[tilespmem:$0x1FE20] =	vst v63  }
.Ltmp3:
0x79: {  	_ =	swait.ge [sflag:s14], $0x2000;
	(pc) =	sbr.rel .LBB2_4-.Ltmp3, $4  }
0x7a: {  	[sflag:s14] =	ssyncset.done $0x0  }
0x7b: {  	[sflag:s14] =	ssyncadd.s32 $0xFFFFE000  }
0x7c: {  	[bflag:$0x0] =	sbarrier.arrive $0xFFFF  }
0x7d: {  	s20 =	simm.s32 $0x0;
	s22 =	simm.s32 $0x0  }
.LBB2_16:
0x7e: {  	s20 =	sadd.s32 $0x780, s20  }
0x7f: {  	p0 =	sne.s32 s20, $0x9D80  }
.Ltmp4:
0x80: {  	_ = 	snop;
	(pc) =	sbr.rel @!p0 .LBB2_17-.Ltmp4, $2  }
0x81: {  	_ =	sdelay $0x2  }
0x82: {  	s22 =	sadd.s32 $0x1, s22  }
.LBB2_4:
0x83: {  	s24 =	sand.u32 $0x1, s22  }
0x84: {  	p0 =	seq.s32 s24, $0x1  }
.Ltmp5:
0x85: {  	_ = 	snop;
	(pc) =	sbr.rel @p0 .LBB2_14-.Ltmp5, $1  }
0x86: {  	_ =	sdelay $0x3  }
0x87: {  	p0 =	seq.s32 s22, $0x14  }
.Ltmp6:
0x88: {  	_ = 	snop;
	(pc) =	sbr.rel @p0 .LBB2_6-.Ltmp6, $1  }
0x89: {  	_ =	sdelay $0x3  }
0x8a: {  	p0 =	sne.s32 s22, $0x0  }
.Ltmp7:
0x8b: {  	_ = 	snop;
	(pc) =	sbr.rel @p0 .LBB2_9-.Ltmp7, $1  }
0x8c: {  	_ =	sdelay $0x3  }
0x8d: {  	s7 =	simm.s32 $0x1E0  }
0x8e: {  	[tilespmem:s31], [sflag:$0x7] =	stream.indirect.gather [hbm4b:s1+s16], $0x40, s7, s16, $0xb8;
	[tilespmem:$0x1FE20] =	vst v63  }
0x8f: {  	s9 =	simm.s32 $0x230  }
0x90: {  	[tilespmem:s15], [sflag:$0x8] =	stream.indirect.gather [hbm4b:s1+s16], $0x40, s9, s16, $0xb8;
	[tilespmem:$0x1FE20] =	vst v63  }
0x91: {  	s10 =	simm.s32 $0x280  }
0x92: {  	[tilespmem:s21], [sflag:$0x9] =	stream.indirect.gather [hbm4b:s1+s16], $0x40, s10, s16, $0xb8;
	[tilespmem:$0x1FE20] =	vst v63  }
.Ltmp8:
0x93: {  	_ = 	snop;
	(pc) =	sbr.rel .LBB2_11-.Ltmp8, $4  }
0x94: {  	s9 =	simm.s32 $0x2D0  }
0x95: {  	[tilespmem:s26], [sflag:$0xA] =	stream.indirect.gather [hbm4b:s1+s16], $0x40, s9, s16, $0xb8;
	[tilespmem:$0x1FE20] =	vst v63  }
0x96: {  	s7 =	simm.s32 $0x0;
	s10 =	simm.s32 $0x320  }
0x97: {  	[tilespmem:s5], [sflag:$0xB] =	stream.indirect.gather [hbm4b:s1+s16], $0x40, s10, s16, $0xb8;
	[tilespmem:$0x1FE20] =	vst v63  }
.LBB2_6:
.Ltmp9:
0x98: {  	(pc) =	sbr.rel .LBB2_12-.Ltmp9, $2  }
0x99: {  	_ =	sdelay $0x2  }
0x9a: {  	s7 =	simm.s32 $0x9600  }
.LBB2_9:
0x9b: {  	_ =	swait.ge [sflag:s12], $0x1400  }
0x9c: {  	s7 =	sshra.s32 s20, $0x2;
	[sflag:s12] =	ssyncset.done $0x0  }
0x9d: {  	s9 =	sadd.s32 $0x1E0, s7;
	[sflag:s12] =	ssyncadd.s32 $0xFFFFEC00  }
0x9e: {  	[tilespmem:s31], [sflag:$0x7] =	stream.indirect.gather [hbm4b:s1+s16], $0x40, s9, s16, $0xb8;
	[tilespmem:$0x1FE20] =	vst v63  }
0x9f: {  	_ =	swait.ge [sflag:s11], $0x1400  }
0xa0: {  	[sflag:s11] =	ssyncset.done $0x0  }
0xa1: {  	s10 =	sadd.s32 $0x230, s7;
	[sflag:s11] =	ssyncadd.s32 $0xFFFFEC00  }
0xa2: {  	[tilespmem:s15], [sflag:$0x8] =	stream.indirect.gather [hbm4b:s1+s16], $0x40, s10, s16, $0xb8;
	[tilespmem:$0x1FE20] =	vst v63  }
0xa3: {  	s10 =	simm.s32 $0x15  }
0xa4: {  	_ =	swait.ge [sflag:s10], $0x1400  }
0xa5: {  	[sflag:s10] =	ssyncset.done $0x0  }
0xa6: {  	[sflag:s10] =	ssyncadd.s32 $0xFFFFEC00;
	s10 =	sadd.s32 $0x280, s7  }
0xa7: {  	[tilespmem:s21], [sflag:$0x9] =	stream.indirect.gather [hbm4b:s1+s16], $0x40, s10, s16, $0xb8;
	[tilespmem:$0x1FE20] =	vst v63  }
0xa8: {  	s10 =	simm.s32 $0x16  }
0xa9: {  	_ =	swait.ge [sflag:s10], $0x1400  }
0xaa: {  	[sflag:s10] =	ssyncset.done $0x0  }
0xab: {  	[sflag:s10] =	ssyncadd.s32 $0xFFFFEC00;
	s10 =	sadd.s32 $0x2D0, s7  }
0xac: {  	[tilespmem:s26], [sflag:$0xA] =	stream.indirect.gather [hbm4b:s1+s16], $0x40, s10, s16, $0xb8;
	[tilespmem:$0x1FE20] =	vst v63  }
0xad: {  	p0 =	sgt.u32 s22, $0x12;
	s10 =	simm.s32 $0x17  }
.Ltmp10:
0xae: {  	_ =	swait.ge [sflag:s10], $0x1400;
	(pc) =	sbr.rel @p0 .LBB2_12-.Ltmp10, $4  }
0xaf: {  	[sflag:s10] =	ssyncset.done $0x0  }
0xb0: {  	s7 =	sadd.s32 $0x320, s7;
	[sflag:s10] =	ssyncadd.s32 $0xFFFFEC00  }
0xb1: {  	[tilespmem:s5], [sflag:$0xB] =	stream.indirect.gather [hbm4b:s1+s16], $0x40, s7, s16, $0xb8;
	[tilespmem:$0x1FE20] =	vst v63  }
0xb2: {  	s7 =	smov.u32 s20  }
0xb3: {  	s7 =	simm.s32 $0x18  }
0xb4: {  	_ =	swait.ge [sflag:s7], $0x1400  }
0xb5: {  	[sflag:s7] =	ssyncset.done $0x0  }
0xb6: {  	[sflag:s7] =	ssyncadd.s32 $0xFFFFEC00;
	s7 =	smov.u32 s20  }
.LBB2_11:
0xb7: {  	s9 =	sshra.s32 s7, $0x2  }
0xb8: {  	s9 =	sadd.s32 $0x370, s9  }
0xb9: {  	[tilespmem:s8], [sflag:$0xC] =	stream.indirect.gather [hbm4b:s1+s16], $0x40, s9, s16, $0xb8;
	[tilespmem:$0x1FE20] =	vst v63  }
.LBB2_12:
0xba: {  	_ =	swait.ge [sflag:s13], $0x1400  }
0xbb: {  	s7 =	sshra.s32 s7, $0x2;
	[sflag:s13] =	ssyncset.done $0x0  }
0xbc: {  	s10 =	simm.s32 $0x4E20;
	s9 =	sadd.s32 $0x2710, s7;
	[sflag:s13] =	ssyncadd.s32 $0xFFFFEC00  }
0xbd: {  	[spmem:s3] =	stream.indirect.scatter.add.f32 [tilespmem:s10], [sflag:$0xD], $0x40, s9, s16, $0xb8;
	[tilespmem:$0x1FE20] =	vst v63  }
0xbe: {  	_ =	swait.ge [sflag:s4], $0x1400  }
0xbf: {  	[sflag:s4] =	ssyncset.done $0x0  }
0xc0: {  	s9 =	sadd.s32 $0x2760, s7;
	s10 =	simm.s32 $0x6220;
	[sflag:s4] =	ssyncadd.s32 $0xFFFFEC00  }
0xc1: {  	[spmem:s3] =	stream.indirect.scatter.add.f32 [tilespmem:s10], [sflag:$0xE], $0x40, s9, s16, $0xb8;
	[tilespmem:$0x1FE20] =	vst v63  }
0xc2: {  	_ =	swait.ge [sflag:s29], $0x1400  }
0xc3: {  	[sflag:s29] =	ssyncset.done $0x0  }
0xc4: {  	s9 =	sadd.s32 $0x27B0, s7;
	s10 =	simm.s32 $0x7620;
	[sflag:s29] =	ssyncadd.s32 $0xFFFFEC00  }
0xc5: {  	[spmem:s3] =	stream.indirect.scatter.add.f32 [tilespmem:s10], [sflag:$0xF], $0x40, s9, s16, $0xb8;
	[tilespmem:$0x1FE20] =	vst v63  }
0xc6: {  	_ =	swait.ge [sflag:s25], $0x1400  }
0xc7: {  	p0 =	seq.s32 s20, $0x9600;
	[sflag:s25] =	ssyncset.done $0x0  }
0xc8: {  	s9 =	sadd.s32 $0x2800, s7;
	s10 =	simm.s32 $0x8A20;
	[sflag:s25] =	ssyncadd.s32 $0xFFFFEC00  }
0xc9: {  	[spmem:s3] =	stream.indirect.scatter.add.f32 [tilespmem:s10], [sflag:$0x10], $0x40, s9, s16, $0xb8;
	[tilespmem:$0x1FE20] =	vst v63  }
.Ltmp11:
0xca: {  	_ = 	snop;
	(pc) =	sbr.rel @p0 .LBB2_17-.Ltmp11, $4  }
0xcb: {  	_ =	swait.ge [sflag:s28], $0x1400  }
0xcc: {  	[sflag:s28] =	ssyncset.done $0x0  }
0xcd: {  	s9 =	sadd.s32 $0x2850, s7;
	s10 =	simm.s32 $0x9E20;
	[sflag:s28] =	ssyncadd.s32 $0xFFFFEC00  }
0xce: {  	[spmem:s3] =	stream.indirect.scatter.add.f32 [tilespmem:s10], [sflag:$0x11], $0x40, s9, s16, $0xb8;
	[tilespmem:$0x1FE20] =	vst v63  }
0xcf: {  	p0 =	seq.s32 s24, $0x0  }
.Ltmp12:
0xd0: {  	_ = 	snop;
	(pc) =	sbr.rel @p0 .LBB2_16-.Ltmp12, $4  }
0xd1: {  	_ =	swait.ge [sflag:s17], $0x1400  }
0xd2: {  	[sflag:s17] =	ssyncset.done $0x0  }
0xd3: {  	s7 =	sadd.s32 $0x28A0, s7;
	s9 =	simm.s32 $0xB220;
	[sflag:s17] =	ssyncadd.s32 $0xFFFFEC00  }
0xd4: {  	[spmem:s3] =	stream.indirect.scatter.add.f32 [tilespmem:s9], [sflag:$0x12], $0x40, s7, s16, $0xb8;
	[tilespmem:$0x1FE20] =	vst v63  }
.LBB2_14:
0xd5: {  	p0 =	seq.s32 s20, $0x9600  }
0xd6: {  	s7 =	simm.s32 @!p0 $0xD  }
0xd7: {  	_ =	swait.ge @!p0 [sflag:s7], $0x1400  }
0xd8: {  	[sflag:s7] =	ssyncset.done @!p0 $0x0  }
0xd9: {  	[sflag:s7] =	ssyncadd.s32 @!p0 $0xFFFFEC00;
	s7 =	sshra.s32 @!p0 s20, $0x2  }
0xda: {  	s24 =	simm.s32 @!p0 $0x50;
	s10 =	simm.s32 @!p0 $0x4E20;
	s9 =	sadd.s32 @!p0 $0x1E0, s7  }
0xdb: {  	[tilespmem:s10], [sflag:$0x1] =	stream.indirect.gather @!p0 [hbm4b:s1+s24], $0x40, s9, s24, $0xb8;
	[tilespmem:$0x1FE20] =	vst v63  }
0xdc: {  	s9 =	simm.s32 @!p0 $0xE  }
0xdd: {  	_ =	swait.ge @!p0 [sflag:s9], $0x1400  }
0xde: {  	[sflag:s9] =	ssyncset.done @!p0 $0x0  }
0xdf: {  	s10 =	simm.s32 @!p0 $0x6220;
	[sflag:s9] =	ssyncadd.s32 @!p0 $0xFFFFEC00;
	s9 =	sadd.s32 @!p0 $0x230, s7  }
0xe0: {  	[tilespmem:s10], [sflag:$0x2] =	stream.indirect.gather @!p0 [hbm4b:s1+s24], $0x40, s9, s24, $0xb8;
	[tilespmem:$0x1FE20] =	vst v63  }
0xe1: {  	s9 =	simm.s32 @!p0 $0xF  }
0xe2: {  	_ =	swait.ge @!p0 [sflag:s9], $0x1400  }
0xe3: {  	[sflag:s9] =	ssyncset.done @!p0 $0x0  }
0xe4: {  	s10 =	simm.s32 @!p0 $0x7620;
	[sflag:s9] =	ssyncadd.s32 @!p0 $0xFFFFEC00;
	s9 =	sadd.s32 @!p0 $0x280, s7  }
0xe5: {  	[tilespmem:s10], [sflag:$0x3] =	stream.indirect.gather @!p0 [hbm4b:s1+s24], $0x40, s9, s24, $0xb8;
	[tilespmem:$0x1FE20] =	vst v63  }
0xe6: {  	s9 =	simm.s32 @!p0 $0x10  }
0xe7: {  	_ =	swait.ge @!p0 [sflag:s9], $0x1400  }
0xe8: {  	[sflag:s9] =	ssyncset.done @!p0 $0x0  }
0xe9: {  	s10 =	simm.s32 @!p0 $0x8A20;
	[sflag:s9] =	ssyncadd.s32 @!p0 $0xFFFFEC00;
	s9 =	sadd.s32 @!p0 $0x2D0, s7  }
0xea: {  	[tilespmem:s10], [sflag:$0x4] =	stream.indirect.gather @!p0 [hbm4b:s1+s24], $0x40, s9, s24, $0xb8;
	[tilespmem:$0x1FE20] =	vst v63  }
0xeb: {  	s9 =	simm.s32 @!p0 $0x11  }
0xec: {  	p1 =	sgt.u32 @!p0 s22, $0x12;
	_ =	swait.ge @!p0 [sflag:s9], $0x1400  }
0xed: {  	p1 =	por p1, p0;
	[sflag:s9] =	ssyncset.done @!p0 $0x0  }
0xee: {  	s7 =	sadd.s32 @!p0 $0x320, s7;
	[sflag:s9] =	ssyncadd.s32 @!p0 $0xFFFFEC00;
	s9 =	simm.s32 @!p0 $0x9E20  }
0xef: {  	[tilespmem:s9], [sflag:$0x5] =	stream.indirect.gather @!p0 [hbm4b:s1+s24], $0x40, s7, s24, $0xb8;
	[tilespmem:$0x1FE20] =	vst v63  }
0xf0: {  	s7 =	simm.s32 @!p1 $0x12  }
0xf1: {  	_ =	swait.ge @!p1 [sflag:s7], $0x1400  }
0xf2: {  	[sflag:s7] =	ssyncset.done @!p1 $0x0  }
0xf3: {  	[sflag:s7] =	ssyncadd.s32 @!p1 $0xFFFFEC00;
	s7 =	sshra.s32 @!p1 s20, $0x2  }
0xf4: {  	s10 =	simm.s32 @!p1 $0xB220;
	s9 =	simm.s32 @!p1 $0x50;
	s7 =	sadd.s32 @!p1 $0x370, s7  }
0xf5: {  	[tilespmem:s10], [sflag:$0x6] =	stream.indirect.gather @!p1 [hbm4b:s1+s9], $0x40, s7, s9, $0xb8;
	[tilespmem:$0x1FE20] =	vst v63  }
0xf6: {  	s7 =	smov.u32 s20  }
0xf7: {  	s7 =	simm.s32 @p0 $0x9600;
	_ =	swait.ge [sflag:s30], $0x1400  }
0xf8: {  	[sflag:s30] =	ssyncset.done $0x0;
	s7 =	sshra.s32 s7, $0x2  }
0xf9: {  	[sflag:s30] =	ssyncadd.s32 $0xFFFFEC00;
	s24 =	sadd.s32 $0x2710, s7  }
0xfa: {  	[spmem:s3] =	stream.indirect.scatter.add.f32 [tilespmem:s31], [sflag:$0x13], $0x40, s24, s16, $0xb8;
	[tilespmem:$0x1FE20] =	vst v63  }
0xfb: {  	_ =	swait.ge [sflag:s0], $0x1400  }
0xfc: {  	[sflag:s0] =	ssyncset.done $0x0  }
0xfd: {  	s10 =	sadd.s32 $0x2760, s7;
	[sflag:s0] =	ssyncadd.s32 $0xFFFFEC00  }
0xfe: {  	[spmem:s3] =	stream.indirect.scatter.add.f32 [tilespmem:s15], [sflag:$0x14], $0x40, s10, s16, $0xb8;
	[tilespmem:$0x1FE20] =	vst v63  }
0xff: {  	_ =	swait.ge [sflag:s19], $0x1400  }
0x100: {  	[sflag:s19] =	ssyncset.done $0x0  }
0x101: {  	s24 =	sadd.s32 $0x27B0, s7;
	[sflag:s19] =	ssyncadd.s32 $0xFFFFEC00  }
0x102: {  	[spmem:s3] =	stream.indirect.scatter.add.f32 [tilespmem:s21], [sflag:$0x15], $0x40, s24, s16, $0xb8;
	[tilespmem:$0x1FE20] =	vst v63  }
0x103: {  	_ =	swait.ge [sflag:s23], $0x1400  }
0x104: {  	[sflag:s23] =	ssyncset.done $0x0  }
0x105: {  	s10 =	sadd.s32 $0x2800, s7;
	[sflag:s23] =	ssyncadd.s32 $0xFFFFEC00  }
0x106: {  	[spmem:s3] =	stream.indirect.scatter.add.f32 [tilespmem:s26], [sflag:$0x16], $0x40, s10, s16, $0xb8;
	[tilespmem:$0x1FE20] =	vst v63  }
.Ltmp13:
0x107: {  	_ = 	snop;
	(pc) =	sbr.rel @p0 .LBB2_17-.Ltmp13, $4  }
0x108: {  	_ =	swait.ge [sflag:s2], $0x1400  }
0x109: {  	[sflag:s2] =	ssyncset.done $0x0  }
0x10a: {  	s24 =	sadd.s32 $0x2850, s7;
	[sflag:s2] =	ssyncadd.s32 $0xFFFFEC00  }
0x10b: {  	[spmem:s3] =	stream.indirect.scatter.add.f32 [tilespmem:s5], [sflag:$0x17], $0x40, s24, s16, $0xb8;
	[tilespmem:$0x1FE20] =	vst v63  }
.Ltmp14:
0x10c: {  	(pc) =	sbr.rel .LBB2_16-.Ltmp14, $4  }
0x10d: {  	_ =	swait.ge [sflag:s6], $0x1400  }
0x10e: {  	[sflag:s6] =	ssyncset.done $0x0  }
0x10f: {  	s7 =	sadd.s32 $0x28A0, s7;
	[sflag:s6] =	ssyncadd.s32 $0xFFFFEC00  }
0x110: {  	[spmem:s3] =	stream.indirect.scatter.add.f32 [tilespmem:s8], [sflag:$0x18], $0x40, s7, s16, $0xb8;
	[tilespmem:$0x1FE20] =	vst v63  }
.LBB2_18:
0x111: {  	_ =	sfence.sel $0x180000  }
0x112: {  	[bflag:$0x0] =	sbarrier.arrive $0xFFFF  }
0x113: {  	_ =	strace $0x9000004D  }
0x114: {  	s0 =	stileid.u32;
	[bflag:$0x2] =	sbarrier.arrive $0xFFFF  }
0x115: {  	p0 =	sne.s32 s0, $0x0;
	s0 =	rddreg [dreg:$0x3]  }
0x116: {  	s0 =	sadd.s32 @!p0 $0x100000, s0  }
0x117: {  	[sflag:s0] =	ssyncadd.tile.s32 @!p0 $0x1;
	_ =	shalt  }
.Lfunc_end2:
_tile_overlayer_lowered:
.L_overlay_start_2:
0x118: {  	(tag) =	ssettag $0x2  }
0x119: {  	s0 =	rddreg [dreg:$0x0];
	s2 =	stileid.u32  }
0x11a: {  	s1 =	rddreg [dreg:$0x1];
	p0 =	sne.s32 s2, $0x0  }
0x11b: {  	s3 =	rddreg [dreg:$0x2];
	[bflag:$0x3] =	sbarrier.arrive $0xFFFF;
	s2 =	simm.s32 @!p0 $0x1C19  }
0x11c: {  	[timem:s3], [sflag:s2] =	dma.local @!p0 [hbm:s0], s1  }
0x11d: {  	s0 =	simm.s32 @!p0 $0x19  }
0x11e: {  	_ =	swait.ge @!p0 [sflag:s0], s1  }
0x11f: {  	s1 =	ssub.s32 @!p0 $0x0, s1;
	[sflag:s0] =	ssyncset.done @!p0 $0x0  }
0x120: {  	[sflag:s0] =	ssyncadd.s32 @!p0 s1  }
0x121: {  	[bflag:$0x3] =	sbarrier.arrive $0xFFFF  }
0x122: {  	_ =	shalt  }

// kernel: kernel.8.cloned.1.call-start
scs
__scs_entry_jumppad:
0x0: {  	(pc) =	sbr.rel $0x88, $3  }
0x1: {  	(tag) =	ssettag $0x0;
	lr =	simm.s32 $0x1  }
0x2: {  	[smem:$0x3F9D] =	sst lr;
	_ =	strace $0xD0000000  }
0x3: {  	_ = 	snop  }
0x4: {  	_ = 	snop  }
0x5: {  	_ = 	snop  }
0x6: {  	_ = 	snop  }
0x7: {  	_ = 	snop  }
__scs_overlays_trampoline_lowered:
0x8: {  	[smem:$0x3FAC] =	sst s0  }
0x9: {  	[smem:$0x3FAD] =	sst s1  }
0xa: {  	[smem:$0x3FAE] =	sst s2  }
0xb: {  	[smem:$0x3FAF] =	sst s3  }
0xc: {  	[smem:$0x3FB0] =	sst s4  }
0xd: {  	[smem:$0x3FB1] =	sst s5  }
0xe: {  	[smem:$0x3FB2] =	sst s6  }
0xf: {  	[smem:$0x3FB3] =	sst s7  }
0x10: {  	[smem:$0x3FB4] =	sst s8  }
0x11: {  	[smem:$0x3FB5] =	sst s9;
	s0 =	simm.s32 @!p0 $0x0  }
0x12: {  	s1 =	sld [smem:$0x3F9B];
	s0 =	simm.s32 @p0 $0x1  }
0x13: {  	[smem:$0x3FB6] =	sst s0;
	s0 =	simm.s32 @!p1 $0x0  }
0x14: {  	s2 =	sld [smem:$0x3F9A];
	s0 =	simm.s32 @p1 $0x1  }
0x15: {  	[smem:$0x3FB7] =	sst s0;
	s0 =	simm.s32 @!p2 $0x0  }
0x16: {  	s3 =	sld [smem:$0x3FDB];
	s0 =	simm.s32 @p2 $0x1  }
0x17: {  	s4 =	simm.s32 $0x1BF5;
	[smem:$0x3FB9] =	sst s0  }
0x18: {  	s0 =	sld [smem:$0x3F9C];
	_ =	swait.ge [sflag:s4], $0x0  }
0x19: {  	s7 =	sld [smem:$0x3F9D]  }
0x1a: {  	s8 =	sadd.s32 $0xFFFFE003, lr  }
0x1b: {  	s9 =	sadd.s32 $0xFFFFFEF7, lr;
	s5 =	simm.s32 $0xFFFFFFFF;
	p2 =	slt.u32 s8, $0xFFFFF086  }
0x1c: {  	p1 =	slt.u32 s9, $0xF7A;
	s5 =	simm.s32 @!p2 $0x0  }
0x1d: {  	s5 =	simm.s32 @p1 $0x1;
	p0 =	seq.s32 s7, s2  }
0x1e: {  	s7 =	smul.u32 @!p0 $0xF7A, s2;
	p2 =	seq.s32 @!p0 s5, $0x0  }
0x1f: {  	s9 =	smul.u32 $0xF7A, s1;
	s8 =	simm.s32 @!p0 $0x1BF5;
	p2 =	por !p2, p0  }
0x20: {  	[sflag:s8] =	ssyncset.s32 @!p0 $0xFFFFF086;
	s6 =	sadd.s32 @!p0 s3, s7;
	s7 =	simm.s32 @!p0 $0x108  }
0x21: {  	s3 =	sadd.s32 s3, s9;
	s6 =	sadd.s32 @!p0 $0x88, s6;
	s7 =	simm.s32 @p2 $0x1082  }
0x22: {  	[simem:s7], [sflag:s8] =	dma.local @!p0 [hbm:s6], $0xF7A  }
0x23: {  	s9 =	sor.u32 $0xD0000000, s2;
	s6 =	simm.s32 $0x108;
	_ =	swait.ge @!p0 [sflag:s8], $0x0  }
0x24: {  	s3 =	sadd.s32 $0x88, s3;
	s6 =	simm.s32 @!p1 $0x1082;
	[sflag:s4] =	ssyncset.s32 $0xFFFFF086  }
0x25: {  	[simem:s6], [sflag:s4] =	dma.local [hbm:s3], $0xF7A  }
0x26: {  	[smem:$0x3F9D] =	sst s1;
	(tag) =	ssettag s2;
	_ =	strace s9  }
0x27: {  	s1 =	sld [smem:$0x3FAD]  }
0x28: {  	s2 =	sld [smem:$0x3FAE]  }
0x29: {  	s4 =	sld [smem:$0x3FB0]  }
0x2a: {  	p0 =	seq.s32 s5, $0x0;
	s5 =	sld [smem:$0x3FB1]  }
0x2b: {  	s6 =	sld [smem:$0x3FB2]  }
0x2c: {  	s7 =	sld [smem:$0x3FB3]  }
0x2d: {  	s3 =	simm.s32 $0x108;
	s8 =	sld [smem:$0x3FB4]  }
0x2e: {  	s3 =	simm.s32 @!p0 $0x1082;
	s9 =	sld [smem:$0x3FB5]  }
0x2f: {  	lr =	sadd.s32 s0, s3;
	s0 =	sld [smem:$0x3FAC]  }
0x30: {  	s3 =	sld [smem:$0x3FAF]  }
0x31: {  	[smem:$0x3FB8] =	sst s10  }
0x32: {  	s10 =	sld [smem:$0x3FB6];
	_ =	sdelay $0x3  }
0x33: {  	p0 =	seq.s32 s10, $0x1;
	s10 =	sld [smem:$0x3FB8];
	_ =	sdelay $0x3  }
0x34: {  	[smem:$0x3FB8] =	sst s10  }
0x35: {  	s10 =	sld [smem:$0x3FB7];
	_ =	sdelay $0x3  }
0x36: {  	p1 =	seq.s32 s10, $0x1;
	s10 =	sld [smem:$0x3FB8];
	_ =	sdelay $0x3  }
0x37: {  	[smem:$0x3FB8] =	sst s10  }
0x38: {  	s10 =	sld [smem:$0x3FB9]  }
0x39: {  	_ = 	snop;
	(pc) =	sbr.ind lr, $3  }
0x3a: {  	_ = 	snop  }
0x3b: {  	_ = 	snop  }
0x3c: {  	p2 =	seq.s32 s10, $0x1;
	s10 =	sld [smem:$0x3FB8]  }
0x3d: {  	_ =	shalt  }
0x3e: {  	_ =	shalt  }
0x3f: {  	_ =	shalt  }
0x40: {  	_ =	shalt  }
0x41: {  	_ =	shalt  }
0x42: {  	_ =	shalt  }
0x43: {  	_ =	shalt  }
0x44: {  	_ =	shalt  }
0x45: {  	_ =	shalt  }
0x46: {  	_ =	shalt  }
0x47: {  	_ =	shalt  }
0x48: {  	_ =	shalt  }
0x49: {  	_ =	shalt  }
0x4a: {  	_ =	shalt  }
0x4b: {  	_ =	shalt  }
0x4c: {  	_ =	shalt  }
0x4d: {  	_ =	shalt  }
0x4e: {  	_ =	shalt  }
0x4f: {  	_ =	shalt  }
0x50: {  	_ =	shalt  }
0x51: {  	_ =	shalt  }
0x52: {  	_ =	shalt  }
0x53: {  	_ =	shalt  }
0x54: {  	_ =	shalt  }
0x55: {  	_ =	shalt  }
0x56: {  	_ =	shalt  }
0x57: {  	_ =	shalt  }
0x58: {  	_ =	shalt  }
0x59: {  	_ =	shalt  }
0x5a: {  	_ =	shalt  }
0x5b: {  	_ =	shalt  }
0x5c: {  	_ =	shalt  }
0x5d: {  	_ =	shalt  }
0x5e: {  	_ =	shalt  }
0x5f: {  	_ =	shalt  }
0x60: {  	_ =	shalt  }
0x61: {  	_ =	shalt  }
0x62: {  	_ =	shalt  }
0x63: {  	_ =	shalt  }
0x64: {  	_ =	shalt  }
0x65: {  	_ =	shalt  }
0x66: {  	_ =	shalt  }
0x67: {  	_ =	shalt  }
0x68: {  	_ =	shalt  }
0x69: {  	_ =	shalt  }
0x6a: {  	_ =	shalt  }
0x6b: {  	_ =	shalt  }
0x6c: {  	_ =	shalt  }
0x6d: {  	_ =	shalt  }
0x6e: {  	_ =	shalt  }
0x6f: {  	_ =	shalt  }
0x70: {  	_ =	shalt  }
0x71: {  	_ =	shalt  }
0x72: {  	_ =	shalt  }
0x73: {  	_ =	shalt  }
0x74: {  	_ =	shalt  }
0x75: {  	_ =	shalt  }
0x76: {  	_ =	shalt  }
0x77: {  	_ =	shalt  }
0x78: {  	_ =	shalt  }
0x79: {  	_ =	shalt  }
0x7a: {  	_ =	shalt  }
0x7b: {  	_ =	shalt  }
0x7c: {  	_ =	shalt  }
0x7d: {  	_ =	shalt  }
0x7e: {  	_ =	shalt  }
0x7f: {  	_ =	shalt  }
0x80: {  	_ =	shalt  }
0x81: {  	_ =	shalt  }
0x82: {  	_ =	shalt  }
0x83: {  	_ =	shalt  }
0x84: {  	_ =	shalt  }
0x85: {  	_ =	shalt  }
0x86: {  	_ =	shalt  }
0x87: {  	_ =	shalt  }
.Lfunc_end0:
.L_simem_size_0:
called_computation_lowered:
.L_overlay_start_0:
0x88: {  	s2 =	sld [smem:$0x3FD9]  }
0x89: {  	s3 =	sld [smem:$0x3FFE];
	_ =	sdelay $0x1  }
0x8a: {  	s1 =	srdreg.scid  }
0x8b: {  	s0 =	sand.u32 $0x1, s1  }
0x8c: {  	s17 =	sshll.u32 s0, $0xA;
	s2 =	sadd.s32 s3, s2  }
0x8d: {  	s2 =	sadd.s32 s2, s17  }
0x8e: {  	[smem:$0x3FC4] =	sst s2  }
0x8f: {  	_ = 	snop  }
0x90: {  	s2 =	sld [smem:$0x3FD0];
	(tm) =	ssettm $0x1  }
0x91: {  	s18 =	sld [smem:$0x3FFB];
	_ =	sdelay $0x3  }
0x92: {  	_ =	strace s18  }
0x93: {  	s3 =	sld [smem:$0x3FFC];
	_ =	sdelay $0x3  }
0x94: {  	_ =	strace s3  }
0x95: {  	s3 =	sld [smem:$0x3FFD];
	_ =	sdelay $0x3  }
0x96: {  	_ =	strace s3  }
0x97: {  	_ =	strace $0x8FFFFFFF  }
0x98: {  	s19 =	sld [smem:$0x3FDB];
	_ =	sdelay $0x1  }
0x99: {  	s4 =	simm.s32 $_scs_section_size  }
0x9a: {  	s5 =	simm.s32 $_size__tile_overlayer_lowered;
	s6 =	simm.s32 $_tile_overlayer_lowered  }
0x9b: {  	s22 =	simm.s32 $0x1BFF;
	s21 =	sshll.u32 s6, $0x1;
	s3 =	sadd.s32 s4, s19  }
0x9c: {  	s7 =	simm.s32 $0x0;
	s20 =	sshll.u32 s5, $0x1;
	s5 =	sadd.s32 s21, s3  }
0x9d: {  	[timem:s7], [sflag:s22] =	dma.local [hbm:s5], s20  }
0x9e: {  	_ =	swait.ge [sflag:s22], s20  }
0x9f: {  	s4 =	ssub.s32 $0x0, s20;
	[sflag:s22] =	ssyncset.done $0x0  }
0xa0: {  	[sflag:s22] =	ssyncadd.s32 s4;
	_ =	sdelay $0x1  }
0xa1: {  	s23 =	simm.s32 $0x1B8B  }
0xa2: {  	_ =	swait.ge [sflag:s23], $0x1  }
0xa3: {  	[sflag:s23] =	ssyncset.done $0x0  }
0xa4: {  	s25 =	simm.s32 $0x1B8E;
	s24 =	sld [smem:$0x3FFE];
	[sflag:s23] =	ssyncadd.s32 $0xFFFFFFFF  }
0xa5: {  	s26 =	simm.s32 $execute0_lowered;
	[smem:$0x3FD2] =	sst s25  }
0xa6: {  	s5 =	sshll.u32 s26, $0x1;
	_ =	strace $0x80000046;
	[dreg:$0x1] =	wrdreg $0xFFFFFFFF  }
0xa7: {  	s28 =	simm.s32 $_size_execute0_lowered;
	s3 =	sadd.s32 s3, s5;
	[dreg:$0x0] =	wrdreg $0x0  }
0xa8: {  	s5 =	sshll.u32 s28, $0x1;
	[dreg:$0x2] =	wrdreg s3  }
0xa9: {  	[dreg:$0x3] =	wrdreg s5  }
0xaa: {  	[dreg:$0x4] =	wrdreg $0xC0  }
0xab: {  	_ =	task [dreg:s7], $0x5FFFF  }
0xac: {  	[dreg:$0x1] =	wrdreg $0xFFFFFFFF  }
0xad: {  	[dreg:$0x0] =	wrdreg $0x60  }
0xae: {  	[dreg:$0x2] =	wrdreg s2  }
0xaf: {  	[dreg:$0x3] =	wrdreg s24  }
0xb0: {  	[dreg:$0x4] =	wrdreg $0x43000  }
0xb1: {  	[dreg:$0x5] =	wrdreg $0x9  }
0xb2: {  	_ =	task.clear_ibuf [dreg:s7], $0x6FFFF;
	_ =	strace $0x90000046  }
0xb3: {  	s29 =	simm.s32 $0x9;
	_ =	strace $0x80000048  }
0xb4: {  	_ =	swait.ge [sflag:s29], $0x1  }
0xb5: {  	[sflag:s29] =	ssyncadd.s32 $0xFFFFFFFF  }
0xb6: {  	_ =	strace $0x90000048  }
0xb7: {  	_ =	sfence  }
0xb8: {  	s30 =	sld [smem:$0x0];
	_ =	sdelay $0x2  }
0xb9: {  	s31 =	sshll.u32 s1, $0xD;
	s1 =	sshrl.u32 s1, $0x2  }
0xba: {  	s3 =	sand.u32 $0x4000, s31;
	s1 =	sadd.s32 s1, s30  }
0xbb: {  	s0 =	sor.u32 s3, s0;
	s1 =	sshll.u32 s1, $0x11  }
0xbc: {  	s0 =	sor.u32 s1, s0  }
0xbd: {  	s0 =	sadd.s32 $0x8F2B, s0  }
0xbe: {  	[sflag:s0] =	ssyncadd.remote.s32 $0x1  }
0xbf: {  	_ =	sfence.sel $0xFFFF  }
0xc0: {  	[dreg:$0x0] =	wrdreg $0xFFFFFFFF;
	(pc) =	sbr.abs _section_cstart, $3  }
0xc1: {  	[dreg:$0x1] =	wrdreg $0xFFFFFFFF  }
0xc2: {  	_ =	task.clear_ibuf [dreg:s7], $0x2FFFF;
	_ =	strace $0x9FFFFFFF  }
0xc3: {  	(tm) =	ssettm $0x7FFFFFFF  }
tec
execute0_lowered:
.L_overlay_start_1:
0x0: {  	(tag) =	ssettag $0x1  }
0x1: {  	s5 =	rddreg [dreg:$0x0];
	s1 =	srdreg.scid  }
0x2: {  	s0 =	stileid.u32;
	s4 =	rddreg [dreg:$0x1]  }
0x3: {  	s2 =	rddreg [dreg:$0x2];
	s3 =	simm.s32 $0x0;
	s11 =	simm.s32 $0x4000  }
0x4: {  	s12 =	simm.s32 $0x1;
	s6 =	sand.u32 $0x1, s1;
	s1 =	rddreg [dreg:$0x3]  }
0x5: {  	s15 =	simm.s32 $0x0;
	s7 =	smul.u32 $0x280, s0;
	[smem:$0x7FF] =	sst s3  }
0x6: {  	s31 =	sshll.u32 s0, $0xB;
	s13 =	sshll.u32 s0, $0x6;
	s8 =	smul.u32 $0x2800, s6  }
0x7: {  	s9 =	ssub.s32 $0x2, s6;
	_ =	strace $0x80000047;
	s6 =	sshll.u32 s6, $0xF  }
0x8: {  	s5 =	sadd.s32 s5, s31;
	s13 =	sor.u32 $0x1C02, s13;
	s8 =	sadd.s32 s7, s8  }
0x9: {  	s10 =	sshrl.u32 s9, $0x1;
	s5 =	sadd.s32 s6, s5;
	s8 =	sshrl.u32 s8, $0x3  }
0xa: {  	s9 =	ssub.s32 s9, s10;
	s10 =	simm.s32 $0x50;
	s8 =	sadd.s32 s8, s4  }
0xb: {  	s4 =	sadd.s32 s7, s2;
	s7 =	smax.u32 s9, $0x1;
	s9 =	simm.s32 $0x2  }
0xc: {  	v0 =	vimm.f32 $1.000000000e+00;
	v1 =	vimm.f32 $0.0e+00;
	s6 =	sadd.s32 $0x15600, s8;
	s8 =	simm.s32 $0x4080;
	s14 =	sshrl.u32 s4, $0x3  }
.LBB2_1:
0xd: {  	[tilespmem:$0x4000] =	vst v0  }
0xe: {  	[tilespmem:$0x4010] =	vst v0  }
0xf: {  	[tilespmem:$0x4020] =	vst v0  }
0x10: {  	[tilespmem:$0x4030] =	vst v0  }
0x11: {  	[tilespmem:$0x4040] =	vst v0  }
0x12: {  	[tilespmem:$0x4080] =	vst v1  }
0x13: {  	[tilespmem:$0x4090] =	vst v1  }
0x14: {  	[tilespmem:$0x40A0] =	vst v1  }
0x15: {  	[tilespmem:$0x40B0] =	vst v1  }
0x16: {  	[tilespmem:$0x40C0] =	vst v1  }
0x17: {  	[tilespmem:$0x40D0] =	vst v1  }
0x18: {  	[tilespmem:$0x40E0] =	vst v1  }
0x19: {  	[tilespmem:$0x40F0] =	vst v1  }
0x1a: {  	[tilespmem:$0x4100] =	vst v1  }
0x1b: {  	[tilespmem:$0x4110] =	vst v1  }
0x1c: {  	[tilespmem:$0x4120] =	vst v1  }
0x1d: {  	[tilespmem:$0x4130] =	vst v1  }
0x1e: {  	[tilespmem:$0x4140] =	vst v1  }
0x1f: {  	[tilespmem:$0x4150] =	vst v1  }
0x20: {  	[tilespmem:$0x4160] =	vst v1  }
0x21: {  	[tilespmem:$0x4170] =	vst v1  }
0x22: {  	[tilespmem:$0x4180] =	vst v1  }
0x23: {  	[tilespmem:$0x4190] =	vst v1  }
0x24: {  	[tilespmem:$0x41A0] =	vst v1  }
0x25: {  	[tilespmem:$0x41B0] =	vst v1  }
0x26: {  	[tilespmem:$0x41C0] =	vst v1  }
0x27: {  	[tilespmem:$0x41D0] =	vst v1  }
0x28: {  	[tilespmem:$0x41E0] =	vst v1  }
0x29: {  	[tilespmem:$0x41F0] =	vst v1  }
0x2a: {  	[tilespmem:$0x4200] =	vst v1  }
0x2b: {  	[tilespmem:$0x4210] =	vst v1  }
0x2c: {  	[tilespmem:$0x4220] =	vst v1  }
0x2d: {  	[tilespmem:$0x4230] =	vst v1  }
0x2e: {  	[tilespmem:$0x4240] =	vst v1  }
0x2f: {  	[tilespmem:$0x4250] =	vst v1  }
0x30: {  	[tilespmem:$0x4260] =	vst v1  }
0x31: {  	[tilespmem:$0x4270] =	vst v1  }
0x32: {  	[tilespmem:$0x4280] =	vst v1  }
0x33: {  	[tilespmem:$0x4290] =	vst v1  }
0x34: {  	[tilespmem:$0x42A0] =	vst v1  }
0x35: {  	[tilespmem:$0x42B0] =	vst v1  }
0x36: {  	[tilespmem:$0x42C0] =	vst v1  }
0x37: {  	[tilespmem:$0x42D0] =	vst v1  }
0x38: {  	[tilespmem:$0x42E0] =	vst v1  }
0x39: {  	[tilespmem:$0x42F0] =	vst v1  }
0x3a: {  	[spmem:s4] =	stream.linear.scatter [tilespmem:s8], [sflag:$0x2], $0x280, $0x38;
	[tilespmem:$0x4580] =	vst v63  }
0x3b: {  	_ =	swait.ge [sflag:s9], $0x280  }
0x3c: {  	[sflag:s9] =	ssyncset.done $0x0  }
0x3d: {  	[sflag:s9] =	ssyncadd.s32 $0xFFFFFD80  }
0x3e: {  	[bflag:$0x0] =	sbarrier.arrive $0xFFFF  }
0x3f: {  	[tilespmem:s3], [sflag:$0x2] =	stream.linear.gather [hbm4b:s5+s3], $0x3E80, $0x38;
	[tilespmem:$0x4580] =	vst v63  }
0x40: {  	_ =	swait.ge [sflag:s9], $0x3E80  }
0x41: {  	[sflag:s9] =	ssyncset.done $0x0  }
0x42: {  	s16 =	simm.s32 $0x0;
	[sflag:s9] =	ssyncadd.s32 $0xFFFFC180  }
.LBB2_2:
0x43: {  	p0 =	sne.s32 s16, $0xF800  }
.Ltmp0:
0x44: {  	_ = 	snop;
	(pc) =	sbr.rel @p0 .LBB2_2-.Ltmp0, $3  }
0x45: {  	_ =	sdelay $0x1  }
0x46: {  	s17 =	sshra.s32 s16, $0x2;
	s16 =	sadd.s32 $0x200, s16  }
0x47: {  	[spmem:s2] =	stream.indirect.scatter.add.f32 [tilespmem:s11], [sflag:$0x1], $0x1, s17, s10, $0xb8;
	[tilespmem:$0x4580] =	vst v63  }
0x48: {  	_ =	swait.ge [sflag:s12], $0x50  }
0x49: {  	s16 =	simm.s32 $0x7C;
	[sflag:s12] =	ssyncset.done $0x0  }
.LBB2_4:
0x4a: {  	p0 =	sne.s32 s16, $0x1;
	s16 =	sadd.s32 $0xFFFFFFFF, s16;
	[sflag:s12] =	ssyncadd.s32 $0xFFFFFFB0  }
.Ltmp1:
0x4b: {  	(pc) =	sbr.rel @p0 .LBB2_4-.Ltmp1, $3  }
0x4c: {  	_ =	sdelay $0x1  }
0x4d: {  	_ =	swait.ge [sflag:s12], $0x50  }
0x4e: {  	[sflag:s12] =	ssyncset.done $0x0  }
0x4f: {  	s15 =	sadd.s32 $0x1, s15  }
0x50: {  	[sflag:s12] =	ssyncadd.s32 $0xFFFFFFB0;
	p0 =	sne.s32 s15, s7  }
.Ltmp2:
0x51: {  	[bflag:$0x0] =	sbarrier.arrive $0xFFFF;
	(pc) =	sbr.rel @p0 .LBB2_1-.Ltmp2, $4  }
0x52: {  	[hbm:s6], [sflag:s13] =	dma.local [spmem:s14], $0x50  }
0x53: {  	_ =	swait.ge [sflag:s9], $0x50  }
0x54: {  	[sflag:s9] =	ssyncset.done $0x0  }
0x55: {  	[sflag:s9] =	ssyncadd.s32 $0xFFFFFFB0  }
0x56: {  	_ =	sfence.sel $0x180000  }
0x57: {  	[bflag:$0x0] =	sbarrier.arrive $0xFFFF  }
0x58: {  	p0 =	sne.s32 s0, $0x0;
	_ =	strace $0x90000047  }
0x59: {  	s0 =	sadd.s32 @!p0 $0x100000, s1;
	[bflag:$0x2] =	sbarrier.arrive $0xFFFF  }
0x5a: {  	[sflag:s0] =	ssyncadd.tile.s32 @!p0 $0x1;
	_ =	shalt  }
.Lfunc_end2:
_tile_overlayer_lowered:
.L_overlay_start_2:
0x5b: {  	(tag) =	ssettag $0x2  }
0x5c: {  	s0 =	rddreg [dreg:$0x0];
	s2 =	stileid.u32  }
0x5d: {  	s1 =	rddreg [dreg:$0x1];
	p0 =	sne.s32 s2, $0x0  }
0x5e: {  	s3 =	rddreg [dreg:$0x2];
	[bflag:$0x3] =	sbarrier.arrive $0xFFFF;
	s2 =	simm.s32 @!p0 $0x1C02  }
0x5f: {  	[timem:s3], [sflag:s2] =	dma.local @!p0 [hbm:s0], s1  }
0x60: {  	s0 =	simm.s32 @!p0 $0x2  }
0x61: {  	_ =	swait.ge @!p0 [sflag:s0], s1  }
0x62: {  	s1 =	ssub.s32 @!p0 $0x0, s1;
	[sflag:s0] =	ssyncset.done @!p0 $0x0  }
0x63: {  	[sflag:s0] =	ssyncadd.s32 @!p0 s1  }
0x64: {  	[bflag:$0x3] =	sbarrier.arrive $0xFFFF  }
0x65: {  	_ =	shalt  }

</sc_bundles>
